<compile_context>
chip_gen: v7x
topology: tpu7x:2x2x1
jax: 0.10.2.dev20260603
libtpu: 0.0.44.dev20260713+nightly
codegen_flags: <defaults>
</compile_context>

<pallas_src>
import jax
import jax.numpy as jnp
import numpy as np
from jax import lax
from jax.experimental import pallas as pl
from jax.experimental.pallas import tpu as pltpu
from jax.experimental.pallas import tpu_sc as plsc

VOCAB = 100000
D_MODEL = 768
MAX_LEN = 8192
BATCH = 4
SEQ = 2048

NUM_CORES = 2
NUM_SUBCORES = 16
NUM_WORKERS = NUM_CORES * NUM_SUBCORES
S_PER_W = SEQ // NUM_WORKERS
LANES = 16
PAIRS = D_MODEL // (2 * LANES)

CHUNK = 32
NBUF = 4
CPB = S_PER_W // CHUNK
NCH = BATCH * CPB


def _pos_encoding_np(max_len, d_model):
    pos = np.arange(max_len, dtype=np.float32)[:, None]
    i = np.arange(d_model, dtype=np.float32)[None, :]
    angle_rates = 1.0 / np.power(10000.0, (2.0 * np.floor(i / 2.0)) / d_model)
    angles = pos * angle_rates
    pe = np.zeros((max_len, d_model), dtype=np.float32)
    pe[:, 0::2] = np.sin(angles[:, 0::2])
    pe[:, 1::2] = np.cos(angles[:, 1::2])
    return pe


def _packed_pe_np():
    pe = _pos_encoding_np(SEQ, D_MODEL)
    pe_r = pe.reshape(SEQ, PAIRS, 2, LANES)
    return pe_r.transpose(0, 1, 3, 2).reshape(SEQ, D_MODEL)


_PE_PACKED = _packed_pe_np()



def _emb_kernel(x_hbm, table_hbm, pe_hbm, out_hbm,
                idx_v, rows0, rows1, pe_v, g0, g1, w0, w1):
    wid = lax.axis_index("s") * NUM_CORES + lax.axis_index("c")
    s0 = wid * S_PER_W

    idxs = (idx_v.at[0], idx_v.at[1], idx_v.at[2], idx_v.at[3])
    for b in range(BATCH):
        pltpu.sync_copy(x_hbm.at[b, pl.ds(s0, S_PER_W)], idxs[b])

    bufs = (rows0, rows1)
    gsems = (g0, g1)
    wsems = (w0, w1)
    gathers = [None, None]
    writes = [None, None]

    def start_gather(k):
        gathers[k % 2] = pltpu.async_copy(
            table_hbm.at[idxs[k]], bufs[k % 2], gsems[k % 2])

    start_gather(0)
    start_gather(1)
    pltpu.sync_copy(pe_hbm.at[pl.ds(s0, S_PER_W), :], pe_v)

    for k in range(BATCH):
        buf = bufs[k % 2]
        if k >= 1 and k + 1 < BATCH:
            writes[(k - 1) % 2].wait()
            writes[(k - 1) % 2] = None
            start_gather(k + 1)
        gathers[k % 2].wait()

        @plsc.parallel_loop(0, S_PER_W, unroll=2)
        def add_row(t, buf=buf):
            for p in range(PAIRS):
                w = pe_v[t, pl.ds(p * LANES, LANES)]
                lo = lax.bitcast_convert_type(w << 16, jnp.float32)
                hi = lax.bitcast_convert_type(w & jnp.int32(-65536), jnp.float32)
                plsc.addupdate(buf.at[t, pl.ds(p * 2 * LANES, LANES)], lo)
                plsc.addupdate(buf.at[t, pl.ds(p * 2 * LANES + LANES, LANES)], hi)

        writes[k % 2] = pltpu.async_copy(
            buf, out_hbm.at[k, pl.ds(s0, S_PER_W), :], wsems[k % 2])

    for wr in writes:
        if wr is not None:
            wr.wait()


@jax.jit
def kernel(x, tok_table):
    mesh = plsc.VectorSubcoreMesh(core_axis_name="c", subcore_axis_name="s")
    call = pl.kernel(
        _emb_kernel,
        out_type=jax.ShapeDtypeStruct((BATCH, SEQ, D_MODEL), jnp.float32),
        mesh=mesh,
        scratch_types=[
            pltpu.VMEM((BATCH, S_PER_W), jnp.int32),
            pltpu.VMEM((S_PER_W, D_MODEL), jnp.float32),
            pltpu.VMEM((S_PER_W, D_MODEL), jnp.float32),
            pltpu.VMEM((S_PER_W, D_MODEL // 2), jnp.int32),
            pltpu.SemaphoreType.DMA,
            pltpu.SemaphoreType.DMA,
            pltpu.SemaphoreType.DMA,
            pltpu.SemaphoreType.DMA,
        ],
    )
    pe_bf = jnp.asarray(_PE_PACKED).astype(jnp.bfloat16)
    pe_words = jax.lax.bitcast_convert_type(
        pe_bf.reshape(SEQ, D_MODEL // 2, 2), jnp.int32)
    return call(x, tok_table, pe_words)

# --- scband reference (transcript-rebuilt; emitter-appended) ---
"""Pipeline reference for scband-transformer-embedding-16819091931177 (READ-ONLY COPY).

The authoritative reference and input builder live on the scoring server;
editing this copy changes nothing except your own understanding.
"""

import jax, jax.numpy as jnp
import numpy as np

VOCAB = 100000
D_MODEL = 768
MAX_LEN = 8192
BATCH = 4
SEQ = 2048


def _pos_encoding(max_len, d_model):
    pos = np.arange(max_len, dtype=np.float32)[:, None]
    i = np.arange(d_model, dtype=np.float32)[None, :]
    angle_rates = 1.0 / np.power(10000.0, (2.0 * np.floor(i / 2.0)) / d_model)
    angles = pos * angle_rates
    pe = np.zeros((max_len, d_model), dtype=np.float32)
    pe[:, 0::2] = np.sin(angles[:, 0::2])
    pe[:, 1::2] = np.cos(angles[:, 1::2])
    return jnp.asarray(pe)


def setup_inputs(seed: int = 0) -> dict:
    key = jax.random.key(seed)
    k1, k2 = jax.random.split(key)
    x = jax.random.randint(k1, (BATCH, SEQ), 0, VOCAB, dtype=jnp.int32)
    tok_table = jax.random.normal(k2, (VOCAB, D_MODEL), dtype=jnp.float32) * 0.02
    return {"x": x, "tok_table": tok_table}


def reference(x, tok_table):
    # TokenEmbedding: gather rows from the embedding table (SparseCore gather)
    tok_emb = jnp.take(tok_table, x, axis=0)  # [B, S, D]
    # PositionalEncoding: fixed sinusoidal encoding sliced to sequence length
    pe = _pos_encoding(MAX_LEN, D_MODEL)
    pos_emb = pe[: x.shape[1], :]  # [S, D]
    out = tok_emb + pos_emb[None, :, :]
    # Dropout in eval mode is identity
    return out

if __name__ == "__main__":
    import jax
    _d = setup_inputs()
    print(jax.jit(kernel)(*tuple(_d.values())))

</pallas_src>

<mosaic_0001>
#map = affine_map<(d0, d1) -> (0, 0)>
#map1 = affine_map<(d0, d1) -> (0, 0, 0)>
module attributes {stable_mosaic.version = 14 : i64} {
  func.func @_emb_kernel(%arg0: i32, %arg1: i32, %arg2: memref<4x2048xi32, #tpu.memory_space<hbm>>, %arg3: memref<100000x768xf32, #tpu.memory_space<hbm>>, %arg4: memref<2048x384xi32, #tpu.memory_space<hbm>>, %arg5: memref<4x2048x768xf32, #tpu.memory_space<hbm>>, %arg6: memref<4x64xi32, #tpu.memory_space<vmem>>, %arg7: memref<64x768xf32, #tpu.memory_space<vmem>>, %arg8: memref<64x768xf32, #tpu.memory_space<vmem>>, %arg9: memref<64x384xi32, #tpu.memory_space<vmem>>, %arg10: memref<!tpu.dma_semaphore, #tpu.memory_space<semaphore_mem>>, %arg11: memref<!tpu.dma_semaphore, #tpu.memory_space<semaphore_mem>>, %arg12: memref<!tpu.dma_semaphore, #tpu.memory_space<semaphore_mem>>, %arg13: memref<!tpu.dma_semaphore, #tpu.memory_space<semaphore_mem>>) attributes {dimension_semantics = [#tpu.dimension_semantics<core_parallel>, #tpu.dimension_semantics<subcore_parallel>], iteration_bounds = array<i64: 2, 16>, scalar_prefetch = 0 : i64, scratch_operands = 8 : i64, tpu.core_type = #tpu.core_type<sc_vector_subcore>, window_params = [{transform_indices = #map}, {transform_indices = #map}, {transform_indices = #map}, {transform_indices = #map1}]} {
    %mul3A = arith.constant 2 : i32
    %mul3A_0 = arith.muli %arg1, %mul3A : i32
    %add3A = arith.addi %mul3A_0, %arg0 : i32
    %mul3A_1 = arith.constant 64 : i32
    %mul3A_2 = arith.muli %add3A, %mul3A_1 : i32
    %run_scoped3A = arith.constant 0 : i32
    %run_scoped3A_3 = arith.constant 0 : i32
    "tpu.region"() ({
      %run_scoped3A_131 = tpu.sem_alloc : memref<!tpu.dma_semaphore, #tpu.memory_space<semaphore_mem>>
      %dma_start3A_132 = arith.constant 0 : i32
      %dma_start3A_133 = tpu.memref_slice %arg6[%run_scoped3A_3, %dma_start3A_132] : memref<4x64xi32, #tpu.memory_space<vmem>> -> memref<1x64xi32, #tpu.memory_space<vmem>>
      %dma_start3A_134 = tpu.memref_squeeze %dma_start3A_133 : memref<1x64xi32, #tpu.memory_space<vmem>> -> memref<64xi32, #tpu.memory_space<vmem>>
      %dma_start3A_135 = tpu.memref_slice %arg2[%run_scoped3A, %mul3A_2] : memref<4x2048xi32, #tpu.memory_space<hbm>> -> memref<1x64xi32, #tpu.memory_space<hbm>>
      %dma_start3A_136 = tpu.memref_squeeze %dma_start3A_135 : memref<1x64xi32, #tpu.memory_space<hbm>> -> memref<64xi32, #tpu.memory_space<hbm>>
      %dma_start3A_137 = arith.constant 0 : i32
      %dma_start3A_138 = tpu.memref_slice %arg6[%run_scoped3A_3, %dma_start3A_137] : memref<4x64xi32, #tpu.memory_space<vmem>> -> memref<1x64xi32, #tpu.memory_space<vmem>>
      %dma_start3A_139 = tpu.memref_squeeze %dma_start3A_138 : memref<1x64xi32, #tpu.memory_space<vmem>> -> memref<64xi32, #tpu.memory_space<vmem>>
      %dma_start3A_140 = tpu.memref_slice %arg2[%run_scoped3A, %mul3A_2] : memref<4x2048xi32, #tpu.memory_space<hbm>> -> memref<1x64xi32, #tpu.memory_space<hbm>>
      %dma_start3A_141 = tpu.memref_squeeze %dma_start3A_140 : memref<1x64xi32, #tpu.memory_space<hbm>> -> memref<64xi32, #tpu.memory_space<hbm>>
      tpu.enqueue_dma source(%dma_start3A_141 : memref<64xi32, #tpu.memory_space<hbm>>) target(%dma_start3A_139 : memref<64xi32, #tpu.memory_space<vmem>>) target_semaphore(%run_scoped3A_131 : memref<!tpu.dma_semaphore, #tpu.memory_space<semaphore_mem>>)
      %dma_wait3A_142 = arith.constant 0 : i32
      %dma_wait3A_143 = tpu.memref_slice %arg6[%run_scoped3A_3, %dma_wait3A_142] : memref<4x64xi32, #tpu.memory_space<vmem>> -> memref<1x64xi32, #tpu.memory_space<vmem>>
      %dma_wait3A_144 = tpu.memref_squeeze %dma_wait3A_143 : memref<1x64xi32, #tpu.memory_space<vmem>> -> memref<64xi32, #tpu.memory_space<vmem>>
      %dma_wait3A_145 = tpu.memref_slice %arg2[%run_scoped3A, %mul3A_2] : memref<4x2048xi32, #tpu.memory_space<hbm>> -> memref<1x64xi32, #tpu.memory_space<hbm>>
      %dma_wait3A_146 = tpu.memref_squeeze %dma_wait3A_145 : memref<1x64xi32, #tpu.memory_space<hbm>> -> memref<64xi32, #tpu.memory_space<hbm>>
      %dma_wait3A_147 = arith.constant 0 : i32
      %dma_wait3A_148 = tpu.memref_slice %arg6[%run_scoped3A_3, %dma_wait3A_147] : memref<4x64xi32, #tpu.memory_space<vmem>> -> memref<1x64xi32, #tpu.memory_space<vmem>>
      %dma_wait3A_149 = tpu.memref_squeeze %dma_wait3A_148 : memref<1x64xi32, #tpu.memory_space<vmem>> -> memref<64xi32, #tpu.memory_space<vmem>>
      %dma_wait3A_150 = tpu.memref_slice %arg2[%run_scoped3A, %mul3A_2] : memref<4x2048xi32, #tpu.memory_space<hbm>> -> memref<1x64xi32, #tpu.memory_space<hbm>>
      %dma_wait3A_151 = tpu.memref_squeeze %dma_wait3A_150 : memref<1x64xi32, #tpu.memory_space<hbm>> -> memref<64xi32, #tpu.memory_space<hbm>>
      tpu.wait_dma2 semaphore(%run_scoped3A_131 : memref<!tpu.dma_semaphore, #tpu.memory_space<semaphore_mem>>) src(%dma_wait3A_151 : memref<64xi32, #tpu.memory_space<hbm>>) dst(%dma_wait3A_149 : memref<64xi32, #tpu.memory_space<vmem>>)
      tpu.yield
    }) : () -> ()
    %run_scoped3A_4 = arith.constant 1 : i32
    %run_scoped3A_5 = arith.constant 1 : i32
    "tpu.region"() ({
      %run_scoped3A_131 = tpu.sem_alloc : memref<!tpu.dma_semaphore, #tpu.memory_space<semaphore_mem>>
      %dma_start3A_132 = arith.constant 0 : i32
      %dma_start3A_133 = tpu.memref_slice %arg6[%run_scoped3A_5, %dma_start3A_132] : memref<4x64xi32, #tpu.memory_space<vmem>> -> memref<1x64xi32, #tpu.memory_space<vmem>>
      %dma_start3A_134 = tpu.memref_squeeze %dma_start3A_133 : memref<1x64xi32, #tpu.memory_space<vmem>> -> memref<64xi32, #tpu.memory_space<vmem>>
      %dma_start3A_135 = tpu.memref_slice %arg2[%run_scoped3A_4, %mul3A_2] : memref<4x2048xi32, #tpu.memory_space<hbm>> -> memref<1x64xi32, #tpu.memory_space<hbm>>
      %dma_start3A_136 = tpu.memref_squeeze %dma_start3A_135 : memref<1x64xi32, #tpu.memory_space<hbm>> -> memref<64xi32, #tpu.memory_space<hbm>>
      %dma_start3A_137 = arith.constant 0 : i32
      %dma_start3A_138 = tpu.memref_slice %arg6[%run_scoped3A_5, %dma_start3A_137] : memref<4x64xi32, #tpu.memory_space<vmem>> -> memref<1x64xi32, #tpu.memory_space<vmem>>
      %dma_start3A_139 = tpu.memref_squeeze %dma_start3A_138 : memref<1x64xi32, #tpu.memory_space<vmem>> -> memref<64xi32, #tpu.memory_space<vmem>>
      %dma_start3A_140 = tpu.memref_slice %arg2[%run_scoped3A_4, %mul3A_2] : memref<4x2048xi32, #tpu.memory_space<hbm>> -> memref<1x64xi32, #tpu.memory_space<hbm>>
      %dma_start3A_141 = tpu.memref_squeeze %dma_start3A_140 : memref<1x64xi32, #tpu.memory_space<hbm>> -> memref<64xi32, #tpu.memory_space<hbm>>
      tpu.enqueue_dma source(%dma_start3A_141 : memref<64xi32, #tpu.memory_space<hbm>>) target(%dma_start3A_139 : memref<64xi32, #tpu.memory_space<vmem>>) target_semaphore(%run_scoped3A_131 : memref<!tpu.dma_semaphore, #tpu.memory_space<semaphore_mem>>)
      %dma_wait3A_142 = arith.constant 0 : i32
      %dma_wait3A_143 = tpu.memref_slice %arg6[%run_scoped3A_5, %dma_wait3A_142] : memref<4x64xi32, #tpu.memory_space<vmem>> -> memref<1x64xi32, #tpu.memory_space<vmem>>
      %dma_wait3A_144 = tpu.memref_squeeze %dma_wait3A_143 : memref<1x64xi32, #tpu.memory_space<vmem>> -> memref<64xi32, #tpu.memory_space<vmem>>
      %dma_wait3A_145 = tpu.memref_slice %arg2[%run_scoped3A_4, %mul3A_2] : memref<4x2048xi32, #tpu.memory_space<hbm>> -> memref<1x64xi32, #tpu.memory_space<hbm>>
      %dma_wait3A_146 = tpu.memref_squeeze %dma_wait3A_145 : memref<1x64xi32, #tpu.memory_space<hbm>> -> memref<64xi32, #tpu.memory_space<hbm>>
      %dma_wait3A_147 = arith.constant 0 : i32
      %dma_wait3A_148 = tpu.memref_slice %arg6[%run_scoped3A_5, %dma_wait3A_147] : memref<4x64xi32, #tpu.memory_space<vmem>> -> memref<1x64xi32, #tpu.memory_space<vmem>>
      %dma_wait3A_149 = tpu.memref_squeeze %dma_wait3A_148 : memref<1x64xi32, #tpu.memory_space<vmem>> -> memref<64xi32, #tpu.memory_space<vmem>>
      %dma_wait3A_150 = tpu.memref_slice %arg2[%run_scoped3A_4, %mul3A_2] : memref<4x2048xi32, #tpu.memory_space<hbm>> -> memref<1x64xi32, #tpu.memory_space<hbm>>
      %dma_wait3A_151 = tpu.memref_squeeze %dma_wait3A_150 : memref<1x64xi32, #tpu.memory_space<hbm>> -> memref<64xi32, #tpu.memory_space<hbm>>
      tpu.wait_dma2 semaphore(%run_scoped3A_131 : memref<!tpu.dma_semaphore, #tpu.memory_space<semaphore_mem>>) src(%dma_wait3A_151 : memref<64xi32, #tpu.memory_space<hbm>>) dst(%dma_wait3A_149 : memref<64xi32, #tpu.memory_space<vmem>>)
      tpu.yield
    }) : () -> ()
    %run_scoped3A_6 = arith.constant 2 : i32
    %run_scoped3A_7 = arith.constant 2 : i32
    "tpu.region"() ({
      %run_scoped3A_131 = tpu.sem_alloc : memref<!tpu.dma_semaphore, #tpu.memory_space<semaphore_mem>>
      %dma_start3A_132 = arith.constant 0 : i32
      %dma_start3A_133 = tpu.memref_slice %arg6[%run_scoped3A_7, %dma_start3A_132] : memref<4x64xi32, #tpu.memory_space<vmem>> -> memref<1x64xi32, #tpu.memory_space<vmem>>
      %dma_start3A_134 = tpu.memref_squeeze %dma_start3A_133 : memref<1x64xi32, #tpu.memory_space<vmem>> -> memref<64xi32, #tpu.memory_space<vmem>>
      %dma_start3A_135 = tpu.memref_slice %arg2[%run_scoped3A_6, %mul3A_2] : memref<4x2048xi32, #tpu.memory_space<hbm>> -> memref<1x64xi32, #tpu.memory_space<hbm>>
      %dma_start3A_136 = tpu.memref_squeeze %dma_start3A_135 : memref<1x64xi32, #tpu.memory_space<hbm>> -> memref<64xi32, #tpu.memory_space<hbm>>
      %dma_start3A_137 = arith.constant 0 : i32
      %dma_start3A_138 = tpu.memref_slice %arg6[%run_scoped3A_7, %dma_start3A_137] : memref<4x64xi32, #tpu.memory_space<vmem>> -> memref<1x64xi32, #tpu.memory_space<vmem>>
      %dma_start3A_139 = tpu.memref_squeeze %dma_start3A_138 : memref<1x64xi32, #tpu.memory_space<vmem>> -> memref<64xi32, #tpu.memory_space<vmem>>
      %dma_start3A_140 = tpu.memref_slice %arg2[%run_scoped3A_6, %mul3A_2] : memref<4x2048xi32, #tpu.memory_space<hbm>> -> memref<1x64xi32, #tpu.memory_space<hbm>>
      %dma_start3A_141 = tpu.memref_squeeze %dma_start3A_140 : memref<1x64xi32, #tpu.memory_space<hbm>> -> memref<64xi32, #tpu.memory_space<hbm>>
      tpu.enqueue_dma source(%dma_start3A_141 : memref<64xi32, #tpu.memory_space<hbm>>) target(%dma_start3A_139 : memref<64xi32, #tpu.memory_space<vmem>>) target_semaphore(%run_scoped3A_131 : memref<!tpu.dma_semaphore, #tpu.memory_space<semaphore_mem>>)
      %dma_wait3A_142 = arith.constant 0 : i32
      %dma_wait3A_143 = tpu.memref_slice %arg6[%run_scoped3A_7, %dma_wait3A_142] : memref<4x64xi32, #tpu.memory_space<vmem>> -> memref<1x64xi32, #tpu.memory_space<vmem>>
      %dma_wait3A_144 = tpu.memref_squeeze %dma_wait3A_143 : memref<1x64xi32, #tpu.memory_space<vmem>> -> memref<64xi32, #tpu.memory_space<vmem>>
      %dma_wait3A_145 = tpu.memref_slice %arg2[%run_scoped3A_6, %mul3A_2] : memref<4x2048xi32, #tpu.memory_space<hbm>> -> memref<1x64xi32, #tpu.memory_space<hbm>>
      %dma_wait3A_146 = tpu.memref_squeeze %dma_wait3A_145 : memref<1x64xi32, #tpu.memory_space<hbm>> -> memref<64xi32, #tpu.memory_space<hbm>>
      %dma_wait3A_147 = arith.constant 0 : i32
      %dma_wait3A_148 = tpu.memref_slice %arg6[%run_scoped3A_7, %dma_wait3A_147] : memref<4x64xi32, #tpu.memory_space<vmem>> -> memref<1x64xi32, #tpu.memory_space<vmem>>
      %dma_wait3A_149 = tpu.memref_squeeze %dma_wait3A_148 : memref<1x64xi32, #tpu.memory_space<vmem>> -> memref<64xi32, #tpu.memory_space<vmem>>
      %dma_wait3A_150 = tpu.memref_slice %arg2[%run_scoped3A_6, %mul3A_2] : memref<4x2048xi32, #tpu.memory_space<hbm>> -> memref<1x64xi32, #tpu.memory_space<hbm>>
      %dma_wait3A_151 = tpu.memref_squeeze %dma_wait3A_150 : memref<1x64xi32, #tpu.memory_space<hbm>> -> memref<64xi32, #tpu.memory_space<hbm>>
      tpu.wait_dma2 semaphore(%run_scoped3A_131 : memref<!tpu.dma_semaphore, #tpu.memory_space<semaphore_mem>>) src(%dma_wait3A_151 : memref<64xi32, #tpu.memory_space<hbm>>) dst(%dma_wait3A_149 : memref<64xi32, #tpu.memory_space<vmem>>)
      tpu.yield
    }) : () -> ()
    %run_scoped3A_8 = arith.constant 3 : i32
    %run_scoped3A_9 = arith.constant 3 : i32
    "tpu.region"() ({
      %run_scoped3A_131 = tpu.sem_alloc : memref<!tpu.dma_semaphore, #tpu.memory_space<semaphore_mem>>
      %dma_start3A_132 = arith.constant 0 : i32
      %dma_start3A_133 = tpu.memref_slice %arg6[%run_scoped3A_9, %dma_start3A_132] : memref<4x64xi32, #tpu.memory_space<vmem>> -> memref<1x64xi32, #tpu.memory_space<vmem>>
      %dma_start3A_134 = tpu.memref_squeeze %dma_start3A_133 : memref<1x64xi32, #tpu.memory_space<vmem>> -> memref<64xi32, #tpu.memory_space<vmem>>
      %dma_start3A_135 = tpu.memref_slice %arg2[%run_scoped3A_8, %mul3A_2] : memref<4x2048xi32, #tpu.memory_space<hbm>> -> memref<1x64xi32, #tpu.memory_space<hbm>>
      %dma_start3A_136 = tpu.memref_squeeze %dma_start3A_135 : memref<1x64xi32, #tpu.memory_space<hbm>> -> memref<64xi32, #tpu.memory_space<hbm>>
      %dma_start3A_137 = arith.constant 0 : i32
      %dma_start3A_138 = tpu.memref_slice %arg6[%run_scoped3A_9, %dma_start3A_137] : memref<4x64xi32, #tpu.memory_space<vmem>> -> memref<1x64xi32, #tpu.memory_space<vmem>>
      %dma_start3A_139 = tpu.memref_squeeze %dma_start3A_138 : memref<1x64xi32, #tpu.memory_space<vmem>> -> memref<64xi32, #tpu.memory_space<vmem>>
      %dma_start3A_140 = tpu.memref_slice %arg2[%run_scoped3A_8, %mul3A_2] : memref<4x2048xi32, #tpu.memory_space<hbm>> -> memref<1x64xi32, #tpu.memory_space<hbm>>
      %dma_start3A_141 = tpu.memref_squeeze %dma_start3A_140 : memref<1x64xi32, #tpu.memory_space<hbm>> -> memref<64xi32, #tpu.memory_space<hbm>>
      tpu.enqueue_dma source(%dma_start3A_141 : memref<64xi32, #tpu.memory_space<hbm>>) target(%dma_start3A_139 : memref<64xi32, #tpu.memory_space<vmem>>) target_semaphore(%run_scoped3A_131 : memref<!tpu.dma_semaphore, #tpu.memory_space<semaphore_mem>>)
      %dma_wait3A_142 = arith.constant 0 : i32
      %dma_wait3A_143 = tpu.memref_slice %arg6[%run_scoped3A_9, %dma_wait3A_142] : memref<4x64xi32, #tpu.memory_space<vmem>> -> memref<1x64xi32, #tpu.memory_space<vmem>>
      %dma_wait3A_144 = tpu.memref_squeeze %dma_wait3A_143 : memref<1x64xi32, #tpu.memory_space<vmem>> -> memref<64xi32, #tpu.memory_space<vmem>>
      %dma_wait3A_145 = tpu.memref_slice %arg2[%run_scoped3A_8, %mul3A_2] : memref<4x2048xi32, #tpu.memory_space<hbm>> -> memref<1x64xi32, #tpu.memory_space<hbm>>
      %dma_wait3A_146 = tpu.memref_squeeze %dma_wait3A_145 : memref<1x64xi32, #tpu.memory_space<hbm>> -> memref<64xi32, #tpu.memory_space<hbm>>
      %dma_wait3A_147 = arith.constant 0 : i32
      %dma_wait3A_148 = tpu.memref_slice %arg6[%run_scoped3A_9, %dma_wait3A_147] : memref<4x64xi32, #tpu.memory_space<vmem>> -> memref<1x64xi32, #tpu.memory_space<vmem>>
      %dma_wait3A_149 = tpu.memref_squeeze %dma_wait3A_148 : memref<1x64xi32, #tpu.memory_space<vmem>> -> memref<64xi32, #tpu.memory_space<vmem>>
      %dma_wait3A_150 = tpu.memref_slice %arg2[%run_scoped3A_8, %mul3A_2] : memref<4x2048xi32, #tpu.memory_space<hbm>> -> memref<1x64xi32, #tpu.memory_space<hbm>>
      %dma_wait3A_151 = tpu.memref_squeeze %dma_wait3A_150 : memref<1x64xi32, #tpu.memory_space<hbm>> -> memref<64xi32, #tpu.memory_space<hbm>>
      tpu.wait_dma2 semaphore(%run_scoped3A_131 : memref<!tpu.dma_semaphore, #tpu.memory_space<semaphore_mem>>) src(%dma_wait3A_151 : memref<64xi32, #tpu.memory_space<hbm>>) dst(%dma_wait3A_149 : memref<64xi32, #tpu.memory_space<vmem>>)
      tpu.yield
    }) : () -> ()
    %dma_start3A = arith.constant 0 : i32
    %dma_start3A_10 = arith.constant 0 : i32
    %dma_start3A_11 = tpu.memref_slice %arg6[%dma_start3A, %dma_start3A_10] : memref<4x64xi32, #tpu.memory_space<vmem>> -> memref<1x64xi32, #tpu.memory_space<vmem>>
    %dma_start3A_12 = tpu.memref_squeeze %dma_start3A_11 : memref<1x64xi32, #tpu.memory_space<vmem>> -> memref<64xi32, #tpu.memory_space<vmem>>
    %dma_start3A_13 = arith.constant 0 : i32
    %dma_start3A_14 = arith.constant 0 : i32
    %dma_start3A_15 = tpu.memref_slice %arg3[%dma_start3A_13, %dma_start3A_14] : memref<100000x768xf32, #tpu.memory_space<hbm>> -> memref<100000x768xf32, #tpu.memory_space<hbm>>
    tpu.enqueue_indirect_dma source(%dma_start3A_15 : memref<100000x768xf32, #tpu.memory_space<hbm>>) target(%arg7 : memref<64x768xf32, #tpu.memory_space<vmem>>) offsets(%dma_start3A_12 : memref<64xi32, #tpu.memory_space<vmem>>) semaphore(%arg10 : memref<!tpu.dma_semaphore, #tpu.memory_space<semaphore_mem>>)
    %dma_start3A_16 = arith.constant 1 : i32
    %dma_start3A_17 = arith.constant 0 : i32
    %dma_start3A_18 = tpu.memref_slice %arg6[%dma_start3A_16, %dma_start3A_17] : memref<4x64xi32, #tpu.memory_space<vmem>> -> memref<1x64xi32, #tpu.memory_space<vmem>>
    %dma_start3A_19 = tpu.memref_squeeze %dma_start3A_18 : memref<1x64xi32, #tpu.memory_space<vmem>> -> memref<64xi32, #tpu.memory_space<vmem>>
    %dma_start3A_20 = arith.constant 0 : i32
    %dma_start3A_21 = arith.constant 0 : i32
    %dma_start3A_22 = tpu.memref_slice %arg3[%dma_start3A_20, %dma_start3A_21] : memref<100000x768xf32, #tpu.memory_space<hbm>> -> memref<100000x768xf32, #tpu.memory_space<hbm>>
    tpu.enqueue_indirect_dma source(%dma_start3A_22 : memref<100000x768xf32, #tpu.memory_space<hbm>>) target(%arg8 : memref<64x768xf32, #tpu.memory_space<vmem>>) offsets(%dma_start3A_19 : memref<64xi32, #tpu.memory_space<vmem>>) semaphore(%arg11 : memref<!tpu.dma_semaphore, #tpu.memory_space<semaphore_mem>>)
    "tpu.region"() ({
      %run_scoped3A_131 = tpu.sem_alloc : memref<!tpu.dma_semaphore, #tpu.memory_space<semaphore_mem>>
      %dma_start3A_132 = arith.constant 0 : i32
      %dma_start3A_133 = tpu.memref_slice %arg4[%mul3A_2, %dma_start3A_132] : memref<2048x384xi32, #tpu.memory_space<hbm>> -> memref<64x384xi32, #tpu.memory_space<hbm>>
      %dma_start3A_134 = arith.constant 0 : i32
      %dma_start3A_135 = tpu.memref_slice %arg4[%mul3A_2, %dma_start3A_134] : memref<2048x384xi32, #tpu.memory_space<hbm>> -> memref<64x384xi32, #tpu.memory_space<hbm>>
      tpu.enqueue_dma source(%dma_start3A_135 : memref<64x384xi32, #tpu.memory_space<hbm>>) target(%arg9 : memref<64x384xi32, #tpu.memory_space<vmem>>) target_semaphore(%run_scoped3A_131 : memref<!tpu.dma_semaphore, #tpu.memory_space<semaphore_mem>>)
      %dma_wait3A_136 = arith.constant 0 : i32
      %dma_wait3A_137 = tpu.memref_slice %arg4[%mul3A_2, %dma_wait3A_136] : memref<2048x384xi32, #tpu.memory_space<hbm>> -> memref<64x384xi32, #tpu.memory_space<hbm>>
      %dma_wait3A_138 = arith.constant 0 : i32
      %dma_wait3A_139 = tpu.memref_slice %arg4[%mul3A_2, %dma_wait3A_138] : memref<2048x384xi32, #tpu.memory_space<hbm>> -> memref<64x384xi32, #tpu.memory_space<hbm>>
      tpu.wait_dma2 semaphore(%run_scoped3A_131 : memref<!tpu.dma_semaphore, #tpu.memory_space<semaphore_mem>>) src(%dma_wait3A_139 : memref<64x384xi32, #tpu.memory_space<hbm>>) dst(%arg9 : memref<64x384xi32, #tpu.memory_space<vmem>>)
      tpu.yield
    }) : () -> ()
    %dma_wait3A = arith.constant 0 : i32
    %dma_wait3A_23 = arith.constant 0 : i32
    %dma_wait3A_24 = tpu.memref_slice %arg6[%dma_wait3A, %dma_wait3A_23] : memref<4x64xi32, #tpu.memory_space<vmem>> -> memref<1x64xi32, #tpu.memory_space<vmem>>
    %dma_wait3A_25 = tpu.memref_squeeze %dma_wait3A_24 : memref<1x64xi32, #tpu.memory_space<vmem>> -> memref<64xi32, #tpu.memory_space<vmem>>
    %dma_wait3A_26 = arith.constant 0 : i32
    %dma_wait3A_27 = arith.constant 0 : i32
    %dma_wait3A_28 = tpu.memref_slice %arg3[%dma_wait3A_26, %dma_wait3A_27] : memref<100000x768xf32, #tpu.memory_space<hbm>> -> memref<100000x768xf32, #tpu.memory_space<hbm>>
    tpu.wait_indirect_dma semaphore(%arg10 : memref<!tpu.dma_semaphore, #tpu.memory_space<semaphore_mem>>) src(%dma_wait3A_28 : memref<100000x768xf32, #tpu.memory_space<hbm>>) dst(%arg7 : memref<64x768xf32, #tpu.memory_space<vmem>>)
    %parallel_loop3A = arith.constant 0 : i32
    %parallel_loop3A_29 = arith.constant 64 : i32
    %parallel_loop3A_30 = arith.constant 1 : i32
    scf.for %parallel_loop3A_131 = %parallel_loop3A to %parallel_loop3A_29 step %parallel_loop3A_30  : i32 {
      %parallel_loop3A_132 = arith.index_cast %parallel_loop3A_131 : i32 to index
      %parallel_loop3A_133 = arith.constant 0 : index
      %parallel_loop3A_134 = tpu.vector_load %arg9[%parallel_loop3A_132, %parallel_loop3A_133] {strides = array<i32>} : memref<64x384xi32, #tpu.memory_space<vmem>>, vector<1x16xi32>,
      %parallel_loop3A_135 = vector.shape_cast %parallel_loop3A_134 : vector<1x16xi32> to vector<16xi32>
      %parallel_loop3A_136 = arith.constant 16 : i32
      %parallel_loop3A_137 = vector.broadcast %parallel_loop3A_136 : i32 to vector<16xi32>
      %parallel_loop3A_138 = arith.shli %parallel_loop3A_135, %parallel_loop3A_137 : vector<16xi32>
      %parallel_loop3A_139 = tpu.bitcast %parallel_loop3A_138 : vector<16xi32> -> vector<16xf32>
      %parallel_loop3A_140 = arith.constant -65536 : i32
      %parallel_loop3A_141 = vector.broadcast %parallel_loop3A_140 : i32 to vector<16xi32>
      %parallel_loop3A_142 = arith.andi %parallel_loop3A_135, %parallel_loop3A_141 : vector<16xi32>
      %parallel_loop3A_143 = tpu.bitcast %parallel_loop3A_142 : vector<16xi32> -> vector<16xf32>
      %parallel_loop3A_144 = arith.index_cast %parallel_loop3A_131 : i32 to index
      %parallel_loop3A_145 = arith.constant 0 : index
      %parallel_loop3A_146 = tpu.vector_load %arg7[%parallel_loop3A_144, %parallel_loop3A_145] {strides = array<i32>} : memref<64x768xf32, #tpu.memory_space<vmem>>, vector<1x16xf32>,
      %parallel_loop3A_147 = vector.shape_cast %parallel_loop3A_146 : vector<1x16xf32> to vector<16xf32>
      %parallel_loop3A_148 = vector.shape_cast %parallel_loop3A_139 : vector<16xf32> to vector<1x16xf32>
      tpu.vector_store %arg7[%parallel_loop3A_144, %parallel_loop3A_145], %parallel_loop3A_148 {add = true, strides = array<i32>} : memref<64x768xf32, #tpu.memory_space<vmem>>, vector<1x16xf32>,
      %parallel_loop3A_149 = arith.index_cast %parallel_loop3A_131 : i32 to index
      %parallel_loop3A_150 = arith.constant 16 : index
      %parallel_loop3A_151 = tpu.vector_load %arg7[%parallel_loop3A_149, %parallel_loop3A_150] {strides = array<i32>} : memref<64x768xf32, #tpu.memory_space<vmem>>, vector<1x16xf32>,
      %parallel_loop3A_152 = vector.shape_cast %parallel_loop3A_151 : vector<1x16xf32> to vector<16xf32>
      %parallel_loop3A_153 = vector.shape_cast %parallel_loop3A_143 : vector<16xf32> to vector<1x16xf32>
      tpu.vector_store %arg7[%parallel_loop3A_149, %parallel_loop3A_150], %parallel_loop3A_153 {add = true, strides = array<i32>} : memref<64x768xf32, #tpu.memory_space<vmem>>, vector<1x16xf32>,
      %parallel_loop3A_154 = arith.index_cast %parallel_loop3A_131 : i32 to index
      %parallel_loop3A_155 = arith.constant 16 : index
      %parallel_loop3A_156 = tpu.vector_load %arg9[%parallel_loop3A_154, %parallel_loop3A_155] {strides = array<i32>} : memref<64x384xi32, #tpu.memory_space<vmem>>, vector<1x16xi32>,
      %parallel_loop3A_157 = vector.shape_cast %parallel_loop3A_156 : vector<1x16xi32> to vector<16xi32>
      %parallel_loop3A_158 = arith.constant 16 : i32
      %parallel_loop3A_159 = vector.broadcast %parallel_loop3A_158 : i32 to vector<16xi32>
      %parallel_loop3A_160 = arith.shli %parallel_loop3A_157, %parallel_loop3A_159 : vector<16xi32>
      %parallel_loop3A_161 = tpu.bitcast %parallel_loop3A_160 : vector<16xi32> -> vector<16xf32>
      %parallel_loop3A_162 = arith.constant -65536 : i32
      %parallel_loop3A_163 = vector.broadcast %parallel_loop3A_162 : i32 to vector<16xi32>
      %parallel_loop3A_164 = arith.andi %parallel_loop3A_157, %parallel_loop3A_163 : vector<16xi32>
      %parallel_loop3A_165 = tpu.bitcast %parallel_loop3A_164 : vector<16xi32> -> vector<16xf32>
      %parallel_loop3A_166 = arith.index_cast %parallel_loop3A_131 : i32 to index
      %parallel_loop3A_167 = arith.constant 32 : index
      %parallel_loop3A_168 = tpu.vector_load %arg7[%parallel_loop3A_166, %parallel_loop3A_167] {strides = array<i32>} : memref<64x768xf32, #tpu.memory_space<vmem>>, vector<1x16xf32>,
      %parallel_loop3A_169 = vector.shape_cast %parallel_loop3A_168 : vector<1x16xf32> to vector<16xf32>
      %parallel_loop3A_170 = vector.shape_cast %parallel_loop3A_161 : vector<16xf32> to vector<1x16xf32>
      tpu.vector_store %arg7[%parallel_loop3A_166, %parallel_loop3A_167], %parallel_loop3A_170 {add = true, strides = array<i32>} : memref<64x768xf32, #tpu.memory_space<vmem>>, vector<1x16xf32>,
      %parallel_loop3A_171 = arith.index_cast %parallel_loop3A_131 : i32 to index
      %parallel_loop3A_172 = arith.constant 48 : index
      %parallel_loop3A_173 = tpu.vector_load %arg7[%parallel_loop3A_171, %parallel_loop3A_172] {strides = array<i32>} : memref<64x768xf32, #tpu.memory_space<vmem>>, vector<1x16xf32>,
      %parallel_loop3A_174 = vector.shape_cast %parallel_loop3A_173 : vector<1x16xf32> to vector<16xf32>
      %parallel_loop3A_175 = vector.shape_cast %parallel_loop3A_165 : vector<16xf32> to vector<1x16xf32>
      tpu.vector_store %arg7[%parallel_loop3A_171, %parallel_loop3A_172], %parallel_loop3A_175 {add = true, strides = array<i32>} : memref<64x768xf32, #tpu.memory_space<vmem>>, vector<1x16xf32>,
      %parallel_loop3A_176 = arith.index_cast %parallel_loop3A_131 : i32 to index
      %parallel_loop3A_177 = arith.constant 32 : index
      %parallel_loop3A_178 = tpu.vector_load %arg9[%parallel_loop3A_176, %parallel_loop3A_177] {strides = array<i32>} : memref<64x384xi32, #tpu.memory_space<vmem>>, vector<1x16xi32>,
      %parallel_loop3A_179 = vector.shape_cast %parallel_loop3A_178 : vector<1x16xi32> to vector<16xi32>
      %parallel_loop3A_180 = arith.constant 16 : i32
      %parallel_loop3A_181 = vector.broadcast %parallel_loop3A_180 : i32 to vector<16xi32>
      %parallel_loop3A_182 = arith.shli %parallel_loop3A_179, %parallel_loop3A_181 : vector<16xi32>
      %parallel_loop3A_183 = tpu.bitcast %parallel_loop3A_182 : vector<16xi32> -> vector<16xf32>
      %parallel_loop3A_184 = arith.constant -65536 : i32
      %parallel_loop3A_185 = vector.broadcast %parallel_loop3A_184 : i32 to vector<16xi32>
      %parallel_loop3A_186 = arith.andi %parallel_loop3A_179, %parallel_loop3A_185 : vector<16xi32>
      %parallel_loop3A_187 = tpu.bitcast %parallel_loop3A_186 : vector<16xi32> -> vector<16xf32>
      %parallel_loop3A_188 = arith.index_cast %parallel_loop3A_131 : i32 to index
      %parallel_loop3A_189 = arith.constant 64 : index
      %parallel_loop3A_190 = tpu.vector_load %arg7[%parallel_loop3A_188, %parallel_loop3A_189] {strides = array<i32>} : memref<64x768xf32, #tpu.memory_space<vmem>>, vector<1x16xf32>,
      %parallel_loop3A_191 = vector.shape_cast %parallel_loop3A_190 : vector<1x16xf32> to vector<16xf32>
      %parallel_loop3A_192 = vector.shape_cast %parallel_loop3A_183 : vector<16xf32> to vector<1x16xf32>
      tpu.vector_store %arg7[%parallel_loop3A_188, %parallel_loop3A_189], %parallel_loop3A_192 {add = true, strides = array<i32>} : memref<64x768xf32, #tpu.memory_space<vmem>>, vector<1x16xf32>,
      %parallel_loop3A_193 = arith.index_cast %parallel_loop3A_131 : i32 to index
      %parallel_loop3A_194 = arith.constant 80 : index
      %parallel_loop3A_195 = tpu.vector_load %arg7[%parallel_loop3A_193, %parallel_loop3A_194] {strides = array<i32>} : memref<64x768xf32, #tpu.memory_space<vmem>>, vector<1x16xf32>,
      %parallel_loop3A_196 = vector.shape_cast %parallel_loop3A_195 : vector<1x16xf32> to vector<16xf32>
      %parallel_loop3A_197 = vector.shape_cast %parallel_loop3A_187 : vector<16xf32> to vector<1x16xf32>
      tpu.vector_store %arg7[%parallel_loop3A_193, %parallel_loop3A_194], %parallel_loop3A_197 {add = true, strides = array<i32>} : memref<64x768xf32, #tpu.memory_space<vmem>>, vector<1x16xf32>,
      %parallel_loop3A_198 = arith.index_cast %parallel_loop3A_131 : i32 to index
      %parallel_loop3A_199 = arith.constant 48 : index
      %parallel_loop3A_200 = tpu.vector_load %arg9[%parallel_loop3A_198, %parallel_loop3A_199] {strides = array<i32>} : memref<64x384xi32, #tpu.memory_space<vmem>>, vector<1x16xi32>,
      %parallel_loop3A_201 = vector.shape_cast %parallel_loop3A_200 : vector<1x16xi32> to vector<16xi32>
      %parallel_loop3A_202 = arith.constant 16 : i32
      %parallel_loop3A_203 = vector.broadcast %parallel_loop3A_202 : i32 to vector<16xi32>
      %parallel_loop3A_204 = arith.shli %parallel_loop3A_201, %parallel_loop3A_203 : vector<16xi32>
      %parallel_loop3A_205 = tpu.bitcast %parallel_loop3A_204 : vector<16xi32> -> vector<16xf32>
      %parallel_loop3A_206 = arith.constant -65536 : i32
      %parallel_loop3A_207 = vector.broadcast %parallel_loop3A_206 : i32 to vector<16xi32>
      %parallel_loop3A_208 = arith.andi %parallel_loop3A_201, %parallel_loop3A_207 : vector<16xi32>
      %parallel_loop3A_209 = tpu.bitcast %parallel_loop3A_208 : vector<16xi32> -> vector<16xf32>
      %parallel_loop3A_210 = arith.index_cast %parallel_loop3A_131 : i32 to index
      %parallel_loop3A_211 = arith.constant 96 : index
      %parallel_loop3A_212 = tpu.vector_load %arg7[%parallel_loop3A_210, %parallel_loop3A_211] {strides = array<i32>} : memref<64x768xf32, #tpu.memory_space<vmem>>, vector<1x16xf32>,
      %parallel_loop3A_213 = vector.shape_cast %parallel_loop3A_212 : vector<1x16xf32> to vector<16xf32>
      %parallel_loop3A_214 = vector.shape_cast %parallel_loop3A_205 : vector<16xf32> to vector<1x16xf32>
      tpu.vector_store %arg7[%parallel_loop3A_210, %parallel_loop3A_211], %parallel_loop3A_214 {add = true, strides = array<i32>} : memref<64x768xf32, #tpu.memory_space<vmem>>, vector<1x16xf32>,
      %parallel_loop3A_215 = arith.index_cast %parallel_loop3A_131 : i32 to index
      %parallel_loop3A_216 = arith.constant 112 : index
      %parallel_loop3A_217 = tpu.vector_load %arg7[%parallel_loop3A_215, %parallel_loop3A_216] {strides = array<i32>} : memref<64x768xf32, #tpu.memory_space<vmem>>, vector<1x16xf32>,
      %parallel_loop3A_218 = vector.shape_cast %parallel_loop3A_217 : vector<1x16xf32> to vector<16xf32>
      %parallel_loop3A_219 = vector.shape_cast %parallel_loop3A_209 : vector<16xf32> to vector<1x16xf32>
      tpu.vector_store %arg7[%parallel_loop3A_215, %parallel_loop3A_216], %parallel_loop3A_219 {add = true, strides = array<i32>} : memref<64x768xf32, #tpu.memory_space<vmem>>, vector<1x16xf32>,
      %parallel_loop3A_220 = arith.index_cast %parallel_loop3A_131 : i32 to index
      %parallel_loop3A_221 = arith.constant 64 : index
      %parallel_loop3A_222 = tpu.vector_load %arg9[%parallel_loop3A_220, %parallel_loop3A_221] {strides = array<i32>} : memref<64x384xi32, #tpu.memory_space<vmem>>, vector<1x16xi32>,
      %parallel_loop3A_223 = vector.shape_cast %parallel_loop3A_222 : vector<1x16xi32> to vector<16xi32>
      %parallel_loop3A_224 = arith.constant 16 : i32
      %parallel_loop3A_225 = vector.broadcast %parallel_loop3A_224 : i32 to vector<16xi32>
      %parallel_loop3A_226 = arith.shli %parallel_loop3A_223, %parallel_loop3A_225 : vector<16xi32>
      %parallel_loop3A_227 = tpu.bitcast %parallel_loop3A_226 : vector<16xi32> -> vector<16xf32>
      %parallel_loop3A_228 = arith.constant -65536 : i32
      %parallel_loop3A_229 = vector.broadcast %parallel_loop3A_228 : i32 to vector<16xi32>
      %parallel_loop3A_230 = arith.andi %parallel_loop3A_223, %parallel_loop3A_229 : vector<16xi32>
      %parallel_loop3A_231 = tpu.bitcast %parallel_loop3A_230 : vector<16xi32> -> vector<16xf32>
      %parallel_loop3A_232 = arith.index_cast %parallel_loop3A_131 : i32 to index
      %parallel_loop3A_233 = arith.constant 128 : index
      %parallel_loop3A_234 = tpu.vector_load %arg7[%parallel_loop3A_232, %parallel_loop3A_233] {strides = array<i32>} : memref<64x768xf32, #tpu.memory_space<vmem>>, vector<1x16xf32>,
      %parallel_loop3A_235 = vector.shape_cast %parallel_loop3A_234 : vector<1x16xf32> to vector<16xf32>
      %parallel_loop3A_236 = vector.shape_cast %parallel_loop3A_227 : vector<16xf32> to vector<1x16xf32>
      tpu.vector_store %arg7[%parallel_loop3A_232, %parallel_loop3A_233], %parallel_loop3A_236 {add = true, strides = array<i32>} : memref<64x768xf32, #tpu.memory_space<vmem>>, vector<1x16xf32>,
      %parallel_loop3A_237 = arith.index_cast %parallel_loop3A_131 : i32 to index
      %parallel_loop3A_238 = arith.constant 144 : index
      %parallel_loop3A_239 = tpu.vector_load %arg7[%parallel_loop3A_237, %parallel_loop3A_238] {strides = array<i32>} : memref<64x768xf32, #tpu.memory_space<vmem>>, vector<1x16xf32>,
      %parallel_loop3A_240 = vector.shape_cast %parallel_loop3A_239 : vector<1x16xf32> to vector<16xf32>
      %parallel_loop3A_241 = vector.shape_cast %parallel_loop3A_231 : vector<16xf32> to vector<1x16xf32>
      tpu.vector_store %arg7[%parallel_loop3A_237, %parallel_loop3A_238], %parallel_loop3A_241 {add = true, strides = array<i32>} : memref<64x768xf32, #tpu.memory_space<vmem>>, vector<1x16xf32>,
      %parallel_loop3A_242 = arith.index_cast %parallel_loop3A_131 : i32 to index
      %parallel_loop3A_243 = arith.constant 80 : index
      %parallel_loop3A_244 = tpu.vector_load %arg9[%parallel_loop3A_242, %parallel_loop3A_243] {strides = array<i32>} : memref<64x384xi32, #tpu.memory_space<vmem>>, vector<1x16xi32>,
      %parallel_loop3A_245 = vector.shape_cast %parallel_loop3A_244 : vector<1x16xi32> to vector<16xi32>
      %parallel_loop3A_246 = arith.constant 16 : i32
      %parallel_loop3A_247 = vector.broadcast %parallel_loop3A_246 : i32 to vector<16xi32>
      %parallel_loop3A_248 = arith.shli %parallel_loop3A_245, %parallel_loop3A_247 : vector<16xi32>
      %parallel_loop3A_249 = tpu.bitcast %parallel_loop3A_248 : vector<16xi32> -> vector<16xf32>
      %parallel_loop3A_250 = arith.constant -65536 : i32
      %parallel_loop3A_251 = vector.broadcast %parallel_loop3A_250 : i32 to vector<16xi32>
      %parallel_loop3A_252 = arith.andi %parallel_loop3A_245, %parallel_loop3A_251 : vector<16xi32>
      %parallel_loop3A_253 = tpu.bitcast %parallel_loop3A_252 : vector<16xi32> -> vector<16xf32>
      %parallel_loop3A_254 = arith.index_cast %parallel_loop3A_131 : i32 to index
      %parallel_loop3A_255 = arith.constant 160 : index
      %parallel_loop3A_256 = tpu.vector_load %arg7[%parallel_loop3A_254, %parallel_loop3A_255] {strides = array<i32>} : memref<64x768xf32, #tpu.memory_space<vmem>>, vector<1x16xf32>,
      %parallel_loop3A_257 = vector.shape_cast %parallel_loop3A_256 : vector<1x16xf32> to vector<16xf32>
      %parallel_loop3A_258 = vector.shape_cast %parallel_loop3A_249 : vector<16xf32> to vector<1x16xf32>
      tpu.vector_store %arg7[%parallel_loop3A_254, %parallel_loop3A_255], %parallel_loop3A_258 {add = true, strides = array<i32>} : memref<64x768xf32, #tpu.memory_space<vmem>>, vector<1x16xf32>,
      %parallel_loop3A_259 = arith.index_cast %parallel_loop3A_131 : i32 to index
      %parallel_loop3A_260 = arith.constant 176 : index
      %parallel_loop3A_261 = tpu.vector_load %arg7[%parallel_loop3A_259, %parallel_loop3A_260] {strides = array<i32>} : memref<64x768xf32, #tpu.memory_space<vmem>>, vector<1x16xf32>,
      %parallel_loop3A_262 = vector.shape_cast %parallel_loop3A_261 : vector<1x16xf32> to vector<16xf32>
      %parallel_loop3A_263 = vector.shape_cast %parallel_loop3A_253 : vector<16xf32> to vector<1x16xf32>
      tpu.vector_store %arg7[%parallel_loop3A_259, %parallel_loop3A_260], %parallel_loop3A_263 {add = true, strides = array<i32>} : memref<64x768xf32, #tpu.memory_space<vmem>>, vector<1x16xf32>,
      %parallel_loop3A_264 = arith.index_cast %parallel_loop3A_131 : i32 to index
      %parallel_loop3A_265 = arith.constant 96 : index
      %parallel_loop3A_266 = tpu.vector_load %arg9[%parallel_loop3A_264, %parallel_loop3A_265] {strides = array<i32>} : memref<64x384xi32, #tpu.memory_space<vmem>>, vector<1x16xi32>,
      %parallel_loop3A_267 = vector.shape_cast %parallel_loop3A_266 : vector<1x16xi32> to vector<16xi32>
      %parallel_loop3A_268 = arith.constant 16 : i32
      %parallel_loop3A_269 = vector.broadcast %parallel_loop3A_268 : i32 to vector<16xi32>
      %parallel_loop3A_270 = arith.shli %parallel_loop3A_267, %parallel_loop3A_269 : vector<16xi32>
      %parallel_loop3A_271 = tpu.bitcast %parallel_loop3A_270 : vector<16xi32> -> vector<16xf32>
      %parallel_loop3A_272 = arith.constant -65536 : i32
      %parallel_loop3A_273 = vector.broadcast %parallel_loop3A_272 : i32 to vector<16xi32>
      %parallel_loop3A_274 = arith.andi %parallel_loop3A_267, %parallel_loop3A_273 : vector<16xi32>
      %parallel_loop3A_275 = tpu.bitcast %parallel_loop3A_274 : vector<16xi32> -> vector<16xf32>
      %parallel_loop3A_276 = arith.index_cast %parallel_loop3A_131 : i32 to index
      %parallel_loop3A_277 = arith.constant 192 : index
      %parallel_loop3A_278 = tpu.vector_load %arg7[%parallel_loop3A_276, %parallel_loop3A_277] {strides = array<i32>} : memref<64x768xf32, #tpu.memory_space<vmem>>, vector<1x16xf32>,
      %parallel_loop3A_279 = vector.shape_cast %parallel_loop3A_278 : vector<1x16xf32> to vector<16xf32>
      %parallel_loop3A_280 = vector.shape_cast %parallel_loop3A_271 : vector<16xf32> to vector<1x16xf32>
      tpu.vector_store %arg7[%parallel_loop3A_276, %parallel_loop3A_277], %parallel_loop3A_280 {add = true, strides = array<i32>} : memref<64x768xf32, #tpu.memory_space<vmem>>, vector<1x16xf32>,
      %parallel_loop3A_281 = arith.index_cast %parallel_loop3A_131 : i32 to index
      %parallel_loop3A_282 = arith.constant 208 : index
      %parallel_loop3A_283 = tpu.vector_load %arg7[%parallel_loop3A_281, %parallel_loop3A_282] {strides = array<i32>} : memref<64x768xf32, #tpu.memory_space<vmem>>, vector<1x16xf32>,
      %parallel_loop3A_284 = vector.shape_cast %parallel_loop3A_283 : vector<1x16xf32> to vector<16xf32>
      %parallel_loop3A_285 = vector.shape_cast %parallel_loop3A_275 : vector<16xf32> to vector<1x16xf32>
      tpu.vector_store %arg7[%parallel_loop3A_281, %parallel_loop3A_282], %parallel_loop3A_285 {add = true, strides = array<i32>} : memref<64x768xf32, #tpu.memory_space<vmem>>, vector<1x16xf32>,
      %parallel_loop3A_286 = arith.index_cast %parallel_loop3A_131 : i32 to index
      %parallel_loop3A_287 = arith.constant 112 : index
      %parallel_loop3A_288 = tpu.vector_load %arg9[%parallel_loop3A_286, %parallel_loop3A_287] {strides = array<i32>} : memref<64x384xi32, #tpu.memory_space<vmem>>, vector<1x16xi32>,
      %parallel_loop3A_289 = vector.shape_cast %parallel_loop3A_288 : vector<1x16xi32> to vector<16xi32>
      %parallel_loop3A_290 = arith.constant 16 : i32
      %parallel_loop3A_291 = vector.broadcast %parallel_loop3A_290 : i32 to vector<16xi32>
      %parallel_loop3A_292 = arith.shli %parallel_loop3A_289, %parallel_loop3A_291 : vector<16xi32>
      %parallel_loop3A_293 = tpu.bitcast %parallel_loop3A_292 : vector<16xi32> -> vector<16xf32>
      %parallel_loop3A_294 = arith.constant -65536 : i32
      %parallel_loop3A_295 = vector.broadcast %parallel_loop3A_294 : i32 to vector<16xi32>
      %parallel_loop3A_296 = arith.andi %parallel_loop3A_289, %parallel_loop3A_295 : vector<16xi32>
      %parallel_loop3A_297 = tpu.bitcast %parallel_loop3A_296 : vector<16xi32> -> vector<16xf32>
      %parallel_loop3A_298 = arith.index_cast %parallel_loop3A_131 : i32 to index
      %parallel_loop3A_299 = arith.constant 224 : index
      %parallel_loop3A_300 = tpu.vector_load %arg7[%parallel_loop3A_298, %parallel_loop3A_299] {strides = array<i32>} : memref<64x768xf32, #tpu.memory_space<vmem>>, vector<1x16xf32>,
      %parallel_loop3A_301 = vector.shape_cast %parallel_loop3A_300 : vector<1x16xf32> to vector<16xf32>
      %parallel_loop3A_302 = vector.shape_cast %parallel_loop3A_293 : vector<16xf32> to vector<1x16xf32>
      tpu.vector_store %arg7[%parallel_loop3A_298, %parallel_loop3A_299], %parallel_loop3A_302 {add = true, strides = array<i32>} : memref<64x768xf32, #tpu.memory_space<vmem>>, vector<1x16xf32>,
      %parallel_loop3A_303 = arith.index_cast %parallel_loop3A_131 : i32 to index
      %parallel_loop3A_304 = arith.constant 240 : index
      %parallel_loop3A_305 = tpu.vector_load %arg7[%parallel_loop3A_303, %parallel_loop3A_304] {strides = array<i32>} : memref<64x768xf32, #tpu.memory_space<vmem>>, vector<1x16xf32>,
      %parallel_loop3A_306 = vector.shape_cast %parallel_loop3A_305 : vector<1x16xf32> to vector<16xf32>
      %parallel_loop3A_307 = vector.shape_cast %parallel_loop3A_297 : vector<16xf32> to vector<1x16xf32>
      tpu.vector_store %arg7[%parallel_loop3A_303, %parallel_loop3A_304], %parallel_loop3A_307 {add = true, strides = array<i32>} : memref<64x768xf32, #tpu.memory_space<vmem>>, vector<1x16xf32>,
      %parallel_loop3A_308 = arith.index_cast %parallel_loop3A_131 : i32 to index
      %parallel_loop3A_309 = arith.constant 128 : index
      %parallel_loop3A_310 = tpu.vector_load %arg9[%parallel_loop3A_308, %parallel_loop3A_309] {strides = array<i32>} : memref<64x384xi32, #tpu.memory_space<vmem>>, vector<1x16xi32>,
      %parallel_loop3A_311 = vector.shape_cast %parallel_loop3A_310 : vector<1x16xi32> to vector<16xi32>
      %parallel_loop3A_312 = arith.constant 16 : i32
      %parallel_loop3A_313 = vector.broadcast %parallel_loop3A_312 : i32 to vector<16xi32>
      %parallel_loop3A_314 = arith.shli %parallel_loop3A_311, %parallel_loop3A_313 : vector<16xi32>
      %parallel_loop3A_315 = tpu.bitcast %parallel_loop3A_314 : vector<16xi32> -> vector<16xf32>
      %parallel_loop3A_316 = arith.constant -65536 : i32
      %parallel_loop3A_317 = vector.broadcast %parallel_loop3A_316 : i32 to vector<16xi32>
      %parallel_loop3A_318 = arith.andi %parallel_loop3A_311, %parallel_loop3A_317 : vector<16xi32>
      %parallel_loop3A_319 = tpu.bitcast %parallel_loop3A_318 : vector<16xi32> -> vector<16xf32>
      %parallel_loop3A_320 = arith.index_cast %parallel_loop3A_131 : i32 to index
      %parallel_loop3A_321 = arith.constant 256 : index
      %parallel_loop3A_322 = tpu.vector_load %arg7[%parallel_loop3A_320, %parallel_loop3A_321] {strides = array<i32>} : memref<64x768xf32, #tpu.memory_space<vmem>>, vector<1x16xf32>,
      %parallel_loop3A_323 = vector.shape_cast %parallel_loop3A_322 : vector<1x16xf32> to vector<16xf32>
      %parallel_loop3A_324 = vector.shape_cast %parallel_loop3A_315 : vector<16xf32> to vector<1x16xf32>
      tpu.vector_store %arg7[%parallel_loop3A_320, %parallel_loop3A_321], %parallel_loop3A_324 {add = true, strides = array<i32>} : memref<64x768xf32, #tpu.memory_space<vmem>>, vector<1x16xf32>,
      %parallel_loop3A_325 = arith.index_cast %parallel_loop3A_131 : i32 to index
      %parallel_loop3A_326 = arith.constant 272 : index
      %parallel_loop3A_327 = tpu.vector_load %arg7[%parallel_loop3A_325, %parallel_loop3A_326] {strides = array<i32>} : memref<64x768xf32, #tpu.memory_space<vmem>>, vector<1x16xf32>,
      %parallel_loop3A_328 = vector.shape_cast %parallel_loop3A_327 : vector<1x16xf32> to vector<16xf32>
      %parallel_loop3A_329 = vector.shape_cast %parallel_loop3A_319 : vector<16xf32> to vector<1x16xf32>
      tpu.vector_store %arg7[%parallel_loop3A_325, %parallel_loop3A_326], %parallel_loop3A_329 {add = true, strides = array<i32>} : memref<64x768xf32, #tpu.memory_space<vmem>>, vector<1x16xf32>,
      %parallel_loop3A_330 = arith.index_cast %parallel_loop3A_131 : i32 to index
      %parallel_loop3A_331 = arith.constant 144 : index
      %parallel_loop3A_332 = tpu.vector_load %arg9[%parallel_loop3A_330, %parallel_loop3A_331] {strides = array<i32>} : memref<64x384xi32, #tpu.memory_space<vmem>>, vector<1x16xi32>,
      %parallel_loop3A_333 = vector.shape_cast %parallel_loop3A_332 : vector<1x16xi32> to vector<16xi32>
      %parallel_loop3A_334 = arith.constant 16 : i32
      %parallel_loop3A_335 = vector.broadcast %parallel_loop3A_334 : i32 to vector<16xi32>
      %parallel_loop3A_336 = arith.shli %parallel_loop3A_333, %parallel_loop3A_335 : vector<16xi32>
      %parallel_loop3A_337 = tpu.bitcast %parallel_loop3A_336 : vector<16xi32> -> vector<16xf32>
      %parallel_loop3A_338 = arith.constant -65536 : i32
      %parallel_loop3A_339 = vector.broadcast %parallel_loop3A_338 : i32 to vector<16xi32>
      %parallel_loop3A_340 = arith.andi %parallel_loop3A_333, %parallel_loop3A_339 : vector<16xi32>
      %parallel_loop3A_341 = tpu.bitcast %parallel_loop3A_340 : vector<16xi32> -> vector<16xf32>
      %parallel_loop3A_342 = arith.index_cast %parallel_loop3A_131 : i32 to index
      %parallel_loop3A_343 = arith.constant 288 : index
      %parallel_loop3A_344 = tpu.vector_load %arg7[%parallel_loop3A_342, %parallel_loop3A_343] {strides = array<i32>} : memref<64x768xf32, #tpu.memory_space<vmem>>, vector<1x16xf32>,
      %parallel_loop3A_345 = vector.shape_cast %parallel_loop3A_344 : vector<1x16xf32> to vector<16xf32>
      %parallel_loop3A_346 = vector.shape_cast %parallel_loop3A_337 : vector<16xf32> to vector<1x16xf32>
      tpu.vector_store %arg7[%parallel_loop3A_342, %parallel_loop3A_343], %parallel_loop3A_346 {add = true, strides = array<i32>} : memref<64x768xf32, #tpu.memory_space<vmem>>, vector<1x16xf32>,
      %parallel_loop3A_347 = arith.index_cast %parallel_loop3A_131 : i32 to index
      %parallel_loop3A_348 = arith.constant 304 : index
      %parallel_loop3A_349 = tpu.vector_load %arg7[%parallel_loop3A_347, %parallel_loop3A_348] {strides = array<i32>} : memref<64x768xf32, #tpu.memory_space<vmem>>, vector<1x16xf32>,
      %parallel_loop3A_350 = vector.shape_cast %parallel_loop3A_349 : vector<1x16xf32> to vector<16xf32>
      %parallel_loop3A_351 = vector.shape_cast %parallel_loop3A_341 : vector<16xf32> to vector<1x16xf32>
      tpu.vector_store %arg7[%parallel_loop3A_347, %parallel_loop3A_348], %parallel_loop3A_351 {add = true, strides = array<i32>} : memref<64x768xf32, #tpu.memory_space<vmem>>, vector<1x16xf32>,
      %parallel_loop3A_352 = arith.index_cast %parallel_loop3A_131 : i32 to index
      %parallel_loop3A_353 = arith.constant 160 : index
      %parallel_loop3A_354 = tpu.vector_load %arg9[%parallel_loop3A_352, %parallel_loop3A_353] {strides = array<i32>} : memref<64x384xi32, #tpu.memory_space<vmem>>, vector<1x16xi32>,
      %parallel_loop3A_355 = vector.shape_cast %parallel_loop3A_354 : vector<1x16xi32> to vector<16xi32>
      %parallel_loop3A_356 = arith.constant 16 : i32
      %parallel_loop3A_357 = vector.broadcast %parallel_loop3A_356 : i32 to vector<16xi32>
      %parallel_loop3A_358 = arith.shli %parallel_loop3A_355, %parallel_loop3A_357 : vector<16xi32>
      %parallel_loop3A_359 = tpu.bitcast %parallel_loop3A_358 : vector<16xi32> -> vector<16xf32>
      %parallel_loop3A_360 = arith.constant -65536 : i32
      %parallel_loop3A_361 = vector.broadcast %parallel_loop3A_360 : i32 to vector<16xi32>
      %parallel_loop3A_362 = arith.andi %parallel_loop3A_355, %parallel_loop3A_361 : vector<16xi32>
      %parallel_loop3A_363 = tpu.bitcast %parallel_loop3A_362 : vector<16xi32> -> vector<16xf32>
      %parallel_loop3A_364 = arith.index_cast %parallel_loop3A_131 : i32 to index
      %parallel_loop3A_365 = arith.constant 320 : index
      %parallel_loop3A_366 = tpu.vector_load %arg7[%parallel_loop3A_364, %parallel_loop3A_365] {strides = array<i32>} : memref<64x768xf32, #tpu.memory_space<vmem>>, vector<1x16xf32>,
      %parallel_loop3A_367 = vector.shape_cast %parallel_loop3A_366 : vector<1x16xf32> to vector<16xf32>
      %parallel_loop3A_368 = vector.shape_cast %parallel_loop3A_359 : vector<16xf32> to vector<1x16xf32>
      tpu.vector_store %arg7[%parallel_loop3A_364, %parallel_loop3A_365], %parallel_loop3A_368 {add = true, strides = array<i32>} : memref<64x768xf32, #tpu.memory_space<vmem>>, vector<1x16xf32>,
      %parallel_loop3A_369 = arith.index_cast %parallel_loop3A_131 : i32 to index
      %parallel_loop3A_370 = arith.constant 336 : index
      %parallel_loop3A_371 = tpu.vector_load %arg7[%parallel_loop3A_369, %parallel_loop3A_370] {strides = array<i32>} : memref<64x768xf32, #tpu.memory_space<vmem>>, vector<1x16xf32>,
      %parallel_loop3A_372 = vector.shape_cast %parallel_loop3A_371 : vector<1x16xf32> to vector<16xf32>
      %parallel_loop3A_373 = vector.shape_cast %parallel_loop3A_363 : vector<16xf32> to vector<1x16xf32>
      tpu.vector_store %arg7[%parallel_loop3A_369, %parallel_loop3A_370], %parallel_loop3A_373 {add = true, strides = array<i32>} : memref<64x768xf32, #tpu.memory_space<vmem>>, vector<1x16xf32>,
      %parallel_loop3A_374 = arith.index_cast %parallel_loop3A_131 : i32 to index
      %parallel_loop3A_375 = arith.constant 176 : index
      %parallel_loop3A_376 = tpu.vector_load %arg9[%parallel_loop3A_374, %parallel_loop3A_375] {strides = array<i32>} : memref<64x384xi32, #tpu.memory_space<vmem>>, vector<1x16xi32>,
      %parallel_loop3A_377 = vector.shape_cast %parallel_loop3A_376 : vector<1x16xi32> to vector<16xi32>
      %parallel_loop3A_378 = arith.constant 16 : i32
      %parallel_loop3A_379 = vector.broadcast %parallel_loop3A_378 : i32 to vector<16xi32>
      %parallel_loop3A_380 = arith.shli %parallel_loop3A_377, %parallel_loop3A_379 : vector<16xi32>
      %parallel_loop3A_381 = tpu.bitcast %parallel_loop3A_380 : vector<16xi32> -> vector<16xf32>
      %parallel_loop3A_382 = arith.constant -65536 : i32
      %parallel_loop3A_383 = vector.broadcast %parallel_loop3A_382 : i32 to vector<16xi32>
      %parallel_loop3A_384 = arith.andi %parallel_loop3A_377, %parallel_loop3A_383 : vector<16xi32>
      %parallel_loop3A_385 = tpu.bitcast %parallel_loop3A_384 : vector<16xi32> -> vector<16xf32>
      %parallel_loop3A_386 = arith.index_cast %parallel_loop3A_131 : i32 to index
      %parallel_loop3A_387 = arith.constant 352 : index
      %parallel_loop3A_388 = tpu.vector_load %arg7[%parallel_loop3A_386, %parallel_loop3A_387] {strides = array<i32>} : memref<64x768xf32, #tpu.memory_space<vmem>>, vector<1x16xf32>,
      %parallel_loop3A_389 = vector.shape_cast %parallel_loop3A_388 : vector<1x16xf32> to vector<16xf32>
      %parallel_loop3A_390 = vector.shape_cast %parallel_loop3A_381 : vector<16xf32> to vector<1x16xf32>
      tpu.vector_store %arg7[%parallel_loop3A_386, %parallel_loop3A_387], %parallel_loop3A_390 {add = true, strides = array<i32>} : memref<64x768xf32, #tpu.memory_space<vmem>>, vector<1x16xf32>,
      %parallel_loop3A_391 = arith.index_cast %parallel_loop3A_131 : i32 to index
      %parallel_loop3A_392 = arith.constant 368 : index
      %parallel_loop3A_393 = tpu.vector_load %arg7[%parallel_loop3A_391, %parallel_loop3A_392] {strides = array<i32>} : memref<64x768xf32, #tpu.memory_space<vmem>>, vector<1x16xf32>,
      %parallel_loop3A_394 = vector.shape_cast %parallel_loop3A_393 : vector<1x16xf32> to vector<16xf32>
      %parallel_loop3A_395 = vector.shape_cast %parallel_loop3A_385 : vector<16xf32> to vector<1x16xf32>
      tpu.vector_store %arg7[%parallel_loop3A_391, %parallel_loop3A_392], %parallel_loop3A_395 {add = true, strides = array<i32>} : memref<64x768xf32, #tpu.memory_space<vmem>>, vector<1x16xf32>,
      %parallel_loop3A_396 = arith.index_cast %parallel_loop3A_131 : i32 to index
      %parallel_loop3A_397 = arith.constant 192 : index
      %parallel_loop3A_398 = tpu.vector_load %arg9[%parallel_loop3A_396, %parallel_loop3A_397] {strides = array<i32>} : memref<64x384xi32, #tpu.memory_space<vmem>>, vector<1x16xi32>,
      %parallel_loop3A_399 = vector.shape_cast %parallel_loop3A_398 : vector<1x16xi32> to vector<16xi32>
      %parallel_loop3A_400 = arith.constant 16 : i32
      %parallel_loop3A_401 = vector.broadcast %parallel_loop3A_400 : i32 to vector<16xi32>
      %parallel_loop3A_402 = arith.shli %parallel_loop3A_399, %parallel_loop3A_401 : vector<16xi32>
      %parallel_loop3A_403 = tpu.bitcast %parallel_loop3A_402 : vector<16xi32> -> vector<16xf32>
      %parallel_loop3A_404 = arith.constant -65536 : i32
      %parallel_loop3A_405 = vector.broadcast %parallel_loop3A_404 : i32 to vector<16xi32>
      %parallel_loop3A_406 = arith.andi %parallel_loop3A_399, %parallel_loop3A_405 : vector<16xi32>
      %parallel_loop3A_407 = tpu.bitcast %parallel_loop3A_406 : vector<16xi32> -> vector<16xf32>
      %parallel_loop3A_408 = arith.index_cast %parallel_loop3A_131 : i32 to index
      %parallel_loop3A_409 = arith.constant 384 : index
      %parallel_loop3A_410 = tpu.vector_load %arg7[%parallel_loop3A_408, %parallel_loop3A_409] {strides = array<i32>} : memref<64x768xf32, #tpu.memory_space<vmem>>, vector<1x16xf32>,
      %parallel_loop3A_411 = vector.shape_cast %parallel_loop3A_410 : vector<1x16xf32> to vector<16xf32>
      %parallel_loop3A_412 = vector.shape_cast %parallel_loop3A_403 : vector<16xf32> to vector<1x16xf32>
      tpu.vector_store %arg7[%parallel_loop3A_408, %parallel_loop3A_409], %parallel_loop3A_412 {add = true, strides = array<i32>} : memref<64x768xf32, #tpu.memory_space<vmem>>, vector<1x16xf32>,
      %parallel_loop3A_413 = arith.index_cast %parallel_loop3A_131 : i32 to index
      %parallel_loop3A_414 = arith.constant 400 : index
      %parallel_loop3A_415 = tpu.vector_load %arg7[%parallel_loop3A_413, %parallel_loop3A_414] {strides = array<i32>} : memref<64x768xf32, #tpu.memory_space<vmem>>, vector<1x16xf32>,
      %parallel_loop3A_416 = vector.shape_cast %parallel_loop3A_415 : vector<1x16xf32> to vector<16xf32>
      %parallel_loop3A_417 = vector.shape_cast %parallel_loop3A_407 : vector<16xf32> to vector<1x16xf32>
      tpu.vector_store %arg7[%parallel_loop3A_413, %parallel_loop3A_414], %parallel_loop3A_417 {add = true, strides = array<i32>} : memref<64x768xf32, #tpu.memory_space<vmem>>, vector<1x16xf32>,
      %parallel_loop3A_418 = arith.index_cast %parallel_loop3A_131 : i32 to index
      %parallel_loop3A_419 = arith.constant 208 : index
      %parallel_loop3A_420 = tpu.vector_load %arg9[%parallel_loop3A_418, %parallel_loop3A_419] {strides = array<i32>} : memref<64x384xi32, #tpu.memory_space<vmem>>, vector<1x16xi32>,
      %parallel_loop3A_421 = vector.shape_cast %parallel_loop3A_420 : vector<1x16xi32> to vector<16xi32>
      %parallel_loop3A_422 = arith.constant 16 : i32
      %parallel_loop3A_423 = vector.broadcast %parallel_loop3A_422 : i32 to vector<16xi32>
      %parallel_loop3A_424 = arith.shli %parallel_loop3A_421, %parallel_loop3A_423 : vector<16xi32>
      %parallel_loop3A_425 = tpu.bitcast %parallel_loop3A_424 : vector<16xi32> -> vector<16xf32>
      %parallel_loop3A_426 = arith.constant -65536 : i32
      %parallel_loop3A_427 = vector.broadcast %parallel_loop3A_426 : i32 to vector<16xi32>
      %parallel_loop3A_428 = arith.andi %parallel_loop3A_421, %parallel_loop3A_427 : vector<16xi32>
      %parallel_loop3A_429 = tpu.bitcast %parallel_loop3A_428 : vector<16xi32> -> vector<16xf32>
      %parallel_loop3A_430 = arith.index_cast %parallel_loop3A_131 : i32 to index
      %parallel_loop3A_431 = arith.constant 416 : index
      %parallel_loop3A_432 = tpu.vector_load %arg7[%parallel_loop3A_430, %parallel_loop3A_431] {strides = array<i32>} : memref<64x768xf32, #tpu.memory_space<vmem>>, vector<1x16xf32>,
      %parallel_loop3A_433 = vector.shape_cast %parallel_loop3A_432 : vector<1x16xf32> to vector<16xf32>
      %parallel_loop3A_434 = vector.shape_cast %parallel_loop3A_425 : vector<16xf32> to vector<1x16xf32>
      tpu.vector_store %arg7[%parallel_loop3A_430, %parallel_loop3A_431], %parallel_loop3A_434 {add = true, strides = array<i32>} : memref<64x768xf32, #tpu.memory_space<vmem>>, vector<1x16xf32>,
      %parallel_loop3A_435 = arith.index_cast %parallel_loop3A_131 : i32 to index
      %parallel_loop3A_436 = arith.constant 432 : index
      %parallel_loop3A_437 = tpu.vector_load %arg7[%parallel_loop3A_435, %parallel_loop3A_436] {strides = array<i32>} : memref<64x768xf32, #tpu.memory_space<vmem>>, vector<1x16xf32>,
      %parallel_loop3A_438 = vector.shape_cast %parallel_loop3A_437 : vector<1x16xf32> to vector<16xf32>
      %parallel_loop3A_439 = vector.shape_cast %parallel_loop3A_429 : vector<16xf32> to vector<1x16xf32>
      tpu.vector_store %arg7[%parallel_loop3A_435, %parallel_loop3A_436], %parallel_loop3A_439 {add = true, strides = array<i32>} : memref<64x768xf32, #tpu.memory_space<vmem>>, vector<1x16xf32>,
      %parallel_loop3A_440 = arith.index_cast %parallel_loop3A_131 : i32 to index
      %parallel_loop3A_441 = arith.constant 224 : index
      %parallel_loop3A_442 = tpu.vector_load %arg9[%parallel_loop3A_440, %parallel_loop3A_441] {strides = array<i32>} : memref<64x384xi32, #tpu.memory_space<vmem>>, vector<1x16xi32>,
      %parallel_loop3A_443 = vector.shape_cast %parallel_loop3A_442 : vector<1x16xi32> to vector<16xi32>
      %parallel_loop3A_444 = arith.constant 16 : i32
      %parallel_loop3A_445 = vector.broadcast %parallel_loop3A_444 : i32 to vector<16xi32>
      %parallel_loop3A_446 = arith.shli %parallel_loop3A_443, %parallel_loop3A_445 : vector<16xi32>
      %parallel_loop3A_447 = tpu.bitcast %parallel_loop3A_446 : vector<16xi32> -> vector<16xf32>
      %parallel_loop3A_448 = arith.constant -65536 : i32
      %parallel_loop3A_449 = vector.broadcast %parallel_loop3A_448 : i32 to vector<16xi32>
      %parallel_loop3A_450 = arith.andi %parallel_loop3A_443, %parallel_loop3A_449 : vector<16xi32>
      %parallel_loop3A_451 = tpu.bitcast %parallel_loop3A_450 : vector<16xi32> -> vector<16xf32>
      %parallel_loop3A_452 = arith.index_cast %parallel_loop3A_131 : i32 to index
      %parallel_loop3A_453 = arith.constant 448 : index
      %parallel_loop3A_454 = tpu.vector_load %arg7[%parallel_loop3A_452, %parallel_loop3A_453] {strides = array<i32>} : memref<64x768xf32, #tpu.memory_space<vmem>>, vector<1x16xf32>,
      %parallel_loop3A_455 = vector.shape_cast %parallel_loop3A_454 : vector<1x16xf32> to vector<16xf32>
      %parallel_loop3A_456 = vector.shape_cast %parallel_loop3A_447 : vector<16xf32> to vector<1x16xf32>
      tpu.vector_store %arg7[%parallel_loop3A_452, %parallel_loop3A_453], %parallel_loop3A_456 {add = true, strides = array<i32>} : memref<64x768xf32, #tpu.memory_space<vmem>>, vector<1x16xf32>,
      %parallel_loop3A_457 = arith.index_cast %parallel_loop3A_131 : i32 to index
      %parallel_loop3A_458 = arith.constant 464 : index
      %parallel_loop3A_459 = tpu.vector_load %arg7[%parallel_loop3A_457, %parallel_loop3A_458] {strides = array<i32>} : memref<64x768xf32, #tpu.memory_space<vmem>>, vector<1x16xf32>,
      %parallel_loop3A_460 = vector.shape_cast %parallel_loop3A_459 : vector<1x16xf32> to vector<16xf32>
      %parallel_loop3A_461 = vector.shape_cast %parallel_loop3A_451 : vector<16xf32> to vector<1x16xf32>
      tpu.vector_store %arg7[%parallel_loop3A_457, %parallel_loop3A_458], %parallel_loop3A_461 {add = true, strides = array<i32>} : memref<64x768xf32, #tpu.memory_space<vmem>>, vector<1x16xf32>,
      %parallel_loop3A_462 = arith.index_cast %parallel_loop3A_131 : i32 to index
      %parallel_loop3A_463 = arith.constant 240 : index
      %parallel_loop3A_464 = tpu.vector_load %arg9[%parallel_loop3A_462, %parallel_loop3A_463] {strides = array<i32>} : memref<64x384xi32, #tpu.memory_space<vmem>>, vector<1x16xi32>,
      %parallel_loop3A_465 = vector.shape_cast %parallel_loop3A_464 : vector<1x16xi32> to vector<16xi32>
      %parallel_loop3A_466 = arith.constant 16 : i32
      %parallel_loop3A_467 = vector.broadcast %parallel_loop3A_466 : i32 to vector<16xi32>
      %parallel_loop3A_468 = arith.shli %parallel_loop3A_465, %parallel_loop3A_467 : vector<16xi32>
      %parallel_loop3A_469 = tpu.bitcast %parallel_loop3A_468 : vector<16xi32> -> vector<16xf32>
      %parallel_loop3A_470 = arith.constant -65536 : i32
      %parallel_loop3A_471 = vector.broadcast %parallel_loop3A_470 : i32 to vector<16xi32>
      %parallel_loop3A_472 = arith.andi %parallel_loop3A_465, %parallel_loop3A_471 : vector<16xi32>
      %parallel_loop3A_473 = tpu.bitcast %parallel_loop3A_472 : vector<16xi32> -> vector<16xf32>
      %parallel_loop3A_474 = arith.index_cast %parallel_loop3A_131 : i32 to index
      %parallel_loop3A_475 = arith.constant 480 : index
      %parallel_loop3A_476 = tpu.vector_load %arg7[%parallel_loop3A_474, %parallel_loop3A_475] {strides = array<i32>} : memref<64x768xf32, #tpu.memory_space<vmem>>, vector<1x16xf32>,
      %parallel_loop3A_477 = vector.shape_cast %parallel_loop3A_476 : vector<1x16xf32> to vector<16xf32>
      %parallel_loop3A_478 = vector.shape_cast %parallel_loop3A_469 : vector<16xf32> to vector<1x16xf32>
      tpu.vector_store %arg7[%parallel_loop3A_474, %parallel_loop3A_475], %parallel_loop3A_478 {add = true, strides = array<i32>} : memref<64x768xf32, #tpu.memory_space<vmem>>, vector<1x16xf32>,
      %parallel_loop3A_479 = arith.index_cast %parallel_loop3A_131 : i32 to index
      %parallel_loop3A_480 = arith.constant 496 : index
      %parallel_loop3A_481 = tpu.vector_load %arg7[%parallel_loop3A_479, %parallel_loop3A_480] {strides = array<i32>} : memref<64x768xf32, #tpu.memory_space<vmem>>, vector<1x16xf32>,
      %parallel_loop3A_482 = vector.shape_cast %parallel_loop3A_481 : vector<1x16xf32> to vector<16xf32>
      %parallel_loop3A_483 = vector.shape_cast %parallel_loop3A_473 : vector<16xf32> to vector<1x16xf32>
      tpu.vector_store %arg7[%parallel_loop3A_479, %parallel_loop3A_480], %parallel_loop3A_483 {add = true, strides = array<i32>} : memref<64x768xf32, #tpu.memory_space<vmem>>, vector<1x16xf32>,
      %parallel_loop3A_484 = arith.index_cast %parallel_loop3A_131 : i32 to index
      %parallel_loop3A_485 = arith.constant 256 : index
      %parallel_loop3A_486 = tpu.vector_load %arg9[%parallel_loop3A_484, %parallel_loop3A_485] {strides = array<i32>} : memref<64x384xi32, #tpu.memory_space<vmem>>, vector<1x16xi32>,
      %parallel_loop3A_487 = vector.shape_cast %parallel_loop3A_486 : vector<1x16xi32> to vector<16xi32>
      %parallel_loop3A_488 = arith.constant 16 : i32
      %parallel_loop3A_489 = vector.broadcast %parallel_loop3A_488 : i32 to vector<16xi32>
      %parallel_loop3A_490 = arith.shli %parallel_loop3A_487, %parallel_loop3A_489 : vector<16xi32>
      %parallel_loop3A_491 = tpu.bitcast %parallel_loop3A_490 : vector<16xi32> -> vector<16xf32>
      %parallel_loop3A_492 = arith.constant -65536 : i32
      %parallel_loop3A_493 = vector.broadcast %parallel_loop3A_492 : i32 to vector<16xi32>
      %parallel_loop3A_494 = arith.andi %parallel_loop3A_487, %parallel_loop3A_493 : vector<16xi32>
      %parallel_loop3A_495 = tpu.bitcast %parallel_loop3A_494 : vector<16xi32> -> vector<16xf32>
      %parallel_loop3A_496 = arith.index_cast %parallel_loop3A_131 : i32 to index
      %parallel_loop3A_497 = arith.constant 512 : index
      %parallel_loop3A_498 = tpu.vector_load %arg7[%parallel_loop3A_496, %parallel_loop3A_497] {strides = array<i32>} : memref<64x768xf32, #tpu.memory_space<vmem>>, vector<1x16xf32>,
      %parallel_loop3A_499 = vector.shape_cast %parallel_loop3A_498 : vector<1x16xf32> to vector<16xf32>
      %parallel_loop3A_500 = vector.shape_cast %parallel_loop3A_491 : vector<16xf32> to vector<1x16xf32>
      tpu.vector_store %arg7[%parallel_loop3A_496, %parallel_loop3A_497], %parallel_loop3A_500 {add = true, strides = array<i32>} : memref<64x768xf32, #tpu.memory_space<vmem>>, vector<1x16xf32>,
      %parallel_loop3A_501 = arith.index_cast %parallel_loop3A_131 : i32 to index
      %parallel_loop3A_502 = arith.constant 528 : index
      %parallel_loop3A_503 = tpu.vector_load %arg7[%parallel_loop3A_501, %parallel_loop3A_502] {strides = array<i32>} : memref<64x768xf32, #tpu.memory_space<vmem>>, vector<1x16xf32>,
      %parallel_loop3A_504 = vector.shape_cast %parallel_loop3A_503 : vector<1x16xf32> to vector<16xf32>
      %parallel_loop3A_505 = vector.shape_cast %parallel_loop3A_495 : vector<16xf32> to vector<1x16xf32>
      tpu.vector_store %arg7[%parallel_loop3A_501, %parallel_loop3A_502], %parallel_loop3A_505 {add = true, strides = array<i32>} : memref<64x768xf32, #tpu.memory_space<vmem>>, vector<1x16xf32>,
      %parallel_loop3A_506 = arith.index_cast %parallel_loop3A_131 : i32 to index
      %parallel_loop3A_507 = arith.constant 272 : index
      %parallel_loop3A_508 = tpu.vector_load %arg9[%parallel_loop3A_506, %parallel_loop3A_507] {strides = array<i32>} : memref<64x384xi32, #tpu.memory_space<vmem>>, vector<1x16xi32>,
      %parallel_loop3A_509 = vector.shape_cast %parallel_loop3A_508 : vector<1x16xi32> to vector<16xi32>
      %parallel_loop3A_510 = arith.constant 16 : i32
      %parallel_loop3A_511 = vector.broadcast %parallel_loop3A_510 : i32 to vector<16xi32>
      %parallel_loop3A_512 = arith.shli %parallel_loop3A_509, %parallel_loop3A_511 : vector<16xi32>
      %parallel_loop3A_513 = tpu.bitcast %parallel_loop3A_512 : vector<16xi32> -> vector<16xf32>
      %parallel_loop3A_514 = arith.constant -65536 : i32
      %parallel_loop3A_515 = vector.broadcast %parallel_loop3A_514 : i32 to vector<16xi32>
      %parallel_loop3A_516 = arith.andi %parallel_loop3A_509, %parallel_loop3A_515 : vector<16xi32>
      %parallel_loop3A_517 = tpu.bitcast %parallel_loop3A_516 : vector<16xi32> -> vector<16xf32>
      %parallel_loop3A_518 = arith.index_cast %parallel_loop3A_131 : i32 to index
      %parallel_loop3A_519 = arith.constant 544 : index
      %parallel_loop3A_520 = tpu.vector_load %arg7[%parallel_loop3A_518, %parallel_loop3A_519] {strides = array<i32>} : memref<64x768xf32, #tpu.memory_space<vmem>>, vector<1x16xf32>,
      %parallel_loop3A_521 = vector.shape_cast %parallel_loop3A_520 : vector<1x16xf32> to vector<16xf32>
      %parallel_loop3A_522 = vector.shape_cast %parallel_loop3A_513 : vector<16xf32> to vector<1x16xf32>
      tpu.vector_store %arg7[%parallel_loop3A_518, %parallel_loop3A_519], %parallel_loop3A_522 {add = true, strides = array<i32>} : memref<64x768xf32, #tpu.memory_space<vmem>>, vector<1x16xf32>,
      %parallel_loop3A_523 = arith.index_cast %parallel_loop3A_131 : i32 to index
      %parallel_loop3A_524 = arith.constant 560 : index
      %parallel_loop3A_525 = tpu.vector_load %arg7[%parallel_loop3A_523, %parallel_loop3A_524] {strides = array<i32>} : memref<64x768xf32, #tpu.memory_space<vmem>>, vector<1x16xf32>,
      %parallel_loop3A_526 = vector.shape_cast %parallel_loop3A_525 : vector<1x16xf32> to vector<16xf32>
      %parallel_loop3A_527 = vector.shape_cast %parallel_loop3A_517 : vector<16xf32> to vector<1x16xf32>
      tpu.vector_store %arg7[%parallel_loop3A_523, %parallel_loop3A_524], %parallel_loop3A_527 {add = true, strides = array<i32>} : memref<64x768xf32, #tpu.memory_space<vmem>>, vector<1x16xf32>,
      %parallel_loop3A_528 = arith.index_cast %parallel_loop3A_131 : i32 to index
      %parallel_loop3A_529 = arith.constant 288 : index
      %parallel_loop3A_530 = tpu.vector_load %arg9[%parallel_loop3A_528, %parallel_loop3A_529] {strides = array<i32>} : memref<64x384xi32, #tpu.memory_space<vmem>>, vector<1x16xi32>,
      %parallel_loop3A_531 = vector.shape_cast %parallel_loop3A_530 : vector<1x16xi32> to vector<16xi32>
      %parallel_loop3A_532 = arith.constant 16 : i32
      %parallel_loop3A_533 = vector.broadcast %parallel_loop3A_532 : i32 to vector<16xi32>
      %parallel_loop3A_534 = arith.shli %parallel_loop3A_531, %parallel_loop3A_533 : vector<16xi32>
      %parallel_loop3A_535 = tpu.bitcast %parallel_loop3A_534 : vector<16xi32> -> vector<16xf32>
      %parallel_loop3A_536 = arith.constant -65536 : i32
      %parallel_loop3A_537 = vector.broadcast %parallel_loop3A_536 : i32 to vector<16xi32>
      %parallel_loop3A_538 = arith.andi %parallel_loop3A_531, %parallel_loop3A_537 : vector<16xi32>
      %parallel_loop3A_539 = tpu.bitcast %parallel_loop3A_538 : vector<16xi32> -> vector<16xf32>
      %parallel_loop3A_540 = arith.index_cast %parallel_loop3A_131 : i32 to index
      %parallel_loop3A_541 = arith.constant 576 : index
      %parallel_loop3A_542 = tpu.vector_load %arg7[%parallel_loop3A_540, %parallel_loop3A_541] {strides = array<i32>} : memref<64x768xf32, #tpu.memory_space<vmem>>, vector<1x16xf32>,
      %parallel_loop3A_543 = vector.shape_cast %parallel_loop3A_542 : vector<1x16xf32> to vector<16xf32>
      %parallel_loop3A_544 = vector.shape_cast %parallel_loop3A_535 : vector<16xf32> to vector<1x16xf32>
      tpu.vector_store %arg7[%parallel_loop3A_540, %parallel_loop3A_541], %parallel_loop3A_544 {add = true, strides = array<i32>} : memref<64x768xf32, #tpu.memory_space<vmem>>, vector<1x16xf32>,
      %parallel_loop3A_545 = arith.index_cast %parallel_loop3A_131 : i32 to index
      %parallel_loop3A_546 = arith.constant 592 : index
      %parallel_loop3A_547 = tpu.vector_load %arg7[%parallel_loop3A_545, %parallel_loop3A_546] {strides = array<i32>} : memref<64x768xf32, #tpu.memory_space<vmem>>, vector<1x16xf32>,
      %parallel_loop3A_548 = vector.shape_cast %parallel_loop3A_547 : vector<1x16xf32> to vector<16xf32>
      %parallel_loop3A_549 = vector.shape_cast %parallel_loop3A_539 : vector<16xf32> to vector<1x16xf32>
      tpu.vector_store %arg7[%parallel_loop3A_545, %parallel_loop3A_546], %parallel_loop3A_549 {add = true, strides = array<i32>} : memref<64x768xf32, #tpu.memory_space<vmem>>, vector<1x16xf32>,
      %parallel_loop3A_550 = arith.index_cast %parallel_loop3A_131 : i32 to index
      %parallel_loop3A_551 = arith.constant 304 : index
      %parallel_loop3A_552 = tpu.vector_load %arg9[%parallel_loop3A_550, %parallel_loop3A_551] {strides = array<i32>} : memref<64x384xi32, #tpu.memory_space<vmem>>, vector<1x16xi32>,
      %parallel_loop3A_553 = vector.shape_cast %parallel_loop3A_552 : vector<1x16xi32> to vector<16xi32>
      %parallel_loop3A_554 = arith.constant 16 : i32
      %parallel_loop3A_555 = vector.broadcast %parallel_loop3A_554 : i32 to vector<16xi32>
      %parallel_loop3A_556 = arith.shli %parallel_loop3A_553, %parallel_loop3A_555 : vector<16xi32>
      %parallel_loop3A_557 = tpu.bitcast %parallel_loop3A_556 : vector<16xi32> -> vector<16xf32>
      %parallel_loop3A_558 = arith.constant -65536 : i32
      %parallel_loop3A_559 = vector.broadcast %parallel_loop3A_558 : i32 to vector<16xi32>
      %parallel_loop3A_560 = arith.andi %parallel_loop3A_553, %parallel_loop3A_559 : vector<16xi32>
      %parallel_loop3A_561 = tpu.bitcast %parallel_loop3A_560 : vector<16xi32> -> vector<16xf32>
      %parallel_loop3A_562 = arith.index_cast %parallel_loop3A_131 : i32 to index
      %parallel_loop3A_563 = arith.constant 608 : index
      %parallel_loop3A_564 = tpu.vector_load %arg7[%parallel_loop3A_562, %parallel_loop3A_563] {strides = array<i32>} : memref<64x768xf32, #tpu.memory_space<vmem>>, vector<1x16xf32>,
      %parallel_loop3A_565 = vector.shape_cast %parallel_loop3A_564 : vector<1x16xf32> to vector<16xf32>
      %parallel_loop3A_566 = vector.shape_cast %parallel_loop3A_557 : vector<16xf32> to vector<1x16xf32>
      tpu.vector_store %arg7[%parallel_loop3A_562, %parallel_loop3A_563], %parallel_loop3A_566 {add = true, strides = array<i32>} : memref<64x768xf32, #tpu.memory_space<vmem>>, vector<1x16xf32>,
      %parallel_loop3A_567 = arith.index_cast %parallel_loop3A_131 : i32 to index
      %parallel_loop3A_568 = arith.constant 624 : index
      %parallel_loop3A_569 = tpu.vector_load %arg7[%parallel_loop3A_567, %parallel_loop3A_568] {strides = array<i32>} : memref<64x768xf32, #tpu.memory_space<vmem>>, vector<1x16xf32>,
      %parallel_loop3A_570 = vector.shape_cast %parallel_loop3A_569 : vector<1x16xf32> to vector<16xf32>
      %parallel_loop3A_571 = vector.shape_cast %parallel_loop3A_561 : vector<16xf32> to vector<1x16xf32>
      tpu.vector_store %arg7[%parallel_loop3A_567, %parallel_loop3A_568], %parallel_loop3A_571 {add = true, strides = array<i32>} : memref<64x768xf32, #tpu.memory_space<vmem>>, vector<1x16xf32>,
      %parallel_loop3A_572 = arith.index_cast %parallel_loop3A_131 : i32 to index
      %parallel_loop3A_573 = arith.constant 320 : index
      %parallel_loop3A_574 = tpu.vector_load %arg9[%parallel_loop3A_572, %parallel_loop3A_573] {strides = array<i32>} : memref<64x384xi32, #tpu.memory_space<vmem>>, vector<1x16xi32>,
      %parallel_loop3A_575 = vector.shape_cast %parallel_loop3A_574 : vector<1x16xi32> to vector<16xi32>
      %parallel_loop3A_576 = arith.constant 16 : i32
      %parallel_loop3A_577 = vector.broadcast %parallel_loop3A_576 : i32 to vector<16xi32>
      %parallel_loop3A_578 = arith.shli %parallel_loop3A_575, %parallel_loop3A_577 : vector<16xi32>
      %parallel_loop3A_579 = tpu.bitcast %parallel_loop3A_578 : vector<16xi32> -> vector<16xf32>
      %parallel_loop3A_580 = arith.constant -65536 : i32
      %parallel_loop3A_581 = vector.broadcast %parallel_loop3A_580 : i32 to vector<16xi32>
      %parallel_loop3A_582 = arith.andi %parallel_loop3A_575, %parallel_loop3A_581 : vector<16xi32>
      %parallel_loop3A_583 = tpu.bitcast %parallel_loop3A_582 : vector<16xi32> -> vector<16xf32>
      %parallel_loop3A_584 = arith.index_cast %parallel_loop3A_131 : i32 to index
      %parallel_loop3A_585 = arith.constant 640 : index
      %parallel_loop3A_586 = tpu.vector_load %arg7[%parallel_loop3A_584, %parallel_loop3A_585] {strides = array<i32>} : memref<64x768xf32, #tpu.memory_space<vmem>>, vector<1x16xf32>,
      %parallel_loop3A_587 = vector.shape_cast %parallel_loop3A_586 : vector<1x16xf32> to vector<16xf32>
      %parallel_loop3A_588 = vector.shape_cast %parallel_loop3A_579 : vector<16xf32> to vector<1x16xf32>
      tpu.vector_store %arg7[%parallel_loop3A_584, %parallel_loop3A_585], %parallel_loop3A_588 {add = true, strides = array<i32>} : memref<64x768xf32, #tpu.memory_space<vmem>>, vector<1x16xf32>,
      %parallel_loop3A_589 = arith.index_cast %parallel_loop3A_131 : i32 to index
      %parallel_loop3A_590 = arith.constant 656 : index
      %parallel_loop3A_591 = tpu.vector_load %arg7[%parallel_loop3A_589, %parallel_loop3A_590] {strides = array<i32>} : memref<64x768xf32, #tpu.memory_space<vmem>>, vector<1x16xf32>,
      %parallel_loop3A_592 = vector.shape_cast %parallel_loop3A_591 : vector<1x16xf32> to vector<16xf32>
      %parallel_loop3A_593 = vector.shape_cast %parallel_loop3A_583 : vector<16xf32> to vector<1x16xf32>
      tpu.vector_store %arg7[%parallel_loop3A_589, %parallel_loop3A_590], %parallel_loop3A_593 {add = true, strides = array<i32>} : memref<64x768xf32, #tpu.memory_space<vmem>>, vector<1x16xf32>,
      %parallel_loop3A_594 = arith.index_cast %parallel_loop3A_131 : i32 to index
      %parallel_loop3A_595 = arith.constant 336 : index
      %parallel_loop3A_596 = tpu.vector_load %arg9[%parallel_loop3A_594, %parallel_loop3A_595] {strides = array<i32>} : memref<64x384xi32, #tpu.memory_space<vmem>>, vector<1x16xi32>,
      %parallel_loop3A_597 = vector.shape_cast %parallel_loop3A_596 : vector<1x16xi32> to vector<16xi32>
      %parallel_loop3A_598 = arith.constant 16 : i32
      %parallel_loop3A_599 = vector.broadcast %parallel_loop3A_598 : i32 to vector<16xi32>
      %parallel_loop3A_600 = arith.shli %parallel_loop3A_597, %parallel_loop3A_599 : vector<16xi32>
      %parallel_loop3A_601 = tpu.bitcast %parallel_loop3A_600 : vector<16xi32> -> vector<16xf32>
      %parallel_loop3A_602 = arith.constant -65536 : i32
      %parallel_loop3A_603 = vector.broadcast %parallel_loop3A_602 : i32 to vector<16xi32>
      %parallel_loop3A_604 = arith.andi %parallel_loop3A_597, %parallel_loop3A_603 : vector<16xi32>
      %parallel_loop3A_605 = tpu.bitcast %parallel_loop3A_604 : vector<16xi32> -> vector<16xf32>
      %parallel_loop3A_606 = arith.index_cast %parallel_loop3A_131 : i32 to index
      %parallel_loop3A_607 = arith.constant 672 : index
      %parallel_loop3A_608 = tpu.vector_load %arg7[%parallel_loop3A_606, %parallel_loop3A_607] {strides = array<i32>} : memref<64x768xf32, #tpu.memory_space<vmem>>, vector<1x16xf32>,
      %parallel_loop3A_609 = vector.shape_cast %parallel_loop3A_608 : vector<1x16xf32> to vector<16xf32>
      %parallel_loop3A_610 = vector.shape_cast %parallel_loop3A_601 : vector<16xf32> to vector<1x16xf32>
      tpu.vector_store %arg7[%parallel_loop3A_606, %parallel_loop3A_607], %parallel_loop3A_610 {add = true, strides = array<i32>} : memref<64x768xf32, #tpu.memory_space<vmem>>, vector<1x16xf32>,
      %parallel_loop3A_611 = arith.index_cast %parallel_loop3A_131 : i32 to index
      %parallel_loop3A_612 = arith.constant 688 : index
      %parallel_loop3A_613 = tpu.vector_load %arg7[%parallel_loop3A_611, %parallel_loop3A_612] {strides = array<i32>} : memref<64x768xf32, #tpu.memory_space<vmem>>, vector<1x16xf32>,
      %parallel_loop3A_614 = vector.shape_cast %parallel_loop3A_613 : vector<1x16xf32> to vector<16xf32>
      %parallel_loop3A_615 = vector.shape_cast %parallel_loop3A_605 : vector<16xf32> to vector<1x16xf32>
      tpu.vector_store %arg7[%parallel_loop3A_611, %parallel_loop3A_612], %parallel_loop3A_615 {add = true, strides = array<i32>} : memref<64x768xf32, #tpu.memory_space<vmem>>, vector<1x16xf32>,
      %parallel_loop3A_616 = arith.index_cast %parallel_loop3A_131 : i32 to index
      %parallel_loop3A_617 = arith.constant 352 : index
      %parallel_loop3A_618 = tpu.vector_load %arg9[%parallel_loop3A_616, %parallel_loop3A_617] {strides = array<i32>} : memref<64x384xi32, #tpu.memory_space<vmem>>, vector<1x16xi32>,
      %parallel_loop3A_619 = vector.shape_cast %parallel_loop3A_618 : vector<1x16xi32> to vector<16xi32>
      %parallel_loop3A_620 = arith.constant 16 : i32
      %parallel_loop3A_621 = vector.broadcast %parallel_loop3A_620 : i32 to vector<16xi32>
      %parallel_loop3A_622 = arith.shli %parallel_loop3A_619, %parallel_loop3A_621 : vector<16xi32>
      %parallel_loop3A_623 = tpu.bitcast %parallel_loop3A_622 : vector<16xi32> -> vector<16xf32>
      %parallel_loop3A_624 = arith.constant -65536 : i32
      %parallel_loop3A_625 = vector.broadcast %parallel_loop3A_624 : i32 to vector<16xi32>
      %parallel_loop3A_626 = arith.andi %parallel_loop3A_619, %parallel_loop3A_625 : vector<16xi32>
      %parallel_loop3A_627 = tpu.bitcast %parallel_loop3A_626 : vector<16xi32> -> vector<16xf32>
      %parallel_loop3A_628 = arith.index_cast %parallel_loop3A_131 : i32 to index
      %parallel_loop3A_629 = arith.constant 704 : index
      %parallel_loop3A_630 = tpu.vector_load %arg7[%parallel_loop3A_628, %parallel_loop3A_629] {strides = array<i32>} : memref<64x768xf32, #tpu.memory_space<vmem>>, vector<1x16xf32>,
      %parallel_loop3A_631 = vector.shape_cast %parallel_loop3A_630 : vector<1x16xf32> to vector<16xf32>
      %parallel_loop3A_632 = vector.shape_cast %parallel_loop3A_623 : vector<16xf32> to vector<1x16xf32>
      tpu.vector_store %arg7[%parallel_loop3A_628, %parallel_loop3A_629], %parallel_loop3A_632 {add = true, strides = array<i32>} : memref<64x768xf32, #tpu.memory_space<vmem>>, vector<1x16xf32>,
      %parallel_loop3A_633 = arith.index_cast %parallel_loop3A_131 : i32 to index
      %parallel_loop3A_634 = arith.constant 720 : index
      %parallel_loop3A_635 = tpu.vector_load %arg7[%parallel_loop3A_633, %parallel_loop3A_634] {strides = array<i32>} : memref<64x768xf32, #tpu.memory_space<vmem>>, vector<1x16xf32>,
      %parallel_loop3A_636 = vector.shape_cast %parallel_loop3A_635 : vector<1x16xf32> to vector<16xf32>
      %parallel_loop3A_637 = vector.shape_cast %parallel_loop3A_627 : vector<16xf32> to vector<1x16xf32>
      tpu.vector_store %arg7[%parallel_loop3A_633, %parallel_loop3A_634], %parallel_loop3A_637 {add = true, strides = array<i32>} : memref<64x768xf32, #tpu.memory_space<vmem>>, vector<1x16xf32>,
      %parallel_loop3A_638 = arith.index_cast %parallel_loop3A_131 : i32 to index
      %parallel_loop3A_639 = arith.constant 368 : index
      %parallel_loop3A_640 = tpu.vector_load %arg9[%parallel_loop3A_638, %parallel_loop3A_639] {strides = array<i32>} : memref<64x384xi32, #tpu.memory_space<vmem>>, vector<1x16xi32>,
      %parallel_loop3A_641 = vector.shape_cast %parallel_loop3A_640 : vector<1x16xi32> to vector<16xi32>
      %parallel_loop3A_642 = arith.constant 16 : i32
      %parallel_loop3A_643 = vector.broadcast %parallel_loop3A_642 : i32 to vector<16xi32>
      %parallel_loop3A_644 = arith.shli %parallel_loop3A_641, %parallel_loop3A_643 : vector<16xi32>
      %parallel_loop3A_645 = tpu.bitcast %parallel_loop3A_644 : vector<16xi32> -> vector<16xf32>
      %parallel_loop3A_646 = arith.constant -65536 : i32
      %parallel_loop3A_647 = vector.broadcast %parallel_loop3A_646 : i32 to vector<16xi32>
      %parallel_loop3A_648 = arith.andi %parallel_loop3A_641, %parallel_loop3A_647 : vector<16xi32>
      %parallel_loop3A_649 = tpu.bitcast %parallel_loop3A_648 : vector<16xi32> -> vector<16xf32>
      %parallel_loop3A_650 = arith.index_cast %parallel_loop3A_131 : i32 to index
      %parallel_loop3A_651 = arith.constant 736 : index
      %parallel_loop3A_652 = tpu.vector_load %arg7[%parallel_loop3A_650, %parallel_loop3A_651] {strides = array<i32>} : memref<64x768xf32, #tpu.memory_space<vmem>>, vector<1x16xf32>,
      %parallel_loop3A_653 = vector.shape_cast %parallel_loop3A_652 : vector<1x16xf32> to vector<16xf32>
      %parallel_loop3A_654 = vector.shape_cast %parallel_loop3A_645 : vector<16xf32> to vector<1x16xf32>
      tpu.vector_store %arg7[%parallel_loop3A_650, %parallel_loop3A_651], %parallel_loop3A_654 {add = true, strides = array<i32>} : memref<64x768xf32, #tpu.memory_space<vmem>>, vector<1x16xf32>,
      %parallel_loop3A_655 = arith.index_cast %parallel_loop3A_131 : i32 to index
      %parallel_loop3A_656 = arith.constant 752 : index
      %parallel_loop3A_657 = tpu.vector_load %arg7[%parallel_loop3A_655, %parallel_loop3A_656] {strides = array<i32>} : memref<64x768xf32, #tpu.memory_space<vmem>>, vector<1x16xf32>,
      %parallel_loop3A_658 = vector.shape_cast %parallel_loop3A_657 : vector<1x16xf32> to vector<16xf32>
      %parallel_loop3A_659 = vector.shape_cast %parallel_loop3A_649 : vector<16xf32> to vector<1x16xf32>
      tpu.vector_store %arg7[%parallel_loop3A_655, %parallel_loop3A_656], %parallel_loop3A_659 {add = true, strides = array<i32>} : memref<64x768xf32, #tpu.memory_space<vmem>>, vector<1x16xf32>,
    } {sc.loop_unroll_factor = 2 : i64, sc.parallel_access}
    %dma_start3A_31 = arith.constant 0 : i32
    %dma_start3A_32 = arith.constant 0 : i32
    %dma_start3A_33 = tpu.memref_slice %arg5[%dma_start3A_31, %mul3A_2, %dma_start3A_32] : memref<4x2048x768xf32, #tpu.memory_space<hbm>> -> memref<1x64x768xf32, #tpu.memory_space<hbm>>
    %dma_start3A_34 = tpu.memref_squeeze %dma_start3A_33 : memref<1x64x768xf32, #tpu.memory_space<hbm>> -> memref<64x768xf32, #tpu.memory_space<hbm>>
    %dma_start3A_35 = arith.constant 0 : i32
    %dma_start3A_36 = tpu.memref_slice %arg5[%dma_start3A_31, %mul3A_2, %dma_start3A_35] : memref<4x2048x768xf32, #tpu.memory_space<hbm>> -> memref<1x64x768xf32, #tpu.memory_space<hbm>>
    %dma_start3A_37 = tpu.memref_squeeze %dma_start3A_36 : memref<1x64x768xf32, #tpu.memory_space<hbm>> -> memref<64x768xf32, #tpu.memory_space<hbm>>
    tpu.enqueue_dma source(%arg7 : memref<64x768xf32, #tpu.memory_space<vmem>>) target(%dma_start3A_37 : memref<64x768xf32, #tpu.memory_space<hbm>>) target_semaphore(%arg12 : memref<!tpu.dma_semaphore, #tpu.memory_space<semaphore_mem>>)
    %dma_wait3A_38 = arith.constant 0 : i32
    %dma_wait3A_39 = arith.constant 0 : i32
    %dma_wait3A_40 = tpu.memref_slice %arg5[%dma_wait3A_38, %mul3A_2, %dma_wait3A_39] : memref<4x2048x768xf32, #tpu.memory_space<hbm>> -> memref<1x64x768xf32, #tpu.memory_space<hbm>>
    %dma_wait3A_41 = tpu.memref_squeeze %dma_wait3A_40 : memref<1x64x768xf32, #tpu.memory_space<hbm>> -> memref<64x768xf32, #tpu.memory_space<hbm>>
    %dma_wait3A_42 = arith.constant 0 : i32
    %dma_wait3A_43 = tpu.memref_slice %arg5[%dma_wait3A_38, %mul3A_2, %dma_wait3A_42] : memref<4x2048x768xf32, #tpu.memory_space<hbm>> -> memref<1x64x768xf32, #tpu.memory_space<hbm>>
    %dma_wait3A_44 = tpu.memref_squeeze %dma_wait3A_43 : memref<1x64x768xf32, #tpu.memory_space<hbm>> -> memref<64x768xf32, #tpu.memory_space<hbm>>
    tpu.wait_dma2 semaphore(%arg12 : memref<!tpu.dma_semaphore, #tpu.memory_space<semaphore_mem>>) src(%arg7 : memref<64x768xf32, #tpu.memory_space<vmem>>) dst(%dma_wait3A_44 : memref<64x768xf32, #tpu.memory_space<hbm>>)
    %dma_start3A_45 = arith.constant 2 : i32
    %dma_start3A_46 = arith.constant 0 : i32
    %dma_start3A_47 = tpu.memref_slice %arg6[%dma_start3A_45, %dma_start3A_46] : memref<4x64xi32, #tpu.memory_space<vmem>> -> memref<1x64xi32, #tpu.memory_space<vmem>>
    %dma_start3A_48 = tpu.memref_squeeze %dma_start3A_47 : memref<1x64xi32, #tpu.memory_space<vmem>> -> memref<64xi32, #tpu.memory_space<vmem>>
    %dma_start3A_49 = arith.constant 0 : i32
    %dma_start3A_50 = arith.constant 0 : i32
    %dma_start3A_51 = tpu.memref_slice %arg3[%dma_start3A_49, %dma_start3A_50] : memref<100000x768xf32, #tpu.memory_space<hbm>> -> memref<100000x768xf32, #tpu.memory_space<hbm>>
    tpu.enqueue_indirect_dma source(%dma_start3A_51 : memref<100000x768xf32, #tpu.memory_space<hbm>>) target(%arg7 : memref<64x768xf32, #tpu.memory_space<vmem>>) offsets(%dma_start3A_48 : memref<64xi32, #tpu.memory_space<vmem>>) semaphore(%arg10 : memref<!tpu.dma_semaphore, #tpu.memory_space<semaphore_mem>>)
    %dma_wait3A_52 = arith.constant 1 : i32
    %dma_wait3A_53 = arith.constant 0 : i32
    %dma_wait3A_54 = tpu.memref_slice %arg6[%dma_wait3A_52, %dma_wait3A_53] : memref<4x64xi32, #tpu.memory_space<vmem>> -> memref<1x64xi32, #tpu.memory_space<vmem>>
    %dma_wait3A_55 = tpu.memref_squeeze %dma_wait3A_54 : memref<1x64xi32, #tpu.memory_space<vmem>> -> memref<64xi32, #tpu.memory_space<vmem>>
    %dma_wait3A_56 = arith.constant 0 : i32
    %dma_wait3A_57 = arith.constant 0 : i32
    %dma_wait3A_58 = tpu.memref_slice %arg3[%dma_wait3A_56, %dma_wait3A_57] : memref<100000x768xf32, #tpu.memory_space<hbm>> -> memref<100000x768xf32, #tpu.memory_space<hbm>>
    tpu.wait_indirect_dma semaphore(%arg11 : memref<!tpu.dma_semaphore, #tpu.memory_space<semaphore_mem>>) src(%dma_wait3A_58 : memref<100000x768xf32, #tpu.memory_space<hbm>>) dst(%arg8 : memref<64x768xf32, #tpu.memory_space<vmem>>)
    %parallel_loop3A_59 = arith.constant 0 : i32
    %parallel_loop3A_60 = arith.constant 64 : i32
    %parallel_loop3A_61 = arith.constant 1 : i32
    scf.for %parallel_loop3A_131 = %parallel_loop3A_59 to %parallel_loop3A_60 step %parallel_loop3A_61  : i32 {
      %parallel_loop3A_132 = arith.index_cast %parallel_loop3A_131 : i32 to index
      %parallel_loop3A_133 = arith.constant 0 : index
      %parallel_loop3A_134 = tpu.vector_load %arg9[%parallel_loop3A_132, %parallel_loop3A_133] {strides = array<i32>} : memref<64x384xi32, #tpu.memory_space<vmem>>, vector<1x16xi32>,
      %parallel_loop3A_135 = vector.shape_cast %parallel_loop3A_134 : vector<1x16xi32> to vector<16xi32>
      %parallel_loop3A_136 = arith.constant 16 : i32
      %parallel_loop3A_137 = vector.broadcast %parallel_loop3A_136 : i32 to vector<16xi32>
      %parallel_loop3A_138 = arith.shli %parallel_loop3A_135, %parallel_loop3A_137 : vector<16xi32>
      %parallel_loop3A_139 = tpu.bitcast %parallel_loop3A_138 : vector<16xi32> -> vector<16xf32>
      %parallel_loop3A_140 = arith.constant -65536 : i32
      %parallel_loop3A_141 = vector.broadcast %parallel_loop3A_140 : i32 to vector<16xi32>
      %parallel_loop3A_142 = arith.andi %parallel_loop3A_135, %parallel_loop3A_141 : vector<16xi32>
      %parallel_loop3A_143 = tpu.bitcast %parallel_loop3A_142 : vector<16xi32> -> vector<16xf32>
      %parallel_loop3A_144 = arith.index_cast %parallel_loop3A_131 : i32 to index
      %parallel_loop3A_145 = arith.constant 0 : index
      %parallel_loop3A_146 = tpu.vector_load %arg8[%parallel_loop3A_144, %parallel_loop3A_145] {strides = array<i32>} : memref<64x768xf32, #tpu.memory_space<vmem>>, vector<1x16xf32>,
      %parallel_loop3A_147 = vector.shape_cast %parallel_loop3A_146 : vector<1x16xf32> to vector<16xf32>
      %parallel_loop3A_148 = vector.shape_cast %parallel_loop3A_139 : vector<16xf32> to vector<1x16xf32>
      tpu.vector_store %arg8[%parallel_loop3A_144, %parallel_loop3A_145], %parallel_loop3A_148 {add = true, strides = array<i32>} : memref<64x768xf32, #tpu.memory_space<vmem>>, vector<1x16xf32>,
      %parallel_loop3A_149 = arith.index_cast %parallel_loop3A_131 : i32 to index
      %parallel_loop3A_150 = arith.constant 16 : index
      %parallel_loop3A_151 = tpu.vector_load %arg8[%parallel_loop3A_149, %parallel_loop3A_150] {strides = array<i32>} : memref<64x768xf32, #tpu.memory_space<vmem>>, vector<1x16xf32>,
      %parallel_loop3A_152 = vector.shape_cast %parallel_loop3A_151 : vector<1x16xf32> to vector<16xf32>
      %parallel_loop3A_153 = vector.shape_cast %parallel_loop3A_143 : vector<16xf32> to vector<1x16xf32>
      tpu.vector_store %arg8[%parallel_loop3A_149, %parallel_loop3A_150], %parallel_loop3A_153 {add = true, strides = array<i32>} : memref<64x768xf32, #tpu.memory_space<vmem>>, vector<1x16xf32>,
      %parallel_loop3A_154 = arith.index_cast %parallel_loop3A_131 : i32 to index
      %parallel_loop3A_155 = arith.constant 16 : index
      %parallel_loop3A_156 = tpu.vector_load %arg9[%parallel_loop3A_154, %parallel_loop3A_155] {strides = array<i32>} : memref<64x384xi32, #tpu.memory_space<vmem>>, vector<1x16xi32>,
      %parallel_loop3A_157 = vector.shape_cast %parallel_loop3A_156 : vector<1x16xi32> to vector<16xi32>
      %parallel_loop3A_158 = arith.constant 16 : i32
      %parallel_loop3A_159 = vector.broadcast %parallel_loop3A_158 : i32 to vector<16xi32>
      %parallel_loop3A_160 = arith.shli %parallel_loop3A_157, %parallel_loop3A_159 : vector<16xi32>
      %parallel_loop3A_161 = tpu.bitcast %parallel_loop3A_160 : vector<16xi32> -> vector<16xf32>
      %parallel_loop3A_162 = arith.constant -65536 : i32
      %parallel_loop3A_163 = vector.broadcast %parallel_loop3A_162 : i32 to vector<16xi32>
      %parallel_loop3A_164 = arith.andi %parallel_loop3A_157, %parallel_loop3A_163 : vector<16xi32>
      %parallel_loop3A_165 = tpu.bitcast %parallel_loop3A_164 : vector<16xi32> -> vector<16xf32>
      %parallel_loop3A_166 = arith.index_cast %parallel_loop3A_131 : i32 to index
      %parallel_loop3A_167 = arith.constant 32 : index
      %parallel_loop3A_168 = tpu.vector_load %arg8[%parallel_loop3A_166, %parallel_loop3A_167] {strides = array<i32>} : memref<64x768xf32, #tpu.memory_space<vmem>>, vector<1x16xf32>,
      %parallel_loop3A_169 = vector.shape_cast %parallel_loop3A_168 : vector<1x16xf32> to vector<16xf32>
      %parallel_loop3A_170 = vector.shape_cast %parallel_loop3A_161 : vector<16xf32> to vector<1x16xf32>
      tpu.vector_store %arg8[%parallel_loop3A_166, %parallel_loop3A_167], %parallel_loop3A_170 {add = true, strides = array<i32>} : memref<64x768xf32, #tpu.memory_space<vmem>>, vector<1x16xf32>,
      %parallel_loop3A_171 = arith.index_cast %parallel_loop3A_131 : i32 to index
      %parallel_loop3A_172 = arith.constant 48 : index
      %parallel_loop3A_173 = tpu.vector_load %arg8[%parallel_loop3A_171, %parallel_loop3A_172] {strides = array<i32>} : memref<64x768xf32, #tpu.memory_space<vmem>>, vector<1x16xf32>,
      %parallel_loop3A_174 = vector.shape_cast %parallel_loop3A_173 : vector<1x16xf32> to vector<16xf32>
      %parallel_loop3A_175 = vector.shape_cast %parallel_loop3A_165 : vector<16xf32> to vector<1x16xf32>
      tpu.vector_store %arg8[%parallel_loop3A_171, %parallel_loop3A_172], %parallel_loop3A_175 {add = true, strides = array<i32>} : memref<64x768xf32, #tpu.memory_space<vmem>>, vector<1x16xf32>,
      %parallel_loop3A_176 = arith.index_cast %parallel_loop3A_131 : i32 to index
      %parallel_loop3A_177 = arith.constant 32 : index
      %parallel_loop3A_178 = tpu.vector_load %arg9[%parallel_loop3A_176, %parallel_loop3A_177] {strides = array<i32>} : memref<64x384xi32, #tpu.memory_space<vmem>>, vector<1x16xi32>,
      %parallel_loop3A_179 = vector.shape_cast %parallel_loop3A_178 : vector<1x16xi32> to vector<16xi32>
      %parallel_loop3A_180 = arith.constant 16 : i32
      %parallel_loop3A_181 = vector.broadcast %parallel_loop3A_180 : i32 to vector<16xi32>
      %parallel_loop3A_182 = arith.shli %parallel_loop3A_179, %parallel_loop3A_181 : vector<16xi32>
      %parallel_loop3A_183 = tpu.bitcast %parallel_loop3A_182 : vector<16xi32> -> vector<16xf32>
      %parallel_loop3A_184 = arith.constant -65536 : i32
      %parallel_loop3A_185 = vector.broadcast %parallel_loop3A_184 : i32 to vector<16xi32>
      %parallel_loop3A_186 = arith.andi %parallel_loop3A_179, %parallel_loop3A_185 : vector<16xi32>
      %parallel_loop3A_187 = tpu.bitcast %parallel_loop3A_186 : vector<16xi32> -> vector<16xf32>
      %parallel_loop3A_188 = arith.index_cast %parallel_loop3A_131 : i32 to index
      %parallel_loop3A_189 = arith.constant 64 : index
      %parallel_loop3A_190 = tpu.vector_load %arg8[%parallel_loop3A_188, %parallel_loop3A_189] {strides = array<i32>} : memref<64x768xf32, #tpu.memory_space<vmem>>, vector<1x16xf32>,
      %parallel_loop3A_191 = vector.shape_cast %parallel_loop3A_190 : vector<1x16xf32> to vector<16xf32>
      %parallel_loop3A_192 = vector.shape_cast %parallel_loop3A_183 : vector<16xf32> to vector<1x16xf32>
      tpu.vector_store %arg8[%parallel_loop3A_188, %parallel_loop3A_189], %parallel_loop3A_192 {add = true, strides = array<i32>} : memref<64x768xf32, #tpu.memory_space<vmem>>, vector<1x16xf32>,
      %parallel_loop3A_193 = arith.index_cast %parallel_loop3A_131 : i32 to index
      %parallel_loop3A_194 = arith.constant 80 : index
      %parallel_loop3A_195 = tpu.vector_load %arg8[%parallel_loop3A_193, %parallel_loop3A_194] {strides = array<i32>} : memref<64x768xf32, #tpu.memory_space<vmem>>, vector<1x16xf32>,
      %parallel_loop3A_196 = vector.shape_cast %parallel_loop3A_195 : vector<1x16xf32> to vector<16xf32>
      %parallel_loop3A_197 = vector.shape_cast %parallel_loop3A_187 : vector<16xf32> to vector<1x16xf32>
      tpu.vector_store %arg8[%parallel_loop3A_193, %parallel_loop3A_194], %parallel_loop3A_197 {add = true, strides = array<i32>} : memref<64x768xf32, #tpu.memory_space<vmem>>, vector<1x16xf32>,
      %parallel_loop3A_198 = arith.index_cast %parallel_loop3A_131 : i32 to index
      %parallel_loop3A_199 = arith.constant 48 : index
      %parallel_loop3A_200 = tpu.vector_load %arg9[%parallel_loop3A_198, %parallel_loop3A_199] {strides = array<i32>} : memref<64x384xi32, #tpu.memory_space<vmem>>, vector<1x16xi32>,
      %parallel_loop3A_201 = vector.shape_cast %parallel_loop3A_200 : vector<1x16xi32> to vector<16xi32>
      %parallel_loop3A_202 = arith.constant 16 : i32
      %parallel_loop3A_203 = vector.broadcast %parallel_loop3A_202 : i32 to vector<16xi32>
      %parallel_loop3A_204 = arith.shli %parallel_loop3A_201, %parallel_loop3A_203 : vector<16xi32>
      %parallel_loop3A_205 = tpu.bitcast %parallel_loop3A_204 : vector<16xi32> -> vector<16xf32>
      %parallel_loop3A_206 = arith.constant -65536 : i32
      %parallel_loop3A_207 = vector.broadcast %parallel_loop3A_206 : i32 to vector<16xi32>
      %parallel_loop3A_208 = arith.andi %parallel_loop3A_201, %parallel_loop3A_207 : vector<16xi32>
      %parallel_loop3A_209 = tpu.bitcast %parallel_loop3A_208 : vector<16xi32> -> vector<16xf32>
      %parallel_loop3A_210 = arith.index_cast %parallel_loop3A_131 : i32 to index
      %parallel_loop3A_211 = arith.constant 96 : index
      %parallel_loop3A_212 = tpu.vector_load %arg8[%parallel_loop3A_210, %parallel_loop3A_211] {strides = array<i32>} : memref<64x768xf32, #tpu.memory_space<vmem>>, vector<1x16xf32>,
      %parallel_loop3A_213 = vector.shape_cast %parallel_loop3A_212 : vector<1x16xf32> to vector<16xf32>
      %parallel_loop3A_214 = vector.shape_cast %parallel_loop3A_205 : vector<16xf32> to vector<1x16xf32>
      tpu.vector_store %arg8[%parallel_loop3A_210, %parallel_loop3A_211], %parallel_loop3A_214 {add = true, strides = array<i32>} : memref<64x768xf32, #tpu.memory_space<vmem>>, vector<1x16xf32>,
      %parallel_loop3A_215 = arith.index_cast %parallel_loop3A_131 : i32 to index
      %parallel_loop3A_216 = arith.constant 112 : index
      %parallel_loop3A_217 = tpu.vector_load %arg8[%parallel_loop3A_215, %parallel_loop3A_216] {strides = array<i32>} : memref<64x768xf32, #tpu.memory_space<vmem>>, vector<1x16xf32>,
      %parallel_loop3A_218 = vector.shape_cast %parallel_loop3A_217 : vector<1x16xf32> to vector<16xf32>
      %parallel_loop3A_219 = vector.shape_cast %parallel_loop3A_209 : vector<16xf32> to vector<1x16xf32>
      tpu.vector_store %arg8[%parallel_loop3A_215, %parallel_loop3A_216], %parallel_loop3A_219 {add = true, strides = array<i32>} : memref<64x768xf32, #tpu.memory_space<vmem>>, vector<1x16xf32>,
      %parallel_loop3A_220 = arith.index_cast %parallel_loop3A_131 : i32 to index
      %parallel_loop3A_221 = arith.constant 64 : index
      %parallel_loop3A_222 = tpu.vector_load %arg9[%parallel_loop3A_220, %parallel_loop3A_221] {strides = array<i32>} : memref<64x384xi32, #tpu.memory_space<vmem>>, vector<1x16xi32>,
      %parallel_loop3A_223 = vector.shape_cast %parallel_loop3A_222 : vector<1x16xi32> to vector<16xi32>
      %parallel_loop3A_224 = arith.constant 16 : i32
      %parallel_loop3A_225 = vector.broadcast %parallel_loop3A_224 : i32 to vector<16xi32>
      %parallel_loop3A_226 = arith.shli %parallel_loop3A_223, %parallel_loop3A_225 : vector<16xi32>
      %parallel_loop3A_227 = tpu.bitcast %parallel_loop3A_226 : vector<16xi32> -> vector<16xf32>
      %parallel_loop3A_228 = arith.constant -65536 : i32
      %parallel_loop3A_229 = vector.broadcast %parallel_loop3A_228 : i32 to vector<16xi32>
      %parallel_loop3A_230 = arith.andi %parallel_loop3A_223, %parallel_loop3A_229 : vector<16xi32>
      %parallel_loop3A_231 = tpu.bitcast %parallel_loop3A_230 : vector<16xi32> -> vector<16xf32>
      %parallel_loop3A_232 = arith.index_cast %parallel_loop3A_131 : i32 to index
      %parallel_loop3A_233 = arith.constant 128 : index
      %parallel_loop3A_234 = tpu.vector_load %arg8[%parallel_loop3A_232, %parallel_loop3A_233] {strides = array<i32>} : memref<64x768xf32, #tpu.memory_space<vmem>>, vector<1x16xf32>,
      %parallel_loop3A_235 = vector.shape_cast %parallel_loop3A_234 : vector<1x16xf32> to vector<16xf32>
      %parallel_loop3A_236 = vector.shape_cast %parallel_loop3A_227 : vector<16xf32> to vector<1x16xf32>
      tpu.vector_store %arg8[%parallel_loop3A_232, %parallel_loop3A_233], %parallel_loop3A_236 {add = true, strides = array<i32>} : memref<64x768xf32, #tpu.memory_space<vmem>>, vector<1x16xf32>,
      %parallel_loop3A_237 = arith.index_cast %parallel_loop3A_131 : i32 to index
      %parallel_loop3A_238 = arith.constant 144 : index
      %parallel_loop3A_239 = tpu.vector_load %arg8[%parallel_loop3A_237, %parallel_loop3A_238] {strides = array<i32>} : memref<64x768xf32, #tpu.memory_space<vmem>>, vector<1x16xf32>,
      %parallel_loop3A_240 = vector.shape_cast %parallel_loop3A_239 : vector<1x16xf32> to vector<16xf32>
      %parallel_loop3A_241 = vector.shape_cast %parallel_loop3A_231 : vector<16xf32> to vector<1x16xf32>
      tpu.vector_store %arg8[%parallel_loop3A_237, %parallel_loop3A_238], %parallel_loop3A_241 {add = true, strides = array<i32>} : memref<64x768xf32, #tpu.memory_space<vmem>>, vector<1x16xf32>,
      %parallel_loop3A_242 = arith.index_cast %parallel_loop3A_131 : i32 to index
      %parallel_loop3A_243 = arith.constant 80 : index
      %parallel_loop3A_244 = tpu.vector_load %arg9[%parallel_loop3A_242, %parallel_loop3A_243] {strides = array<i32>} : memref<64x384xi32, #tpu.memory_space<vmem>>, vector<1x16xi32>,
      %parallel_loop3A_245 = vector.shape_cast %parallel_loop3A_244 : vector<1x16xi32> to vector<16xi32>
      %parallel_loop3A_246 = arith.constant 16 : i32
      %parallel_loop3A_247 = vector.broadcast %parallel_loop3A_246 : i32 to vector<16xi32>
      %parallel_loop3A_248 = arith.shli %parallel_loop3A_245, %parallel_loop3A_247 : vector<16xi32>
      %parallel_loop3A_249 = tpu.bitcast %parallel_loop3A_248 : vector<16xi32> -> vector<16xf32>
      %parallel_loop3A_250 = arith.constant -65536 : i32
      %parallel_loop3A_251 = vector.broadcast %parallel_loop3A_250 : i32 to vector<16xi32>
      %parallel_loop3A_252 = arith.andi %parallel_loop3A_245, %parallel_loop3A_251 : vector<16xi32>
      %parallel_loop3A_253 = tpu.bitcast %parallel_loop3A_252 : vector<16xi32> -> vector<16xf32>
      %parallel_loop3A_254 = arith.index_cast %parallel_loop3A_131 : i32 to index
      %parallel_loop3A_255 = arith.constant 160 : index
      %parallel_loop3A_256 = tpu.vector_load %arg8[%parallel_loop3A_254, %parallel_loop3A_255] {strides = array<i32>} : memref<64x768xf32, #tpu.memory_space<vmem>>, vector<1x16xf32>,
      %parallel_loop3A_257 = vector.shape_cast %parallel_loop3A_256 : vector<1x16xf32> to vector<16xf32>
      %parallel_loop3A_258 = vector.shape_cast %parallel_loop3A_249 : vector<16xf32> to vector<1x16xf32>
      tpu.vector_store %arg8[%parallel_loop3A_254, %parallel_loop3A_255], %parallel_loop3A_258 {add = true, strides = array<i32>} : memref<64x768xf32, #tpu.memory_space<vmem>>, vector<1x16xf32>,
      %parallel_loop3A_259 = arith.index_cast %parallel_loop3A_131 : i32 to index
      %parallel_loop3A_260 = arith.constant 176 : index
      %parallel_loop3A_261 = tpu.vector_load %arg8[%parallel_loop3A_259, %parallel_loop3A_260] {strides = array<i32>} : memref<64x768xf32, #tpu.memory_space<vmem>>, vector<1x16xf32>,
      %parallel_loop3A_262 = vector.shape_cast %parallel_loop3A_261 : vector<1x16xf32> to vector<16xf32>
      %parallel_loop3A_263 = vector.shape_cast %parallel_loop3A_253 : vector<16xf32> to vector<1x16xf32>
      tpu.vector_store %arg8[%parallel_loop3A_259, %parallel_loop3A_260], %parallel_loop3A_263 {add = true, strides = array<i32>} : memref<64x768xf32, #tpu.memory_space<vmem>>, vector<1x16xf32>,
      %parallel_loop3A_264 = arith.index_cast %parallel_loop3A_131 : i32 to index
      %parallel_loop3A_265 = arith.constant 96 : index
      %parallel_loop3A_266 = tpu.vector_load %arg9[%parallel_loop3A_264, %parallel_loop3A_265] {strides = array<i32>} : memref<64x384xi32, #tpu.memory_space<vmem>>, vector<1x16xi32>,
      %parallel_loop3A_267 = vector.shape_cast %parallel_loop3A_266 : vector<1x16xi32> to vector<16xi32>
      %parallel_loop3A_268 = arith.constant 16 : i32
      %parallel_loop3A_269 = vector.broadcast %parallel_loop3A_268 : i32 to vector<16xi32>
      %parallel_loop3A_270 = arith.shli %parallel_loop3A_267, %parallel_loop3A_269 : vector<16xi32>
      %parallel_loop3A_271 = tpu.bitcast %parallel_loop3A_270 : vector<16xi32> -> vector<16xf32>
      %parallel_loop3A_272 = arith.constant -65536 : i32
      %parallel_loop3A_273 = vector.broadcast %parallel_loop3A_272 : i32 to vector<16xi32>
      %parallel_loop3A_274 = arith.andi %parallel_loop3A_267, %parallel_loop3A_273 : vector<16xi32>
      %parallel_loop3A_275 = tpu.bitcast %parallel_loop3A_274 : vector<16xi32> -> vector<16xf32>
      %parallel_loop3A_276 = arith.index_cast %parallel_loop3A_131 : i32 to index
      %parallel_loop3A_277 = arith.constant 192 : index
      %parallel_loop3A_278 = tpu.vector_load %arg8[%parallel_loop3A_276, %parallel_loop3A_277] {strides = array<i32>} : memref<64x768xf32, #tpu.memory_space<vmem>>, vector<1x16xf32>,
      %parallel_loop3A_279 = vector.shape_cast %parallel_loop3A_278 : vector<1x16xf32> to vector<16xf32>
      %parallel_loop3A_280 = vector.shape_cast %parallel_loop3A_271 : vector<16xf32> to vector<1x16xf32>
      tpu.vector_store %arg8[%parallel_loop3A_276, %parallel_loop3A_277], %parallel_loop3A_280 {add = true, strides = array<i32>} : memref<64x768xf32, #tpu.memory_space<vmem>>, vector<1x16xf32>,
      %parallel_loop3A_281 = arith.index_cast %parallel_loop3A_131 : i32 to index
      %parallel_loop3A_282 = arith.constant 208 : index
      %parallel_loop3A_283 = tpu.vector_load %arg8[%parallel_loop3A_281, %parallel_loop3A_282] {strides = array<i32>} : memref<64x768xf32, #tpu.memory_space<vmem>>, vector<1x16xf32>,
      %parallel_loop3A_284 = vector.shape_cast %parallel_loop3A_283 : vector<1x16xf32> to vector<16xf32>
      %parallel_loop3A_285 = vector.shape_cast %parallel_loop3A_275 : vector<16xf32> to vector<1x16xf32>
      tpu.vector_store %arg8[%parallel_loop3A_281, %parallel_loop3A_282], %parallel_loop3A_285 {add = true, strides = array<i32>} : memref<64x768xf32, #tpu.memory_space<vmem>>, vector<1x16xf32>,
      %parallel_loop3A_286 = arith.index_cast %parallel_loop3A_131 : i32 to index
      %parallel_loop3A_287 = arith.constant 112 : index
      %parallel_loop3A_288 = tpu.vector_load %arg9[%parallel_loop3A_286, %parallel_loop3A_287] {strides = array<i32>} : memref<64x384xi32, #tpu.memory_space<vmem>>, vector<1x16xi32>,
      %parallel_loop3A_289 = vector.shape_cast %parallel_loop3A_288 : vector<1x16xi32> to vector<16xi32>
      %parallel_loop3A_290 = arith.constant 16 : i32
      %parallel_loop3A_291 = vector.broadcast %parallel_loop3A_290 : i32 to vector<16xi32>
      %parallel_loop3A_292 = arith.shli %parallel_loop3A_289, %parallel_loop3A_291 : vector<16xi32>
      %parallel_loop3A_293 = tpu.bitcast %parallel_loop3A_292 : vector<16xi32> -> vector<16xf32>
      %parallel_loop3A_294 = arith.constant -65536 : i32
      %parallel_loop3A_295 = vector.broadcast %parallel_loop3A_294 : i32 to vector<16xi32>
      %parallel_loop3A_296 = arith.andi %parallel_loop3A_289, %parallel_loop3A_295 : vector<16xi32>
      %parallel_loop3A_297 = tpu.bitcast %parallel_loop3A_296 : vector<16xi32> -> vector<16xf32>
      %parallel_loop3A_298 = arith.index_cast %parallel_loop3A_131 : i32 to index
      %parallel_loop3A_299 = arith.constant 224 : index
      %parallel_loop3A_300 = tpu.vector_load %arg8[%parallel_loop3A_298, %parallel_loop3A_299] {strides = array<i32>} : memref<64x768xf32, #tpu.memory_space<vmem>>, vector<1x16xf32>,
      %parallel_loop3A_301 = vector.shape_cast %parallel_loop3A_300 : vector<1x16xf32> to vector<16xf32>
      %parallel_loop3A_302 = vector.shape_cast %parallel_loop3A_293 : vector<16xf32> to vector<1x16xf32>
      tpu.vector_store %arg8[%parallel_loop3A_298, %parallel_loop3A_299], %parallel_loop3A_302 {add = true, strides = array<i32>} : memref<64x768xf32, #tpu.memory_space<vmem>>, vector<1x16xf32>,
      %parallel_loop3A_303 = arith.index_cast %parallel_loop3A_131 : i32 to index
      %parallel_loop3A_304 = arith.constant 240 : index
      %parallel_loop3A_305 = tpu.vector_load %arg8[%parallel_loop3A_303, %parallel_loop3A_304] {strides = array<i32>} : memref<64x768xf32, #tpu.memory_space<vmem>>, vector<1x16xf32>,
      %parallel_loop3A_306 = vector.shape_cast %parallel_loop3A_305 : vector<1x16xf32> to vector<16xf32>
      %parallel_loop3A_307 = vector.shape_cast %parallel_loop3A_297 : vector<16xf32> to vector<1x16xf32>
      tpu.vector_store %arg8[%parallel_loop3A_303, %parallel_loop3A_304], %parallel_loop3A_307 {add = true, strides = array<i32>} : memref<64x768xf32, #tpu.memory_space<vmem>>, vector<1x16xf32>,
      %parallel_loop3A_308 = arith.index_cast %parallel_loop3A_131 : i32 to index
      %parallel_loop3A_309 = arith.constant 128 : index
      %parallel_loop3A_310 = tpu.vector_load %arg9[%parallel_loop3A_308, %parallel_loop3A_309] {strides = array<i32>} : memref<64x384xi32, #tpu.memory_space<vmem>>, vector<1x16xi32>,
      %parallel_loop3A_311 = vector.shape_cast %parallel_loop3A_310 : vector<1x16xi32> to vector<16xi32>
      %parallel_loop3A_312 = arith.constant 16 : i32
      %parallel_loop3A_313 = vector.broadcast %parallel_loop3A_312 : i32 to vector<16xi32>
      %parallel_loop3A_314 = arith.shli %parallel_loop3A_311, %parallel_loop3A_313 : vector<16xi32>
      %parallel_loop3A_315 = tpu.bitcast %parallel_loop3A_314 : vector<16xi32> -> vector<16xf32>
      %parallel_loop3A_316 = arith.constant -65536 : i32
      %parallel_loop3A_317 = vector.broadcast %parallel_loop3A_316 : i32 to vector<16xi32>
      %parallel_loop3A_318 = arith.andi %parallel_loop3A_311, %parallel_loop3A_317 : vector<16xi32>
      %parallel_loop3A_319 = tpu.bitcast %parallel_loop3A_318 : vector<16xi32> -> vector<16xf32>
      %parallel_loop3A_320 = arith.index_cast %parallel_loop3A_131 : i32 to index
      %parallel_loop3A_321 = arith.constant 256 : index
      %parallel_loop3A_322 = tpu.vector_load %arg8[%parallel_loop3A_320, %parallel_loop3A_321] {strides = array<i32>} : memref<64x768xf32, #tpu.memory_space<vmem>>, vector<1x16xf32>,
      %parallel_loop3A_323 = vector.shape_cast %parallel_loop3A_322 : vector<1x16xf32> to vector<16xf32>
      %parallel_loop3A_324 = vector.shape_cast %parallel_loop3A_315 : vector<16xf32> to vector<1x16xf32>
      tpu.vector_store %arg8[%parallel_loop3A_320, %parallel_loop3A_321], %parallel_loop3A_324 {add = true, strides = array<i32>} : memref<64x768xf32, #tpu.memory_space<vmem>>, vector<1x16xf32>,
      %parallel_loop3A_325 = arith.index_cast %parallel_loop3A_131 : i32 to index
      %parallel_loop3A_326 = arith.constant 272 : index
      %parallel_loop3A_327 = tpu.vector_load %arg8[%parallel_loop3A_325, %parallel_loop3A_326] {strides = array<i32>} : memref<64x768xf32, #tpu.memory_space<vmem>>, vector<1x16xf32>,
      %parallel_loop3A_328 = vector.shape_cast %parallel_loop3A_327 : vector<1x16xf32> to vector<16xf32>
      %parallel_loop3A_329 = vector.shape_cast %parallel_loop3A_319 : vector<16xf32> to vector<1x16xf32>
      tpu.vector_store %arg8[%parallel_loop3A_325, %parallel_loop3A_326], %parallel_loop3A_329 {add = true, strides = array<i32>} : memref<64x768xf32, #tpu.memory_space<vmem>>, vector<1x16xf32>,
      %parallel_loop3A_330 = arith.index_cast %parallel_loop3A_131 : i32 to index
      %parallel_loop3A_331 = arith.constant 144 : index
      %parallel_loop3A_332 = tpu.vector_load %arg9[%parallel_loop3A_330, %parallel_loop3A_331] {strides = array<i32>} : memref<64x384xi32, #tpu.memory_space<vmem>>, vector<1x16xi32>,
      %parallel_loop3A_333 = vector.shape_cast %parallel_loop3A_332 : vector<1x16xi32> to vector<16xi32>
      %parallel_loop3A_334 = arith.constant 16 : i32
      %parallel_loop3A_335 = vector.broadcast %parallel_loop3A_334 : i32 to vector<16xi32>
      %parallel_loop3A_336 = arith.shli %parallel_loop3A_333, %parallel_loop3A_335 : vector<16xi32>
      %parallel_loop3A_337 = tpu.bitcast %parallel_loop3A_336 : vector<16xi32> -> vector<16xf32>
      %parallel_loop3A_338 = arith.constant -65536 : i32
      %parallel_loop3A_339 = vector.broadcast %parallel_loop3A_338 : i32 to vector<16xi32>
      %parallel_loop3A_340 = arith.andi %parallel_loop3A_333, %parallel_loop3A_339 : vector<16xi32>
      %parallel_loop3A_341 = tpu.bitcast %parallel_loop3A_340 : vector<16xi32> -> vector<16xf32>
      %parallel_loop3A_342 = arith.index_cast %parallel_loop3A_131 : i32 to index
      %parallel_loop3A_343 = arith.constant 288 : index
      %parallel_loop3A_344 = tpu.vector_load %arg8[%parallel_loop3A_342, %parallel_loop3A_343] {strides = array<i32>} : memref<64x768xf32, #tpu.memory_space<vmem>>, vector<1x16xf32>,
      %parallel_loop3A_345 = vector.shape_cast %parallel_loop3A_344 : vector<1x16xf32> to vector<16xf32>
      %parallel_loop3A_346 = vector.shape_cast %parallel_loop3A_337 : vector<16xf32> to vector<1x16xf32>
      tpu.vector_store %arg8[%parallel_loop3A_342, %parallel_loop3A_343], %parallel_loop3A_346 {add = true, strides = array<i32>} : memref<64x768xf32, #tpu.memory_space<vmem>>, vector<1x16xf32>,
      %parallel_loop3A_347 = arith.index_cast %parallel_loop3A_131 : i32 to index
      %parallel_loop3A_348 = arith.constant 304 : index
      %parallel_loop3A_349 = tpu.vector_load %arg8[%parallel_loop3A_347, %parallel_loop3A_348] {strides = array<i32>} : memref<64x768xf32, #tpu.memory_space<vmem>>, vector<1x16xf32>,
      %parallel_loop3A_350 = vector.shape_cast %parallel_loop3A_349 : vector<1x16xf32> to vector<16xf32>
      %parallel_loop3A_351 = vector.shape_cast %parallel_loop3A_341 : vector<16xf32> to vector<1x16xf32>
      tpu.vector_store %arg8[%parallel_loop3A_347, %parallel_loop3A_348], %parallel_loop3A_351 {add = true, strides = array<i32>} : memref<64x768xf32, #tpu.memory_space<vmem>>, vector<1x16xf32>,
      %parallel_loop3A_352 = arith.index_cast %parallel_loop3A_131 : i32 to index
      %parallel_loop3A_353 = arith.constant 160 : index
      %parallel_loop3A_354 = tpu.vector_load %arg9[%parallel_loop3A_352, %parallel_loop3A_353] {strides = array<i32>} : memref<64x384xi32, #tpu.memory_space<vmem>>, vector<1x16xi32>,
      %parallel_loop3A_355 = vector.shape_cast %parallel_loop3A_354 : vector<1x16xi32> to vector<16xi32>
      %parallel_loop3A_356 = arith.constant 16 : i32
      %parallel_loop3A_357 = vector.broadcast %parallel_loop3A_356 : i32 to vector<16xi32>
      %parallel_loop3A_358 = arith.shli %parallel_loop3A_355, %parallel_loop3A_357 : vector<16xi32>
      %parallel_loop3A_359 = tpu.bitcast %parallel_loop3A_358 : vector<16xi32> -> vector<16xf32>
      %parallel_loop3A_360 = arith.constant -65536 : i32
      %parallel_loop3A_361 = vector.broadcast %parallel_loop3A_360 : i32 to vector<16xi32>
      %parallel_loop3A_362 = arith.andi %parallel_loop3A_355, %parallel_loop3A_361 : vector<16xi32>
      %parallel_loop3A_363 = tpu.bitcast %parallel_loop3A_362 : vector<16xi32> -> vector<16xf32>
      %parallel_loop3A_364 = arith.index_cast %parallel_loop3A_131 : i32 to index
      %parallel_loop3A_365 = arith.constant 320 : index
      %parallel_loop3A_366 = tpu.vector_load %arg8[%parallel_loop3A_364, %parallel_loop3A_365] {strides = array<i32>} : memref<64x768xf32, #tpu.memory_space<vmem>>, vector<1x16xf32>,
      %parallel_loop3A_367 = vector.shape_cast %parallel_loop3A_366 : vector<1x16xf32> to vector<16xf32>
      %parallel_loop3A_368 = vector.shape_cast %parallel_loop3A_359 : vector<16xf32> to vector<1x16xf32>
      tpu.vector_store %arg8[%parallel_loop3A_364, %parallel_loop3A_365], %parallel_loop3A_368 {add = true, strides = array<i32>} : memref<64x768xf32, #tpu.memory_space<vmem>>, vector<1x16xf32>,
      %parallel_loop3A_369 = arith.index_cast %parallel_loop3A_131 : i32 to index
      %parallel_loop3A_370 = arith.constant 336 : index
      %parallel_loop3A_371 = tpu.vector_load %arg8[%parallel_loop3A_369, %parallel_loop3A_370] {strides = array<i32>} : memref<64x768xf32, #tpu.memory_space<vmem>>, vector<1x16xf32>,
      %parallel_loop3A_372 = vector.shape_cast %parallel_loop3A_371 : vector<1x16xf32> to vector<16xf32>
      %parallel_loop3A_373 = vector.shape_cast %parallel_loop3A_363 : vector<16xf32> to vector<1x16xf32>
      tpu.vector_store %arg8[%parallel_loop3A_369, %parallel_loop3A_370], %parallel_loop3A_373 {add = true, strides = array<i32>} : memref<64x768xf32, #tpu.memory_space<vmem>>, vector<1x16xf32>,
      %parallel_loop3A_374 = arith.index_cast %parallel_loop3A_131 : i32 to index
      %parallel_loop3A_375 = arith.constant 176 : index
      %parallel_loop3A_376 = tpu.vector_load %arg9[%parallel_loop3A_374, %parallel_loop3A_375] {strides = array<i32>} : memref<64x384xi32, #tpu.memory_space<vmem>>, vector<1x16xi32>,
      %parallel_loop3A_377 = vector.shape_cast %parallel_loop3A_376 : vector<1x16xi32> to vector<16xi32>
      %parallel_loop3A_378 = arith.constant 16 : i32
      %parallel_loop3A_379 = vector.broadcast %parallel_loop3A_378 : i32 to vector<16xi32>
      %parallel_loop3A_380 = arith.shli %parallel_loop3A_377, %parallel_loop3A_379 : vector<16xi32>
      %parallel_loop3A_381 = tpu.bitcast %parallel_loop3A_380 : vector<16xi32> -> vector<16xf32>
      %parallel_loop3A_382 = arith.constant -65536 : i32
      %parallel_loop3A_383 = vector.broadcast %parallel_loop3A_382 : i32 to vector<16xi32>
      %parallel_loop3A_384 = arith.andi %parallel_loop3A_377, %parallel_loop3A_383 : vector<16xi32>
      %parallel_loop3A_385 = tpu.bitcast %parallel_loop3A_384 : vector<16xi32> -> vector<16xf32>
      %parallel_loop3A_386 = arith.index_cast %parallel_loop3A_131 : i32 to index
      %parallel_loop3A_387 = arith.constant 352 : index
      %parallel_loop3A_388 = tpu.vector_load %arg8[%parallel_loop3A_386, %parallel_loop3A_387] {strides = array<i32>} : memref<64x768xf32, #tpu.memory_space<vmem>>, vector<1x16xf32>,
      %parallel_loop3A_389 = vector.shape_cast %parallel_loop3A_388 : vector<1x16xf32> to vector<16xf32>
      %parallel_loop3A_390 = vector.shape_cast %parallel_loop3A_381 : vector<16xf32> to vector<1x16xf32>
      tpu.vector_store %arg8[%parallel_loop3A_386, %parallel_loop3A_387], %parallel_loop3A_390 {add = true, strides = array<i32>} : memref<64x768xf32, #tpu.memory_space<vmem>>, vector<1x16xf32>,
      %parallel_loop3A_391 = arith.index_cast %parallel_loop3A_131 : i32 to index
      %parallel_loop3A_392 = arith.constant 368 : index
      %parallel_loop3A_393 = tpu.vector_load %arg8[%parallel_loop3A_391, %parallel_loop3A_392] {strides = array<i32>} : memref<64x768xf32, #tpu.memory_space<vmem>>, vector<1x16xf32>,
      %parallel_loop3A_394 = vector.shape_cast %parallel_loop3A_393 : vector<1x16xf32> to vector<16xf32>
      %parallel_loop3A_395 = vector.shape_cast %parallel_loop3A_385 : vector<16xf32> to vector<1x16xf32>
      tpu.vector_store %arg8[%parallel_loop3A_391, %parallel_loop3A_392], %parallel_loop3A_395 {add = true, strides = array<i32>} : memref<64x768xf32, #tpu.memory_space<vmem>>, vector<1x16xf32>,
      %parallel_loop3A_396 = arith.index_cast %parallel_loop3A_131 : i32 to index
      %parallel_loop3A_397 = arith.constant 192 : index
      %parallel_loop3A_398 = tpu.vector_load %arg9[%parallel_loop3A_396, %parallel_loop3A_397] {strides = array<i32>} : memref<64x384xi32, #tpu.memory_space<vmem>>, vector<1x16xi32>,
      %parallel_loop3A_399 = vector.shape_cast %parallel_loop3A_398 : vector<1x16xi32> to vector<16xi32>
      %parallel_loop3A_400 = arith.constant 16 : i32
      %parallel_loop3A_401 = vector.broadcast %parallel_loop3A_400 : i32 to vector<16xi32>
      %parallel_loop3A_402 = arith.shli %parallel_loop3A_399, %parallel_loop3A_401 : vector<16xi32>
      %parallel_loop3A_403 = tpu.bitcast %parallel_loop3A_402 : vector<16xi32> -> vector<16xf32>
      %parallel_loop3A_404 = arith.constant -65536 : i32
      %parallel_loop3A_405 = vector.broadcast %parallel_loop3A_404 : i32 to vector<16xi32>
      %parallel_loop3A_406 = arith.andi %parallel_loop3A_399, %parallel_loop3A_405 : vector<16xi32>
      %parallel_loop3A_407 = tpu.bitcast %parallel_loop3A_406 : vector<16xi32> -> vector<16xf32>
      %parallel_loop3A_408 = arith.index_cast %parallel_loop3A_131 : i32 to index
      %parallel_loop3A_409 = arith.constant 384 : index
      %parallel_loop3A_410 = tpu.vector_load %arg8[%parallel_loop3A_408, %parallel_loop3A_409] {strides = array<i32>} : memref<64x768xf32, #tpu.memory_space<vmem>>, vector<1x16xf32>,
      %parallel_loop3A_411 = vector.shape_cast %parallel_loop3A_410 : vector<1x16xf32> to vector<16xf32>
      %parallel_loop3A_412 = vector.shape_cast %parallel_loop3A_403 : vector<16xf32> to vector<1x16xf32>
      tpu.vector_store %arg8[%parallel_loop3A_408, %parallel_loop3A_409], %parallel_loop3A_412 {add = true, strides = array<i32>} : memref<64x768xf32, #tpu.memory_space<vmem>>, vector<1x16xf32>,
      %parallel_loop3A_413 = arith.index_cast %parallel_loop3A_131 : i32 to index
      %parallel_loop3A_414 = arith.constant 400 : index
      %parallel_loop3A_415 = tpu.vector_load %arg8[%parallel_loop3A_413, %parallel_loop3A_414] {strides = array<i32>} : memref<64x768xf32, #tpu.memory_space<vmem>>, vector<1x16xf32>,
      %parallel_loop3A_416 = vector.shape_cast %parallel_loop3A_415 : vector<1x16xf32> to vector<16xf32>
      %parallel_loop3A_417 = vector.shape_cast %parallel_loop3A_407 : vector<16xf32> to vector<1x16xf32>
      tpu.vector_store %arg8[%parallel_loop3A_413, %parallel_loop3A_414], %parallel_loop3A_417 {add = true, strides = array<i32>} : memref<64x768xf32, #tpu.memory_space<vmem>>, vector<1x16xf32>,
      %parallel_loop3A_418 = arith.index_cast %parallel_loop3A_131 : i32 to index
      %parallel_loop3A_419 = arith.constant 208 : index
      %parallel_loop3A_420 = tpu.vector_load %arg9[%parallel_loop3A_418, %parallel_loop3A_419] {strides = array<i32>} : memref<64x384xi32, #tpu.memory_space<vmem>>, vector<1x16xi32>,
      %parallel_loop3A_421 = vector.shape_cast %parallel_loop3A_420 : vector<1x16xi32> to vector<16xi32>
      %parallel_loop3A_422 = arith.constant 16 : i32
      %parallel_loop3A_423 = vector.broadcast %parallel_loop3A_422 : i32 to vector<16xi32>
      %parallel_loop3A_424 = arith.shli %parallel_loop3A_421, %parallel_loop3A_423 : vector<16xi32>
      %parallel_loop3A_425 = tpu.bitcast %parallel_loop3A_424 : vector<16xi32> -> vector<16xf32>
      %parallel_loop3A_426 = arith.constant -65536 : i32
      %parallel_loop3A_427 = vector.broadcast %parallel_loop3A_426 : i32 to vector<16xi32>
      %parallel_loop3A_428 = arith.andi %parallel_loop3A_421, %parallel_loop3A_427 : vector<16xi32>
      %parallel_loop3A_429 = tpu.bitcast %parallel_loop3A_428 : vector<16xi32> -> vector<16xf32>
      %parallel_loop3A_430 = arith.index_cast %parallel_loop3A_131 : i32 to index
      %parallel_loop3A_431 = arith.constant 416 : index
      %parallel_loop3A_432 = tpu.vector_load %arg8[%parallel_loop3A_430, %parallel_loop3A_431] {strides = array<i32>} : memref<64x768xf32, #tpu.memory_space<vmem>>, vector<1x16xf32>,
      %parallel_loop3A_433 = vector.shape_cast %parallel_loop3A_432 : vector<1x16xf32> to vector<16xf32>
      %parallel_loop3A_434 = vector.shape_cast %parallel_loop3A_425 : vector<16xf32> to vector<1x16xf32>
      tpu.vector_store %arg8[%parallel_loop3A_430, %parallel_loop3A_431], %parallel_loop3A_434 {add = true, strides = array<i32>} : memref<64x768xf32, #tpu.memory_space<vmem>>, vector<1x16xf32>,
      %parallel_loop3A_435 = arith.index_cast %parallel_loop3A_131 : i32 to index
      %parallel_loop3A_436 = arith.constant 432 : index
      %parallel_loop3A_437 = tpu.vector_load %arg8[%parallel_loop3A_435, %parallel_loop3A_436] {strides = array<i32>} : memref<64x768xf32, #tpu.memory_space<vmem>>, vector<1x16xf32>,
      %parallel_loop3A_438 = vector.shape_cast %parallel_loop3A_437 : vector<1x16xf32> to vector<16xf32>
      %parallel_loop3A_439 = vector.shape_cast %parallel_loop3A_429 : vector<16xf32> to vector<1x16xf32>
      tpu.vector_store %arg8[%parallel_loop3A_435, %parallel_loop3A_436], %parallel_loop3A_439 {add = true, strides = array<i32>} : memref<64x768xf32, #tpu.memory_space<vmem>>, vector<1x16xf32>,
      %parallel_loop3A_440 = arith.index_cast %parallel_loop3A_131 : i32 to index
      %parallel_loop3A_441 = arith.constant 224 : index
      %parallel_loop3A_442 = tpu.vector_load %arg9[%parallel_loop3A_440, %parallel_loop3A_441] {strides = array<i32>} : memref<64x384xi32, #tpu.memory_space<vmem>>, vector<1x16xi32>,
      %parallel_loop3A_443 = vector.shape_cast %parallel_loop3A_442 : vector<1x16xi32> to vector<16xi32>
      %parallel_loop3A_444 = arith.constant 16 : i32
      %parallel_loop3A_445 = vector.broadcast %parallel_loop3A_444 : i32 to vector<16xi32>
      %parallel_loop3A_446 = arith.shli %parallel_loop3A_443, %parallel_loop3A_445 : vector<16xi32>
      %parallel_loop3A_447 = tpu.bitcast %parallel_loop3A_446 : vector<16xi32> -> vector<16xf32>
      %parallel_loop3A_448 = arith.constant -65536 : i32
      %parallel_loop3A_449 = vector.broadcast %parallel_loop3A_448 : i32 to vector<16xi32>
      %parallel_loop3A_450 = arith.andi %parallel_loop3A_443, %parallel_loop3A_449 : vector<16xi32>
      %parallel_loop3A_451 = tpu.bitcast %parallel_loop3A_450 : vector<16xi32> -> vector<16xf32>
      %parallel_loop3A_452 = arith.index_cast %parallel_loop3A_131 : i32 to index
      %parallel_loop3A_453 = arith.constant 448 : index
      %parallel_loop3A_454 = tpu.vector_load %arg8[%parallel_loop3A_452, %parallel_loop3A_453] {strides = array<i32>} : memref<64x768xf32, #tpu.memory_space<vmem>>, vector<1x16xf32>,
      %parallel_loop3A_455 = vector.shape_cast %parallel_loop3A_454 : vector<1x16xf32> to vector<16xf32>
      %parallel_loop3A_456 = vector.shape_cast %parallel_loop3A_447 : vector<16xf32> to vector<1x16xf32>
      tpu.vector_store %arg8[%parallel_loop3A_452, %parallel_loop3A_453], %parallel_loop3A_456 {add = true, strides = array<i32>} : memref<64x768xf32, #tpu.memory_space<vmem>>, vector<1x16xf32>,
      %parallel_loop3A_457 = arith.index_cast %parallel_loop3A_131 : i32 to index
      %parallel_loop3A_458 = arith.constant 464 : index
      %parallel_loop3A_459 = tpu.vector_load %arg8[%parallel_loop3A_457, %parallel_loop3A_458] {strides = array<i32>} : memref<64x768xf32, #tpu.memory_space<vmem>>, vector<1x16xf32>,
      %parallel_loop3A_460 = vector.shape_cast %parallel_loop3A_459 : vector<1x16xf32> to vector<16xf32>
      %parallel_loop3A_461 = vector.shape_cast %parallel_loop3A_451 : vector<16xf32> to vector<1x16xf32>
      tpu.vector_store %arg8[%parallel_loop3A_457, %parallel_loop3A_458], %parallel_loop3A_461 {add = true, strides = array<i32>} : memref<64x768xf32, #tpu.memory_space<vmem>>, vector<1x16xf32>,
      %parallel_loop3A_462 = arith.index_cast %parallel_loop3A_131 : i32 to index
      %parallel_loop3A_463 = arith.constant 240 : index
      %parallel_loop3A_464 = tpu.vector_load %arg9[%parallel_loop3A_462, %parallel_loop3A_463] {strides = array<i32>} : memref<64x384xi32, #tpu.memory_space<vmem>>, vector<1x16xi32>,
      %parallel_loop3A_465 = vector.shape_cast %parallel_loop3A_464 : vector<1x16xi32> to vector<16xi32>
      %parallel_loop3A_466 = arith.constant 16 : i32
      %parallel_loop3A_467 = vector.broadcast %parallel_loop3A_466 : i32 to vector<16xi32>
      %parallel_loop3A_468 = arith.shli %parallel_loop3A_465, %parallel_loop3A_467 : vector<16xi32>
      %parallel_loop3A_469 = tpu.bitcast %parallel_loop3A_468 : vector<16xi32> -> vector<16xf32>
      %parallel_loop3A_470 = arith.constant -65536 : i32
      %parallel_loop3A_471 = vector.broadcast %parallel_loop3A_470 : i32 to vector<16xi32>
      %parallel_loop3A_472 = arith.andi %parallel_loop3A_465, %parallel_loop3A_471 : vector<16xi32>
      %parallel_loop3A_473 = tpu.bitcast %parallel_loop3A_472 : vector<16xi32> -> vector<16xf32>
      %parallel_loop3A_474 = arith.index_cast %parallel_loop3A_131 : i32 to index
      %parallel_loop3A_475 = arith.constant 480 : index
      %parallel_loop3A_476 = tpu.vector_load %arg8[%parallel_loop3A_474, %parallel_loop3A_475] {strides = array<i32>} : memref<64x768xf32, #tpu.memory_space<vmem>>, vector<1x16xf32>,
      %parallel_loop3A_477 = vector.shape_cast %parallel_loop3A_476 : vector<1x16xf32> to vector<16xf32>
      %parallel_loop3A_478 = vector.shape_cast %parallel_loop3A_469 : vector<16xf32> to vector<1x16xf32>
      tpu.vector_store %arg8[%parallel_loop3A_474, %parallel_loop3A_475], %parallel_loop3A_478 {add = true, strides = array<i32>} : memref<64x768xf32, #tpu.memory_space<vmem>>, vector<1x16xf32>,
      %parallel_loop3A_479 = arith.index_cast %parallel_loop3A_131 : i32 to index
      %parallel_loop3A_480 = arith.constant 496 : index
      %parallel_loop3A_481 = tpu.vector_load %arg8[%parallel_loop3A_479, %parallel_loop3A_480] {strides = array<i32>} : memref<64x768xf32, #tpu.memory_space<vmem>>, vector<1x16xf32>,
      %parallel_loop3A_482 = vector.shape_cast %parallel_loop3A_481 : vector<1x16xf32> to vector<16xf32>
      %parallel_loop3A_483 = vector.shape_cast %parallel_loop3A_473 : vector<16xf32> to vector<1x16xf32>
      tpu.vector_store %arg8[%parallel_loop3A_479, %parallel_loop3A_480], %parallel_loop3A_483 {add = true, strides = array<i32>} : memref<64x768xf32, #tpu.memory_space<vmem>>, vector<1x16xf32>,
      %parallel_loop3A_484 = arith.index_cast %parallel_loop3A_131 : i32 to index
      %parallel_loop3A_485 = arith.constant 256 : index
      %parallel_loop3A_486 = tpu.vector_load %arg9[%parallel_loop3A_484, %parallel_loop3A_485] {strides = array<i32>} : memref<64x384xi32, #tpu.memory_space<vmem>>, vector<1x16xi32>,
      %parallel_loop3A_487 = vector.shape_cast %parallel_loop3A_486 : vector<1x16xi32> to vector<16xi32>
      %parallel_loop3A_488 = arith.constant 16 : i32
      %parallel_loop3A_489 = vector.broadcast %parallel_loop3A_488 : i32 to vector<16xi32>
      %parallel_loop3A_490 = arith.shli %parallel_loop3A_487, %parallel_loop3A_489 : vector<16xi32>
      %parallel_loop3A_491 = tpu.bitcast %parallel_loop3A_490 : vector<16xi32> -> vector<16xf32>
      %parallel_loop3A_492 = arith.constant -65536 : i32
      %parallel_loop3A_493 = vector.broadcast %parallel_loop3A_492 : i32 to vector<16xi32>
      %parallel_loop3A_494 = arith.andi %parallel_loop3A_487, %parallel_loop3A_493 : vector<16xi32>
      %parallel_loop3A_495 = tpu.bitcast %parallel_loop3A_494 : vector<16xi32> -> vector<16xf32>
      %parallel_loop3A_496 = arith.index_cast %parallel_loop3A_131 : i32 to index
      %parallel_loop3A_497 = arith.constant 512 : index
      %parallel_loop3A_498 = tpu.vector_load %arg8[%parallel_loop3A_496, %parallel_loop3A_497] {strides = array<i32>} : memref<64x768xf32, #tpu.memory_space<vmem>>, vector<1x16xf32>,
      %parallel_loop3A_499 = vector.shape_cast %parallel_loop3A_498 : vector<1x16xf32> to vector<16xf32>
      %parallel_loop3A_500 = vector.shape_cast %parallel_loop3A_491 : vector<16xf32> to vector<1x16xf32>
      tpu.vector_store %arg8[%parallel_loop3A_496, %parallel_loop3A_497], %parallel_loop3A_500 {add = true, strides = array<i32>} : memref<64x768xf32, #tpu.memory_space<vmem>>, vector<1x16xf32>,
      %parallel_loop3A_501 = arith.index_cast %parallel_loop3A_131 : i32 to index
      %parallel_loop3A_502 = arith.constant 528 : index
      %parallel_loop3A_503 = tpu.vector_load %arg8[%parallel_loop3A_501, %parallel_loop3A_502] {strides = array<i32>} : memref<64x768xf32, #tpu.memory_space<vmem>>, vector<1x16xf32>,
      %parallel_loop3A_504 = vector.shape_cast %parallel_loop3A_503 : vector<1x16xf32> to vector<16xf32>
      %parallel_loop3A_505 = vector.shape_cast %parallel_loop3A_495 : vector<16xf32> to vector<1x16xf32>
      tpu.vector_store %arg8[%parallel_loop3A_501, %parallel_loop3A_502], %parallel_loop3A_505 {add = true, strides = array<i32>} : memref<64x768xf32, #tpu.memory_space<vmem>>, vector<1x16xf32>,
      %parallel_loop3A_506 = arith.index_cast %parallel_loop3A_131 : i32 to index
      %parallel_loop3A_507 = arith.constant 272 : index
      %parallel_loop3A_508 = tpu.vector_load %arg9[%parallel_loop3A_506, %parallel_loop3A_507] {strides = array<i32>} : memref<64x384xi32, #tpu.memory_space<vmem>>, vector<1x16xi32>,
      %parallel_loop3A_509 = vector.shape_cast %parallel_loop3A_508 : vector<1x16xi32> to vector<16xi32>
      %parallel_loop3A_510 = arith.constant 16 : i32
      %parallel_loop3A_511 = vector.broadcast %parallel_loop3A_510 : i32 to vector<16xi32>
      %parallel_loop3A_512 = arith.shli %parallel_loop3A_509, %parallel_loop3A_511 : vector<16xi32>
      %parallel_loop3A_513 = tpu.bitcast %parallel_loop3A_512 : vector<16xi32> -> vector<16xf32>
      %parallel_loop3A_514 = arith.constant -65536 : i32
      %parallel_loop3A_515 = vector.broadcast %parallel_loop3A_514 : i32 to vector<16xi32>
      %parallel_loop3A_516 = arith.andi %parallel_loop3A_509, %parallel_loop3A_515 : vector<16xi32>
      %parallel_loop3A_517 = tpu.bitcast %parallel_loop3A_516 : vector<16xi32> -> vector<16xf32>
      %parallel_loop3A_518 = arith.index_cast %parallel_loop3A_131 : i32 to index
      %parallel_loop3A_519 = arith.constant 544 : index
      %parallel_loop3A_520 = tpu.vector_load %arg8[%parallel_loop3A_518, %parallel_loop3A_519] {strides = array<i32>} : memref<64x768xf32, #tpu.memory_space<vmem>>, vector<1x16xf32>,
      %parallel_loop3A_521 = vector.shape_cast %parallel_loop3A_520 : vector<1x16xf32> to vector<16xf32>
      %parallel_loop3A_522 = vector.shape_cast %parallel_loop3A_513 : vector<16xf32> to vector<1x16xf32>
      tpu.vector_store %arg8[%parallel_loop3A_518, %parallel_loop3A_519], %parallel_loop3A_522 {add = true, strides = array<i32>} : memref<64x768xf32, #tpu.memory_space<vmem>>, vector<1x16xf32>,
      %parallel_loop3A_523 = arith.index_cast %parallel_loop3A_131 : i32 to index
      %parallel_loop3A_524 = arith.constant 560 : index
      %parallel_loop3A_525 = tpu.vector_load %arg8[%parallel_loop3A_523, %parallel_loop3A_524] {strides = array<i32>} : memref<64x768xf32, #tpu.memory_space<vmem>>, vector<1x16xf32>,
      %parallel_loop3A_526 = vector.shape_cast %parallel_loop3A_525 : vector<1x16xf32> to vector<16xf32>
      %parallel_loop3A_527 = vector.shape_cast %parallel_loop3A_517 : vector<16xf32> to vector<1x16xf32>
      tpu.vector_store %arg8[%parallel_loop3A_523, %parallel_loop3A_524], %parallel_loop3A_527 {add = true, strides = array<i32>} : memref<64x768xf32, #tpu.memory_space<vmem>>, vector<1x16xf32>,
      %parallel_loop3A_528 = arith.index_cast %parallel_loop3A_131 : i32 to index
      %parallel_loop3A_529 = arith.constant 288 : index
      %parallel_loop3A_530 = tpu.vector_load %arg9[%parallel_loop3A_528, %parallel_loop3A_529] {strides = array<i32>} : memref<64x384xi32, #tpu.memory_space<vmem>>, vector<1x16xi32>,
      %parallel_loop3A_531 = vector.shape_cast %parallel_loop3A_530 : vector<1x16xi32> to vector<16xi32>
      %parallel_loop3A_532 = arith.constant 16 : i32
      %parallel_loop3A_533 = vector.broadcast %parallel_loop3A_532 : i32 to vector<16xi32>
      %parallel_loop3A_534 = arith.shli %parallel_loop3A_531, %parallel_loop3A_533 : vector<16xi32>
      %parallel_loop3A_535 = tpu.bitcast %parallel_loop3A_534 : vector<16xi32> -> vector<16xf32>
      %parallel_loop3A_536 = arith.constant -65536 : i32
      %parallel_loop3A_537 = vector.broadcast %parallel_loop3A_536 : i32 to vector<16xi32>
      %parallel_loop3A_538 = arith.andi %parallel_loop3A_531, %parallel_loop3A_537 : vector<16xi32>
      %parallel_loop3A_539 = tpu.bitcast %parallel_loop3A_538 : vector<16xi32> -> vector<16xf32>
      %parallel_loop3A_540 = arith.index_cast %parallel_loop3A_131 : i32 to index
      %parallel_loop3A_541 = arith.constant 576 : index
      %parallel_loop3A_542 = tpu.vector_load %arg8[%parallel_loop3A_540, %parallel_loop3A_541] {strides = array<i32>} : memref<64x768xf32, #tpu.memory_space<vmem>>, vector<1x16xf32>,
      %parallel_loop3A_543 = vector.shape_cast %parallel_loop3A_542 : vector<1x16xf32> to vector<16xf32>
      %parallel_loop3A_544 = vector.shape_cast %parallel_loop3A_535 : vector<16xf32> to vector<1x16xf32>
      tpu.vector_store %arg8[%parallel_loop3A_540, %parallel_loop3A_541], %parallel_loop3A_544 {add = true, strides = array<i32>} : memref<64x768xf32, #tpu.memory_space<vmem>>, vector<1x16xf32>,
      %parallel_loop3A_545 = arith.index_cast %parallel_loop3A_131 : i32 to index
      %parallel_loop3A_546 = arith.constant 592 : index
      %parallel_loop3A_547 = tpu.vector_load %arg8[%parallel_loop3A_545, %parallel_loop3A_546] {strides = array<i32>} : memref<64x768xf32, #tpu.memory_space<vmem>>, vector<1x16xf32>,
      %parallel_loop3A_548 = vector.shape_cast %parallel_loop3A_547 : vector<1x16xf32> to vector<16xf32>
      %parallel_loop3A_549 = vector.shape_cast %parallel_loop3A_539 : vector<16xf32> to vector<1x16xf32>
      tpu.vector_store %arg8[%parallel_loop3A_545, %parallel_loop3A_546], %parallel_loop3A_549 {add = true, strides = array<i32>} : memref<64x768xf32, #tpu.memory_space<vmem>>, vector<1x16xf32>,
      %parallel_loop3A_550 = arith.index_cast %parallel_loop3A_131 : i32 to index
      %parallel_loop3A_551 = arith.constant 304 : index
      %parallel_loop3A_552 = tpu.vector_load %arg9[%parallel_loop3A_550, %parallel_loop3A_551] {strides = array<i32>} : memref<64x384xi32, #tpu.memory_space<vmem>>, vector<1x16xi32>,
      %parallel_loop3A_553 = vector.shape_cast %parallel_loop3A_552 : vector<1x16xi32> to vector<16xi32>
      %parallel_loop3A_554 = arith.constant 16 : i32
      %parallel_loop3A_555 = vector.broadcast %parallel_loop3A_554 : i32 to vector<16xi32>
      %parallel_loop3A_556 = arith.shli %parallel_loop3A_553, %parallel_loop3A_555 : vector<16xi32>
      %parallel_loop3A_557 = tpu.bitcast %parallel_loop3A_556 : vector<16xi32> -> vector<16xf32>
      %parallel_loop3A_558 = arith.constant -65536 : i32
      %parallel_loop3A_559 = vector.broadcast %parallel_loop3A_558 : i32 to vector<16xi32>
      %parallel_loop3A_560 = arith.andi %parallel_loop3A_553, %parallel_loop3A_559 : vector<16xi32>
      %parallel_loop3A_561 = tpu.bitcast %parallel_loop3A_560 : vector<16xi32> -> vector<16xf32>
      %parallel_loop3A_562 = arith.index_cast %parallel_loop3A_131 : i32 to index
      %parallel_loop3A_563 = arith.constant 608 : index
      %parallel_loop3A_564 = tpu.vector_load %arg8[%parallel_loop3A_562, %parallel_loop3A_563] {strides = array<i32>} : memref<64x768xf32, #tpu.memory_space<vmem>>, vector<1x16xf32>,
      %parallel_loop3A_565 = vector.shape_cast %parallel_loop3A_564 : vector<1x16xf32> to vector<16xf32>
      %parallel_loop3A_566 = vector.shape_cast %parallel_loop3A_557 : vector<16xf32> to vector<1x16xf32>
      tpu.vector_store %arg8[%parallel_loop3A_562, %parallel_loop3A_563], %parallel_loop3A_566 {add = true, strides = array<i32>} : memref<64x768xf32, #tpu.memory_space<vmem>>, vector<1x16xf32>,
      %parallel_loop3A_567 = arith.index_cast %parallel_loop3A_131 : i32 to index
      %parallel_loop3A_568 = arith.constant 624 : index
      %parallel_loop3A_569 = tpu.vector_load %arg8[%parallel_loop3A_567, %parallel_loop3A_568] {strides = array<i32>} : memref<64x768xf32, #tpu.memory_space<vmem>>, vector<1x16xf32>,
      %parallel_loop3A_570 = vector.shape_cast %parallel_loop3A_569 : vector<1x16xf32> to vector<16xf32>
      %parallel_loop3A_571 = vector.shape_cast %parallel_loop3A_561 : vector<16xf32> to vector<1x16xf32>
      tpu.vector_store %arg8[%parallel_loop3A_567, %parallel_loop3A_568], %parallel_loop3A_571 {add = true, strides = array<i32>} : memref<64x768xf32, #tpu.memory_space<vmem>>, vector<1x16xf32>,
      %parallel_loop3A_572 = arith.index_cast %parallel_loop3A_131 : i32 to index
      %parallel_loop3A_573 = arith.constant 320 : index
      %parallel_loop3A_574 = tpu.vector_load %arg9[%parallel_loop3A_572, %parallel_loop3A_573] {strides = array<i32>} : memref<64x384xi32, #tpu.memory_space<vmem>>, vector<1x16xi32>,
      %parallel_loop3A_575 = vector.shape_cast %parallel_loop3A_574 : vector<1x16xi32> to vector<16xi32>
      %parallel_loop3A_576 = arith.constant 16 : i32
      %parallel_loop3A_577 = vector.broadcast %parallel_loop3A_576 : i32 to vector<16xi32>
      %parallel_loop3A_578 = arith.shli %parallel_loop3A_575, %parallel_loop3A_577 : vector<16xi32>
      %parallel_loop3A_579 = tpu.bitcast %parallel_loop3A_578 : vector<16xi32> -> vector<16xf32>
      %parallel_loop3A_580 = arith.constant -65536 : i32
      %parallel_loop3A_581 = vector.broadcast %parallel_loop3A_580 : i32 to vector<16xi32>
      %parallel_loop3A_582 = arith.andi %parallel_loop3A_575, %parallel_loop3A_581 : vector<16xi32>
      %parallel_loop3A_583 = tpu.bitcast %parallel_loop3A_582 : vector<16xi32> -> vector<16xf32>
      %parallel_loop3A_584 = arith.index_cast %parallel_loop3A_131 : i32 to index
      %parallel_loop3A_585 = arith.constant 640 : index
      %parallel_loop3A_586 = tpu.vector_load %arg8[%parallel_loop3A_584, %parallel_loop3A_585] {strides = array<i32>} : memref<64x768xf32, #tpu.memory_space<vmem>>, vector<1x16xf32>,
      %parallel_loop3A_587 = vector.shape_cast %parallel_loop3A_586 : vector<1x16xf32> to vector<16xf32>
      %parallel_loop3A_588 = vector.shape_cast %parallel_loop3A_579 : vector<16xf32> to vector<1x16xf32>
      tpu.vector_store %arg8[%parallel_loop3A_584, %parallel_loop3A_585], %parallel_loop3A_588 {add = true, strides = array<i32>} : memref<64x768xf32, #tpu.memory_space<vmem>>, vector<1x16xf32>,
      %parallel_loop3A_589 = arith.index_cast %parallel_loop3A_131 : i32 to index
      %parallel_loop3A_590 = arith.constant 656 : index
      %parallel_loop3A_591 = tpu.vector_load %arg8[%parallel_loop3A_589, %parallel_loop3A_590] {strides = array<i32>} : memref<64x768xf32, #tpu.memory_space<vmem>>, vector<1x16xf32>,
      %parallel_loop3A_592 = vector.shape_cast %parallel_loop3A_591 : vector<1x16xf32> to vector<16xf32>
      %parallel_loop3A_593 = vector.shape_cast %parallel_loop3A_583 : vector<16xf32> to vector<1x16xf32>
      tpu.vector_store %arg8[%parallel_loop3A_589, %parallel_loop3A_590], %parallel_loop3A_593 {add = true, strides = array<i32>} : memref<64x768xf32, #tpu.memory_space<vmem>>, vector<1x16xf32>,
      %parallel_loop3A_594 = arith.index_cast %parallel_loop3A_131 : i32 to index
      %parallel_loop3A_595 = arith.constant 336 : index
      %parallel_loop3A_596 = tpu.vector_load %arg9[%parallel_loop3A_594, %parallel_loop3A_595] {strides = array<i32>} : memref<64x384xi32, #tpu.memory_space<vmem>>, vector<1x16xi32>,
      %parallel_loop3A_597 = vector.shape_cast %parallel_loop3A_596 : vector<1x16xi32> to vector<16xi32>
      %parallel_loop3A_598 = arith.constant 16 : i32
      %parallel_loop3A_599 = vector.broadcast %parallel_loop3A_598 : i32 to vector<16xi32>
      %parallel_loop3A_600 = arith.shli %parallel_loop3A_597, %parallel_loop3A_599 : vector<16xi32>
      %parallel_loop3A_601 = tpu.bitcast %parallel_loop3A_600 : vector<16xi32> -> vector<16xf32>
      %parallel_loop3A_602 = arith.constant -65536 : i32
      %parallel_loop3A_603 = vector.broadcast %parallel_loop3A_602 : i32 to vector<16xi32>
      %parallel_loop3A_604 = arith.andi %parallel_loop3A_597, %parallel_loop3A_603 : vector<16xi32>
      %parallel_loop3A_605 = tpu.bitcast %parallel_loop3A_604 : vector<16xi32> -> vector<16xf32>
      %parallel_loop3A_606 = arith.index_cast %parallel_loop3A_131 : i32 to index
      %parallel_loop3A_607 = arith.constant 672 : index
      %parallel_loop3A_608 = tpu.vector_load %arg8[%parallel_loop3A_606, %parallel_loop3A_607] {strides = array<i32>} : memref<64x768xf32, #tpu.memory_space<vmem>>, vector<1x16xf32>,
      %parallel_loop3A_609 = vector.shape_cast %parallel_loop3A_608 : vector<1x16xf32> to vector<16xf32>
      %parallel_loop3A_610 = vector.shape_cast %parallel_loop3A_601 : vector<16xf32> to vector<1x16xf32>
      tpu.vector_store %arg8[%parallel_loop3A_606, %parallel_loop3A_607], %parallel_loop3A_610 {add = true, strides = array<i32>} : memref<64x768xf32, #tpu.memory_space<vmem>>, vector<1x16xf32>,
      %parallel_loop3A_611 = arith.index_cast %parallel_loop3A_131 : i32 to index
      %parallel_loop3A_612 = arith.constant 688 : index
      %parallel_loop3A_613 = tpu.vector_load %arg8[%parallel_loop3A_611, %parallel_loop3A_612] {strides = array<i32>} : memref<64x768xf32, #tpu.memory_space<vmem>>, vector<1x16xf32>,
      %parallel_loop3A_614 = vector.shape_cast %parallel_loop3A_613 : vector<1x16xf32> to vector<16xf32>
      %parallel_loop3A_615 = vector.shape_cast %parallel_loop3A_605 : vector<16xf32> to vector<1x16xf32>
      tpu.vector_store %arg8[%parallel_loop3A_611, %parallel_loop3A_612], %parallel_loop3A_615 {add = true, strides = array<i32>} : memref<64x768xf32, #tpu.memory_space<vmem>>, vector<1x16xf32>,
      %parallel_loop3A_616 = arith.index_cast %parallel_loop3A_131 : i32 to index
      %parallel_loop3A_617 = arith.constant 352 : index
      %parallel_loop3A_618 = tpu.vector_load %arg9[%parallel_loop3A_616, %parallel_loop3A_617] {strides = array<i32>} : memref<64x384xi32, #tpu.memory_space<vmem>>, vector<1x16xi32>,
      %parallel_loop3A_619 = vector.shape_cast %parallel_loop3A_618 : vector<1x16xi32> to vector<16xi32>
      %parallel_loop3A_620 = arith.constant 16 : i32
      %parallel_loop3A_621 = vector.broadcast %parallel_loop3A_620 : i32 to vector<16xi32>
      %parallel_loop3A_622 = arith.shli %parallel_loop3A_619, %parallel_loop3A_621 : vector<16xi32>
      %parallel_loop3A_623 = tpu.bitcast %parallel_loop3A_622 : vector<16xi32> -> vector<16xf32>
      %parallel_loop3A_624 = arith.constant -65536 : i32
      %parallel_loop3A_625 = vector.broadcast %parallel_loop3A_624 : i32 to vector<16xi32>
      %parallel_loop3A_626 = arith.andi %parallel_loop3A_619, %parallel_loop3A_625 : vector<16xi32>
      %parallel_loop3A_627 = tpu.bitcast %parallel_loop3A_626 : vector<16xi32> -> vector<16xf32>
      %parallel_loop3A_628 = arith.index_cast %parallel_loop3A_131 : i32 to index
      %parallel_loop3A_629 = arith.constant 704 : index
      %parallel_loop3A_630 = tpu.vector_load %arg8[%parallel_loop3A_628, %parallel_loop3A_629] {strides = array<i32>} : memref<64x768xf32, #tpu.memory_space<vmem>>, vector<1x16xf32>,
      %parallel_loop3A_631 = vector.shape_cast %parallel_loop3A_630 : vector<1x16xf32> to vector<16xf32>
      %parallel_loop3A_632 = vector.shape_cast %parallel_loop3A_623 : vector<16xf32> to vector<1x16xf32>
      tpu.vector_store %arg8[%parallel_loop3A_628, %parallel_loop3A_629], %parallel_loop3A_632 {add = true, strides = array<i32>} : memref<64x768xf32, #tpu.memory_space<vmem>>, vector<1x16xf32>,
      %parallel_loop3A_633 = arith.index_cast %parallel_loop3A_131 : i32 to index
      %parallel_loop3A_634 = arith.constant 720 : index
      %parallel_loop3A_635 = tpu.vector_load %arg8[%parallel_loop3A_633, %parallel_loop3A_634] {strides = array<i32>} : memref<64x768xf32, #tpu.memory_space<vmem>>, vector<1x16xf32>,
      %parallel_loop3A_636 = vector.shape_cast %parallel_loop3A_635 : vector<1x16xf32> to vector<16xf32>
      %parallel_loop3A_637 = vector.shape_cast %parallel_loop3A_627 : vector<16xf32> to vector<1x16xf32>
      tpu.vector_store %arg8[%parallel_loop3A_633, %parallel_loop3A_634], %parallel_loop3A_637 {add = true, strides = array<i32>} : memref<64x768xf32, #tpu.memory_space<vmem>>, vector<1x16xf32>,
      %parallel_loop3A_638 = arith.index_cast %parallel_loop3A_131 : i32 to index
      %parallel_loop3A_639 = arith.constant 368 : index
      %parallel_loop3A_640 = tpu.vector_load %arg9[%parallel_loop3A_638, %parallel_loop3A_639] {strides = array<i32>} : memref<64x384xi32, #tpu.memory_space<vmem>>, vector<1x16xi32>,
      %parallel_loop3A_641 = vector.shape_cast %parallel_loop3A_640 : vector<1x16xi32> to vector<16xi32>
      %parallel_loop3A_642 = arith.constant 16 : i32
      %parallel_loop3A_643 = vector.broadcast %parallel_loop3A_642 : i32 to vector<16xi32>
      %parallel_loop3A_644 = arith.shli %parallel_loop3A_641, %parallel_loop3A_643 : vector<16xi32>
      %parallel_loop3A_645 = tpu.bitcast %parallel_loop3A_644 : vector<16xi32> -> vector<16xf32>
      %parallel_loop3A_646 = arith.constant -65536 : i32
      %parallel_loop3A_647 = vector.broadcast %parallel_loop3A_646 : i32 to vector<16xi32>
      %parallel_loop3A_648 = arith.andi %parallel_loop3A_641, %parallel_loop3A_647 : vector<16xi32>
      %parallel_loop3A_649 = tpu.bitcast %parallel_loop3A_648 : vector<16xi32> -> vector<16xf32>
      %parallel_loop3A_650 = arith.index_cast %parallel_loop3A_131 : i32 to index
      %parallel_loop3A_651 = arith.constant 736 : index
      %parallel_loop3A_652 = tpu.vector_load %arg8[%parallel_loop3A_650, %parallel_loop3A_651] {strides = array<i32>} : memref<64x768xf32, #tpu.memory_space<vmem>>, vector<1x16xf32>,
      %parallel_loop3A_653 = vector.shape_cast %parallel_loop3A_652 : vector<1x16xf32> to vector<16xf32>
      %parallel_loop3A_654 = vector.shape_cast %parallel_loop3A_645 : vector<16xf32> to vector<1x16xf32>
      tpu.vector_store %arg8[%parallel_loop3A_650, %parallel_loop3A_651], %parallel_loop3A_654 {add = true, strides = array<i32>} : memref<64x768xf32, #tpu.memory_space<vmem>>, vector<1x16xf32>,
      %parallel_loop3A_655 = arith.index_cast %parallel_loop3A_131 : i32 to index
      %parallel_loop3A_656 = arith.constant 752 : index
      %parallel_loop3A_657 = tpu.vector_load %arg8[%parallel_loop3A_655, %parallel_loop3A_656] {strides = array<i32>} : memref<64x768xf32, #tpu.memory_space<vmem>>, vector<1x16xf32>,
      %parallel_loop3A_658 = vector.shape_cast %parallel_loop3A_657 : vector<1x16xf32> to vector<16xf32>
      %parallel_loop3A_659 = vector.shape_cast %parallel_loop3A_649 : vector<16xf32> to vector<1x16xf32>
      tpu.vector_store %arg8[%parallel_loop3A_655, %parallel_loop3A_656], %parallel_loop3A_659 {add = true, strides = array<i32>} : memref<64x768xf32, #tpu.memory_space<vmem>>, vector<1x16xf32>,
    } {sc.loop_unroll_factor = 2 : i64, sc.parallel_access}
    %dma_start3A_62 = arith.constant 1 : i32
    %dma_start3A_63 = arith.constant 0 : i32
    %dma_start3A_64 = tpu.memref_slice %arg5[%dma_start3A_62, %mul3A_2, %dma_start3A_63] : memref<4x2048x768xf32, #tpu.memory_space<hbm>> -> memref<1x64x768xf32, #tpu.memory_space<hbm>>
    %dma_start3A_65 = tpu.memref_squeeze %dma_start3A_64 : memref<1x64x768xf32, #tpu.memory_space<hbm>> -> memref<64x768xf32, #tpu.memory_space<hbm>>
    %dma_start3A_66 = arith.constant 0 : i32
    %dma_start3A_67 = tpu.memref_slice %arg5[%dma_start3A_62, %mul3A_2, %dma_start3A_66] : memref<4x2048x768xf32, #tpu.memory_space<hbm>> -> memref<1x64x768xf32, #tpu.memory_space<hbm>>
    %dma_start3A_68 = tpu.memref_squeeze %dma_start3A_67 : memref<1x64x768xf32, #tpu.memory_space<hbm>> -> memref<64x768xf32, #tpu.memory_space<hbm>>
    tpu.enqueue_dma source(%arg8 : memref<64x768xf32, #tpu.memory_space<vmem>>) target(%dma_start3A_68 : memref<64x768xf32, #tpu.memory_space<hbm>>) target_semaphore(%arg13 : memref<!tpu.dma_semaphore, #tpu.memory_space<semaphore_mem>>)
    %dma_wait3A_69 = arith.constant 1 : i32
    %dma_wait3A_70 = arith.constant 0 : i32
    %dma_wait3A_71 = tpu.memref_slice %arg5[%dma_wait3A_69, %mul3A_2, %dma_wait3A_70] : memref<4x2048x768xf32, #tpu.memory_space<hbm>> -> memref<1x64x768xf32, #tpu.memory_space<hbm>>
    %dma_wait3A_72 = tpu.memref_squeeze %dma_wait3A_71 : memref<1x64x768xf32, #tpu.memory_space<hbm>> -> memref<64x768xf32, #tpu.memory_space<hbm>>
    %dma_wait3A_73 = arith.constant 0 : i32
    %dma_wait3A_74 = tpu.memref_slice %arg5[%dma_wait3A_69, %mul3A_2, %dma_wait3A_73] : memref<4x2048x768xf32, #tpu.memory_space<hbm>> -> memref<1x64x768xf32, #tpu.memory_space<hbm>>
    %dma_wait3A_75 = tpu.memref_squeeze %dma_wait3A_74 : memref<1x64x768xf32, #tpu.memory_space<hbm>> -> memref<64x768xf32, #tpu.memory_space<hbm>>
    tpu.wait_dma2 semaphore(%arg13 : memref<!tpu.dma_semaphore, #tpu.memory_space<semaphore_mem>>) src(%arg8 : memref<64x768xf32, #tpu.memory_space<vmem>>) dst(%dma_wait3A_75 : memref<64x768xf32, #tpu.memory_space<hbm>>)
    %dma_start3A_76 = arith.constant 3 : i32
    %dma_start3A_77 = arith.constant 0 : i32
    %dma_start3A_78 = tpu.memref_slice %arg6[%dma_start3A_76, %dma_start3A_77] : memref<4x64xi32, #tpu.memory_space<vmem>> -> memref<1x64xi32, #tpu.memory_space<vmem>>
    %dma_start3A_79 = tpu.memref_squeeze %dma_start3A_78 : memref<1x64xi32, #tpu.memory_space<vmem>> -> memref<64xi32, #tpu.memory_space<vmem>>
    %dma_start3A_80 = arith.constant 0 : i32
    %dma_start3A_81 = arith.constant 0 : i32
    %dma_start3A_82 = tpu.memref_slice %arg3[%dma_start3A_80, %dma_start3A_81] : memref<100000x768xf32, #tpu.memory_space<hbm>> -> memref<100000x768xf32, #tpu.memory_space<hbm>>
    tpu.enqueue_indirect_dma source(%dma_start3A_82 : memref<100000x768xf32, #tpu.memory_space<hbm>>) target(%arg8 : memref<64x768xf32, #tpu.memory_space<vmem>>) offsets(%dma_start3A_79 : memref<64xi32, #tpu.memory_space<vmem>>) semaphore(%arg11 : memref<!tpu.dma_semaphore, #tpu.memory_space<semaphore_mem>>)
    %dma_wait3A_83 = arith.constant 2 : i32
    %dma_wait3A_84 = arith.constant 0 : i32
    %dma_wait3A_85 = tpu.memref_slice %arg6[%dma_wait3A_83, %dma_wait3A_84] : memref<4x64xi32, #tpu.memory_space<vmem>> -> memref<1x64xi32, #tpu.memory_space<vmem>>
    %dma_wait3A_86 = tpu.memref_squeeze %dma_wait3A_85 : memref<1x64xi32, #tpu.memory_space<vmem>> -> memref<64xi32, #tpu.memory_space<vmem>>
    %dma_wait3A_87 = arith.constant 0 : i32
    %dma_wait3A_88 = arith.constant 0 : i32
    %dma_wait3A_89 = tpu.memref_slice %arg3[%dma_wait3A_87, %dma_wait3A_88] : memref<100000x768xf32, #tpu.memory_space<hbm>> -> memref<100000x768xf32, #tpu.memory_space<hbm>>
    tpu.wait_indirect_dma semaphore(%arg10 : memref<!tpu.dma_semaphore, #tpu.memory_space<semaphore_mem>>) src(%dma_wait3A_89 : memref<100000x768xf32, #tpu.memory_space<hbm>>) dst(%arg7 : memref<64x768xf32, #tpu.memory_space<vmem>>)
    %parallel_loop3A_90 = arith.constant 0 : i32
    %parallel_loop3A_91 = arith.constant 64 : i32
    %parallel_loop3A_92 = arith.constant 1 : i32
    scf.for %parallel_loop3A_131 = %parallel_loop3A_90 to %parallel_loop3A_91 step %parallel_loop3A_92  : i32 {
      %parallel_loop3A_132 = arith.index_cast %parallel_loop3A_131 : i32 to index
      %parallel_loop3A_133 = arith.constant 0 : index
      %parallel_loop3A_134 = tpu.vector_load %arg9[%parallel_loop3A_132, %parallel_loop3A_133] {strides = array<i32>} : memref<64x384xi32, #tpu.memory_space<vmem>>, vector<1x16xi32>,
      %parallel_loop3A_135 = vector.shape_cast %parallel_loop3A_134 : vector<1x16xi32> to vector<16xi32>
      %parallel_loop3A_136 = arith.constant 16 : i32
      %parallel_loop3A_137 = vector.broadcast %parallel_loop3A_136 : i32 to vector<16xi32>
      %parallel_loop3A_138 = arith.shli %parallel_loop3A_135, %parallel_loop3A_137 : vector<16xi32>
      %parallel_loop3A_139 = tpu.bitcast %parallel_loop3A_138 : vector<16xi32> -> vector<16xf32>
      %parallel_loop3A_140 = arith.constant -65536 : i32
      %parallel_loop3A_141 = vector.broadcast %parallel_loop3A_140 : i32 to vector<16xi32>
      %parallel_loop3A_142 = arith.andi %parallel_loop3A_135, %parallel_loop3A_141 : vector<16xi32>
      %parallel_loop3A_143 = tpu.bitcast %parallel_loop3A_142 : vector<16xi32> -> vector<16xf32>
      %parallel_loop3A_144 = arith.index_cast %parallel_loop3A_131 : i32 to index
      %parallel_loop3A_145 = arith.constant 0 : index
      %parallel_loop3A_146 = tpu.vector_load %arg7[%parallel_loop3A_144, %parallel_loop3A_145] {strides = array<i32>} : memref<64x768xf32, #tpu.memory_space<vmem>>, vector<1x16xf32>,
      %parallel_loop3A_147 = vector.shape_cast %parallel_loop3A_146 : vector<1x16xf32> to vector<16xf32>
      %parallel_loop3A_148 = vector.shape_cast %parallel_loop3A_139 : vector<16xf32> to vector<1x16xf32>
      tpu.vector_store %arg7[%parallel_loop3A_144, %parallel_loop3A_145], %parallel_loop3A_148 {add = true, strides = array<i32>} : memref<64x768xf32, #tpu.memory_space<vmem>>, vector<1x16xf32>,
      %parallel_loop3A_149 = arith.index_cast %parallel_loop3A_131 : i32 to index
      %parallel_loop3A_150 = arith.constant 16 : index
      %parallel_loop3A_151 = tpu.vector_load %arg7[%parallel_loop3A_149, %parallel_loop3A_150] {strides = array<i32>} : memref<64x768xf32, #tpu.memory_space<vmem>>, vector<1x16xf32>,
      %parallel_loop3A_152 = vector.shape_cast %parallel_loop3A_151 : vector<1x16xf32> to vector<16xf32>
      %parallel_loop3A_153 = vector.shape_cast %parallel_loop3A_143 : vector<16xf32> to vector<1x16xf32>
      tpu.vector_store %arg7[%parallel_loop3A_149, %parallel_loop3A_150], %parallel_loop3A_153 {add = true, strides = array<i32>} : memref<64x768xf32, #tpu.memory_space<vmem>>, vector<1x16xf32>,
      %parallel_loop3A_154 = arith.index_cast %parallel_loop3A_131 : i32 to index
      %parallel_loop3A_155 = arith.constant 16 : index
      %parallel_loop3A_156 = tpu.vector_load %arg9[%parallel_loop3A_154, %parallel_loop3A_155] {strides = array<i32>} : memref<64x384xi32, #tpu.memory_space<vmem>>, vector<1x16xi32>,
      %parallel_loop3A_157 = vector.shape_cast %parallel_loop3A_156 : vector<1x16xi32> to vector<16xi32>
      %parallel_loop3A_158 = arith.constant 16 : i32
      %parallel_loop3A_159 = vector.broadcast %parallel_loop3A_158 : i32 to vector<16xi32>
      %parallel_loop3A_160 = arith.shli %parallel_loop3A_157, %parallel_loop3A_159 : vector<16xi32>
      %parallel_loop3A_161 = tpu.bitcast %parallel_loop3A_160 : vector<16xi32> -> vector<16xf32>
      %parallel_loop3A_162 = arith.constant -65536 : i32
      %parallel_loop3A_163 = vector.broadcast %parallel_loop3A_162 : i32 to vector<16xi32>
      %parallel_loop3A_164 = arith.andi %parallel_loop3A_157, %parallel_loop3A_163 : vector<16xi32>
      %parallel_loop3A_165 = tpu.bitcast %parallel_loop3A_164 : vector<16xi32> -> vector<16xf32>
      %parallel_loop3A_166 = arith.index_cast %parallel_loop3A_131 : i32 to index
      %parallel_loop3A_167 = arith.constant 32 : index
      %parallel_loop3A_168 = tpu.vector_load %arg7[%parallel_loop3A_166, %parallel_loop3A_167] {strides = array<i32>} : memref<64x768xf32, #tpu.memory_space<vmem>>, vector<1x16xf32>,
      %parallel_loop3A_169 = vector.shape_cast %parallel_loop3A_168 : vector<1x16xf32> to vector<16xf32>
      %parallel_loop3A_170 = vector.shape_cast %parallel_loop3A_161 : vector<16xf32> to vector<1x16xf32>
      tpu.vector_store %arg7[%parallel_loop3A_166, %parallel_loop3A_167], %parallel_loop3A_170 {add = true, strides = array<i32>} : memref<64x768xf32, #tpu.memory_space<vmem>>, vector<1x16xf32>,
      %parallel_loop3A_171 = arith.index_cast %parallel_loop3A_131 : i32 to index
      %parallel_loop3A_172 = arith.constant 48 : index
      %parallel_loop3A_173 = tpu.vector_load %arg7[%parallel_loop3A_171, %parallel_loop3A_172] {strides = array<i32>} : memref<64x768xf32, #tpu.memory_space<vmem>>, vector<1x16xf32>,
      %parallel_loop3A_174 = vector.shape_cast %parallel_loop3A_173 : vector<1x16xf32> to vector<16xf32>
      %parallel_loop3A_175 = vector.shape_cast %parallel_loop3A_165 : vector<16xf32> to vector<1x16xf32>
      tpu.vector_store %arg7[%parallel_loop3A_171, %parallel_loop3A_172], %parallel_loop3A_175 {add = true, strides = array<i32>} : memref<64x768xf32, #tpu.memory_space<vmem>>, vector<1x16xf32>,
      %parallel_loop3A_176 = arith.index_cast %parallel_loop3A_131 : i32 to index
      %parallel_loop3A_177 = arith.constant 32 : index
      %parallel_loop3A_178 = tpu.vector_load %arg9[%parallel_loop3A_176, %parallel_loop3A_177] {strides = array<i32>} : memref<64x384xi32, #tpu.memory_space<vmem>>, vector<1x16xi32>,
      %parallel_loop3A_179 = vector.shape_cast %parallel_loop3A_178 : vector<1x16xi32> to vector<16xi32>
      %parallel_loop3A_180 = arith.constant 16 : i32
      %parallel_loop3A_181 = vector.broadcast %parallel_loop3A_180 : i32 to vector<16xi32>
      %parallel_loop3A_182 = arith.shli %parallel_loop3A_179, %parallel_loop3A_181 : vector<16xi32>
      %parallel_loop3A_183 = tpu.bitcast %parallel_loop3A_182 : vector<16xi32> -> vector<16xf32>
      %parallel_loop3A_184 = arith.constant -65536 : i32
      %parallel_loop3A_185 = vector.broadcast %parallel_loop3A_184 : i32 to vector<16xi32>
      %parallel_loop3A_186 = arith.andi %parallel_loop3A_179, %parallel_loop3A_185 : vector<16xi32>
      %parallel_loop3A_187 = tpu.bitcast %parallel_loop3A_186 : vector<16xi32> -> vector<16xf32>
      %parallel_loop3A_188 = arith.index_cast %parallel_loop3A_131 : i32 to index
      %parallel_loop3A_189 = arith.constant 64 : index
      %parallel_loop3A_190 = tpu.vector_load %arg7[%parallel_loop3A_188, %parallel_loop3A_189] {strides = array<i32>} : memref<64x768xf32, #tpu.memory_space<vmem>>, vector<1x16xf32>,
      %parallel_loop3A_191 = vector.shape_cast %parallel_loop3A_190 : vector<1x16xf32> to vector<16xf32>
      %parallel_loop3A_192 = vector.shape_cast %parallel_loop3A_183 : vector<16xf32> to vector<1x16xf32>
      tpu.vector_store %arg7[%parallel_loop3A_188, %parallel_loop3A_189], %parallel_loop3A_192 {add = true, strides = array<i32>} : memref<64x768xf32, #tpu.memory_space<vmem>>, vector<1x16xf32>,
      %parallel_loop3A_193 = arith.index_cast %parallel_loop3A_131 : i32 to index
      %parallel_loop3A_194 = arith.constant 80 : index
      %parallel_loop3A_195 = tpu.vector_load %arg7[%parallel_loop3A_193, %parallel_loop3A_194] {strides = array<i32>} : memref<64x768xf32, #tpu.memory_space<vmem>>, vector<1x16xf32>,
      %parallel_loop3A_196 = vector.shape_cast %parallel_loop3A_195 : vector<1x16xf32> to vector<16xf32>
      %parallel_loop3A_197 = vector.shape_cast %parallel_loop3A_187 : vector<16xf32> to vector<1x16xf32>
      tpu.vector_store %arg7[%parallel_loop3A_193, %parallel_loop3A_194], %parallel_loop3A_197 {add = true, strides = array<i32>} : memref<64x768xf32, #tpu.memory_space<vmem>>, vector<1x16xf32>,
      %parallel_loop3A_198 = arith.index_cast %parallel_loop3A_131 : i32 to index
      %parallel_loop3A_199 = arith.constant 48 : index
      %parallel_loop3A_200 = tpu.vector_load %arg9[%parallel_loop3A_198, %parallel_loop3A_199] {strides = array<i32>} : memref<64x384xi32, #tpu.memory_space<vmem>>, vector<1x16xi32>,
      %parallel_loop3A_201 = vector.shape_cast %parallel_loop3A_200 : vector<1x16xi32> to vector<16xi32>
      %parallel_loop3A_202 = arith.constant 16 : i32
      %parallel_loop3A_203 = vector.broadcast %parallel_loop3A_202 : i32 to vector<16xi32>
      %parallel_loop3A_204 = arith.shli %parallel_loop3A_201, %parallel_loop3A_203 : vector<16xi32>
      %parallel_loop3A_205 = tpu.bitcast %parallel_loop3A_204 : vector<16xi32> -> vector<16xf32>
      %parallel_loop3A_206 = arith.constant -65536 : i32
      %parallel_loop3A_207 = vector.broadcast %parallel_loop3A_206 : i32 to vector<16xi32>
      %parallel_loop3A_208 = arith.andi %parallel_loop3A_201, %parallel_loop3A_207 : vector<16xi32>
      %parallel_loop3A_209 = tpu.bitcast %parallel_loop3A_208 : vector<16xi32> -> vector<16xf32>
      %parallel_loop3A_210 = arith.index_cast %parallel_loop3A_131 : i32 to index
      %parallel_loop3A_211 = arith.constant 96 : index
      %parallel_loop3A_212 = tpu.vector_load %arg7[%parallel_loop3A_210, %parallel_loop3A_211] {strides = array<i32>} : memref<64x768xf32, #tpu.memory_space<vmem>>, vector<1x16xf32>,
      %parallel_loop3A_213 = vector.shape_cast %parallel_loop3A_212 : vector<1x16xf32> to vector<16xf32>
      %parallel_loop3A_214 = vector.shape_cast %parallel_loop3A_205 : vector<16xf32> to vector<1x16xf32>
      tpu.vector_store %arg7[%parallel_loop3A_210, %parallel_loop3A_211], %parallel_loop3A_214 {add = true, strides = array<i32>} : memref<64x768xf32, #tpu.memory_space<vmem>>, vector<1x16xf32>,
      %parallel_loop3A_215 = arith.index_cast %parallel_loop3A_131 : i32 to index
      %parallel_loop3A_216 = arith.constant 112 : index
      %parallel_loop3A_217 = tpu.vector_load %arg7[%parallel_loop3A_215, %parallel_loop3A_216] {strides = array<i32>} : memref<64x768xf32, #tpu.memory_space<vmem>>, vector<1x16xf32>,
      %parallel_loop3A_218 = vector.shape_cast %parallel_loop3A_217 : vector<1x16xf32> to vector<16xf32>
      %parallel_loop3A_219 = vector.shape_cast %parallel_loop3A_209 : vector<16xf32> to vector<1x16xf32>
      tpu.vector_store %arg7[%parallel_loop3A_215, %parallel_loop3A_216], %parallel_loop3A_219 {add = true, strides = array<i32>} : memref<64x768xf32, #tpu.memory_space<vmem>>, vector<1x16xf32>,
      %parallel_loop3A_220 = arith.index_cast %parallel_loop3A_131 : i32 to index
      %parallel_loop3A_221 = arith.constant 64 : index
      %parallel_loop3A_222 = tpu.vector_load %arg9[%parallel_loop3A_220, %parallel_loop3A_221] {strides = array<i32>} : memref<64x384xi32, #tpu.memory_space<vmem>>, vector<1x16xi32>,
      %parallel_loop3A_223 = vector.shape_cast %parallel_loop3A_222 : vector<1x16xi32> to vector<16xi32>
      %parallel_loop3A_224 = arith.constant 16 : i32
      %parallel_loop3A_225 = vector.broadcast %parallel_loop3A_224 : i32 to vector<16xi32>
      %parallel_loop3A_226 = arith.shli %parallel_loop3A_223, %parallel_loop3A_225 : vector<16xi32>
      %parallel_loop3A_227 = tpu.bitcast %parallel_loop3A_226 : vector<16xi32> -> vector<16xf32>
      %parallel_loop3A_228 = arith.constant -65536 : i32
      %parallel_loop3A_229 = vector.broadcast %parallel_loop3A_228 : i32 to vector<16xi32>
      %parallel_loop3A_230 = arith.andi %parallel_loop3A_223, %parallel_loop3A_229 : vector<16xi32>
      %parallel_loop3A_231 = tpu.bitcast %parallel_loop3A_230 : vector<16xi32> -> vector<16xf32>
      %parallel_loop3A_232 = arith.index_cast %parallel_loop3A_131 : i32 to index
      %parallel_loop3A_233 = arith.constant 128 : index
      %parallel_loop3A_234 = tpu.vector_load %arg7[%parallel_loop3A_232, %parallel_loop3A_233] {strides = array<i32>} : memref<64x768xf32, #tpu.memory_space<vmem>>, vector<1x16xf32>,
      %parallel_loop3A_235 = vector.shape_cast %parallel_loop3A_234 : vector<1x16xf32> to vector<16xf32>
      %parallel_loop3A_236 = vector.shape_cast %parallel_loop3A_227 : vector<16xf32> to vector<1x16xf32>
      tpu.vector_store %arg7[%parallel_loop3A_232, %parallel_loop3A_233], %parallel_loop3A_236 {add = true, strides = array<i32>} : memref<64x768xf32, #tpu.memory_space<vmem>>, vector<1x16xf32>,
      %parallel_loop3A_237 = arith.index_cast %parallel_loop3A_131 : i32 to index
      %parallel_loop3A_238 = arith.constant 144 : index
      %parallel_loop3A_239 = tpu.vector_load %arg7[%parallel_loop3A_237, %parallel_loop3A_238] {strides = array<i32>} : memref<64x768xf32, #tpu.memory_space<vmem>>, vector<1x16xf32>,
      %parallel_loop3A_240 = vector.shape_cast %parallel_loop3A_239 : vector<1x16xf32> to vector<16xf32>
      %parallel_loop3A_241 = vector.shape_cast %parallel_loop3A_231 : vector<16xf32> to vector<1x16xf32>
      tpu.vector_store %arg7[%parallel_loop3A_237, %parallel_loop3A_238], %parallel_loop3A_241 {add = true, strides = array<i32>} : memref<64x768xf32, #tpu.memory_space<vmem>>, vector<1x16xf32>,
      %parallel_loop3A_242 = arith.index_cast %parallel_loop3A_131 : i32 to index
      %parallel_loop3A_243 = arith.constant 80 : index
      %parallel_loop3A_244 = tpu.vector_load %arg9[%parallel_loop3A_242, %parallel_loop3A_243] {strides = array<i32>} : memref<64x384xi32, #tpu.memory_space<vmem>>, vector<1x16xi32>,
      %parallel_loop3A_245 = vector.shape_cast %parallel_loop3A_244 : vector<1x16xi32> to vector<16xi32>
      %parallel_loop3A_246 = arith.constant 16 : i32
      %parallel_loop3A_247 = vector.broadcast %parallel_loop3A_246 : i32 to vector<16xi32>
      %parallel_loop3A_248 = arith.shli %parallel_loop3A_245, %parallel_loop3A_247 : vector<16xi32>
      %parallel_loop3A_249 = tpu.bitcast %parallel_loop3A_248 : vector<16xi32> -> vector<16xf32>
      %parallel_loop3A_250 = arith.constant -65536 : i32
      %parallel_loop3A_251 = vector.broadcast %parallel_loop3A_250 : i32 to vector<16xi32>
      %parallel_loop3A_252 = arith.andi %parallel_loop3A_245, %parallel_loop3A_251 : vector<16xi32>
      %parallel_loop3A_253 = tpu.bitcast %parallel_loop3A_252 : vector<16xi32> -> vector<16xf32>
      %parallel_loop3A_254 = arith.index_cast %parallel_loop3A_131 : i32 to index
      %parallel_loop3A_255 = arith.constant 160 : index
      %parallel_loop3A_256 = tpu.vector_load %arg7[%parallel_loop3A_254, %parallel_loop3A_255] {strides = array<i32>} : memref<64x768xf32, #tpu.memory_space<vmem>>, vector<1x16xf32>,
      %parallel_loop3A_257 = vector.shape_cast %parallel_loop3A_256 : vector<1x16xf32> to vector<16xf32>
      %parallel_loop3A_258 = vector.shape_cast %parallel_loop3A_249 : vector<16xf32> to vector<1x16xf32>
      tpu.vector_store %arg7[%parallel_loop3A_254, %parallel_loop3A_255], %parallel_loop3A_258 {add = true, strides = array<i32>} : memref<64x768xf32, #tpu.memory_space<vmem>>, vector<1x16xf32>,
      %parallel_loop3A_259 = arith.index_cast %parallel_loop3A_131 : i32 to index
      %parallel_loop3A_260 = arith.constant 176 : index
      %parallel_loop3A_261 = tpu.vector_load %arg7[%parallel_loop3A_259, %parallel_loop3A_260] {strides = array<i32>} : memref<64x768xf32, #tpu.memory_space<vmem>>, vector<1x16xf32>,
      %parallel_loop3A_262 = vector.shape_cast %parallel_loop3A_261 : vector<1x16xf32> to vector<16xf32>
      %parallel_loop3A_263 = vector.shape_cast %parallel_loop3A_253 : vector<16xf32> to vector<1x16xf32>
      tpu.vector_store %arg7[%parallel_loop3A_259, %parallel_loop3A_260], %parallel_loop3A_263 {add = true, strides = array<i32>} : memref<64x768xf32, #tpu.memory_space<vmem>>, vector<1x16xf32>,
      %parallel_loop3A_264 = arith.index_cast %parallel_loop3A_131 : i32 to index
      %parallel_loop3A_265 = arith.constant 96 : index
      %parallel_loop3A_266 = tpu.vector_load %arg9[%parallel_loop3A_264, %parallel_loop3A_265] {strides = array<i32>} : memref<64x384xi32, #tpu.memory_space<vmem>>, vector<1x16xi32>,
      %parallel_loop3A_267 = vector.shape_cast %parallel_loop3A_266 : vector<1x16xi32> to vector<16xi32>
      %parallel_loop3A_268 = arith.constant 16 : i32
      %parallel_loop3A_269 = vector.broadcast %parallel_loop3A_268 : i32 to vector<16xi32>
      %parallel_loop3A_270 = arith.shli %parallel_loop3A_267, %parallel_loop3A_269 : vector<16xi32>
      %parallel_loop3A_271 = tpu.bitcast %parallel_loop3A_270 : vector<16xi32> -> vector<16xf32>
      %parallel_loop3A_272 = arith.constant -65536 : i32
      %parallel_loop3A_273 = vector.broadcast %parallel_loop3A_272 : i32 to vector<16xi32>
      %parallel_loop3A_274 = arith.andi %parallel_loop3A_267, %parallel_loop3A_273 : vector<16xi32>
      %parallel_loop3A_275 = tpu.bitcast %parallel_loop3A_274 : vector<16xi32> -> vector<16xf32>
      %parallel_loop3A_276 = arith.index_cast %parallel_loop3A_131 : i32 to index
      %parallel_loop3A_277 = arith.constant 192 : index
      %parallel_loop3A_278 = tpu.vector_load %arg7[%parallel_loop3A_276, %parallel_loop3A_277] {strides = array<i32>} : memref<64x768xf32, #tpu.memory_space<vmem>>, vector<1x16xf32>,
      %parallel_loop3A_279 = vector.shape_cast %parallel_loop3A_278 : vector<1x16xf32> to vector<16xf32>
      %parallel_loop3A_280 = vector.shape_cast %parallel_loop3A_271 : vector<16xf32> to vector<1x16xf32>
      tpu.vector_store %arg7[%parallel_loop3A_276, %parallel_loop3A_277], %parallel_loop3A_280 {add = true, strides = array<i32>} : memref<64x768xf32, #tpu.memory_space<vmem>>, vector<1x16xf32>,
      %parallel_loop3A_281 = arith.index_cast %parallel_loop3A_131 : i32 to index
      %parallel_loop3A_282 = arith.constant 208 : index
      %parallel_loop3A_283 = tpu.vector_load %arg7[%parallel_loop3A_281, %parallel_loop3A_282] {strides = array<i32>} : memref<64x768xf32, #tpu.memory_space<vmem>>, vector<1x16xf32>,
      %parallel_loop3A_284 = vector.shape_cast %parallel_loop3A_283 : vector<1x16xf32> to vector<16xf32>
      %parallel_loop3A_285 = vector.shape_cast %parallel_loop3A_275 : vector<16xf32> to vector<1x16xf32>
      tpu.vector_store %arg7[%parallel_loop3A_281, %parallel_loop3A_282], %parallel_loop3A_285 {add = true, strides = array<i32>} : memref<64x768xf32, #tpu.memory_space<vmem>>, vector<1x16xf32>,
      %parallel_loop3A_286 = arith.index_cast %parallel_loop3A_131 : i32 to index
      %parallel_loop3A_287 = arith.constant 112 : index
      %parallel_loop3A_288 = tpu.vector_load %arg9[%parallel_loop3A_286, %parallel_loop3A_287] {strides = array<i32>} : memref<64x384xi32, #tpu.memory_space<vmem>>, vector<1x16xi32>,
      %parallel_loop3A_289 = vector.shape_cast %parallel_loop3A_288 : vector<1x16xi32> to vector<16xi32>
      %parallel_loop3A_290 = arith.constant 16 : i32
      %parallel_loop3A_291 = vector.broadcast %parallel_loop3A_290 : i32 to vector<16xi32>
      %parallel_loop3A_292 = arith.shli %parallel_loop3A_289, %parallel_loop3A_291 : vector<16xi32>
      %parallel_loop3A_293 = tpu.bitcast %parallel_loop3A_292 : vector<16xi32> -> vector<16xf32>
      %parallel_loop3A_294 = arith.constant -65536 : i32
      %parallel_loop3A_295 = vector.broadcast %parallel_loop3A_294 : i32 to vector<16xi32>
      %parallel_loop3A_296 = arith.andi %parallel_loop3A_289, %parallel_loop3A_295 : vector<16xi32>
      %parallel_loop3A_297 = tpu.bitcast %parallel_loop3A_296 : vector<16xi32> -> vector<16xf32>
      %parallel_loop3A_298 = arith.index_cast %parallel_loop3A_131 : i32 to index
      %parallel_loop3A_299 = arith.constant 224 : index
      %parallel_loop3A_300 = tpu.vector_load %arg7[%parallel_loop3A_298, %parallel_loop3A_299] {strides = array<i32>} : memref<64x768xf32, #tpu.memory_space<vmem>>, vector<1x16xf32>,
      %parallel_loop3A_301 = vector.shape_cast %parallel_loop3A_300 : vector<1x16xf32> to vector<16xf32>
      %parallel_loop3A_302 = vector.shape_cast %parallel_loop3A_293 : vector<16xf32> to vector<1x16xf32>
      tpu.vector_store %arg7[%parallel_loop3A_298, %parallel_loop3A_299], %parallel_loop3A_302 {add = true, strides = array<i32>} : memref<64x768xf32, #tpu.memory_space<vmem>>, vector<1x16xf32>,
      %parallel_loop3A_303 = arith.index_cast %parallel_loop3A_131 : i32 to index
      %parallel_loop3A_304 = arith.constant 240 : index
      %parallel_loop3A_305 = tpu.vector_load %arg7[%parallel_loop3A_303, %parallel_loop3A_304] {strides = array<i32>} : memref<64x768xf32, #tpu.memory_space<vmem>>, vector<1x16xf32>,
      %parallel_loop3A_306 = vector.shape_cast %parallel_loop3A_305 : vector<1x16xf32> to vector<16xf32>
      %parallel_loop3A_307 = vector.shape_cast %parallel_loop3A_297 : vector<16xf32> to vector<1x16xf32>
      tpu.vector_store %arg7[%parallel_loop3A_303, %parallel_loop3A_304], %parallel_loop3A_307 {add = true, strides = array<i32>} : memref<64x768xf32, #tpu.memory_space<vmem>>, vector<1x16xf32>,
      %parallel_loop3A_308 = arith.index_cast %parallel_loop3A_131 : i32 to index
      %parallel_loop3A_309 = arith.constant 128 : index
      %parallel_loop3A_310 = tpu.vector_load %arg9[%parallel_loop3A_308, %parallel_loop3A_309] {strides = array<i32>} : memref<64x384xi32, #tpu.memory_space<vmem>>, vector<1x16xi32>,
      %parallel_loop3A_311 = vector.shape_cast %parallel_loop3A_310 : vector<1x16xi32> to vector<16xi32>
      %parallel_loop3A_312 = arith.constant 16 : i32
      %parallel_loop3A_313 = vector.broadcast %parallel_loop3A_312 : i32 to vector<16xi32>
      %parallel_loop3A_314 = arith.shli %parallel_loop3A_311, %parallel_loop3A_313 : vector<16xi32>
      %parallel_loop3A_315 = tpu.bitcast %parallel_loop3A_314 : vector<16xi32> -> vector<16xf32>
      %parallel_loop3A_316 = arith.constant -65536 : i32
      %parallel_loop3A_317 = vector.broadcast %parallel_loop3A_316 : i32 to vector<16xi32>
      %parallel_loop3A_318 = arith.andi %parallel_loop3A_311, %parallel_loop3A_317 : vector<16xi32>
      %parallel_loop3A_319 = tpu.bitcast %parallel_loop3A_318 : vector<16xi32> -> vector<16xf32>
      %parallel_loop3A_320 = arith.index_cast %parallel_loop3A_131 : i32 to index
      %parallel_loop3A_321 = arith.constant 256 : index
      %parallel_loop3A_322 = tpu.vector_load %arg7[%parallel_loop3A_320, %parallel_loop3A_321] {strides = array<i32>} : memref<64x768xf32, #tpu.memory_space<vmem>>, vector<1x16xf32>,
      %parallel_loop3A_323 = vector.shape_cast %parallel_loop3A_322 : vector<1x16xf32> to vector<16xf32>
      %parallel_loop3A_324 = vector.shape_cast %parallel_loop3A_315 : vector<16xf32> to vector<1x16xf32>
      tpu.vector_store %arg7[%parallel_loop3A_320, %parallel_loop3A_321], %parallel_loop3A_324 {add = true, strides = array<i32>} : memref<64x768xf32, #tpu.memory_space<vmem>>, vector<1x16xf32>,
      %parallel_loop3A_325 = arith.index_cast %parallel_loop3A_131 : i32 to index
      %parallel_loop3A_326 = arith.constant 272 : index
      %parallel_loop3A_327 = tpu.vector_load %arg7[%parallel_loop3A_325, %parallel_loop3A_326] {strides = array<i32>} : memref<64x768xf32, #tpu.memory_space<vmem>>, vector<1x16xf32>,
      %parallel_loop3A_328 = vector.shape_cast %parallel_loop3A_327 : vector<1x16xf32> to vector<16xf32>
      %parallel_loop3A_329 = vector.shape_cast %parallel_loop3A_319 : vector<16xf32> to vector<1x16xf32>
      tpu.vector_store %arg7[%parallel_loop3A_325, %parallel_loop3A_326], %parallel_loop3A_329 {add = true, strides = array<i32>} : memref<64x768xf32, #tpu.memory_space<vmem>>, vector<1x16xf32>,
      %parallel_loop3A_330 = arith.index_cast %parallel_loop3A_131 : i32 to index
      %parallel_loop3A_331 = arith.constant 144 : index
      %parallel_loop3A_332 = tpu.vector_load %arg9[%parallel_loop3A_330, %parallel_loop3A_331] {strides = array<i32>} : memref<64x384xi32, #tpu.memory_space<vmem>>, vector<1x16xi32>,
      %parallel_loop3A_333 = vector.shape_cast %parallel_loop3A_332 : vector<1x16xi32> to vector<16xi32>
      %parallel_loop3A_334 = arith.constant 16 : i32
      %parallel_loop3A_335 = vector.broadcast %parallel_loop3A_334 : i32 to vector<16xi32>
      %parallel_loop3A_336 = arith.shli %parallel_loop3A_333, %parallel_loop3A_335 : vector<16xi32>
      %parallel_loop3A_337 = tpu.bitcast %parallel_loop3A_336 : vector<16xi32> -> vector<16xf32>
      %parallel_loop3A_338 = arith.constant -65536 : i32
      %parallel_loop3A_339 = vector.broadcast %parallel_loop3A_338 : i32 to vector<16xi32>
      %parallel_loop3A_340 = arith.andi %parallel_loop3A_333, %parallel_loop3A_339 : vector<16xi32>
      %parallel_loop3A_341 = tpu.bitcast %parallel_loop3A_340 : vector<16xi32> -> vector<16xf32>
      %parallel_loop3A_342 = arith.index_cast %parallel_loop3A_131 : i32 to index
      %parallel_loop3A_343 = arith.constant 288 : index
      %parallel_loop3A_344 = tpu.vector_load %arg7[%parallel_loop3A_342, %parallel_loop3A_343] {strides = array<i32>} : memref<64x768xf32, #tpu.memory_space<vmem>>, vector<1x16xf32>,
      %parallel_loop3A_345 = vector.shape_cast %parallel_loop3A_344 : vector<1x16xf32> to vector<16xf32>
      %parallel_loop3A_346 = vector.shape_cast %parallel_loop3A_337 : vector<16xf32> to vector<1x16xf32>
      tpu.vector_store %arg7[%parallel_loop3A_342, %parallel_loop3A_343], %parallel_loop3A_346 {add = true, strides = array<i32>} : memref<64x768xf32, #tpu.memory_space<vmem>>, vector<1x16xf32>,
      %parallel_loop3A_347 = arith.index_cast %parallel_loop3A_131 : i32 to index
      %parallel_loop3A_348 = arith.constant 304 : index
      %parallel_loop3A_349 = tpu.vector_load %arg7[%parallel_loop3A_347, %parallel_loop3A_348] {strides = array<i32>} : memref<64x768xf32, #tpu.memory_space<vmem>>, vector<1x16xf32>,
      %parallel_loop3A_350 = vector.shape_cast %parallel_loop3A_349 : vector<1x16xf32> to vector<16xf32>
      %parallel_loop3A_351 = vector.shape_cast %parallel_loop3A_341 : vector<16xf32> to vector<1x16xf32>
      tpu.vector_store %arg7[%parallel_loop3A_347, %parallel_loop3A_348], %parallel_loop3A_351 {add = true, strides = array<i32>} : memref<64x768xf32, #tpu.memory_space<vmem>>, vector<1x16xf32>,
      %parallel_loop3A_352 = arith.index_cast %parallel_loop3A_131 : i32 to index
      %parallel_loop3A_353 = arith.constant 160 : index
      %parallel_loop3A_354 = tpu.vector_load %arg9[%parallel_loop3A_352, %parallel_loop3A_353] {strides = array<i32>} : memref<64x384xi32, #tpu.memory_space<vmem>>, vector<1x16xi32>,
      %parallel_loop3A_355 = vector.shape_cast %parallel_loop3A_354 : vector<1x16xi32> to vector<16xi32>
      %parallel_loop3A_356 = arith.constant 16 : i32
      %parallel_loop3A_357 = vector.broadcast %parallel_loop3A_356 : i32 to vector<16xi32>
      %parallel_loop3A_358 = arith.shli %parallel_loop3A_355, %parallel_loop3A_357 : vector<16xi32>
      %parallel_loop3A_359 = tpu.bitcast %parallel_loop3A_358 : vector<16xi32> -> vector<16xf32>
      %parallel_loop3A_360 = arith.constant -65536 : i32
      %parallel_loop3A_361 = vector.broadcast %parallel_loop3A_360 : i32 to vector<16xi32>
      %parallel_loop3A_362 = arith.andi %parallel_loop3A_355, %parallel_loop3A_361 : vector<16xi32>
      %parallel_loop3A_363 = tpu.bitcast %parallel_loop3A_362 : vector<16xi32> -> vector<16xf32>
      %parallel_loop3A_364 = arith.index_cast %parallel_loop3A_131 : i32 to index
      %parallel_loop3A_365 = arith.constant 320 : index
      %parallel_loop3A_366 = tpu.vector_load %arg7[%parallel_loop3A_364, %parallel_loop3A_365] {strides = array<i32>} : memref<64x768xf32, #tpu.memory_space<vmem>>, vector<1x16xf32>,
      %parallel_loop3A_367 = vector.shape_cast %parallel_loop3A_366 : vector<1x16xf32> to vector<16xf32>
      %parallel_loop3A_368 = vector.shape_cast %parallel_loop3A_359 : vector<16xf32> to vector<1x16xf32>
      tpu.vector_store %arg7[%parallel_loop3A_364, %parallel_loop3A_365], %parallel_loop3A_368 {add = true, strides = array<i32>} : memref<64x768xf32, #tpu.memory_space<vmem>>, vector<1x16xf32>,
      %parallel_loop3A_369 = arith.index_cast %parallel_loop3A_131 : i32 to index
      %parallel_loop3A_370 = arith.constant 336 : index
      %parallel_loop3A_371 = tpu.vector_load %arg7[%parallel_loop3A_369, %parallel_loop3A_370] {strides = array<i32>} : memref<64x768xf32, #tpu.memory_space<vmem>>, vector<1x16xf32>,
      %parallel_loop3A_372 = vector.shape_cast %parallel_loop3A_371 : vector<1x16xf32> to vector<16xf32>
      %parallel_loop3A_373 = vector.shape_cast %parallel_loop3A_363 : vector<16xf32> to vector<1x16xf32>
      tpu.vector_store %arg7[%parallel_loop3A_369, %parallel_loop3A_370], %parallel_loop3A_373 {add = true, strides = array<i32>} : memref<64x768xf32, #tpu.memory_space<vmem>>, vector<1x16xf32>,
      %parallel_loop3A_374 = arith.index_cast %parallel_loop3A_131 : i32 to index
      %parallel_loop3A_375 = arith.constant 176 : index
      %parallel_loop3A_376 = tpu.vector_load %arg9[%parallel_loop3A_374, %parallel_loop3A_375] {strides = array<i32>} : memref<64x384xi32, #tpu.memory_space<vmem>>, vector<1x16xi32>,
      %parallel_loop3A_377 = vector.shape_cast %parallel_loop3A_376 : vector<1x16xi32> to vector<16xi32>
      %parallel_loop3A_378 = arith.constant 16 : i32
      %parallel_loop3A_379 = vector.broadcast %parallel_loop3A_378 : i32 to vector<16xi32>
      %parallel_loop3A_380 = arith.shli %parallel_loop3A_377, %parallel_loop3A_379 : vector<16xi32>
      %parallel_loop3A_381 = tpu.bitcast %parallel_loop3A_380 : vector<16xi32> -> vector<16xf32>
      %parallel_loop3A_382 = arith.constant -65536 : i32
      %parallel_loop3A_383 = vector.broadcast %parallel_loop3A_382 : i32 to vector<16xi32>
      %parallel_loop3A_384 = arith.andi %parallel_loop3A_377, %parallel_loop3A_383 : vector<16xi32>
      %parallel_loop3A_385 = tpu.bitcast %parallel_loop3A_384 : vector<16xi32> -> vector<16xf32>
      %parallel_loop3A_386 = arith.index_cast %parallel_loop3A_131 : i32 to index
      %parallel_loop3A_387 = arith.constant 352 : index
      %parallel_loop3A_388 = tpu.vector_load %arg7[%parallel_loop3A_386, %parallel_loop3A_387] {strides = array<i32>} : memref<64x768xf32, #tpu.memory_space<vmem>>, vector<1x16xf32>,
      %parallel_loop3A_389 = vector.shape_cast %parallel_loop3A_388 : vector<1x16xf32> to vector<16xf32>
      %parallel_loop3A_390 = vector.shape_cast %parallel_loop3A_381 : vector<16xf32> to vector<1x16xf32>
      tpu.vector_store %arg7[%parallel_loop3A_386, %parallel_loop3A_387], %parallel_loop3A_390 {add = true, strides = array<i32>} : memref<64x768xf32, #tpu.memory_space<vmem>>, vector<1x16xf32>,
      %parallel_loop3A_391 = arith.index_cast %parallel_loop3A_131 : i32 to index
      %parallel_loop3A_392 = arith.constant 368 : index
      %parallel_loop3A_393 = tpu.vector_load %arg7[%parallel_loop3A_391, %parallel_loop3A_392] {strides = array<i32>} : memref<64x768xf32, #tpu.memory_space<vmem>>, vector<1x16xf32>,
      %parallel_loop3A_394 = vector.shape_cast %parallel_loop3A_393 : vector<1x16xf32> to vector<16xf32>
      %parallel_loop3A_395 = vector.shape_cast %parallel_loop3A_385 : vector<16xf32> to vector<1x16xf32>
      tpu.vector_store %arg7[%parallel_loop3A_391, %parallel_loop3A_392], %parallel_loop3A_395 {add = true, strides = array<i32>} : memref<64x768xf32, #tpu.memory_space<vmem>>, vector<1x16xf32>,
      %parallel_loop3A_396 = arith.index_cast %parallel_loop3A_131 : i32 to index
      %parallel_loop3A_397 = arith.constant 192 : index
      %parallel_loop3A_398 = tpu.vector_load %arg9[%parallel_loop3A_396, %parallel_loop3A_397] {strides = array<i32>} : memref<64x384xi32, #tpu.memory_space<vmem>>, vector<1x16xi32>,
      %parallel_loop3A_399 = vector.shape_cast %parallel_loop3A_398 : vector<1x16xi32> to vector<16xi32>
      %parallel_loop3A_400 = arith.constant 16 : i32
      %parallel_loop3A_401 = vector.broadcast %parallel_loop3A_400 : i32 to vector<16xi32>
      %parallel_loop3A_402 = arith.shli %parallel_loop3A_399, %parallel_loop3A_401 : vector<16xi32>
      %parallel_loop3A_403 = tpu.bitcast %parallel_loop3A_402 : vector<16xi32> -> vector<16xf32>
      %parallel_loop3A_404 = arith.constant -65536 : i32
      %parallel_loop3A_405 = vector.broadcast %parallel_loop3A_404 : i32 to vector<16xi32>
      %parallel_loop3A_406 = arith.andi %parallel_loop3A_399, %parallel_loop3A_405 : vector<16xi32>
      %parallel_loop3A_407 = tpu.bitcast %parallel_loop3A_406 : vector<16xi32> -> vector<16xf32>
      %parallel_loop3A_408 = arith.index_cast %parallel_loop3A_131 : i32 to index
      %parallel_loop3A_409 = arith.constant 384 : index
      %parallel_loop3A_410 = tpu.vector_load %arg7[%parallel_loop3A_408, %parallel_loop3A_409] {strides = array<i32>} : memref<64x768xf32, #tpu.memory_space<vmem>>, vector<1x16xf32>,
      %parallel_loop3A_411 = vector.shape_cast %parallel_loop3A_410 : vector<1x16xf32> to vector<16xf32>
      %parallel_loop3A_412 = vector.shape_cast %parallel_loop3A_403 : vector<16xf32> to vector<1x16xf32>
      tpu.vector_store %arg7[%parallel_loop3A_408, %parallel_loop3A_409], %parallel_loop3A_412 {add = true, strides = array<i32>} : memref<64x768xf32, #tpu.memory_space<vmem>>, vector<1x16xf32>,
      %parallel_loop3A_413 = arith.index_cast %parallel_loop3A_131 : i32 to index
      %parallel_loop3A_414 = arith.constant 400 : index
      %parallel_loop3A_415 = tpu.vector_load %arg7[%parallel_loop3A_413, %parallel_loop3A_414] {strides = array<i32>} : memref<64x768xf32, #tpu.memory_space<vmem>>, vector<1x16xf32>,
      %parallel_loop3A_416 = vector.shape_cast %parallel_loop3A_415 : vector<1x16xf32> to vector<16xf32>
      %parallel_loop3A_417 = vector.shape_cast %parallel_loop3A_407 : vector<16xf32> to vector<1x16xf32>
      tpu.vector_store %arg7[%parallel_loop3A_413, %parallel_loop3A_414], %parallel_loop3A_417 {add = true, strides = array<i32>} : memref<64x768xf32, #tpu.memory_space<vmem>>, vector<1x16xf32>,
      %parallel_loop3A_418 = arith.index_cast %parallel_loop3A_131 : i32 to index
      %parallel_loop3A_419 = arith.constant 208 : index
      %parallel_loop3A_420 = tpu.vector_load %arg9[%parallel_loop3A_418, %parallel_loop3A_419] {strides = array<i32>} : memref<64x384xi32, #tpu.memory_space<vmem>>, vector<1x16xi32>,
      %parallel_loop3A_421 = vector.shape_cast %parallel_loop3A_420 : vector<1x16xi32> to vector<16xi32>
      %parallel_loop3A_422 = arith.constant 16 : i32
      %parallel_loop3A_423 = vector.broadcast %parallel_loop3A_422 : i32 to vector<16xi32>
      %parallel_loop3A_424 = arith.shli %parallel_loop3A_421, %parallel_loop3A_423 : vector<16xi32>
      %parallel_loop3A_425 = tpu.bitcast %parallel_loop3A_424 : vector<16xi32> -> vector<16xf32>
      %parallel_loop3A_426 = arith.constant -65536 : i32
      %parallel_loop3A_427 = vector.broadcast %parallel_loop3A_426 : i32 to vector<16xi32>
      %parallel_loop3A_428 = arith.andi %parallel_loop3A_421, %parallel_loop3A_427 : vector<16xi32>
      %parallel_loop3A_429 = tpu.bitcast %parallel_loop3A_428 : vector<16xi32> -> vector<16xf32>
      %parallel_loop3A_430 = arith.index_cast %parallel_loop3A_131 : i32 to index
      %parallel_loop3A_431 = arith.constant 416 : index
      %parallel_loop3A_432 = tpu.vector_load %arg7[%parallel_loop3A_430, %parallel_loop3A_431] {strides = array<i32>} : memref<64x768xf32, #tpu.memory_space<vmem>>, vector<1x16xf32>,
      %parallel_loop3A_433 = vector.shape_cast %parallel_loop3A_432 : vector<1x16xf32> to vector<16xf32>
      %parallel_loop3A_434 = vector.shape_cast %parallel_loop3A_425 : vector<16xf32> to vector<1x16xf32>
      tpu.vector_store %arg7[%parallel_loop3A_430, %parallel_loop3A_431], %parallel_loop3A_434 {add = true, strides = array<i32>} : memref<64x768xf32, #tpu.memory_space<vmem>>, vector<1x16xf32>,
      %parallel_loop3A_435 = arith.index_cast %parallel_loop3A_131 : i32 to index
      %parallel_loop3A_436 = arith.constant 432 : index
      %parallel_loop3A_437 = tpu.vector_load %arg7[%parallel_loop3A_435, %parallel_loop3A_436] {strides = array<i32>} : memref<64x768xf32, #tpu.memory_space<vmem>>, vector<1x16xf32>,
      %parallel_loop3A_438 = vector.shape_cast %parallel_loop3A_437 : vector<1x16xf32> to vector<16xf32>
      %parallel_loop3A_439 = vector.shape_cast %parallel_loop3A_429 : vector<16xf32> to vector<1x16xf32>
      tpu.vector_store %arg7[%parallel_loop3A_435, %parallel_loop3A_436], %parallel_loop3A_439 {add = true, strides = array<i32>} : memref<64x768xf32, #tpu.memory_space<vmem>>, vector<1x16xf32>,
      %parallel_loop3A_440 = arith.index_cast %parallel_loop3A_131 : i32 to index
      %parallel_loop3A_441 = arith.constant 224 : index
      %parallel_loop3A_442 = tpu.vector_load %arg9[%parallel_loop3A_440, %parallel_loop3A_441] {strides = array<i32>} : memref<64x384xi32, #tpu.memory_space<vmem>>, vector<1x16xi32>,
      %parallel_loop3A_443 = vector.shape_cast %parallel_loop3A_442 : vector<1x16xi32> to vector<16xi32>
      %parallel_loop3A_444 = arith.constant 16 : i32
      %parallel_loop3A_445 = vector.broadcast %parallel_loop3A_444 : i32 to vector<16xi32>
      %parallel_loop3A_446 = arith.shli %parallel_loop3A_443, %parallel_loop3A_445 : vector<16xi32>
      %parallel_loop3A_447 = tpu.bitcast %parallel_loop3A_446 : vector<16xi32> -> vector<16xf32>
      %parallel_loop3A_448 = arith.constant -65536 : i32
      %parallel_loop3A_449 = vector.broadcast %parallel_loop3A_448 : i32 to vector<16xi32>
      %parallel_loop3A_450 = arith.andi %parallel_loop3A_443, %parallel_loop3A_449 : vector<16xi32>
      %parallel_loop3A_451 = tpu.bitcast %parallel_loop3A_450 : vector<16xi32> -> vector<16xf32>
      %parallel_loop3A_452 = arith.index_cast %parallel_loop3A_131 : i32 to index
      %parallel_loop3A_453 = arith.constant 448 : index
      %parallel_loop3A_454 = tpu.vector_load %arg7[%parallel_loop3A_452, %parallel_loop3A_453] {strides = array<i32>} : memref<64x768xf32, #tpu.memory_space<vmem>>, vector<1x16xf32>,
      %parallel_loop3A_455 = vector.shape_cast %parallel_loop3A_454 : vector<1x16xf32> to vector<16xf32>
      %parallel_loop3A_456 = vector.shape_cast %parallel_loop3A_447 : vector<16xf32> to vector<1x16xf32>
      tpu.vector_store %arg7[%parallel_loop3A_452, %parallel_loop3A_453], %parallel_loop3A_456 {add = true, strides = array<i32>} : memref<64x768xf32, #tpu.memory_space<vmem>>, vector<1x16xf32>,
      %parallel_loop3A_457 = arith.index_cast %parallel_loop3A_131 : i32 to index
      %parallel_loop3A_458 = arith.constant 464 : index
      %parallel_loop3A_459 = tpu.vector_load %arg7[%parallel_loop3A_457, %parallel_loop3A_458] {strides = array<i32>} : memref<64x768xf32, #tpu.memory_space<vmem>>, vector<1x16xf32>,
      %parallel_loop3A_460 = vector.shape_cast %parallel_loop3A_459 : vector<1x16xf32> to vector<16xf32>
      %parallel_loop3A_461 = vector.shape_cast %parallel_loop3A_451 : vector<16xf32> to vector<1x16xf32>
      tpu.vector_store %arg7[%parallel_loop3A_457, %parallel_loop3A_458], %parallel_loop3A_461 {add = true, strides = array<i32>} : memref<64x768xf32, #tpu.memory_space<vmem>>, vector<1x16xf32>,
      %parallel_loop3A_462 = arith.index_cast %parallel_loop3A_131 : i32 to index
      %parallel_loop3A_463 = arith.constant 240 : index
      %parallel_loop3A_464 = tpu.vector_load %arg9[%parallel_loop3A_462, %parallel_loop3A_463] {strides = array<i32>} : memref<64x384xi32, #tpu.memory_space<vmem>>, vector<1x16xi32>,
      %parallel_loop3A_465 = vector.shape_cast %parallel_loop3A_464 : vector<1x16xi32> to vector<16xi32>
      %parallel_loop3A_466 = arith.constant 16 : i32
      %parallel_loop3A_467 = vector.broadcast %parallel_loop3A_466 : i32 to vector<16xi32>
      %parallel_loop3A_468 = arith.shli %parallel_loop3A_465, %parallel_loop3A_467 : vector<16xi32>
      %parallel_loop3A_469 = tpu.bitcast %parallel_loop3A_468 : vector<16xi32> -> vector<16xf32>
      %parallel_loop3A_470 = arith.constant -65536 : i32
      %parallel_loop3A_471 = vector.broadcast %parallel_loop3A_470 : i32 to vector<16xi32>
      %parallel_loop3A_472 = arith.andi %parallel_loop3A_465, %parallel_loop3A_471 : vector<16xi32>
      %parallel_loop3A_473 = tpu.bitcast %parallel_loop3A_472 : vector<16xi32> -> vector<16xf32>
      %parallel_loop3A_474 = arith.index_cast %parallel_loop3A_131 : i32 to index
      %parallel_loop3A_475 = arith.constant 480 : index
      %parallel_loop3A_476 = tpu.vector_load %arg7[%parallel_loop3A_474, %parallel_loop3A_475] {strides = array<i32>} : memref<64x768xf32, #tpu.memory_space<vmem>>, vector<1x16xf32>,
      %parallel_loop3A_477 = vector.shape_cast %parallel_loop3A_476 : vector<1x16xf32> to vector<16xf32>
      %parallel_loop3A_478 = vector.shape_cast %parallel_loop3A_469 : vector<16xf32> to vector<1x16xf32>
      tpu.vector_store %arg7[%parallel_loop3A_474, %parallel_loop3A_475], %parallel_loop3A_478 {add = true, strides = array<i32>} : memref<64x768xf32, #tpu.memory_space<vmem>>, vector<1x16xf32>,
      %parallel_loop3A_479 = arith.index_cast %parallel_loop3A_131 : i32 to index
      %parallel_loop3A_480 = arith.constant 496 : index
      %parallel_loop3A_481 = tpu.vector_load %arg7[%parallel_loop3A_479, %parallel_loop3A_480] {strides = array<i32>} : memref<64x768xf32, #tpu.memory_space<vmem>>, vector<1x16xf32>,
      %parallel_loop3A_482 = vector.shape_cast %parallel_loop3A_481 : vector<1x16xf32> to vector<16xf32>
      %parallel_loop3A_483 = vector.shape_cast %parallel_loop3A_473 : vector<16xf32> to vector<1x16xf32>
      tpu.vector_store %arg7[%parallel_loop3A_479, %parallel_loop3A_480], %parallel_loop3A_483 {add = true, strides = array<i32>} : memref<64x768xf32, #tpu.memory_space<vmem>>, vector<1x16xf32>,
      %parallel_loop3A_484 = arith.index_cast %parallel_loop3A_131 : i32 to index
      %parallel_loop3A_485 = arith.constant 256 : index
      %parallel_loop3A_486 = tpu.vector_load %arg9[%parallel_loop3A_484, %parallel_loop3A_485] {strides = array<i32>} : memref<64x384xi32, #tpu.memory_space<vmem>>, vector<1x16xi32>,
      %parallel_loop3A_487 = vector.shape_cast %parallel_loop3A_486 : vector<1x16xi32> to vector<16xi32>
      %parallel_loop3A_488 = arith.constant 16 : i32
      %parallel_loop3A_489 = vector.broadcast %parallel_loop3A_488 : i32 to vector<16xi32>
      %parallel_loop3A_490 = arith.shli %parallel_loop3A_487, %parallel_loop3A_489 : vector<16xi32>
      %parallel_loop3A_491 = tpu.bitcast %parallel_loop3A_490 : vector<16xi32> -> vector<16xf32>
      %parallel_loop3A_492 = arith.constant -65536 : i32
      %parallel_loop3A_493 = vector.broadcast %parallel_loop3A_492 : i32 to vector<16xi32>
      %parallel_loop3A_494 = arith.andi %parallel_loop3A_487, %parallel_loop3A_493 : vector<16xi32>
      %parallel_loop3A_495 = tpu.bitcast %parallel_loop3A_494 : vector<16xi32> -> vector<16xf32>
      %parallel_loop3A_496 = arith.index_cast %parallel_loop3A_131 : i32 to index
      %parallel_loop3A_497 = arith.constant 512 : index
      %parallel_loop3A_498 = tpu.vector_load %arg7[%parallel_loop3A_496, %parallel_loop3A_497] {strides = array<i32>} : memref<64x768xf32, #tpu.memory_space<vmem>>, vector<1x16xf32>,
      %parallel_loop3A_499 = vector.shape_cast %parallel_loop3A_498 : vector<1x16xf32> to vector<16xf32>
      %parallel_loop3A_500 = vector.shape_cast %parallel_loop3A_491 : vector<16xf32> to vector<1x16xf32>
      tpu.vector_store %arg7[%parallel_loop3A_496, %parallel_loop3A_497], %parallel_loop3A_500 {add = true, strides = array<i32>} : memref<64x768xf32, #tpu.memory_space<vmem>>, vector<1x16xf32>,
      %parallel_loop3A_501 = arith.index_cast %parallel_loop3A_131 : i32 to index
      %parallel_loop3A_502 = arith.constant 528 : index
      %parallel_loop3A_503 = tpu.vector_load %arg7[%parallel_loop3A_501, %parallel_loop3A_502] {strides = array<i32>} : memref<64x768xf32, #tpu.memory_space<vmem>>, vector<1x16xf32>,
      %parallel_loop3A_504 = vector.shape_cast %parallel_loop3A_503 : vector<1x16xf32> to vector<16xf32>
      %parallel_loop3A_505 = vector.shape_cast %parallel_loop3A_495 : vector<16xf32> to vector<1x16xf32>
      tpu.vector_store %arg7[%parallel_loop3A_501, %parallel_loop3A_502], %parallel_loop3A_505 {add = true, strides = array<i32>} : memref<64x768xf32, #tpu.memory_space<vmem>>, vector<1x16xf32>,
      %parallel_loop3A_506 = arith.index_cast %parallel_loop3A_131 : i32 to index
      %parallel_loop3A_507 = arith.constant 272 : index
      %parallel_loop3A_508 = tpu.vector_load %arg9[%parallel_loop3A_506, %parallel_loop3A_507] {strides = array<i32>} : memref<64x384xi32, #tpu.memory_space<vmem>>, vector<1x16xi32>,
      %parallel_loop3A_509 = vector.shape_cast %parallel_loop3A_508 : vector<1x16xi32> to vector<16xi32>
      %parallel_loop3A_510 = arith.constant 16 : i32
      %parallel_loop3A_511 = vector.broadcast %parallel_loop3A_510 : i32 to vector<16xi32>
      %parallel_loop3A_512 = arith.shli %parallel_loop3A_509, %parallel_loop3A_511 : vector<16xi32>
      %parallel_loop3A_513 = tpu.bitcast %parallel_loop3A_512 : vector<16xi32> -> vector<16xf32>
      %parallel_loop3A_514 = arith.constant -65536 : i32
      %parallel_loop3A_515 = vector.broadcast %parallel_loop3A_514 : i32 to vector<16xi32>
      %parallel_loop3A_516 = arith.andi %parallel_loop3A_509, %parallel_loop3A_515 : vector<16xi32>
      %parallel_loop3A_517 = tpu.bitcast %parallel_loop3A_516 : vector<16xi32> -> vector<16xf32>
      %parallel_loop3A_518 = arith.index_cast %parallel_loop3A_131 : i32 to index
      %parallel_loop3A_519 = arith.constant 544 : index
      %parallel_loop3A_520 = tpu.vector_load %arg7[%parallel_loop3A_518, %parallel_loop3A_519] {strides = array<i32>} : memref<64x768xf32, #tpu.memory_space<vmem>>, vector<1x16xf32>,
      %parallel_loop3A_521 = vector.shape_cast %parallel_loop3A_520 : vector<1x16xf32> to vector<16xf32>
      %parallel_loop3A_522 = vector.shape_cast %parallel_loop3A_513 : vector<16xf32> to vector<1x16xf32>
      tpu.vector_store %arg7[%parallel_loop3A_518, %parallel_loop3A_519], %parallel_loop3A_522 {add = true, strides = array<i32>} : memref<64x768xf32, #tpu.memory_space<vmem>>, vector<1x16xf32>,
      %parallel_loop3A_523 = arith.index_cast %parallel_loop3A_131 : i32 to index
      %parallel_loop3A_524 = arith.constant 560 : index
      %parallel_loop3A_525 = tpu.vector_load %arg7[%parallel_loop3A_523, %parallel_loop3A_524] {strides = array<i32>} : memref<64x768xf32, #tpu.memory_space<vmem>>, vector<1x16xf32>,
      %parallel_loop3A_526 = vector.shape_cast %parallel_loop3A_525 : vector<1x16xf32> to vector<16xf32>
      %parallel_loop3A_527 = vector.shape_cast %parallel_loop3A_517 : vector<16xf32> to vector<1x16xf32>
      tpu.vector_store %arg7[%parallel_loop3A_523, %parallel_loop3A_524], %parallel_loop3A_527 {add = true, strides = array<i32>} : memref<64x768xf32, #tpu.memory_space<vmem>>, vector<1x16xf32>,
      %parallel_loop3A_528 = arith.index_cast %parallel_loop3A_131 : i32 to index
      %parallel_loop3A_529 = arith.constant 288 : index
      %parallel_loop3A_530 = tpu.vector_load %arg9[%parallel_loop3A_528, %parallel_loop3A_529] {strides = array<i32>} : memref<64x384xi32, #tpu.memory_space<vmem>>, vector<1x16xi32>,
      %parallel_loop3A_531 = vector.shape_cast %parallel_loop3A_530 : vector<1x16xi32> to vector<16xi32>
      %parallel_loop3A_532 = arith.constant 16 : i32
      %parallel_loop3A_533 = vector.broadcast %parallel_loop3A_532 : i32 to vector<16xi32>
      %parallel_loop3A_534 = arith.shli %parallel_loop3A_531, %parallel_loop3A_533 : vector<16xi32>
      %parallel_loop3A_535 = tpu.bitcast %parallel_loop3A_534 : vector<16xi32> -> vector<16xf32>
      %parallel_loop3A_536 = arith.constant -65536 : i32
      %parallel_loop3A_537 = vector.broadcast %parallel_loop3A_536 : i32 to vector<16xi32>
      %parallel_loop3A_538 = arith.andi %parallel_loop3A_531, %parallel_loop3A_537 : vector<16xi32>
      %parallel_loop3A_539 = tpu.bitcast %parallel_loop3A_538 : vector<16xi32> -> vector<16xf32>
      %parallel_loop3A_540 = arith.index_cast %parallel_loop3A_131 : i32 to index
      %parallel_loop3A_541 = arith.constant 576 : index
      %parallel_loop3A_542 = tpu.vector_load %arg7[%parallel_loop3A_540, %parallel_loop3A_541] {strides = array<i32>} : memref<64x768xf32, #tpu.memory_space<vmem>>, vector<1x16xf32>,
      %parallel_loop3A_543 = vector.shape_cast %parallel_loop3A_542 : vector<1x16xf32> to vector<16xf32>
      %parallel_loop3A_544 = vector.shape_cast %parallel_loop3A_535 : vector<16xf32> to vector<1x16xf32>
      tpu.vector_store %arg7[%parallel_loop3A_540, %parallel_loop3A_541], %parallel_loop3A_544 {add = true, strides = array<i32>} : memref<64x768xf32, #tpu.memory_space<vmem>>, vector<1x16xf32>,
      %parallel_loop3A_545 = arith.index_cast %parallel_loop3A_131 : i32 to index
      %parallel_loop3A_546 = arith.constant 592 : index
      %parallel_loop3A_547 = tpu.vector_load %arg7[%parallel_loop3A_545, %parallel_loop3A_546] {strides = array<i32>} : memref<64x768xf32, #tpu.memory_space<vmem>>, vector<1x16xf32>,
      %parallel_loop3A_548 = vector.shape_cast %parallel_loop3A_547 : vector<1x16xf32> to vector<16xf32>
      %parallel_loop3A_549 = vector.shape_cast %parallel_loop3A_539 : vector<16xf32> to vector<1x16xf32>
      tpu.vector_store %arg7[%parallel_loop3A_545, %parallel_loop3A_546], %parallel_loop3A_549 {add = true, strides = array<i32>} : memref<64x768xf32, #tpu.memory_space<vmem>>, vector<1x16xf32>,
      %parallel_loop3A_550 = arith.index_cast %parallel_loop3A_131 : i32 to index
      %parallel_loop3A_551 = arith.constant 304 : index
      %parallel_loop3A_552 = tpu.vector_load %arg9[%parallel_loop3A_550, %parallel_loop3A_551] {strides = array<i32>} : memref<64x384xi32, #tpu.memory_space<vmem>>, vector<1x16xi32>,
      %parallel_loop3A_553 = vector.shape_cast %parallel_loop3A_552 : vector<1x16xi32> to vector<16xi32>
      %parallel_loop3A_554 = arith.constant 16 : i32
      %parallel_loop3A_555 = vector.broadcast %parallel_loop3A_554 : i32 to vector<16xi32>
      %parallel_loop3A_556 = arith.shli %parallel_loop3A_553, %parallel_loop3A_555 : vector<16xi32>
      %parallel_loop3A_557 = tpu.bitcast %parallel_loop3A_556 : vector<16xi32> -> vector<16xf32>
      %parallel_loop3A_558 = arith.constant -65536 : i32
      %parallel_loop3A_559 = vector.broadcast %parallel_loop3A_558 : i32 to vector<16xi32>
      %parallel_loop3A_560 = arith.andi %parallel_loop3A_553, %parallel_loop3A_559 : vector<16xi32>
      %parallel_loop3A_561 = tpu.bitcast %parallel_loop3A_560 : vector<16xi32> -> vector<16xf32>
      %parallel_loop3A_562 = arith.index_cast %parallel_loop3A_131 : i32 to index
      %parallel_loop3A_563 = arith.constant 608 : index
      %parallel_loop3A_564 = tpu.vector_load %arg7[%parallel_loop3A_562, %parallel_loop3A_563] {strides = array<i32>} : memref<64x768xf32, #tpu.memory_space<vmem>>, vector<1x16xf32>,
      %parallel_loop3A_565 = vector.shape_cast %parallel_loop3A_564 : vector<1x16xf32> to vector<16xf32>
      %parallel_loop3A_566 = vector.shape_cast %parallel_loop3A_557 : vector<16xf32> to vector<1x16xf32>
      tpu.vector_store %arg7[%parallel_loop3A_562, %parallel_loop3A_563], %parallel_loop3A_566 {add = true, strides = array<i32>} : memref<64x768xf32, #tpu.memory_space<vmem>>, vector<1x16xf32>,
      %parallel_loop3A_567 = arith.index_cast %parallel_loop3A_131 : i32 to index
      %parallel_loop3A_568 = arith.constant 624 : index
      %parallel_loop3A_569 = tpu.vector_load %arg7[%parallel_loop3A_567, %parallel_loop3A_568] {strides = array<i32>} : memref<64x768xf32, #tpu.memory_space<vmem>>, vector<1x16xf32>,
      %parallel_loop3A_570 = vector.shape_cast %parallel_loop3A_569 : vector<1x16xf32> to vector<16xf32>
      %parallel_loop3A_571 = vector.shape_cast %parallel_loop3A_561 : vector<16xf32> to vector<1x16xf32>
      tpu.vector_store %arg7[%parallel_loop3A_567, %parallel_loop3A_568], %parallel_loop3A_571 {add = true, strides = array<i32>} : memref<64x768xf32, #tpu.memory_space<vmem>>, vector<1x16xf32>,
      %parallel_loop3A_572 = arith.index_cast %parallel_loop3A_131 : i32 to index
      %parallel_loop3A_573 = arith.constant 320 : index
      %parallel_loop3A_574 = tpu.vector_load %arg9[%parallel_loop3A_572, %parallel_loop3A_573] {strides = array<i32>} : memref<64x384xi32, #tpu.memory_space<vmem>>, vector<1x16xi32>,
      %parallel_loop3A_575 = vector.shape_cast %parallel_loop3A_574 : vector<1x16xi32> to vector<16xi32>
      %parallel_loop3A_576 = arith.constant 16 : i32
      %parallel_loop3A_577 = vector.broadcast %parallel_loop3A_576 : i32 to vector<16xi32>
      %parallel_loop3A_578 = arith.shli %parallel_loop3A_575, %parallel_loop3A_577 : vector<16xi32>
      %parallel_loop3A_579 = tpu.bitcast %parallel_loop3A_578 : vector<16xi32> -> vector<16xf32>
      %parallel_loop3A_580 = arith.constant -65536 : i32
      %parallel_loop3A_581 = vector.broadcast %parallel_loop3A_580 : i32 to vector<16xi32>
      %parallel_loop3A_582 = arith.andi %parallel_loop3A_575, %parallel_loop3A_581 : vector<16xi32>
      %parallel_loop3A_583 = tpu.bitcast %parallel_loop3A_582 : vector<16xi32> -> vector<16xf32>
      %parallel_loop3A_584 = arith.index_cast %parallel_loop3A_131 : i32 to index
      %parallel_loop3A_585 = arith.constant 640 : index
      %parallel_loop3A_586 = tpu.vector_load %arg7[%parallel_loop3A_584, %parallel_loop3A_585] {strides = array<i32>} : memref<64x768xf32, #tpu.memory_space<vmem>>, vector<1x16xf32>,
      %parallel_loop3A_587 = vector.shape_cast %parallel_loop3A_586 : vector<1x16xf32> to vector<16xf32>
      %parallel_loop3A_588 = vector.shape_cast %parallel_loop3A_579 : vector<16xf32> to vector<1x16xf32>
      tpu.vector_store %arg7[%parallel_loop3A_584, %parallel_loop3A_585], %parallel_loop3A_588 {add = true, strides = array<i32>} : memref<64x768xf32, #tpu.memory_space<vmem>>, vector<1x16xf32>,
      %parallel_loop3A_589 = arith.index_cast %parallel_loop3A_131 : i32 to index
      %parallel_loop3A_590 = arith.constant 656 : index
      %parallel_loop3A_591 = tpu.vector_load %arg7[%parallel_loop3A_589, %parallel_loop3A_590] {strides = array<i32>} : memref<64x768xf32, #tpu.memory_space<vmem>>, vector<1x16xf32>,
      %parallel_loop3A_592 = vector.shape_cast %parallel_loop3A_591 : vector<1x16xf32> to vector<16xf32>
      %parallel_loop3A_593 = vector.shape_cast %parallel_loop3A_583 : vector<16xf32> to vector<1x16xf32>
      tpu.vector_store %arg7[%parallel_loop3A_589, %parallel_loop3A_590], %parallel_loop3A_593 {add = true, strides = array<i32>} : memref<64x768xf32, #tpu.memory_space<vmem>>, vector<1x16xf32>,
      %parallel_loop3A_594 = arith.index_cast %parallel_loop3A_131 : i32 to index
      %parallel_loop3A_595 = arith.constant 336 : index
      %parallel_loop3A_596 = tpu.vector_load %arg9[%parallel_loop3A_594, %parallel_loop3A_595] {strides = array<i32>} : memref<64x384xi32, #tpu.memory_space<vmem>>, vector<1x16xi32>,
      %parallel_loop3A_597 = vector.shape_cast %parallel_loop3A_596 : vector<1x16xi32> to vector<16xi32>
      %parallel_loop3A_598 = arith.constant 16 : i32
      %parallel_loop3A_599 = vector.broadcast %parallel_loop3A_598 : i32 to vector<16xi32>
      %parallel_loop3A_600 = arith.shli %parallel_loop3A_597, %parallel_loop3A_599 : vector<16xi32>
      %parallel_loop3A_601 = tpu.bitcast %parallel_loop3A_600 : vector<16xi32> -> vector<16xf32>
      %parallel_loop3A_602 = arith.constant -65536 : i32
      %parallel_loop3A_603 = vector.broadcast %parallel_loop3A_602 : i32 to vector<16xi32>
      %parallel_loop3A_604 = arith.andi %parallel_loop3A_597, %parallel_loop3A_603 : vector<16xi32>
      %parallel_loop3A_605 = tpu.bitcast %parallel_loop3A_604 : vector<16xi32> -> vector<16xf32>
      %parallel_loop3A_606 = arith.index_cast %parallel_loop3A_131 : i32 to index
      %parallel_loop3A_607 = arith.constant 672 : index
      %parallel_loop3A_608 = tpu.vector_load %arg7[%parallel_loop3A_606, %parallel_loop3A_607] {strides = array<i32>} : memref<64x768xf32, #tpu.memory_space<vmem>>, vector<1x16xf32>,
      %parallel_loop3A_609 = vector.shape_cast %parallel_loop3A_608 : vector<1x16xf32> to vector<16xf32>
      %parallel_loop3A_610 = vector.shape_cast %parallel_loop3A_601 : vector<16xf32> to vector<1x16xf32>
      tpu.vector_store %arg7[%parallel_loop3A_606, %parallel_loop3A_607], %parallel_loop3A_610 {add = true, strides = array<i32>} : memref<64x768xf32, #tpu.memory_space<vmem>>, vector<1x16xf32>,
      %parallel_loop3A_611 = arith.index_cast %parallel_loop3A_131 : i32 to index
      %parallel_loop3A_612 = arith.constant 688 : index
      %parallel_loop3A_613 = tpu.vector_load %arg7[%parallel_loop3A_611, %parallel_loop3A_612] {strides = array<i32>} : memref<64x768xf32, #tpu.memory_space<vmem>>, vector<1x16xf32>,
      %parallel_loop3A_614 = vector.shape_cast %parallel_loop3A_613 : vector<1x16xf32> to vector<16xf32>
      %parallel_loop3A_615 = vector.shape_cast %parallel_loop3A_605 : vector<16xf32> to vector<1x16xf32>
      tpu.vector_store %arg7[%parallel_loop3A_611, %parallel_loop3A_612], %parallel_loop3A_615 {add = true, strides = array<i32>} : memref<64x768xf32, #tpu.memory_space<vmem>>, vector<1x16xf32>,
      %parallel_loop3A_616 = arith.index_cast %parallel_loop3A_131 : i32 to index
      %parallel_loop3A_617 = arith.constant 352 : index
      %parallel_loop3A_618 = tpu.vector_load %arg9[%parallel_loop3A_616, %parallel_loop3A_617] {strides = array<i32>} : memref<64x384xi32, #tpu.memory_space<vmem>>, vector<1x16xi32>,
      %parallel_loop3A_619 = vector.shape_cast %parallel_loop3A_618 : vector<1x16xi32> to vector<16xi32>
      %parallel_loop3A_620 = arith.constant 16 : i32
      %parallel_loop3A_621 = vector.broadcast %parallel_loop3A_620 : i32 to vector<16xi32>
      %parallel_loop3A_622 = arith.shli %parallel_loop3A_619, %parallel_loop3A_621 : vector<16xi32>
      %parallel_loop3A_623 = tpu.bitcast %parallel_loop3A_622 : vector<16xi32> -> vector<16xf32>
      %parallel_loop3A_624 = arith.constant -65536 : i32
      %parallel_loop3A_625 = vector.broadcast %parallel_loop3A_624 : i32 to vector<16xi32>
      %parallel_loop3A_626 = arith.andi %parallel_loop3A_619, %parallel_loop3A_625 : vector<16xi32>
      %parallel_loop3A_627 = tpu.bitcast %parallel_loop3A_626 : vector<16xi32> -> vector<16xf32>
      %parallel_loop3A_628 = arith.index_cast %parallel_loop3A_131 : i32 to index
      %parallel_loop3A_629 = arith.constant 704 : index
      %parallel_loop3A_630 = tpu.vector_load %arg7[%parallel_loop3A_628, %parallel_loop3A_629] {strides = array<i32>} : memref<64x768xf32, #tpu.memory_space<vmem>>, vector<1x16xf32>,
      %parallel_loop3A_631 = vector.shape_cast %parallel_loop3A_630 : vector<1x16xf32> to vector<16xf32>
      %parallel_loop3A_632 = vector.shape_cast %parallel_loop3A_623 : vector<16xf32> to vector<1x16xf32>
      tpu.vector_store %arg7[%parallel_loop3A_628, %parallel_loop3A_629], %parallel_loop3A_632 {add = true, strides = array<i32>} : memref<64x768xf32, #tpu.memory_space<vmem>>, vector<1x16xf32>,
      %parallel_loop3A_633 = arith.index_cast %parallel_loop3A_131 : i32 to index
      %parallel_loop3A_634 = arith.constant 720 : index
      %parallel_loop3A_635 = tpu.vector_load %arg7[%parallel_loop3A_633, %parallel_loop3A_634] {strides = array<i32>} : memref<64x768xf32, #tpu.memory_space<vmem>>, vector<1x16xf32>,
      %parallel_loop3A_636 = vector.shape_cast %parallel_loop3A_635 : vector<1x16xf32> to vector<16xf32>
      %parallel_loop3A_637 = vector.shape_cast %parallel_loop3A_627 : vector<16xf32> to vector<1x16xf32>
      tpu.vector_store %arg7[%parallel_loop3A_633, %parallel_loop3A_634], %parallel_loop3A_637 {add = true, strides = array<i32>} : memref<64x768xf32, #tpu.memory_space<vmem>>, vector<1x16xf32>,
      %parallel_loop3A_638 = arith.index_cast %parallel_loop3A_131 : i32 to index
      %parallel_loop3A_639 = arith.constant 368 : index
      %parallel_loop3A_640 = tpu.vector_load %arg9[%parallel_loop3A_638, %parallel_loop3A_639] {strides = array<i32>} : memref<64x384xi32, #tpu.memory_space<vmem>>, vector<1x16xi32>,
      %parallel_loop3A_641 = vector.shape_cast %parallel_loop3A_640 : vector<1x16xi32> to vector<16xi32>
      %parallel_loop3A_642 = arith.constant 16 : i32
      %parallel_loop3A_643 = vector.broadcast %parallel_loop3A_642 : i32 to vector<16xi32>
      %parallel_loop3A_644 = arith.shli %parallel_loop3A_641, %parallel_loop3A_643 : vector<16xi32>
      %parallel_loop3A_645 = tpu.bitcast %parallel_loop3A_644 : vector<16xi32> -> vector<16xf32>
      %parallel_loop3A_646 = arith.constant -65536 : i32
      %parallel_loop3A_647 = vector.broadcast %parallel_loop3A_646 : i32 to vector<16xi32>
      %parallel_loop3A_648 = arith.andi %parallel_loop3A_641, %parallel_loop3A_647 : vector<16xi32>
      %parallel_loop3A_649 = tpu.bitcast %parallel_loop3A_648 : vector<16xi32> -> vector<16xf32>
      %parallel_loop3A_650 = arith.index_cast %parallel_loop3A_131 : i32 to index
      %parallel_loop3A_651 = arith.constant 736 : index
      %parallel_loop3A_652 = tpu.vector_load %arg7[%parallel_loop3A_650, %parallel_loop3A_651] {strides = array<i32>} : memref<64x768xf32, #tpu.memory_space<vmem>>, vector<1x16xf32>,
      %parallel_loop3A_653 = vector.shape_cast %parallel_loop3A_652 : vector<1x16xf32> to vector<16xf32>
      %parallel_loop3A_654 = vector.shape_cast %parallel_loop3A_645 : vector<16xf32> to vector<1x16xf32>
      tpu.vector_store %arg7[%parallel_loop3A_650, %parallel_loop3A_651], %parallel_loop3A_654 {add = true, strides = array<i32>} : memref<64x768xf32, #tpu.memory_space<vmem>>, vector<1x16xf32>,
      %parallel_loop3A_655 = arith.index_cast %parallel_loop3A_131 : i32 to index
      %parallel_loop3A_656 = arith.constant 752 : index
      %parallel_loop3A_657 = tpu.vector_load %arg7[%parallel_loop3A_655, %parallel_loop3A_656] {strides = array<i32>} : memref<64x768xf32, #tpu.memory_space<vmem>>, vector<1x16xf32>,
      %parallel_loop3A_658 = vector.shape_cast %parallel_loop3A_657 : vector<1x16xf32> to vector<16xf32>
      %parallel_loop3A_659 = vector.shape_cast %parallel_loop3A_649 : vector<16xf32> to vector<1x16xf32>
      tpu.vector_store %arg7[%parallel_loop3A_655, %parallel_loop3A_656], %parallel_loop3A_659 {add = true, strides = array<i32>} : memref<64x768xf32, #tpu.memory_space<vmem>>, vector<1x16xf32>,
    } {sc.loop_unroll_factor = 2 : i64, sc.parallel_access}
    %dma_start3A_93 = arith.constant 2 : i32
    %dma_start3A_94 = arith.constant 0 : i32
    %dma_start3A_95 = tpu.memref_slice %arg5[%dma_start3A_93, %mul3A_2, %dma_start3A_94] : memref<4x2048x768xf32, #tpu.memory_space<hbm>> -> memref<1x64x768xf32, #tpu.memory_space<hbm>>
    %dma_start3A_96 = tpu.memref_squeeze %dma_start3A_95 : memref<1x64x768xf32, #tpu.memory_space<hbm>> -> memref<64x768xf32, #tpu.memory_space<hbm>>
    %dma_start3A_97 = arith.constant 0 : i32
    %dma_start3A_98 = tpu.memref_slice %arg5[%dma_start3A_93, %mul3A_2, %dma_start3A_97] : memref<4x2048x768xf32, #tpu.memory_space<hbm>> -> memref<1x64x768xf32, #tpu.memory_space<hbm>>
    %dma_start3A_99 = tpu.memref_squeeze %dma_start3A_98 : memref<1x64x768xf32, #tpu.memory_space<hbm>> -> memref<64x768xf32, #tpu.memory_space<hbm>>
    tpu.enqueue_dma source(%arg7 : memref<64x768xf32, #tpu.memory_space<vmem>>) target(%dma_start3A_99 : memref<64x768xf32, #tpu.memory_space<hbm>>) target_semaphore(%arg12 : memref<!tpu.dma_semaphore, #tpu.memory_space<semaphore_mem>>)
    %dma_wait3A_100 = arith.constant 3 : i32
    %dma_wait3A_101 = arith.constant 0 : i32
    %dma_wait3A_102 = tpu.memref_slice %arg6[%dma_wait3A_100, %dma_wait3A_101] : memref<4x64xi32, #tpu.memory_space<vmem>> -> memref<1x64xi32, #tpu.memory_space<vmem>>
    %dma_wait3A_103 = tpu.memref_squeeze %dma_wait3A_102 : memref<1x64xi32, #tpu.memory_space<vmem>> -> memref<64xi32, #tpu.memory_space<vmem>>
    %dma_wait3A_104 = arith.constant 0 : i32
    %dma_wait3A_105 = arith.constant 0 : i32
    %dma_wait3A_106 = tpu.memref_slice %arg3[%dma_wait3A_104, %dma_wait3A_105] : memref<100000x768xf32, #tpu.memory_space<hbm>> -> memref<100000x768xf32, #tpu.memory_space<hbm>>
    tpu.wait_indirect_dma semaphore(%arg11 : memref<!tpu.dma_semaphore, #tpu.memory_space<semaphore_mem>>) src(%dma_wait3A_106 : memref<100000x768xf32, #tpu.memory_space<hbm>>) dst(%arg8 : memref<64x768xf32, #tpu.memory_space<vmem>>)
    %parallel_loop3A_107 = arith.constant 0 : i32
    %parallel_loop3A_108 = arith.constant 64 : i32
    %parallel_loop3A_109 = arith.constant 1 : i32
    scf.for %parallel_loop3A_131 = %parallel_loop3A_107 to %parallel_loop3A_108 step %parallel_loop3A_109  : i32 {
      %parallel_loop3A_132 = arith.index_cast %parallel_loop3A_131 : i32 to index
      %parallel_loop3A_133 = arith.constant 0 : index
      %parallel_loop3A_134 = tpu.vector_load %arg9[%parallel_loop3A_132, %parallel_loop3A_133] {strides = array<i32>} : memref<64x384xi32, #tpu.memory_space<vmem>>, vector<1x16xi32>,
      %parallel_loop3A_135 = vector.shape_cast %parallel_loop3A_134 : vector<1x16xi32> to vector<16xi32>
      %parallel_loop3A_136 = arith.constant 16 : i32
      %parallel_loop3A_137 = vector.broadcast %parallel_loop3A_136 : i32 to vector<16xi32>
      %parallel_loop3A_138 = arith.shli %parallel_loop3A_135, %parallel_loop3A_137 : vector<16xi32>
      %parallel_loop3A_139 = tpu.bitcast %parallel_loop3A_138 : vector<16xi32> -> vector<16xf32>
      %parallel_loop3A_140 = arith.constant -65536 : i32
      %parallel_loop3A_141 = vector.broadcast %parallel_loop3A_140 : i32 to vector<16xi32>
      %parallel_loop3A_142 = arith.andi %parallel_loop3A_135, %parallel_loop3A_141 : vector<16xi32>
      %parallel_loop3A_143 = tpu.bitcast %parallel_loop3A_142 : vector<16xi32> -> vector<16xf32>
      %parallel_loop3A_144 = arith.index_cast %parallel_loop3A_131 : i32 to index
      %parallel_loop3A_145 = arith.constant 0 : index
      %parallel_loop3A_146 = tpu.vector_load %arg8[%parallel_loop3A_144, %parallel_loop3A_145] {strides = array<i32>} : memref<64x768xf32, #tpu.memory_space<vmem>>, vector<1x16xf32>,
      %parallel_loop3A_147 = vector.shape_cast %parallel_loop3A_146 : vector<1x16xf32> to vector<16xf32>
      %parallel_loop3A_148 = vector.shape_cast %parallel_loop3A_139 : vector<16xf32> to vector<1x16xf32>
      tpu.vector_store %arg8[%parallel_loop3A_144, %parallel_loop3A_145], %parallel_loop3A_148 {add = true, strides = array<i32>} : memref<64x768xf32, #tpu.memory_space<vmem>>, vector<1x16xf32>,
      %parallel_loop3A_149 = arith.index_cast %parallel_loop3A_131 : i32 to index
      %parallel_loop3A_150 = arith.constant 16 : index
      %parallel_loop3A_151 = tpu.vector_load %arg8[%parallel_loop3A_149, %parallel_loop3A_150] {strides = array<i32>} : memref<64x768xf32, #tpu.memory_space<vmem>>, vector<1x16xf32>,
      %parallel_loop3A_152 = vector.shape_cast %parallel_loop3A_151 : vector<1x16xf32> to vector<16xf32>
      %parallel_loop3A_153 = vector.shape_cast %parallel_loop3A_143 : vector<16xf32> to vector<1x16xf32>
      tpu.vector_store %arg8[%parallel_loop3A_149, %parallel_loop3A_150], %parallel_loop3A_153 {add = true, strides = array<i32>} : memref<64x768xf32, #tpu.memory_space<vmem>>, vector<1x16xf32>,
      %parallel_loop3A_154 = arith.index_cast %parallel_loop3A_131 : i32 to index
      %parallel_loop3A_155 = arith.constant 16 : index
      %parallel_loop3A_156 = tpu.vector_load %arg9[%parallel_loop3A_154, %parallel_loop3A_155] {strides = array<i32>} : memref<64x384xi32, #tpu.memory_space<vmem>>, vector<1x16xi32>,
      %parallel_loop3A_157 = vector.shape_cast %parallel_loop3A_156 : vector<1x16xi32> to vector<16xi32>
      %parallel_loop3A_158 = arith.constant 16 : i32
      %parallel_loop3A_159 = vector.broadcast %parallel_loop3A_158 : i32 to vector<16xi32>
      %parallel_loop3A_160 = arith.shli %parallel_loop3A_157, %parallel_loop3A_159 : vector<16xi32>
      %parallel_loop3A_161 = tpu.bitcast %parallel_loop3A_160 : vector<16xi32> -> vector<16xf32>
      %parallel_loop3A_162 = arith.constant -65536 : i32
      %parallel_loop3A_163 = vector.broadcast %parallel_loop3A_162 : i32 to vector<16xi32>
      %parallel_loop3A_164 = arith.andi %parallel_loop3A_157, %parallel_loop3A_163 : vector<16xi32>
      %parallel_loop3A_165 = tpu.bitcast %parallel_loop3A_164 : vector<16xi32> -> vector<16xf32>
      %parallel_loop3A_166 = arith.index_cast %parallel_loop3A_131 : i32 to index
      %parallel_loop3A_167 = arith.constant 32 : index
      %parallel_loop3A_168 = tpu.vector_load %arg8[%parallel_loop3A_166, %parallel_loop3A_167] {strides = array<i32>} : memref<64x768xf32, #tpu.memory_space<vmem>>, vector<1x16xf32>,
      %parallel_loop3A_169 = vector.shape_cast %parallel_loop3A_168 : vector<1x16xf32> to vector<16xf32>
      %parallel_loop3A_170 = vector.shape_cast %parallel_loop3A_161 : vector<16xf32> to vector<1x16xf32>
      tpu.vector_store %arg8[%parallel_loop3A_166, %parallel_loop3A_167], %parallel_loop3A_170 {add = true, strides = array<i32>} : memref<64x768xf32, #tpu.memory_space<vmem>>, vector<1x16xf32>,
      %parallel_loop3A_171 = arith.index_cast %parallel_loop3A_131 : i32 to index
      %parallel_loop3A_172 = arith.constant 48 : index
      %parallel_loop3A_173 = tpu.vector_load %arg8[%parallel_loop3A_171, %parallel_loop3A_172] {strides = array<i32>} : memref<64x768xf32, #tpu.memory_space<vmem>>, vector<1x16xf32>,
      %parallel_loop3A_174 = vector.shape_cast %parallel_loop3A_173 : vector<1x16xf32> to vector<16xf32>
      %parallel_loop3A_175 = vector.shape_cast %parallel_loop3A_165 : vector<16xf32> to vector<1x16xf32>
      tpu.vector_store %arg8[%parallel_loop3A_171, %parallel_loop3A_172], %parallel_loop3A_175 {add = true, strides = array<i32>} : memref<64x768xf32, #tpu.memory_space<vmem>>, vector<1x16xf32>,
      %parallel_loop3A_176 = arith.index_cast %parallel_loop3A_131 : i32 to index
      %parallel_loop3A_177 = arith.constant 32 : index
      %parallel_loop3A_178 = tpu.vector_load %arg9[%parallel_loop3A_176, %parallel_loop3A_177] {strides = array<i32>} : memref<64x384xi32, #tpu.memory_space<vmem>>, vector<1x16xi32>,
      %parallel_loop3A_179 = vector.shape_cast %parallel_loop3A_178 : vector<1x16xi32> to vector<16xi32>
      %parallel_loop3A_180 = arith.constant 16 : i32
      %parallel_loop3A_181 = vector.broadcast %parallel_loop3A_180 : i32 to vector<16xi32>
      %parallel_loop3A_182 = arith.shli %parallel_loop3A_179, %parallel_loop3A_181 : vector<16xi32>
      %parallel_loop3A_183 = tpu.bitcast %parallel_loop3A_182 : vector<16xi32> -> vector<16xf32>
      %parallel_loop3A_184 = arith.constant -65536 : i32
      %parallel_loop3A_185 = vector.broadcast %parallel_loop3A_184 : i32 to vector<16xi32>
      %parallel_loop3A_186 = arith.andi %parallel_loop3A_179, %parallel_loop3A_185 : vector<16xi32>
      %parallel_loop3A_187 = tpu.bitcast %parallel_loop3A_186 : vector<16xi32> -> vector<16xf32>
      %parallel_loop3A_188 = arith.index_cast %parallel_loop3A_131 : i32 to index
      %parallel_loop3A_189 = arith.constant 64 : index
      %parallel_loop3A_190 = tpu.vector_load %arg8[%parallel_loop3A_188, %parallel_loop3A_189] {strides = array<i32>} : memref<64x768xf32, #tpu.memory_space<vmem>>, vector<1x16xf32>,
      %parallel_loop3A_191 = vector.shape_cast %parallel_loop3A_190 : vector<1x16xf32> to vector<16xf32>
      %parallel_loop3A_192 = vector.shape_cast %parallel_loop3A_183 : vector<16xf32> to vector<1x16xf32>
      tpu.vector_store %arg8[%parallel_loop3A_188, %parallel_loop3A_189], %parallel_loop3A_192 {add = true, strides = array<i32>} : memref<64x768xf32, #tpu.memory_space<vmem>>, vector<1x16xf32>,
      %parallel_loop3A_193 = arith.index_cast %parallel_loop3A_131 : i32 to index
      %parallel_loop3A_194 = arith.constant 80 : index
      %parallel_loop3A_195 = tpu.vector_load %arg8[%parallel_loop3A_193, %parallel_loop3A_194] {strides = array<i32>} : memref<64x768xf32, #tpu.memory_space<vmem>>, vector<1x16xf32>,
      %parallel_loop3A_196 = vector.shape_cast %parallel_loop3A_195 : vector<1x16xf32> to vector<16xf32>
      %parallel_loop3A_197 = vector.shape_cast %parallel_loop3A_187 : vector<16xf32> to vector<1x16xf32>
      tpu.vector_store %arg8[%parallel_loop3A_193, %parallel_loop3A_194], %parallel_loop3A_197 {add = true, strides = array<i32>} : memref<64x768xf32, #tpu.memory_space<vmem>>, vector<1x16xf32>,
      %parallel_loop3A_198 = arith.index_cast %parallel_loop3A_131 : i32 to index
      %parallel_loop3A_199 = arith.constant 48 : index
      %parallel_loop3A_200 = tpu.vector_load %arg9[%parallel_loop3A_198, %parallel_loop3A_199] {strides = array<i32>} : memref<64x384xi32, #tpu.memory_space<vmem>>, vector<1x16xi32>,
      %parallel_loop3A_201 = vector.shape_cast %parallel_loop3A_200 : vector<1x16xi32> to vector<16xi32>
      %parallel_loop3A_202 = arith.constant 16 : i32
      %parallel_loop3A_203 = vector.broadcast %parallel_loop3A_202 : i32 to vector<16xi32>
      %parallel_loop3A_204 = arith.shli %parallel_loop3A_201, %parallel_loop3A_203 : vector<16xi32>
      %parallel_loop3A_205 = tpu.bitcast %parallel_loop3A_204 : vector<16xi32> -> vector<16xf32>
      %parallel_loop3A_206 = arith.constant -65536 : i32
      %parallel_loop3A_207 = vector.broadcast %parallel_loop3A_206 : i32 to vector<16xi32>
      %parallel_loop3A_208 = arith.andi %parallel_loop3A_201, %parallel_loop3A_207 : vector<16xi32>
      %parallel_loop3A_209 = tpu.bitcast %parallel_loop3A_208 : vector<16xi32> -> vector<16xf32>
      %parallel_loop3A_210 = arith.index_cast %parallel_loop3A_131 : i32 to index
      %parallel_loop3A_211 = arith.constant 96 : index
      %parallel_loop3A_212 = tpu.vector_load %arg8[%parallel_loop3A_210, %parallel_loop3A_211] {strides = array<i32>} : memref<64x768xf32, #tpu.memory_space<vmem>>, vector<1x16xf32>,
      %parallel_loop3A_213 = vector.shape_cast %parallel_loop3A_212 : vector<1x16xf32> to vector<16xf32>
      %parallel_loop3A_214 = vector.shape_cast %parallel_loop3A_205 : vector<16xf32> to vector<1x16xf32>
      tpu.vector_store %arg8[%parallel_loop3A_210, %parallel_loop3A_211], %parallel_loop3A_214 {add = true, strides = array<i32>} : memref<64x768xf32, #tpu.memory_space<vmem>>, vector<1x16xf32>,
      %parallel_loop3A_215 = arith.index_cast %parallel_loop3A_131 : i32 to index
      %parallel_loop3A_216 = arith.constant 112 : index
      %parallel_loop3A_217 = tpu.vector_load %arg8[%parallel_loop3A_215, %parallel_loop3A_216] {strides = array<i32>} : memref<64x768xf32, #tpu.memory_space<vmem>>, vector<1x16xf32>,
      %parallel_loop3A_218 = vector.shape_cast %parallel_loop3A_217 : vector<1x16xf32> to vector<16xf32>
      %parallel_loop3A_219 = vector.shape_cast %parallel_loop3A_209 : vector<16xf32> to vector<1x16xf32>
      tpu.vector_store %arg8[%parallel_loop3A_215, %parallel_loop3A_216], %parallel_loop3A_219 {add = true, strides = array<i32>} : memref<64x768xf32, #tpu.memory_space<vmem>>, vector<1x16xf32>,
      %parallel_loop3A_220 = arith.index_cast %parallel_loop3A_131 : i32 to index
      %parallel_loop3A_221 = arith.constant 64 : index
      %parallel_loop3A_222 = tpu.vector_load %arg9[%parallel_loop3A_220, %parallel_loop3A_221] {strides = array<i32>} : memref<64x384xi32, #tpu.memory_space<vmem>>, vector<1x16xi32>,
      %parallel_loop3A_223 = vector.shape_cast %parallel_loop3A_222 : vector<1x16xi32> to vector<16xi32>
      %parallel_loop3A_224 = arith.constant 16 : i32
      %parallel_loop3A_225 = vector.broadcast %parallel_loop3A_224 : i32 to vector<16xi32>
      %parallel_loop3A_226 = arith.shli %parallel_loop3A_223, %parallel_loop3A_225 : vector<16xi32>
      %parallel_loop3A_227 = tpu.bitcast %parallel_loop3A_226 : vector<16xi32> -> vector<16xf32>
      %parallel_loop3A_228 = arith.constant -65536 : i32
      %parallel_loop3A_229 = vector.broadcast %parallel_loop3A_228 : i32 to vector<16xi32>
      %parallel_loop3A_230 = arith.andi %parallel_loop3A_223, %parallel_loop3A_229 : vector<16xi32>
      %parallel_loop3A_231 = tpu.bitcast %parallel_loop3A_230 : vector<16xi32> -> vector<16xf32>
      %parallel_loop3A_232 = arith.index_cast %parallel_loop3A_131 : i32 to index
      %parallel_loop3A_233 = arith.constant 128 : index
      %parallel_loop3A_234 = tpu.vector_load %arg8[%parallel_loop3A_232, %parallel_loop3A_233] {strides = array<i32>} : memref<64x768xf32, #tpu.memory_space<vmem>>, vector<1x16xf32>,
      %parallel_loop3A_235 = vector.shape_cast %parallel_loop3A_234 : vector<1x16xf32> to vector<16xf32>
      %parallel_loop3A_236 = vector.shape_cast %parallel_loop3A_227 : vector<16xf32> to vector<1x16xf32>
      tpu.vector_store %arg8[%parallel_loop3A_232, %parallel_loop3A_233], %parallel_loop3A_236 {add = true, strides = array<i32>} : memref<64x768xf32, #tpu.memory_space<vmem>>, vector<1x16xf32>,
      %parallel_loop3A_237 = arith.index_cast %parallel_loop3A_131 : i32 to index
      %parallel_loop3A_238 = arith.constant 144 : index
      %parallel_loop3A_239 = tpu.vector_load %arg8[%parallel_loop3A_237, %parallel_loop3A_238] {strides = array<i32>} : memref<64x768xf32, #tpu.memory_space<vmem>>, vector<1x16xf32>,
      %parallel_loop3A_240 = vector.shape_cast %parallel_loop3A_239 : vector<1x16xf32> to vector<16xf32>
      %parallel_loop3A_241 = vector.shape_cast %parallel_loop3A_231 : vector<16xf32> to vector<1x16xf32>
      tpu.vector_store %arg8[%parallel_loop3A_237, %parallel_loop3A_238], %parallel_loop3A_241 {add = true, strides = array<i32>} : memref<64x768xf32, #tpu.memory_space<vmem>>, vector<1x16xf32>,
      %parallel_loop3A_242 = arith.index_cast %parallel_loop3A_131 : i32 to index
      %parallel_loop3A_243 = arith.constant 80 : index
      %parallel_loop3A_244 = tpu.vector_load %arg9[%parallel_loop3A_242, %parallel_loop3A_243] {strides = array<i32>} : memref<64x384xi32, #tpu.memory_space<vmem>>, vector<1x16xi32>,
      %parallel_loop3A_245 = vector.shape_cast %parallel_loop3A_244 : vector<1x16xi32> to vector<16xi32>
      %parallel_loop3A_246 = arith.constant 16 : i32
      %parallel_loop3A_247 = vector.broadcast %parallel_loop3A_246 : i32 to vector<16xi32>
      %parallel_loop3A_248 = arith.shli %parallel_loop3A_245, %parallel_loop3A_247 : vector<16xi32>
      %parallel_loop3A_249 = tpu.bitcast %parallel_loop3A_248 : vector<16xi32> -> vector<16xf32>
      %parallel_loop3A_250 = arith.constant -65536 : i32
      %parallel_loop3A_251 = vector.broadcast %parallel_loop3A_250 : i32 to vector<16xi32>
      %parallel_loop3A_252 = arith.andi %parallel_loop3A_245, %parallel_loop3A_251 : vector<16xi32>
      %parallel_loop3A_253 = tpu.bitcast %parallel_loop3A_252 : vector<16xi32> -> vector<16xf32>
      %parallel_loop3A_254 = arith.index_cast %parallel_loop3A_131 : i32 to index
      %parallel_loop3A_255 = arith.constant 160 : index
      %parallel_loop3A_256 = tpu.vector_load %arg8[%parallel_loop3A_254, %parallel_loop3A_255] {strides = array<i32>} : memref<64x768xf32, #tpu.memory_space<vmem>>, vector<1x16xf32>,
      %parallel_loop3A_257 = vector.shape_cast %parallel_loop3A_256 : vector<1x16xf32> to vector<16xf32>
      %parallel_loop3A_258 = vector.shape_cast %parallel_loop3A_249 : vector<16xf32> to vector<1x16xf32>
      tpu.vector_store %arg8[%parallel_loop3A_254, %parallel_loop3A_255], %parallel_loop3A_258 {add = true, strides = array<i32>} : memref<64x768xf32, #tpu.memory_space<vmem>>, vector<1x16xf32>,
      %parallel_loop3A_259 = arith.index_cast %parallel_loop3A_131 : i32 to index
      %parallel_loop3A_260 = arith.constant 176 : index
      %parallel_loop3A_261 = tpu.vector_load %arg8[%parallel_loop3A_259, %parallel_loop3A_260] {strides = array<i32>} : memref<64x768xf32, #tpu.memory_space<vmem>>, vector<1x16xf32>,
      %parallel_loop3A_262 = vector.shape_cast %parallel_loop3A_261 : vector<1x16xf32> to vector<16xf32>
      %parallel_loop3A_263 = vector.shape_cast %parallel_loop3A_253 : vector<16xf32> to vector<1x16xf32>
      tpu.vector_store %arg8[%parallel_loop3A_259, %parallel_loop3A_260], %parallel_loop3A_263 {add = true, strides = array<i32>} : memref<64x768xf32, #tpu.memory_space<vmem>>, vector<1x16xf32>,
      %parallel_loop3A_264 = arith.index_cast %parallel_loop3A_131 : i32 to index
      %parallel_loop3A_265 = arith.constant 96 : index
      %parallel_loop3A_266 = tpu.vector_load %arg9[%parallel_loop3A_264, %parallel_loop3A_265] {strides = array<i32>} : memref<64x384xi32, #tpu.memory_space<vmem>>, vector<1x16xi32>,
      %parallel_loop3A_267 = vector.shape_cast %parallel_loop3A_266 : vector<1x16xi32> to vector<16xi32>
      %parallel_loop3A_268 = arith.constant 16 : i32
      %parallel_loop3A_269 = vector.broadcast %parallel_loop3A_268 : i32 to vector<16xi32>
      %parallel_loop3A_270 = arith.shli %parallel_loop3A_267, %parallel_loop3A_269 : vector<16xi32>
      %parallel_loop3A_271 = tpu.bitcast %parallel_loop3A_270 : vector<16xi32> -> vector<16xf32>
      %parallel_loop3A_272 = arith.constant -65536 : i32
      %parallel_loop3A_273 = vector.broadcast %parallel_loop3A_272 : i32 to vector<16xi32>
      %parallel_loop3A_274 = arith.andi %parallel_loop3A_267, %parallel_loop3A_273 : vector<16xi32>
      %parallel_loop3A_275 = tpu.bitcast %parallel_loop3A_274 : vector<16xi32> -> vector<16xf32>
      %parallel_loop3A_276 = arith.index_cast %parallel_loop3A_131 : i32 to index
      %parallel_loop3A_277 = arith.constant 192 : index
      %parallel_loop3A_278 = tpu.vector_load %arg8[%parallel_loop3A_276, %parallel_loop3A_277] {strides = array<i32>} : memref<64x768xf32, #tpu.memory_space<vmem>>, vector<1x16xf32>,
      %parallel_loop3A_279 = vector.shape_cast %parallel_loop3A_278 : vector<1x16xf32> to vector<16xf32>
      %parallel_loop3A_280 = vector.shape_cast %parallel_loop3A_271 : vector<16xf32> to vector<1x16xf32>
      tpu.vector_store %arg8[%parallel_loop3A_276, %parallel_loop3A_277], %parallel_loop3A_280 {add = true, strides = array<i32>} : memref<64x768xf32, #tpu.memory_space<vmem>>, vector<1x16xf32>,
      %parallel_loop3A_281 = arith.index_cast %parallel_loop3A_131 : i32 to index
      %parallel_loop3A_282 = arith.constant 208 : index
      %parallel_loop3A_283 = tpu.vector_load %arg8[%parallel_loop3A_281, %parallel_loop3A_282] {strides = array<i32>} : memref<64x768xf32, #tpu.memory_space<vmem>>, vector<1x16xf32>,
      %parallel_loop3A_284 = vector.shape_cast %parallel_loop3A_283 : vector<1x16xf32> to vector<16xf32>
      %parallel_loop3A_285 = vector.shape_cast %parallel_loop3A_275 : vector<16xf32> to vector<1x16xf32>
      tpu.vector_store %arg8[%parallel_loop3A_281, %parallel_loop3A_282], %parallel_loop3A_285 {add = true, strides = array<i32>} : memref<64x768xf32, #tpu.memory_space<vmem>>, vector<1x16xf32>,
      %parallel_loop3A_286 = arith.index_cast %parallel_loop3A_131 : i32 to index
      %parallel_loop3A_287 = arith.constant 112 : index
      %parallel_loop3A_288 = tpu.vector_load %arg9[%parallel_loop3A_286, %parallel_loop3A_287] {strides = array<i32>} : memref<64x384xi32, #tpu.memory_space<vmem>>, vector<1x16xi32>,
      %parallel_loop3A_289 = vector.shape_cast %parallel_loop3A_288 : vector<1x16xi32> to vector<16xi32>
      %parallel_loop3A_290 = arith.constant 16 : i32
      %parallel_loop3A_291 = vector.broadcast %parallel_loop3A_290 : i32 to vector<16xi32>
      %parallel_loop3A_292 = arith.shli %parallel_loop3A_289, %parallel_loop3A_291 : vector<16xi32>
      %parallel_loop3A_293 = tpu.bitcast %parallel_loop3A_292 : vector<16xi32> -> vector<16xf32>
      %parallel_loop3A_294 = arith.constant -65536 : i32
      %parallel_loop3A_295 = vector.broadcast %parallel_loop3A_294 : i32 to vector<16xi32>
      %parallel_loop3A_296 = arith.andi %parallel_loop3A_289, %parallel_loop3A_295 : vector<16xi32>
      %parallel_loop3A_297 = tpu.bitcast %parallel_loop3A_296 : vector<16xi32> -> vector<16xf32>
      %parallel_loop3A_298 = arith.index_cast %parallel_loop3A_131 : i32 to index
      %parallel_loop3A_299 = arith.constant 224 : index
      %parallel_loop3A_300 = tpu.vector_load %arg8[%parallel_loop3A_298, %parallel_loop3A_299] {strides = array<i32>} : memref<64x768xf32, #tpu.memory_space<vmem>>, vector<1x16xf32>,
      %parallel_loop3A_301 = vector.shape_cast %parallel_loop3A_300 : vector<1x16xf32> to vector<16xf32>
      %parallel_loop3A_302 = vector.shape_cast %parallel_loop3A_293 : vector<16xf32> to vector<1x16xf32>
      tpu.vector_store %arg8[%parallel_loop3A_298, %parallel_loop3A_299], %parallel_loop3A_302 {add = true, strides = array<i32>} : memref<64x768xf32, #tpu.memory_space<vmem>>, vector<1x16xf32>,
      %parallel_loop3A_303 = arith.index_cast %parallel_loop3A_131 : i32 to index
      %parallel_loop3A_304 = arith.constant 240 : index
      %parallel_loop3A_305 = tpu.vector_load %arg8[%parallel_loop3A_303, %parallel_loop3A_304] {strides = array<i32>} : memref<64x768xf32, #tpu.memory_space<vmem>>, vector<1x16xf32>,
      %parallel_loop3A_306 = vector.shape_cast %parallel_loop3A_305 : vector<1x16xf32> to vector<16xf32>
      %parallel_loop3A_307 = vector.shape_cast %parallel_loop3A_297 : vector<16xf32> to vector<1x16xf32>
      tpu.vector_store %arg8[%parallel_loop3A_303, %parallel_loop3A_304], %parallel_loop3A_307 {add = true, strides = array<i32>} : memref<64x768xf32, #tpu.memory_space<vmem>>, vector<1x16xf32>,
      %parallel_loop3A_308 = arith.index_cast %parallel_loop3A_131 : i32 to index
      %parallel_loop3A_309 = arith.constant 128 : index
      %parallel_loop3A_310 = tpu.vector_load %arg9[%parallel_loop3A_308, %parallel_loop3A_309] {strides = array<i32>} : memref<64x384xi32, #tpu.memory_space<vmem>>, vector<1x16xi32>,
      %parallel_loop3A_311 = vector.shape_cast %parallel_loop3A_310 : vector<1x16xi32> to vector<16xi32>
      %parallel_loop3A_312 = arith.constant 16 : i32
      %parallel_loop3A_313 = vector.broadcast %parallel_loop3A_312 : i32 to vector<16xi32>
      %parallel_loop3A_314 = arith.shli %parallel_loop3A_311, %parallel_loop3A_313 : vector<16xi32>
      %parallel_loop3A_315 = tpu.bitcast %parallel_loop3A_314 : vector<16xi32> -> vector<16xf32>
      %parallel_loop3A_316 = arith.constant -65536 : i32
      %parallel_loop3A_317 = vector.broadcast %parallel_loop3A_316 : i32 to vector<16xi32>
      %parallel_loop3A_318 = arith.andi %parallel_loop3A_311, %parallel_loop3A_317 : vector<16xi32>
      %parallel_loop3A_319 = tpu.bitcast %parallel_loop3A_318 : vector<16xi32> -> vector<16xf32>
      %parallel_loop3A_320 = arith.index_cast %parallel_loop3A_131 : i32 to index
      %parallel_loop3A_321 = arith.constant 256 : index
      %parallel_loop3A_322 = tpu.vector_load %arg8[%parallel_loop3A_320, %parallel_loop3A_321] {strides = array<i32>} : memref<64x768xf32, #tpu.memory_space<vmem>>, vector<1x16xf32>,
      %parallel_loop3A_323 = vector.shape_cast %parallel_loop3A_322 : vector<1x16xf32> to vector<16xf32>
      %parallel_loop3A_324 = vector.shape_cast %parallel_loop3A_315 : vector<16xf32> to vector<1x16xf32>
      tpu.vector_store %arg8[%parallel_loop3A_320, %parallel_loop3A_321], %parallel_loop3A_324 {add = true, strides = array<i32>} : memref<64x768xf32, #tpu.memory_space<vmem>>, vector<1x16xf32>,
      %parallel_loop3A_325 = arith.index_cast %parallel_loop3A_131 : i32 to index
      %parallel_loop3A_326 = arith.constant 272 : index
      %parallel_loop3A_327 = tpu.vector_load %arg8[%parallel_loop3A_325, %parallel_loop3A_326] {strides = array<i32>} : memref<64x768xf32, #tpu.memory_space<vmem>>, vector<1x16xf32>,
      %parallel_loop3A_328 = vector.shape_cast %parallel_loop3A_327 : vector<1x16xf32> to vector<16xf32>
      %parallel_loop3A_329 = vector.shape_cast %parallel_loop3A_319 : vector<16xf32> to vector<1x16xf32>
      tpu.vector_store %arg8[%parallel_loop3A_325, %parallel_loop3A_326], %parallel_loop3A_329 {add = true, strides = array<i32>} : memref<64x768xf32, #tpu.memory_space<vmem>>, vector<1x16xf32>,
      %parallel_loop3A_330 = arith.index_cast %parallel_loop3A_131 : i32 to index
      %parallel_loop3A_331 = arith.constant 144 : index
      %parallel_loop3A_332 = tpu.vector_load %arg9[%parallel_loop3A_330, %parallel_loop3A_331] {strides = array<i32>} : memref<64x384xi32, #tpu.memory_space<vmem>>, vector<1x16xi32>,
      %parallel_loop3A_333 = vector.shape_cast %parallel_loop3A_332 : vector<1x16xi32> to vector<16xi32>
      %parallel_loop3A_334 = arith.constant 16 : i32
      %parallel_loop3A_335 = vector.broadcast %parallel_loop3A_334 : i32 to vector<16xi32>
      %parallel_loop3A_336 = arith.shli %parallel_loop3A_333, %parallel_loop3A_335 : vector<16xi32>
      %parallel_loop3A_337 = tpu.bitcast %parallel_loop3A_336 : vector<16xi32> -> vector<16xf32>
      %parallel_loop3A_338 = arith.constant -65536 : i32
      %parallel_loop3A_339 = vector.broadcast %parallel_loop3A_338 : i32 to vector<16xi32>
      %parallel_loop3A_340 = arith.andi %parallel_loop3A_333, %parallel_loop3A_339 : vector<16xi32>
      %parallel_loop3A_341 = tpu.bitcast %parallel_loop3A_340 : vector<16xi32> -> vector<16xf32>
      %parallel_loop3A_342 = arith.index_cast %parallel_loop3A_131 : i32 to index
      %parallel_loop3A_343 = arith.constant 288 : index
      %parallel_loop3A_344 = tpu.vector_load %arg8[%parallel_loop3A_342, %parallel_loop3A_343] {strides = array<i32>} : memref<64x768xf32, #tpu.memory_space<vmem>>, vector<1x16xf32>,
      %parallel_loop3A_345 = vector.shape_cast %parallel_loop3A_344 : vector<1x16xf32> to vector<16xf32>
      %parallel_loop3A_346 = vector.shape_cast %parallel_loop3A_337 : vector<16xf32> to vector<1x16xf32>
      tpu.vector_store %arg8[%parallel_loop3A_342, %parallel_loop3A_343], %parallel_loop3A_346 {add = true, strides = array<i32>} : memref<64x768xf32, #tpu.memory_space<vmem>>, vector<1x16xf32>,
      %parallel_loop3A_347 = arith.index_cast %parallel_loop3A_131 : i32 to index
      %parallel_loop3A_348 = arith.constant 304 : index
      %parallel_loop3A_349 = tpu.vector_load %arg8[%parallel_loop3A_347, %parallel_loop3A_348] {strides = array<i32>} : memref<64x768xf32, #tpu.memory_space<vmem>>, vector<1x16xf32>,
      %parallel_loop3A_350 = vector.shape_cast %parallel_loop3A_349 : vector<1x16xf32> to vector<16xf32>
      %parallel_loop3A_351 = vector.shape_cast %parallel_loop3A_341 : vector<16xf32> to vector<1x16xf32>
      tpu.vector_store %arg8[%parallel_loop3A_347, %parallel_loop3A_348], %parallel_loop3A_351 {add = true, strides = array<i32>} : memref<64x768xf32, #tpu.memory_space<vmem>>, vector<1x16xf32>,
      %parallel_loop3A_352 = arith.index_cast %parallel_loop3A_131 : i32 to index
      %parallel_loop3A_353 = arith.constant 160 : index
      %parallel_loop3A_354 = tpu.vector_load %arg9[%parallel_loop3A_352, %parallel_loop3A_353] {strides = array<i32>} : memref<64x384xi32, #tpu.memory_space<vmem>>, vector<1x16xi32>,
      %parallel_loop3A_355 = vector.shape_cast %parallel_loop3A_354 : vector<1x16xi32> to vector<16xi32>
      %parallel_loop3A_356 = arith.constant 16 : i32
      %parallel_loop3A_357 = vector.broadcast %parallel_loop3A_356 : i32 to vector<16xi32>
      %parallel_loop3A_358 = arith.shli %parallel_loop3A_355, %parallel_loop3A_357 : vector<16xi32>
      %parallel_loop3A_359 = tpu.bitcast %parallel_loop3A_358 : vector<16xi32> -> vector<16xf32>
      %parallel_loop3A_360 = arith.constant -65536 : i32
      %parallel_loop3A_361 = vector.broadcast %parallel_loop3A_360 : i32 to vector<16xi32>
      %parallel_loop3A_362 = arith.andi %parallel_loop3A_355, %parallel_loop3A_361 : vector<16xi32>
      %parallel_loop3A_363 = tpu.bitcast %parallel_loop3A_362 : vector<16xi32> -> vector<16xf32>
      %parallel_loop3A_364 = arith.index_cast %parallel_loop3A_131 : i32 to index
      %parallel_loop3A_365 = arith.constant 320 : index
      %parallel_loop3A_366 = tpu.vector_load %arg8[%parallel_loop3A_364, %parallel_loop3A_365] {strides = array<i32>} : memref<64x768xf32, #tpu.memory_space<vmem>>, vector<1x16xf32>,
      %parallel_loop3A_367 = vector.shape_cast %parallel_loop3A_366 : vector<1x16xf32> to vector<16xf32>
      %parallel_loop3A_368 = vector.shape_cast %parallel_loop3A_359 : vector<16xf32> to vector<1x16xf32>
      tpu.vector_store %arg8[%parallel_loop3A_364, %parallel_loop3A_365], %parallel_loop3A_368 {add = true, strides = array<i32>} : memref<64x768xf32, #tpu.memory_space<vmem>>, vector<1x16xf32>,
      %parallel_loop3A_369 = arith.index_cast %parallel_loop3A_131 : i32 to index
      %parallel_loop3A_370 = arith.constant 336 : index
      %parallel_loop3A_371 = tpu.vector_load %arg8[%parallel_loop3A_369, %parallel_loop3A_370] {strides = array<i32>} : memref<64x768xf32, #tpu.memory_space<vmem>>, vector<1x16xf32>,
      %parallel_loop3A_372 = vector.shape_cast %parallel_loop3A_371 : vector<1x16xf32> to vector<16xf32>
      %parallel_loop3A_373 = vector.shape_cast %parallel_loop3A_363 : vector<16xf32> to vector<1x16xf32>
      tpu.vector_store %arg8[%parallel_loop3A_369, %parallel_loop3A_370], %parallel_loop3A_373 {add = true, strides = array<i32>} : memref<64x768xf32, #tpu.memory_space<vmem>>, vector<1x16xf32>,
      %parallel_loop3A_374 = arith.index_cast %parallel_loop3A_131 : i32 to index
      %parallel_loop3A_375 = arith.constant 176 : index
      %parallel_loop3A_376 = tpu.vector_load %arg9[%parallel_loop3A_374, %parallel_loop3A_375] {strides = array<i32>} : memref<64x384xi32, #tpu.memory_space<vmem>>, vector<1x16xi32>,
      %parallel_loop3A_377 = vector.shape_cast %parallel_loop3A_376 : vector<1x16xi32> to vector<16xi32>
      %parallel_loop3A_378 = arith.constant 16 : i32
      %parallel_loop3A_379 = vector.broadcast %parallel_loop3A_378 : i32 to vector<16xi32>
      %parallel_loop3A_380 = arith.shli %parallel_loop3A_377, %parallel_loop3A_379 : vector<16xi32>
      %parallel_loop3A_381 = tpu.bitcast %parallel_loop3A_380 : vector<16xi32> -> vector<16xf32>
      %parallel_loop3A_382 = arith.constant -65536 : i32
      %parallel_loop3A_383 = vector.broadcast %parallel_loop3A_382 : i32 to vector<16xi32>
      %parallel_loop3A_384 = arith.andi %parallel_loop3A_377, %parallel_loop3A_383 : vector<16xi32>
      %parallel_loop3A_385 = tpu.bitcast %parallel_loop3A_384 : vector<16xi32> -> vector<16xf32>
      %parallel_loop3A_386 = arith.index_cast %parallel_loop3A_131 : i32 to index
      %parallel_loop3A_387 = arith.constant 352 : index
      %parallel_loop3A_388 = tpu.vector_load %arg8[%parallel_loop3A_386, %parallel_loop3A_387] {strides = array<i32>} : memref<64x768xf32, #tpu.memory_space<vmem>>, vector<1x16xf32>,
      %parallel_loop3A_389 = vector.shape_cast %parallel_loop3A_388 : vector<1x16xf32> to vector<16xf32>
      %parallel_loop3A_390 = vector.shape_cast %parallel_loop3A_381 : vector<16xf32> to vector<1x16xf32>
      tpu.vector_store %arg8[%parallel_loop3A_386, %parallel_loop3A_387], %parallel_loop3A_390 {add = true, strides = array<i32>} : memref<64x768xf32, #tpu.memory_space<vmem>>, vector<1x16xf32>,
      %parallel_loop3A_391 = arith.index_cast %parallel_loop3A_131 : i32 to index
      %parallel_loop3A_392 = arith.constant 368 : index
      %parallel_loop3A_393 = tpu.vector_load %arg8[%parallel_loop3A_391, %parallel_loop3A_392] {strides = array<i32>} : memref<64x768xf32, #tpu.memory_space<vmem>>, vector<1x16xf32>,
      %parallel_loop3A_394 = vector.shape_cast %parallel_loop3A_393 : vector<1x16xf32> to vector<16xf32>
      %parallel_loop3A_395 = vector.shape_cast %parallel_loop3A_385 : vector<16xf32> to vector<1x16xf32>
      tpu.vector_store %arg8[%parallel_loop3A_391, %parallel_loop3A_392], %parallel_loop3A_395 {add = true, strides = array<i32>} : memref<64x768xf32, #tpu.memory_space<vmem>>, vector<1x16xf32>,
      %parallel_loop3A_396 = arith.index_cast %parallel_loop3A_131 : i32 to index
      %parallel_loop3A_397 = arith.constant 192 : index
      %parallel_loop3A_398 = tpu.vector_load %arg9[%parallel_loop3A_396, %parallel_loop3A_397] {strides = array<i32>} : memref<64x384xi32, #tpu.memory_space<vmem>>, vector<1x16xi32>,
      %parallel_loop3A_399 = vector.shape_cast %parallel_loop3A_398 : vector<1x16xi32> to vector<16xi32>
      %parallel_loop3A_400 = arith.constant 16 : i32
      %parallel_loop3A_401 = vector.broadcast %parallel_loop3A_400 : i32 to vector<16xi32>
      %parallel_loop3A_402 = arith.shli %parallel_loop3A_399, %parallel_loop3A_401 : vector<16xi32>
      %parallel_loop3A_403 = tpu.bitcast %parallel_loop3A_402 : vector<16xi32> -> vector<16xf32>
      %parallel_loop3A_404 = arith.constant -65536 : i32
      %parallel_loop3A_405 = vector.broadcast %parallel_loop3A_404 : i32 to vector<16xi32>
      %parallel_loop3A_406 = arith.andi %parallel_loop3A_399, %parallel_loop3A_405 : vector<16xi32>
      %parallel_loop3A_407 = tpu.bitcast %parallel_loop3A_406 : vector<16xi32> -> vector<16xf32>
      %parallel_loop3A_408 = arith.index_cast %parallel_loop3A_131 : i32 to index
      %parallel_loop3A_409 = arith.constant 384 : index
      %parallel_loop3A_410 = tpu.vector_load %arg8[%parallel_loop3A_408, %parallel_loop3A_409] {strides = array<i32>} : memref<64x768xf32, #tpu.memory_space<vmem>>, vector<1x16xf32>,
      %parallel_loop3A_411 = vector.shape_cast %parallel_loop3A_410 : vector<1x16xf32> to vector<16xf32>
      %parallel_loop3A_412 = vector.shape_cast %parallel_loop3A_403 : vector<16xf32> to vector<1x16xf32>
      tpu.vector_store %arg8[%parallel_loop3A_408, %parallel_loop3A_409], %parallel_loop3A_412 {add = true, strides = array<i32>} : memref<64x768xf32, #tpu.memory_space<vmem>>, vector<1x16xf32>,
      %parallel_loop3A_413 = arith.index_cast %parallel_loop3A_131 : i32 to index
      %parallel_loop3A_414 = arith.constant 400 : index
      %parallel_loop3A_415 = tpu.vector_load %arg8[%parallel_loop3A_413, %parallel_loop3A_414] {strides = array<i32>} : memref<64x768xf32, #tpu.memory_space<vmem>>, vector<1x16xf32>,
      %parallel_loop3A_416 = vector.shape_cast %parallel_loop3A_415 : vector<1x16xf32> to vector<16xf32>
      %parallel_loop3A_417 = vector.shape_cast %parallel_loop3A_407 : vector<16xf32> to vector<1x16xf32>
      tpu.vector_store %arg8[%parallel_loop3A_413, %parallel_loop3A_414], %parallel_loop3A_417 {add = true, strides = array<i32>} : memref<64x768xf32, #tpu.memory_space<vmem>>, vector<1x16xf32>,
      %parallel_loop3A_418 = arith.index_cast %parallel_loop3A_131 : i32 to index
      %parallel_loop3A_419 = arith.constant 208 : index
      %parallel_loop3A_420 = tpu.vector_load %arg9[%parallel_loop3A_418, %parallel_loop3A_419] {strides = array<i32>} : memref<64x384xi32, #tpu.memory_space<vmem>>, vector<1x16xi32>,
      %parallel_loop3A_421 = vector.shape_cast %parallel_loop3A_420 : vector<1x16xi32> to vector<16xi32>
      %parallel_loop3A_422 = arith.constant 16 : i32
      %parallel_loop3A_423 = vector.broadcast %parallel_loop3A_422 : i32 to vector<16xi32>
      %parallel_loop3A_424 = arith.shli %parallel_loop3A_421, %parallel_loop3A_423 : vector<16xi32>
      %parallel_loop3A_425 = tpu.bitcast %parallel_loop3A_424 : vector<16xi32> -> vector<16xf32>
      %parallel_loop3A_426 = arith.constant -65536 : i32
      %parallel_loop3A_427 = vector.broadcast %parallel_loop3A_426 : i32 to vector<16xi32>
      %parallel_loop3A_428 = arith.andi %parallel_loop3A_421, %parallel_loop3A_427 : vector<16xi32>
      %parallel_loop3A_429 = tpu.bitcast %parallel_loop3A_428 : vector<16xi32> -> vector<16xf32>
      %parallel_loop3A_430 = arith.index_cast %parallel_loop3A_131 : i32 to index
      %parallel_loop3A_431 = arith.constant 416 : index
      %parallel_loop3A_432 = tpu.vector_load %arg8[%parallel_loop3A_430, %parallel_loop3A_431] {strides = array<i32>} : memref<64x768xf32, #tpu.memory_space<vmem>>, vector<1x16xf32>,
      %parallel_loop3A_433 = vector.shape_cast %parallel_loop3A_432 : vector<1x16xf32> to vector<16xf32>
      %parallel_loop3A_434 = vector.shape_cast %parallel_loop3A_425 : vector<16xf32> to vector<1x16xf32>
      tpu.vector_store %arg8[%parallel_loop3A_430, %parallel_loop3A_431], %parallel_loop3A_434 {add = true, strides = array<i32>} : memref<64x768xf32, #tpu.memory_space<vmem>>, vector<1x16xf32>,
      %parallel_loop3A_435 = arith.index_cast %parallel_loop3A_131 : i32 to index
      %parallel_loop3A_436 = arith.constant 432 : index
      %parallel_loop3A_437 = tpu.vector_load %arg8[%parallel_loop3A_435, %parallel_loop3A_436] {strides = array<i32>} : memref<64x768xf32, #tpu.memory_space<vmem>>, vector<1x16xf32>,
      %parallel_loop3A_438 = vector.shape_cast %parallel_loop3A_437 : vector<1x16xf32> to vector<16xf32>
      %parallel_loop3A_439 = vector.shape_cast %parallel_loop3A_429 : vector<16xf32> to vector<1x16xf32>
      tpu.vector_store %arg8[%parallel_loop3A_435, %parallel_loop3A_436], %parallel_loop3A_439 {add = true, strides = array<i32>} : memref<64x768xf32, #tpu.memory_space<vmem>>, vector<1x16xf32>,
      %parallel_loop3A_440 = arith.index_cast %parallel_loop3A_131 : i32 to index
      %parallel_loop3A_441 = arith.constant 224 : index
      %parallel_loop3A_442 = tpu.vector_load %arg9[%parallel_loop3A_440, %parallel_loop3A_441] {strides = array<i32>} : memref<64x384xi32, #tpu.memory_space<vmem>>, vector<1x16xi32>,
      %parallel_loop3A_443 = vector.shape_cast %parallel_loop3A_442 : vector<1x16xi32> to vector<16xi32>
      %parallel_loop3A_444 = arith.constant 16 : i32
      %parallel_loop3A_445 = vector.broadcast %parallel_loop3A_444 : i32 to vector<16xi32>
      %parallel_loop3A_446 = arith.shli %parallel_loop3A_443, %parallel_loop3A_445 : vector<16xi32>
      %parallel_loop3A_447 = tpu.bitcast %parallel_loop3A_446 : vector<16xi32> -> vector<16xf32>
      %parallel_loop3A_448 = arith.constant -65536 : i32
      %parallel_loop3A_449 = vector.broadcast %parallel_loop3A_448 : i32 to vector<16xi32>
      %parallel_loop3A_450 = arith.andi %parallel_loop3A_443, %parallel_loop3A_449 : vector<16xi32>
      %parallel_loop3A_451 = tpu.bitcast %parallel_loop3A_450 : vector<16xi32> -> vector<16xf32>
      %parallel_loop3A_452 = arith.index_cast %parallel_loop3A_131 : i32 to index
      %parallel_loop3A_453 = arith.constant 448 : index
      %parallel_loop3A_454 = tpu.vector_load %arg8[%parallel_loop3A_452, %parallel_loop3A_453] {strides = array<i32>} : memref<64x768xf32, #tpu.memory_space<vmem>>, vector<1x16xf32>,
      %parallel_loop3A_455 = vector.shape_cast %parallel_loop3A_454 : vector<1x16xf32> to vector<16xf32>
      %parallel_loop3A_456 = vector.shape_cast %parallel_loop3A_447 : vector<16xf32> to vector<1x16xf32>
      tpu.vector_store %arg8[%parallel_loop3A_452, %parallel_loop3A_453], %parallel_loop3A_456 {add = true, strides = array<i32>} : memref<64x768xf32, #tpu.memory_space<vmem>>, vector<1x16xf32>,
      %parallel_loop3A_457 = arith.index_cast %parallel_loop3A_131 : i32 to index
      %parallel_loop3A_458 = arith.constant 464 : index
      %parallel_loop3A_459 = tpu.vector_load %arg8[%parallel_loop3A_457, %parallel_loop3A_458] {strides = array<i32>} : memref<64x768xf32, #tpu.memory_space<vmem>>, vector<1x16xf32>,
      %parallel_loop3A_460 = vector.shape_cast %parallel_loop3A_459 : vector<1x16xf32> to vector<16xf32>
      %parallel_loop3A_461 = vector.shape_cast %parallel_loop3A_451 : vector<16xf32> to vector<1x16xf32>
      tpu.vector_store %arg8[%parallel_loop3A_457, %parallel_loop3A_458], %parallel_loop3A_461 {add = true, strides = array<i32>} : memref<64x768xf32, #tpu.memory_space<vmem>>, vector<1x16xf32>,
      %parallel_loop3A_462 = arith.index_cast %parallel_loop3A_131 : i32 to index
      %parallel_loop3A_463 = arith.constant 240 : index
      %parallel_loop3A_464 = tpu.vector_load %arg9[%parallel_loop3A_462, %parallel_loop3A_463] {strides = array<i32>} : memref<64x384xi32, #tpu.memory_space<vmem>>, vector<1x16xi32>,
      %parallel_loop3A_465 = vector.shape_cast %parallel_loop3A_464 : vector<1x16xi32> to vector<16xi32>
      %parallel_loop3A_466 = arith.constant 16 : i32
      %parallel_loop3A_467 = vector.broadcast %parallel_loop3A_466 : i32 to vector<16xi32>
      %parallel_loop3A_468 = arith.shli %parallel_loop3A_465, %parallel_loop3A_467 : vector<16xi32>
      %parallel_loop3A_469 = tpu.bitcast %parallel_loop3A_468 : vector<16xi32> -> vector<16xf32>
      %parallel_loop3A_470 = arith.constant -65536 : i32
      %parallel_loop3A_471 = vector.broadcast %parallel_loop3A_470 : i32 to vector<16xi32>
      %parallel_loop3A_472 = arith.andi %parallel_loop3A_465, %parallel_loop3A_471 : vector<16xi32>
      %parallel_loop3A_473 = tpu.bitcast %parallel_loop3A_472 : vector<16xi32> -> vector<16xf32>
      %parallel_loop3A_474 = arith.index_cast %parallel_loop3A_131 : i32 to index
      %parallel_loop3A_475 = arith.constant 480 : index
      %parallel_loop3A_476 = tpu.vector_load %arg8[%parallel_loop3A_474, %parallel_loop3A_475] {strides = array<i32>} : memref<64x768xf32, #tpu.memory_space<vmem>>, vector<1x16xf32>,
      %parallel_loop3A_477 = vector.shape_cast %parallel_loop3A_476 : vector<1x16xf32> to vector<16xf32>
      %parallel_loop3A_478 = vector.shape_cast %parallel_loop3A_469 : vector<16xf32> to vector<1x16xf32>
      tpu.vector_store %arg8[%parallel_loop3A_474, %parallel_loop3A_475], %parallel_loop3A_478 {add = true, strides = array<i32>} : memref<64x768xf32, #tpu.memory_space<vmem>>, vector<1x16xf32>,
      %parallel_loop3A_479 = arith.index_cast %parallel_loop3A_131 : i32 to index
      %parallel_loop3A_480 = arith.constant 496 : index
      %parallel_loop3A_481 = tpu.vector_load %arg8[%parallel_loop3A_479, %parallel_loop3A_480] {strides = array<i32>} : memref<64x768xf32, #tpu.memory_space<vmem>>, vector<1x16xf32>,
      %parallel_loop3A_482 = vector.shape_cast %parallel_loop3A_481 : vector<1x16xf32> to vector<16xf32>
      %parallel_loop3A_483 = vector.shape_cast %parallel_loop3A_473 : vector<16xf32> to vector<1x16xf32>
      tpu.vector_store %arg8[%parallel_loop3A_479, %parallel_loop3A_480], %parallel_loop3A_483 {add = true, strides = array<i32>} : memref<64x768xf32, #tpu.memory_space<vmem>>, vector<1x16xf32>,
      %parallel_loop3A_484 = arith.index_cast %parallel_loop3A_131 : i32 to index
      %parallel_loop3A_485 = arith.constant 256 : index
      %parallel_loop3A_486 = tpu.vector_load %arg9[%parallel_loop3A_484, %parallel_loop3A_485] {strides = array<i32>} : memref<64x384xi32, #tpu.memory_space<vmem>>, vector<1x16xi32>,
      %parallel_loop3A_487 = vector.shape_cast %parallel_loop3A_486 : vector<1x16xi32> to vector<16xi32>
      %parallel_loop3A_488 = arith.constant 16 : i32
      %parallel_loop3A_489 = vector.broadcast %parallel_loop3A_488 : i32 to vector<16xi32>
      %parallel_loop3A_490 = arith.shli %parallel_loop3A_487, %parallel_loop3A_489 : vector<16xi32>
      %parallel_loop3A_491 = tpu.bitcast %parallel_loop3A_490 : vector<16xi32> -> vector<16xf32>
      %parallel_loop3A_492 = arith.constant -65536 : i32
      %parallel_loop3A_493 = vector.broadcast %parallel_loop3A_492 : i32 to vector<16xi32>
      %parallel_loop3A_494 = arith.andi %parallel_loop3A_487, %parallel_loop3A_493 : vector<16xi32>
      %parallel_loop3A_495 = tpu.bitcast %parallel_loop3A_494 : vector<16xi32> -> vector<16xf32>
      %parallel_loop3A_496 = arith.index_cast %parallel_loop3A_131 : i32 to index
      %parallel_loop3A_497 = arith.constant 512 : index
      %parallel_loop3A_498 = tpu.vector_load %arg8[%parallel_loop3A_496, %parallel_loop3A_497] {strides = array<i32>} : memref<64x768xf32, #tpu.memory_space<vmem>>, vector<1x16xf32>,
      %parallel_loop3A_499 = vector.shape_cast %parallel_loop3A_498 : vector<1x16xf32> to vector<16xf32>
      %parallel_loop3A_500 = vector.shape_cast %parallel_loop3A_491 : vector<16xf32> to vector<1x16xf32>
      tpu.vector_store %arg8[%parallel_loop3A_496, %parallel_loop3A_497], %parallel_loop3A_500 {add = true, strides = array<i32>} : memref<64x768xf32, #tpu.memory_space<vmem>>, vector<1x16xf32>,
      %parallel_loop3A_501 = arith.index_cast %parallel_loop3A_131 : i32 to index
      %parallel_loop3A_502 = arith.constant 528 : index
      %parallel_loop3A_503 = tpu.vector_load %arg8[%parallel_loop3A_501, %parallel_loop3A_502] {strides = array<i32>} : memref<64x768xf32, #tpu.memory_space<vmem>>, vector<1x16xf32>,
      %parallel_loop3A_504 = vector.shape_cast %parallel_loop3A_503 : vector<1x16xf32> to vector<16xf32>
      %parallel_loop3A_505 = vector.shape_cast %parallel_loop3A_495 : vector<16xf32> to vector<1x16xf32>
      tpu.vector_store %arg8[%parallel_loop3A_501, %parallel_loop3A_502], %parallel_loop3A_505 {add = true, strides = array<i32>} : memref<64x768xf32, #tpu.memory_space<vmem>>, vector<1x16xf32>,
      %parallel_loop3A_506 = arith.index_cast %parallel_loop3A_131 : i32 to index
      %parallel_loop3A_507 = arith.constant 272 : index
      %parallel_loop3A_508 = tpu.vector_load %arg9[%parallel_loop3A_506, %parallel_loop3A_507] {strides = array<i32>} : memref<64x384xi32, #tpu.memory_space<vmem>>, vector<1x16xi32>,
      %parallel_loop3A_509 = vector.shape_cast %parallel_loop3A_508 : vector<1x16xi32> to vector<16xi32>
      %parallel_loop3A_510 = arith.constant 16 : i32
      %parallel_loop3A_511 = vector.broadcast %parallel_loop3A_510 : i32 to vector<16xi32>
      %parallel_loop3A_512 = arith.shli %parallel_loop3A_509, %parallel_loop3A_511 : vector<16xi32>
      %parallel_loop3A_513 = tpu.bitcast %parallel_loop3A_512 : vector<16xi32> -> vector<16xf32>
      %parallel_loop3A_514 = arith.constant -65536 : i32
      %parallel_loop3A_515 = vector.broadcast %parallel_loop3A_514 : i32 to vector<16xi32>
      %parallel_loop3A_516 = arith.andi %parallel_loop3A_509, %parallel_loop3A_515 : vector<16xi32>
      %parallel_loop3A_517 = tpu.bitcast %parallel_loop3A_516 : vector<16xi32> -> vector<16xf32>
      %parallel_loop3A_518 = arith.index_cast %parallel_loop3A_131 : i32 to index
      %parallel_loop3A_519 = arith.constant 544 : index
      %parallel_loop3A_520 = tpu.vector_load %arg8[%parallel_loop3A_518, %parallel_loop3A_519] {strides = array<i32>} : memref<64x768xf32, #tpu.memory_space<vmem>>, vector<1x16xf32>,
      %parallel_loop3A_521 = vector.shape_cast %parallel_loop3A_520 : vector<1x16xf32> to vector<16xf32>
      %parallel_loop3A_522 = vector.shape_cast %parallel_loop3A_513 : vector<16xf32> to vector<1x16xf32>
      tpu.vector_store %arg8[%parallel_loop3A_518, %parallel_loop3A_519], %parallel_loop3A_522 {add = true, strides = array<i32>} : memref<64x768xf32, #tpu.memory_space<vmem>>, vector<1x16xf32>,
      %parallel_loop3A_523 = arith.index_cast %parallel_loop3A_131 : i32 to index
      %parallel_loop3A_524 = arith.constant 560 : index
      %parallel_loop3A_525 = tpu.vector_load %arg8[%parallel_loop3A_523, %parallel_loop3A_524] {strides = array<i32>} : memref<64x768xf32, #tpu.memory_space<vmem>>, vector<1x16xf32>,
      %parallel_loop3A_526 = vector.shape_cast %parallel_loop3A_525 : vector<1x16xf32> to vector<16xf32>
      %parallel_loop3A_527 = vector.shape_cast %parallel_loop3A_517 : vector<16xf32> to vector<1x16xf32>
      tpu.vector_store %arg8[%parallel_loop3A_523, %parallel_loop3A_524], %parallel_loop3A_527 {add = true, strides = array<i32>} : memref<64x768xf32, #tpu.memory_space<vmem>>, vector<1x16xf32>,
      %parallel_loop3A_528 = arith.index_cast %parallel_loop3A_131 : i32 to index
      %parallel_loop3A_529 = arith.constant 288 : index
      %parallel_loop3A_530 = tpu.vector_load %arg9[%parallel_loop3A_528, %parallel_loop3A_529] {strides = array<i32>} : memref<64x384xi32, #tpu.memory_space<vmem>>, vector<1x16xi32>,
      %parallel_loop3A_531 = vector.shape_cast %parallel_loop3A_530 : vector<1x16xi32> to vector<16xi32>
      %parallel_loop3A_532 = arith.constant 16 : i32
      %parallel_loop3A_533 = vector.broadcast %parallel_loop3A_532 : i32 to vector<16xi32>
      %parallel_loop3A_534 = arith.shli %parallel_loop3A_531, %parallel_loop3A_533 : vector<16xi32>
      %parallel_loop3A_535 = tpu.bitcast %parallel_loop3A_534 : vector<16xi32> -> vector<16xf32>
      %parallel_loop3A_536 = arith.constant -65536 : i32
      %parallel_loop3A_537 = vector.broadcast %parallel_loop3A_536 : i32 to vector<16xi32>
      %parallel_loop3A_538 = arith.andi %parallel_loop3A_531, %parallel_loop3A_537 : vector<16xi32>
      %parallel_loop3A_539 = tpu.bitcast %parallel_loop3A_538 : vector<16xi32> -> vector<16xf32>
      %parallel_loop3A_540 = arith.index_cast %parallel_loop3A_131 : i32 to index
      %parallel_loop3A_541 = arith.constant 576 : index
      %parallel_loop3A_542 = tpu.vector_load %arg8[%parallel_loop3A_540, %parallel_loop3A_541] {strides = array<i32>} : memref<64x768xf32, #tpu.memory_space<vmem>>, vector<1x16xf32>,
      %parallel_loop3A_543 = vector.shape_cast %parallel_loop3A_542 : vector<1x16xf32> to vector<16xf32>
      %parallel_loop3A_544 = vector.shape_cast %parallel_loop3A_535 : vector<16xf32> to vector<1x16xf32>
      tpu.vector_store %arg8[%parallel_loop3A_540, %parallel_loop3A_541], %parallel_loop3A_544 {add = true, strides = array<i32>} : memref<64x768xf32, #tpu.memory_space<vmem>>, vector<1x16xf32>,
      %parallel_loop3A_545 = arith.index_cast %parallel_loop3A_131 : i32 to index
      %parallel_loop3A_546 = arith.constant 592 : index
      %parallel_loop3A_547 = tpu.vector_load %arg8[%parallel_loop3A_545, %parallel_loop3A_546] {strides = array<i32>} : memref<64x768xf32, #tpu.memory_space<vmem>>, vector<1x16xf32>,
      %parallel_loop3A_548 = vector.shape_cast %parallel_loop3A_547 : vector<1x16xf32> to vector<16xf32>
      %parallel_loop3A_549 = vector.shape_cast %parallel_loop3A_539 : vector<16xf32> to vector<1x16xf32>
      tpu.vector_store %arg8[%parallel_loop3A_545, %parallel_loop3A_546], %parallel_loop3A_549 {add = true, strides = array<i32>} : memref<64x768xf32, #tpu.memory_space<vmem>>, vector<1x16xf32>,
      %parallel_loop3A_550 = arith.index_cast %parallel_loop3A_131 : i32 to index
      %parallel_loop3A_551 = arith.constant 304 : index
      %parallel_loop3A_552 = tpu.vector_load %arg9[%parallel_loop3A_550, %parallel_loop3A_551] {strides = array<i32>} : memref<64x384xi32, #tpu.memory_space<vmem>>, vector<1x16xi32>,
      %parallel_loop3A_553 = vector.shape_cast %parallel_loop3A_552 : vector<1x16xi32> to vector<16xi32>
      %parallel_loop3A_554 = arith.constant 16 : i32
      %parallel_loop3A_555 = vector.broadcast %parallel_loop3A_554 : i32 to vector<16xi32>
      %parallel_loop3A_556 = arith.shli %parallel_loop3A_553, %parallel_loop3A_555 : vector<16xi32>
      %parallel_loop3A_557 = tpu.bitcast %parallel_loop3A_556 : vector<16xi32> -> vector<16xf32>
      %parallel_loop3A_558 = arith.constant -65536 : i32
      %parallel_loop3A_559 = vector.broadcast %parallel_loop3A_558 : i32 to vector<16xi32>
      %parallel_loop3A_560 = arith.andi %parallel_loop3A_553, %parallel_loop3A_559 : vector<16xi32>
      %parallel_loop3A_561 = tpu.bitcast %parallel_loop3A_560 : vector<16xi32> -> vector<16xf32>
      %parallel_loop3A_562 = arith.index_cast %parallel_loop3A_131 : i32 to index
      %parallel_loop3A_563 = arith.constant 608 : index
      %parallel_loop3A_564 = tpu.vector_load %arg8[%parallel_loop3A_562, %parallel_loop3A_563] {strides = array<i32>} : memref<64x768xf32, #tpu.memory_space<vmem>>, vector<1x16xf32>,
      %parallel_loop3A_565 = vector.shape_cast %parallel_loop3A_564 : vector<1x16xf32> to vector<16xf32>
      %parallel_loop3A_566 = vector.shape_cast %parallel_loop3A_557 : vector<16xf32> to vector<1x16xf32>
      tpu.vector_store %arg8[%parallel_loop3A_562, %parallel_loop3A_563], %parallel_loop3A_566 {add = true, strides = array<i32>} : memref<64x768xf32, #tpu.memory_space<vmem>>, vector<1x16xf32>,
      %parallel_loop3A_567 = arith.index_cast %parallel_loop3A_131 : i32 to index
      %parallel_loop3A_568 = arith.constant 624 : index
      %parallel_loop3A_569 = tpu.vector_load %arg8[%parallel_loop3A_567, %parallel_loop3A_568] {strides = array<i32>} : memref<64x768xf32, #tpu.memory_space<vmem>>, vector<1x16xf32>,
      %parallel_loop3A_570 = vector.shape_cast %parallel_loop3A_569 : vector<1x16xf32> to vector<16xf32>
      %parallel_loop3A_571 = vector.shape_cast %parallel_loop3A_561 : vector<16xf32> to vector<1x16xf32>
      tpu.vector_store %arg8[%parallel_loop3A_567, %parallel_loop3A_568], %parallel_loop3A_571 {add = true, strides = array<i32>} : memref<64x768xf32, #tpu.memory_space<vmem>>, vector<1x16xf32>,
      %parallel_loop3A_572 = arith.index_cast %parallel_loop3A_131 : i32 to index
      %parallel_loop3A_573 = arith.constant 320 : index
      %parallel_loop3A_574 = tpu.vector_load %arg9[%parallel_loop3A_572, %parallel_loop3A_573] {strides = array<i32>} : memref<64x384xi32, #tpu.memory_space<vmem>>, vector<1x16xi32>,
      %parallel_loop3A_575 = vector.shape_cast %parallel_loop3A_574 : vector<1x16xi32> to vector<16xi32>
      %parallel_loop3A_576 = arith.constant 16 : i32
      %parallel_loop3A_577 = vector.broadcast %parallel_loop3A_576 : i32 to vector<16xi32>
      %parallel_loop3A_578 = arith.shli %parallel_loop3A_575, %parallel_loop3A_577 : vector<16xi32>
      %parallel_loop3A_579 = tpu.bitcast %parallel_loop3A_578 : vector<16xi32> -> vector<16xf32>
      %parallel_loop3A_580 = arith.constant -65536 : i32
      %parallel_loop3A_581 = vector.broadcast %parallel_loop3A_580 : i32 to vector<16xi32>
      %parallel_loop3A_582 = arith.andi %parallel_loop3A_575, %parallel_loop3A_581 : vector<16xi32>
      %parallel_loop3A_583 = tpu.bitcast %parallel_loop3A_582 : vector<16xi32> -> vector<16xf32>
      %parallel_loop3A_584 = arith.index_cast %parallel_loop3A_131 : i32 to index
      %parallel_loop3A_585 = arith.constant 640 : index
      %parallel_loop3A_586 = tpu.vector_load %arg8[%parallel_loop3A_584, %parallel_loop3A_585] {strides = array<i32>} : memref<64x768xf32, #tpu.memory_space<vmem>>, vector<1x16xf32>,
      %parallel_loop3A_587 = vector.shape_cast %parallel_loop3A_586 : vector<1x16xf32> to vector<16xf32>
      %parallel_loop3A_588 = vector.shape_cast %parallel_loop3A_579 : vector<16xf32> to vector<1x16xf32>
      tpu.vector_store %arg8[%parallel_loop3A_584, %parallel_loop3A_585], %parallel_loop3A_588 {add = true, strides = array<i32>} : memref<64x768xf32, #tpu.memory_space<vmem>>, vector<1x16xf32>,
      %parallel_loop3A_589 = arith.index_cast %parallel_loop3A_131 : i32 to index
      %parallel_loop3A_590 = arith.constant 656 : index
      %parallel_loop3A_591 = tpu.vector_load %arg8[%parallel_loop3A_589, %parallel_loop3A_590] {strides = array<i32>} : memref<64x768xf32, #tpu.memory_space<vmem>>, vector<1x16xf32>,
      %parallel_loop3A_592 = vector.shape_cast %parallel_loop3A_591 : vector<1x16xf32> to vector<16xf32>
      %parallel_loop3A_593 = vector.shape_cast %parallel_loop3A_583 : vector<16xf32> to vector<1x16xf32>
      tpu.vector_store %arg8[%parallel_loop3A_589, %parallel_loop3A_590], %parallel_loop3A_593 {add = true, strides = array<i32>} : memref<64x768xf32, #tpu.memory_space<vmem>>, vector<1x16xf32>,
      %parallel_loop3A_594 = arith.index_cast %parallel_loop3A_131 : i32 to index
      %parallel_loop3A_595 = arith.constant 336 : index
      %parallel_loop3A_596 = tpu.vector_load %arg9[%parallel_loop3A_594, %parallel_loop3A_595] {strides = array<i32>} : memref<64x384xi32, #tpu.memory_space<vmem>>, vector<1x16xi32>,
      %parallel_loop3A_597 = vector.shape_cast %parallel_loop3A_596 : vector<1x16xi32> to vector<16xi32>
      %parallel_loop3A_598 = arith.constant 16 : i32
      %parallel_loop3A_599 = vector.broadcast %parallel_loop3A_598 : i32 to vector<16xi32>
      %parallel_loop3A_600 = arith.shli %parallel_loop3A_597, %parallel_loop3A_599 : vector<16xi32>
      %parallel_loop3A_601 = tpu.bitcast %parallel_loop3A_600 : vector<16xi32> -> vector<16xf32>
      %parallel_loop3A_602 = arith.constant -65536 : i32
      %parallel_loop3A_603 = vector.broadcast %parallel_loop3A_602 : i32 to vector<16xi32>
      %parallel_loop3A_604 = arith.andi %parallel_loop3A_597, %parallel_loop3A_603 : vector<16xi32>
      %parallel_loop3A_605 = tpu.bitcast %parallel_loop3A_604 : vector<16xi32> -> vector<16xf32>
      %parallel_loop3A_606 = arith.index_cast %parallel_loop3A_131 : i32 to index
      %parallel_loop3A_607 = arith.constant 672 : index
      %parallel_loop3A_608 = tpu.vector_load %arg8[%parallel_loop3A_606, %parallel_loop3A_607] {strides = array<i32>} : memref<64x768xf32, #tpu.memory_space<vmem>>, vector<1x16xf32>,
      %parallel_loop3A_609 = vector.shape_cast %parallel_loop3A_608 : vector<1x16xf32> to vector<16xf32>
      %parallel_loop3A_610 = vector.shape_cast %parallel_loop3A_601 : vector<16xf32> to vector<1x16xf32>
      tpu.vector_store %arg8[%parallel_loop3A_606, %parallel_loop3A_607], %parallel_loop3A_610 {add = true, strides = array<i32>} : memref<64x768xf32, #tpu.memory_space<vmem>>, vector<1x16xf32>,
      %parallel_loop3A_611 = arith.index_cast %parallel_loop3A_131 : i32 to index
      %parallel_loop3A_612 = arith.constant 688 : index
      %parallel_loop3A_613 = tpu.vector_load %arg8[%parallel_loop3A_611, %parallel_loop3A_612] {strides = array<i32>} : memref<64x768xf32, #tpu.memory_space<vmem>>, vector<1x16xf32>,
      %parallel_loop3A_614 = vector.shape_cast %parallel_loop3A_613 : vector<1x16xf32> to vector<16xf32>
      %parallel_loop3A_615 = vector.shape_cast %parallel_loop3A_605 : vector<16xf32> to vector<1x16xf32>
      tpu.vector_store %arg8[%parallel_loop3A_611, %parallel_loop3A_612], %parallel_loop3A_615 {add = true, strides = array<i32>} : memref<64x768xf32, #tpu.memory_space<vmem>>, vector<1x16xf32>,
      %parallel_loop3A_616 = arith.index_cast %parallel_loop3A_131 : i32 to index
      %parallel_loop3A_617 = arith.constant 352 : index
      %parallel_loop3A_618 = tpu.vector_load %arg9[%parallel_loop3A_616, %parallel_loop3A_617] {strides = array<i32>} : memref<64x384xi32, #tpu.memory_space<vmem>>, vector<1x16xi32>,
      %parallel_loop3A_619 = vector.shape_cast %parallel_loop3A_618 : vector<1x16xi32> to vector<16xi32>
      %parallel_loop3A_620 = arith.constant 16 : i32
      %parallel_loop3A_621 = vector.broadcast %parallel_loop3A_620 : i32 to vector<16xi32>
      %parallel_loop3A_622 = arith.shli %parallel_loop3A_619, %parallel_loop3A_621 : vector<16xi32>
      %parallel_loop3A_623 = tpu.bitcast %parallel_loop3A_622 : vector<16xi32> -> vector<16xf32>
      %parallel_loop3A_624 = arith.constant -65536 : i32
      %parallel_loop3A_625 = vector.broadcast %parallel_loop3A_624 : i32 to vector<16xi32>
      %parallel_loop3A_626 = arith.andi %parallel_loop3A_619, %parallel_loop3A_625 : vector<16xi32>
      %parallel_loop3A_627 = tpu.bitcast %parallel_loop3A_626 : vector<16xi32> -> vector<16xf32>
      %parallel_loop3A_628 = arith.index_cast %parallel_loop3A_131 : i32 to index
      %parallel_loop3A_629 = arith.constant 704 : index
      %parallel_loop3A_630 = tpu.vector_load %arg8[%parallel_loop3A_628, %parallel_loop3A_629] {strides = array<i32>} : memref<64x768xf32, #tpu.memory_space<vmem>>, vector<1x16xf32>,
      %parallel_loop3A_631 = vector.shape_cast %parallel_loop3A_630 : vector<1x16xf32> to vector<16xf32>
      %parallel_loop3A_632 = vector.shape_cast %parallel_loop3A_623 : vector<16xf32> to vector<1x16xf32>
      tpu.vector_store %arg8[%parallel_loop3A_628, %parallel_loop3A_629], %parallel_loop3A_632 {add = true, strides = array<i32>} : memref<64x768xf32, #tpu.memory_space<vmem>>, vector<1x16xf32>,
      %parallel_loop3A_633 = arith.index_cast %parallel_loop3A_131 : i32 to index
      %parallel_loop3A_634 = arith.constant 720 : index
      %parallel_loop3A_635 = tpu.vector_load %arg8[%parallel_loop3A_633, %parallel_loop3A_634] {strides = array<i32>} : memref<64x768xf32, #tpu.memory_space<vmem>>, vector<1x16xf32>,
      %parallel_loop3A_636 = vector.shape_cast %parallel_loop3A_635 : vector<1x16xf32> to vector<16xf32>
      %parallel_loop3A_637 = vector.shape_cast %parallel_loop3A_627 : vector<16xf32> to vector<1x16xf32>
      tpu.vector_store %arg8[%parallel_loop3A_633, %parallel_loop3A_634], %parallel_loop3A_637 {add = true, strides = array<i32>} : memref<64x768xf32, #tpu.memory_space<vmem>>, vector<1x16xf32>,
      %parallel_loop3A_638 = arith.index_cast %parallel_loop3A_131 : i32 to index
      %parallel_loop3A_639 = arith.constant 368 : index
      %parallel_loop3A_640 = tpu.vector_load %arg9[%parallel_loop3A_638, %parallel_loop3A_639] {strides = array<i32>} : memref<64x384xi32, #tpu.memory_space<vmem>>, vector<1x16xi32>,
      %parallel_loop3A_641 = vector.shape_cast %parallel_loop3A_640 : vector<1x16xi32> to vector<16xi32>
      %parallel_loop3A_642 = arith.constant 16 : i32
      %parallel_loop3A_643 = vector.broadcast %parallel_loop3A_642 : i32 to vector<16xi32>
      %parallel_loop3A_644 = arith.shli %parallel_loop3A_641, %parallel_loop3A_643 : vector<16xi32>
      %parallel_loop3A_645 = tpu.bitcast %parallel_loop3A_644 : vector<16xi32> -> vector<16xf32>
      %parallel_loop3A_646 = arith.constant -65536 : i32
      %parallel_loop3A_647 = vector.broadcast %parallel_loop3A_646 : i32 to vector<16xi32>
      %parallel_loop3A_648 = arith.andi %parallel_loop3A_641, %parallel_loop3A_647 : vector<16xi32>
      %parallel_loop3A_649 = tpu.bitcast %parallel_loop3A_648 : vector<16xi32> -> vector<16xf32>
      %parallel_loop3A_650 = arith.index_cast %parallel_loop3A_131 : i32 to index
      %parallel_loop3A_651 = arith.constant 736 : index
      %parallel_loop3A_652 = tpu.vector_load %arg8[%parallel_loop3A_650, %parallel_loop3A_651] {strides = array<i32>} : memref<64x768xf32, #tpu.memory_space<vmem>>, vector<1x16xf32>,
      %parallel_loop3A_653 = vector.shape_cast %parallel_loop3A_652 : vector<1x16xf32> to vector<16xf32>
      %parallel_loop3A_654 = vector.shape_cast %parallel_loop3A_645 : vector<16xf32> to vector<1x16xf32>
      tpu.vector_store %arg8[%parallel_loop3A_650, %parallel_loop3A_651], %parallel_loop3A_654 {add = true, strides = array<i32>} : memref<64x768xf32, #tpu.memory_space<vmem>>, vector<1x16xf32>,
      %parallel_loop3A_655 = arith.index_cast %parallel_loop3A_131 : i32 to index
      %parallel_loop3A_656 = arith.constant 752 : index
      %parallel_loop3A_657 = tpu.vector_load %arg8[%parallel_loop3A_655, %parallel_loop3A_656] {strides = array<i32>} : memref<64x768xf32, #tpu.memory_space<vmem>>, vector<1x16xf32>,
      %parallel_loop3A_658 = vector.shape_cast %parallel_loop3A_657 : vector<1x16xf32> to vector<16xf32>
      %parallel_loop3A_659 = vector.shape_cast %parallel_loop3A_649 : vector<16xf32> to vector<1x16xf32>
      tpu.vector_store %arg8[%parallel_loop3A_655, %parallel_loop3A_656], %parallel_loop3A_659 {add = true, strides = array<i32>} : memref<64x768xf32, #tpu.memory_space<vmem>>, vector<1x16xf32>,
    } {sc.loop_unroll_factor = 2 : i64, sc.parallel_access}
    %dma_start3A_110 = arith.constant 3 : i32
    %dma_start3A_111 = arith.constant 0 : i32
    %dma_start3A_112 = tpu.memref_slice %arg5[%dma_start3A_110, %mul3A_2, %dma_start3A_111] : memref<4x2048x768xf32, #tpu.memory_space<hbm>> -> memref<1x64x768xf32, #tpu.memory_space<hbm>>
    %dma_start3A_113 = tpu.memref_squeeze %dma_start3A_112 : memref<1x64x768xf32, #tpu.memory_space<hbm>> -> memref<64x768xf32, #tpu.memory_space<hbm>>
    %dma_start3A_114 = arith.constant 0 : i32
    %dma_start3A_115 = tpu.memref_slice %arg5[%dma_start3A_110, %mul3A_2, %dma_start3A_114] : memref<4x2048x768xf32, #tpu.memory_space<hbm>> -> memref<1x64x768xf32, #tpu.memory_space<hbm>>
    %dma_start3A_116 = tpu.memref_squeeze %dma_start3A_115 : memref<1x64x768xf32, #tpu.memory_space<hbm>> -> memref<64x768xf32, #tpu.memory_space<hbm>>
    tpu.enqueue_dma source(%arg8 : memref<64x768xf32, #tpu.memory_space<vmem>>) target(%dma_start3A_116 : memref<64x768xf32, #tpu.memory_space<hbm>>) target_semaphore(%arg13 : memref<!tpu.dma_semaphore, #tpu.memory_space<semaphore_mem>>)
    %dma_wait3A_117 = arith.constant 2 : i32
    %dma_wait3A_118 = arith.constant 0 : i32
    %dma_wait3A_119 = tpu.memref_slice %arg5[%dma_wait3A_117, %mul3A_2, %dma_wait3A_118] : memref<4x2048x768xf32, #tpu.memory_space<hbm>> -> memref<1x64x768xf32, #tpu.memory_space<hbm>>
    %dma_wait3A_120 = tpu.memref_squeeze %dma_wait3A_119 : memref<1x64x768xf32, #tpu.memory_space<hbm>> -> memref<64x768xf32, #tpu.memory_space<hbm>>
    %dma_wait3A_121 = arith.constant 0 : i32
    %dma_wait3A_122 = tpu.memref_slice %arg5[%dma_wait3A_117, %mul3A_2, %dma_wait3A_121] : memref<4x2048x768xf32, #tpu.memory_space<hbm>> -> memref<1x64x768xf32, #tpu.memory_space<hbm>>
    %dma_wait3A_123 = tpu.memref_squeeze %dma_wait3A_122 : memref<1x64x768xf32, #tpu.memory_space<hbm>> -> memref<64x768xf32, #tpu.memory_space<hbm>>
    tpu.wait_dma2 semaphore(%arg12 : memref<!tpu.dma_semaphore, #tpu.memory_space<semaphore_mem>>) src(%arg7 : memref<64x768xf32, #tpu.memory_space<vmem>>) dst(%dma_wait3A_123 : memref<64x768xf32, #tpu.memory_space<hbm>>)
    %dma_wait3A_124 = arith.constant 3 : i32
    %dma_wait3A_125 = arith.constant 0 : i32
    %dma_wait3A_126 = tpu.memref_slice %arg5[%dma_wait3A_124, %mul3A_2, %dma_wait3A_125] : memref<4x2048x768xf32, #tpu.memory_space<hbm>> -> memref<1x64x768xf32, #tpu.memory_space<hbm>>
    %dma_wait3A_127 = tpu.memref_squeeze %dma_wait3A_126 : memref<1x64x768xf32, #tpu.memory_space<hbm>> -> memref<64x768xf32, #tpu.memory_space<hbm>>
    %dma_wait3A_128 = arith.constant 0 : i32
    %dma_wait3A_129 = tpu.memref_slice %arg5[%dma_wait3A_124, %mul3A_2, %dma_wait3A_128] : memref<4x2048x768xf32, #tpu.memory_space<hbm>> -> memref<1x64x768xf32, #tpu.memory_space<hbm>>
    %dma_wait3A_130 = tpu.memref_squeeze %dma_wait3A_129 : memref<1x64x768xf32, #tpu.memory_space<hbm>> -> memref<64x768xf32, #tpu.memory_space<hbm>>
    tpu.wait_dma2 semaphore(%arg13 : memref<!tpu.dma_semaphore, #tpu.memory_space<semaphore_mem>>) src(%arg8 : memref<64x768xf32, #tpu.memory_space<vmem>>) dst(%dma_wait3A_130 : memref<64x768xf32, #tpu.memory_space<hbm>>)
    return
  }
}

</mosaic_0001>

<sc_bundles>
// kernel: kernel.3.cloned.1.call-start
scs
__scs_entry_jumppad:
0x0: {  	(pc) =	sbr.rel $0x88, $3  }
0x1: {  	(tag) =	ssettag $0x0;
	lr =	simm.s32 $0x1  }
0x2: {  	[smem:$0x3F9F] =	sst lr;
	_ =	strace $0xD0000000  }
0x3: {  	_ = 	snop  }
0x4: {  	_ = 	snop  }
0x5: {  	_ = 	snop  }
0x6: {  	_ = 	snop  }
0x7: {  	_ = 	snop  }
__scs_overlays_trampoline_lowered:
0x8: {  	[smem:$0x3FAE] =	sst s0  }
0x9: {  	[smem:$0x3FAF] =	sst s1  }
0xa: {  	[smem:$0x3FB0] =	sst s2  }
0xb: {  	[smem:$0x3FB1] =	sst s3  }
0xc: {  	[smem:$0x3FB2] =	sst s4  }
0xd: {  	[smem:$0x3FB3] =	sst s5  }
0xe: {  	[smem:$0x3FB4] =	sst s6  }
0xf: {  	[smem:$0x3FB5] =	sst s7  }
0x10: {  	[smem:$0x3FB6] =	sst s8  }
0x11: {  	[smem:$0x3FB7] =	sst s9;
	s0 =	simm.s32 @!p0 $0x0  }
0x12: {  	s1 =	sld [smem:$0x3F9D];
	s0 =	simm.s32 @p0 $0x1  }
0x13: {  	[smem:$0x3FB8] =	sst s0;
	s0 =	simm.s32 @!p1 $0x0  }
0x14: {  	s2 =	sld [smem:$0x3F9C];
	s0 =	simm.s32 @p1 $0x1  }
0x15: {  	[smem:$0x3FB9] =	sst s0;
	s0 =	simm.s32 @!p2 $0x0  }
0x16: {  	s3 =	sld [smem:$0x3FDB];
	s0 =	simm.s32 @p2 $0x1  }
0x17: {  	s4 =	simm.s32 $0x1BF5;
	[smem:$0x3FBB] =	sst s0  }
0x18: {  	s0 =	sld [smem:$0x3F9E];
	_ =	swait.ge [sflag:s4], $0x0  }
0x19: {  	s7 =	sld [smem:$0x3F9F]  }
0x1a: {  	s8 =	sadd.s32 $0xFFFFE003, lr  }
0x1b: {  	s9 =	sadd.s32 $0xFFFFFEF7, lr;
	s5 =	simm.s32 $0xFFFFFFFF;
	p2 =	slt.u32 s8, $0xFFFFF086  }
0x1c: {  	p1 =	slt.u32 s9, $0xF7A;
	s5 =	simm.s32 @!p2 $0x0  }
0x1d: {  	s5 =	simm.s32 @p1 $0x1;
	p0 =	seq.s32 s7, s2  }
0x1e: {  	s7 =	smul.u32 @!p0 $0xF7A, s2;
	p2 =	seq.s32 @!p0 s5, $0x0  }
0x1f: {  	s9 =	smul.u32 $0xF7A, s1;
	s8 =	simm.s32 @!p0 $0x1BF5;
	p2 =	por !p2, p0  }
0x20: {  	[sflag:s8] =	ssyncset.s32 @!p0 $0xFFFFF086;
	s6 =	sadd.s32 @!p0 s3, s7;
	s7 =	simm.s32 @!p0 $0x108  }
0x21: {  	s3 =	sadd.s32 s3, s9;
	s6 =	sadd.s32 @!p0 $0x88, s6;
	s7 =	simm.s32 @p2 $0x1082  }
0x22: {  	[simem:s7], [sflag:s8] =	dma.local @!p0 [hbm:s6], $0xF7A  }
0x23: {  	s9 =	sor.u32 $0xD0000000, s2;
	s6 =	simm.s32 $0x108;
	_ =	swait.ge @!p0 [sflag:s8], $0x0  }
0x24: {  	s3 =	sadd.s32 $0x88, s3;
	s6 =	simm.s32 @!p1 $0x1082;
	[sflag:s4] =	ssyncset.s32 $0xFFFFF086  }
0x25: {  	[simem:s6], [sflag:s4] =	dma.local [hbm:s3], $0xF7A  }
0x26: {  	[smem:$0x3F9F] =	sst s1;
	(tag) =	ssettag s2;
	_ =	strace s9  }
0x27: {  	s1 =	sld [smem:$0x3FAF]  }
0x28: {  	s2 =	sld [smem:$0x3FB0]  }
0x29: {  	s4 =	sld [smem:$0x3FB2]  }
0x2a: {  	p0 =	seq.s32 s5, $0x0;
	s5 =	sld [smem:$0x3FB3]  }
0x2b: {  	s6 =	sld [smem:$0x3FB4]  }
0x2c: {  	s7 =	sld [smem:$0x3FB5]  }
0x2d: {  	s3 =	simm.s32 $0x108;
	s8 =	sld [smem:$0x3FB6]  }
0x2e: {  	s3 =	simm.s32 @!p0 $0x1082;
	s9 =	sld [smem:$0x3FB7]  }
0x2f: {  	lr =	sadd.s32 s0, s3;
	s0 =	sld [smem:$0x3FAE]  }
0x30: {  	s3 =	sld [smem:$0x3FB1]  }
0x31: {  	[smem:$0x3FBA] =	sst s10  }
0x32: {  	s10 =	sld [smem:$0x3FB8];
	_ =	sdelay $0x3  }
0x33: {  	p0 =	seq.s32 s10, $0x1;
	s10 =	sld [smem:$0x3FBA];
	_ =	sdelay $0x3  }
0x34: {  	[smem:$0x3FBA] =	sst s10  }
0x35: {  	s10 =	sld [smem:$0x3FB9];
	_ =	sdelay $0x3  }
0x36: {  	p1 =	seq.s32 s10, $0x1;
	s10 =	sld [smem:$0x3FBA];
	_ =	sdelay $0x3  }
0x37: {  	[smem:$0x3FBA] =	sst s10  }
0x38: {  	s10 =	sld [smem:$0x3FBB]  }
0x39: {  	_ = 	snop;
	(pc) =	sbr.ind lr, $3  }
0x3a: {  	_ = 	snop  }
0x3b: {  	_ = 	snop  }
0x3c: {  	p2 =	seq.s32 s10, $0x1;
	s10 =	sld [smem:$0x3FBA]  }
0x3d: {  	_ =	shalt  }
0x3e: {  	_ =	shalt  }
0x3f: {  	_ =	shalt  }
0x40: {  	_ =	shalt  }
0x41: {  	_ =	shalt  }
0x42: {  	_ =	shalt  }
0x43: {  	_ =	shalt  }
0x44: {  	_ =	shalt  }
0x45: {  	_ =	shalt  }
0x46: {  	_ =	shalt  }
0x47: {  	_ =	shalt  }
0x48: {  	_ =	shalt  }
0x49: {  	_ =	shalt  }
0x4a: {  	_ =	shalt  }
0x4b: {  	_ =	shalt  }
0x4c: {  	_ =	shalt  }
0x4d: {  	_ =	shalt  }
0x4e: {  	_ =	shalt  }
0x4f: {  	_ =	shalt  }
0x50: {  	_ =	shalt  }
0x51: {  	_ =	shalt  }
0x52: {  	_ =	shalt  }
0x53: {  	_ =	shalt  }
0x54: {  	_ =	shalt  }
0x55: {  	_ =	shalt  }
0x56: {  	_ =	shalt  }
0x57: {  	_ =	shalt  }
0x58: {  	_ =	shalt  }
0x59: {  	_ =	shalt  }
0x5a: {  	_ =	shalt  }
0x5b: {  	_ =	shalt  }
0x5c: {  	_ =	shalt  }
0x5d: {  	_ =	shalt  }
0x5e: {  	_ =	shalt  }
0x5f: {  	_ =	shalt  }
0x60: {  	_ =	shalt  }
0x61: {  	_ =	shalt  }
0x62: {  	_ =	shalt  }
0x63: {  	_ =	shalt  }
0x64: {  	_ =	shalt  }
0x65: {  	_ =	shalt  }
0x66: {  	_ =	shalt  }
0x67: {  	_ =	shalt  }
0x68: {  	_ =	shalt  }
0x69: {  	_ =	shalt  }
0x6a: {  	_ =	shalt  }
0x6b: {  	_ =	shalt  }
0x6c: {  	_ =	shalt  }
0x6d: {  	_ =	shalt  }
0x6e: {  	_ =	shalt  }
0x6f: {  	_ =	shalt  }
0x70: {  	_ =	shalt  }
0x71: {  	_ =	shalt  }
0x72: {  	_ =	shalt  }
0x73: {  	_ =	shalt  }
0x74: {  	_ =	shalt  }
0x75: {  	_ =	shalt  }
0x76: {  	_ =	shalt  }
0x77: {  	_ =	shalt  }
0x78: {  	_ =	shalt  }
0x79: {  	_ =	shalt  }
0x7a: {  	_ =	shalt  }
0x7b: {  	_ =	shalt  }
0x7c: {  	_ =	shalt  }
0x7d: {  	_ =	shalt  }
0x7e: {  	_ =	shalt  }
0x7f: {  	_ =	shalt  }
0x80: {  	_ =	shalt  }
0x81: {  	_ =	shalt  }
0x82: {  	_ =	shalt  }
0x83: {  	_ =	shalt  }
0x84: {  	_ =	shalt  }
0x85: {  	_ =	shalt  }
0x86: {  	_ =	shalt  }
0x87: {  	_ =	shalt  }
.Lfunc_end0:
.L_simem_size_0:
called_computation_lowered:
.L_overlay_start_0:
0x88: {  	s2 =	sld [smem:$0x3FD9]  }
0x89: {  	s3 =	sld [smem:$0x3FFE];
	_ =	sdelay $0x1  }
0x8a: {  	s1 =	srdreg.scid  }
0x8b: {  	s0 =	sand.u32 $0x1, s1  }
0x8c: {  	s17 =	sshll.u32 s0, $0xA;
	s2 =	sadd.s32 s3, s2  }
0x8d: {  	s2 =	sadd.s32 s2, s17  }
0x8e: {  	[smem:$0x3FC6] =	sst s2  }
0x8f: {  	_ = 	snop  }
0x90: {  	s2 =	sld [smem:$0x3FC9]  }
0x91: {  	s18 =	sld [smem:$0x3FC8]  }
0x92: {  	s4 =	sld [smem:$0x3FD0];
	(tm) =	ssettm $0x1  }
0x93: {  	s5 =	sld [smem:$0x3FFB];
	_ =	sdelay $0x3  }
0x94: {  	_ =	strace s5  }
0x95: {  	s5 =	sld [smem:$0x3FFC];
	_ =	sdelay $0x3  }
0x96: {  	_ =	strace s5  }
0x97: {  	s5 =	sld [smem:$0x3FFD];
	_ =	sdelay $0x3  }
0x98: {  	_ =	strace s5  }
0x99: {  	_ =	strace $0x8FFFFFFF  }
0x9a: {  	s19 =	sld [smem:$0x3FDB];
	_ =	sdelay $0x1  }
0x9b: {  	s6 =	simm.s32 $_scs_section_size  }
0x9c: {  	s7 =	simm.s32 $_size__tile_overlayer_lowered;
	s8 =	simm.s32 $_tile_overlayer_lowered  }
0x9d: {  	s22 =	simm.s32 $0x1BFF;
	s21 =	sshll.u32 s8, $0x1;
	s5 =	sadd.s32 s6, s19  }
0x9e: {  	s9 =	simm.s32 $0x0;
	s20 =	sshll.u32 s7, $0x1;
	s7 =	sadd.s32 s21, s5  }
0x9f: {  	[timem:s9], [sflag:s22] =	dma.local [hbm:s7], s20  }
0xa0: {  	_ =	swait.ge [sflag:s22], s20  }
0xa1: {  	s6 =	ssub.s32 $0x0, s20;
	[sflag:s22] =	ssyncset.done $0x0  }
0xa2: {  	[sflag:s22] =	ssyncadd.s32 s6;
	_ =	sdelay $0x1  }
0xa3: {  	s23 =	simm.s32 $0x1B8B  }
0xa4: {  	_ =	swait.ge [sflag:s23], $0x1  }
0xa5: {  	[sflag:s23] =	ssyncset.done $0x0  }
0xa6: {  	s25 =	simm.s32 $0x1B8E;
	s24 =	sld [smem:$0x3FFE];
	[sflag:s23] =	ssyncadd.s32 $0xFFFFFFFF  }
0xa7: {  	s26 =	simm.s32 $execute0_lowered;
	[smem:$0x3FD2] =	sst s25  }
0xa8: {  	s7 =	sshll.u32 s26, $0x1;
	_ =	strace $0x80000046;
	[dreg:$0x1] =	wrdreg $0xFFFFFFFF  }
0xa9: {  	s28 =	simm.s32 $_size_execute0_lowered;
	s5 =	sadd.s32 s5, s7;
	[dreg:$0x0] =	wrdreg $0x0  }
0xaa: {  	s7 =	sshll.u32 s28, $0x1;
	[dreg:$0x2] =	wrdreg s5  }
0xab: {  	[dreg:$0x3] =	wrdreg s7  }
0xac: {  	[dreg:$0x4] =	wrdreg $0xC0  }
0xad: {  	_ =	task [dreg:s9], $0x5FFFF  }
0xae: {  	[dreg:$0x1] =	wrdreg $0xFFFFFFFF  }
0xaf: {  	[dreg:$0x0] =	wrdreg $0x60  }
0xb0: {  	[dreg:$0x2] =	wrdreg s2  }
0xb1: {  	[dreg:$0x3] =	wrdreg s18  }
0xb2: {  	[dreg:$0x4] =	wrdreg s24  }
0xb3: {  	[dreg:$0x5] =	wrdreg s4  }
0xb4: {  	[dreg:$0x6] =	wrdreg $0x9  }
0xb5: {  	_ =	task.clear_ibuf [dreg:s9], $0x7FFFF;
	_ =	strace $0x90000046  }
0xb6: {  	s29 =	simm.s32 $0x9;
	_ =	strace $0x80000048  }
0xb7: {  	_ =	swait.ge [sflag:s29], $0x1  }
0xb8: {  	[sflag:s29] =	ssyncadd.s32 $0xFFFFFFFF  }
0xb9: {  	_ =	strace $0x90000048  }
0xba: {  	_ =	sfence  }
0xbb: {  	s30 =	sld [smem:$0x0];
	_ =	sdelay $0x2  }
0xbc: {  	s31 =	sshll.u32 s1, $0xD;
	s1 =	sshrl.u32 s1, $0x2  }
0xbd: {  	s3 =	sand.u32 $0x4000, s31;
	s1 =	sadd.s32 s1, s30  }
0xbe: {  	s0 =	sor.u32 s3, s0;
	s1 =	sshll.u32 s1, $0x11  }
0xbf: {  	s0 =	sor.u32 s1, s0  }
0xc0: {  	s0 =	sadd.s32 $0x8F2B, s0  }
0xc1: {  	[sflag:s0] =	ssyncadd.remote.s32 $0x1  }
0xc2: {  	_ =	sfence.sel $0xFFFF  }
0xc3: {  	[dreg:$0x0] =	wrdreg $0xFFFFFFFF;
	(pc) =	sbr.abs _section_cstart, $3  }
0xc4: {  	[dreg:$0x1] =	wrdreg $0xFFFFFFFF  }
0xc5: {  	_ =	task.clear_ibuf [dreg:s9], $0x2FFFF;
	_ =	strace $0x9FFFFFFF  }
0xc6: {  	(tm) =	ssettm $0x7FFFFFFF  }
0xc7: {  	_ =	shalt  }
tec
execute0_lowered:
.L_overlay_start_1:
0x0: {  	(tag) =	ssettag $0x1  }
0x1: {  	s0 =	rddreg [dreg:$0x0]  }
0x2: {  	s9 =	rddreg [dreg:$0x1]  }
0x3: {  	s1 =	srdreg.scid;
	s2 =	rddreg [dreg:$0x2]  }
0x4: {  	s4 =	stileid.u32;
	s3 =	rddreg [dreg:$0x3];
	s10 =	simm.s32 $0x0  }
0x5: {  	s1 =	sand.u32 $0x1, s1;
	s4 =	sshll.u32 s4, $0x7;
	[smem:$0x7FF] =	sst s10  }
0x6: {  	s25 =	sadd.s32 $0x100, s9;
	s26 =	sadd.s32 $0x200, s9;
	s5 =	sshll.u32 s1, $0x6  }
0x7: {  	_ =	strace $0x80000047;
	[smem:$0x7F6] =	sst s25;
	s4 =	sor.u32 s5, s4  }
0x8: {  	s1 =	ssub.s32 $0x2, s1;
	[smem:$0x7F7] =	sst s26;
	s6 =	sshll.u32 s4, $0x2  }
0x9: {  	s7 =	sshrl.u32 s1, $0x1;
	s4 =	sshrl.u32 s4, $0x3;
	s8 =	sand.u32 $0x1E00, s6  }
0xa: {  	s1 =	ssub.s32 s1, s7;
	s22 =	smul.u32 $0x1800, s4;
	s18 =	sor.u32 s5, s8  }
0xb: {  	s31 =	smax.u32 s1, $0x1;
	s5 =	sor.u32 s5, s6;
	s19 =	sshrl.u32 s18, $0x3  }
0xc: {  	[smem:$0x7FD] =	sst s31;
	s24 =	sshrl.u32 s22, $0x3;
	s20 =	sadd.s32 s0, s19  }
0xd: {  	s5 =	sshrl.u32 s5, $0x3;
	s3 =	sadd.s32 s3, s24;
	[smem:$0x7F2] =	sst s20  }
0xe: {  	s21 =	sor.u32 $0x20, s5;
	s8 =	sadd.s32 $0x10, s20;
	[smem:$0x7FB] =	sst s3  }
0xf: {  	s5 =	sor.u32 $0x30, s5;
	s6 =	sadd.s32 s0, s21;
	[smem:$0x7F3] =	sst s8  }
0x10: {  	s0 =	sadd.s32 s0, s5;
	[smem:$0x7F4] =	sst s6  }
0x11: {  	s28 =	sadd.s32 $0x30000, s3;
	[smem:$0x7F5] =	sst s0  }
0x12: {  	s23 =	smul.u32 $0x180, s4;
	s29 =	sadd.s32 $0x60000, s3;
	[smem:$0x7F9] =	sst s28  }
0x13: {  	v2 =	vlaneseq.u32;
	s30 =	sadd.s32 $0x90000, s3;
	[smem:$0x7FA] =	sst s29  }
0x14: {  	vm0 =	vmmov $0xffff;
	v1 =	vshrl.u32 v2, $0x3;
	s0 =	sadd.s32 s2, s23;
	[smem:$0x7FC] =	sst s30  }
0x15: {  	v0 =	vand.u32 $0x7, v2;
	v2 =	vor.u32 $0x8, v2;
	v1 =	vmul.u32 $0x8, v1;
	s5 =	simm.s32 $0xC200;
	s2 =	simm.s32 $0x0;
	[smem:$0x7F8] =	sst s0  }
.LBB2_1:
0x16: {  	s0 =	sld [smem:$0x7F2];
	_ =	sdelay $0x1  }
0x17: {  	[smem:$0x7F1] =	sst s2;
	s3 =	simm.s32 $0x5  }
0x18: {  	[tilespmem:s10], [sflag:$0x5] =	stream.linear.gather [hbm4b:s0+s10], $0x40, $0x38;
	[tilespmem:$0x1E200] =	vst v63  }
0x19: {  	_ =	swait.ge [sflag:s3], $0x40  }
0x1a: {  	s14 =	sld [smem:$0x7F3]  }
0x1b: {  	[sflag:s3] =	ssyncset.done $0x0  }
0x1c: {  	s1 =	simm.s32 $0x80;
	[sflag:s3] =	ssyncadd.s32 $0xFFFFFFC0  }
0x1d: {  	[tilespmem:s1], [sflag:$0x5] =	stream.linear.gather [hbm4b:s14+s10], $0x40, $0x38;
	[tilespmem:$0x1E200] =	vst v63  }
0x1e: {  	_ =	swait.ge [sflag:s3], $0x40  }
0x1f: {  	s15 =	sld [smem:$0x7F4]  }
0x20: {  	[sflag:s3] =	ssyncset.done $0x0  }
0x21: {  	s16 =	simm.s32 $0x100;
	[sflag:s3] =	ssyncadd.s32 $0xFFFFFFC0  }
0x22: {  	[tilespmem:s16], [sflag:$0x5] =	stream.linear.gather [hbm4b:s15+s10], $0x40, $0x38;
	[tilespmem:$0x1E200] =	vst v63  }
0x23: {  	_ =	swait.ge [sflag:s3], $0x40  }
0x24: {  	s17 =	sld [smem:$0x7F5]  }
0x25: {  	[sflag:s3] =	ssyncset.done $0x0  }
0x26: {  	s18 =	simm.s32 $0x180;
	[sflag:s3] =	ssyncadd.s32 $0xFFFFFFC0  }
0x27: {  	[tilespmem:s18], [sflag:$0x5] =	stream.linear.gather [hbm4b:s17+s10], $0x40, $0x38;
	[tilespmem:$0x1E200] =	vst v63  }
0x28: {  	_ =	swait.ge [sflag:s3], $0x40  }
0x29: {  	[sflag:s3] =	ssyncset.done $0x0  }
0x2a: {  	[sflag:s3] =	ssyncadd.s32 $0xFFFFFFC0  }
0x2b: {  	v3 =	vld [tilespmem:$0x0];
	_ =	sdelay $0x4  }
0x2c: {  	v4 =	vshrl.u32 v3, $0x3  }
0x2d: {  	v4 =	vmul.u32 $0x30, v4  }
0x2e: {  	v3 =	vand.u32 $0x7, v3  }
0x2f: {  	v3 =	vor.u32 v3, v4  }
0x30: {  	v4 =	vperm.xlane v3, v0;
	_ =	sdelay $0x1  }
0x31: {  	v4 =	vadd.s32 v1, v4;
	_ =	sdelay $0x2  }
0x32: {  	s1 =	sld [smem:$0x7F6]  }
0x33: {  	s19 =	simm.s32 $0x200;
	s0 =	rddreg [dreg:$0x1];
	v3 =	vperm.xlane v3, v2  }
0x34: {  	[tilespmem:s19], [sflag:$0x1] =	stream.indirect_vreg.gather [hbm4b:s0+s10], $0x80, v4, vm0, $0xb8;
	[tilespmem:$0x1E200] =	vst v63  }
0x35: {  	s20 =	simm.s32 $0xA00;
	s2 =	sld [smem:$0x7F7];
	v3 =	vadd.s32 v1, v3  }
0x36: {  	[tilespmem:s20], [sflag:$0x1] =	stream.indirect_vreg.gather [hbm4b:s1+s10], $0x80, v4, vm0, $0xb8;
	[tilespmem:$0x1E200] =	vst v63  }
0x37: {  	s4 =	simm.s32 $0x1200  }
0x38: {  	[tilespmem:s4], [sflag:$0x1] =	stream.indirect_vreg.gather [hbm4b:s2+s10], $0x80, v4, vm0, $0xb8;
	[tilespmem:$0x1E200] =	vst v63  }
0x39: {  	s21 =	simm.s32 $0x1A00  }
0x3a: {  	[tilespmem:s21], [sflag:$0x1] =	stream.indirect_vreg.gather [hbm4b:s0+s10], $0x80, v3, vm0, $0xb8;
	[tilespmem:$0x1E200] =	vst v63  }
0x3b: {  	s22 =	simm.s32 $0x2200  }
0x3c: {  	[tilespmem:s22], [sflag:$0x1] =	stream.indirect_vreg.gather [hbm4b:s1+s10], $0x80, v3, vm0, $0xb8;
	[tilespmem:$0x1E200] =	vst v63  }
0x3d: {  	s23 =	simm.s32 $0x2A00  }
0x3e: {  	[tilespmem:s23], [sflag:$0x1] =	stream.indirect_vreg.gather [hbm4b:s2+s10], $0x80, v3, vm0, $0xb8;
	[tilespmem:$0x1E200] =	vst v63  }
0x3f: {  	v3 =	vld [tilespmem:$0x10];
	_ =	sdelay $0x4  }
0x40: {  	v4 =	vshrl.u32 v3, $0x3  }
0x41: {  	v4 =	vmul.u32 $0x30, v4  }
0x42: {  	v3 =	vand.u32 $0x7, v3  }
0x43: {  	v3 =	vor.u32 v3, v4  }
0x44: {  	v4 =	vperm.xlane v3, v0;
	_ =	sdelay $0x1  }
0x45: {  	v4 =	vadd.s32 v1, v4;
	_ =	sdelay $0x3  }
0x46: {  	s24 =	simm.s32 $0x3200;
	v3 =	vperm.xlane v3, v2  }
0x47: {  	[tilespmem:s24], [sflag:$0x1] =	stream.indirect_vreg.gather [hbm4b:s0+s10], $0x80, v4, vm0, $0xb8;
	[tilespmem:$0x1E200] =	vst v63  }
0x48: {  	s25 =	simm.s32 $0x3A00;
	v3 =	vadd.s32 v1, v3  }
0x49: {  	[tilespmem:s25], [sflag:$0x1] =	stream.indirect_vreg.gather [hbm4b:s1+s10], $0x80, v4, vm0, $0xb8;
	[tilespmem:$0x1E200] =	vst v63  }
0x4a: {  	s26 =	simm.s32 $0x4200  }
0x4b: {  	[tilespmem:s26], [sflag:$0x1] =	stream.indirect_vreg.gather [hbm4b:s2+s10], $0x80, v4, vm0, $0xb8;
	[tilespmem:$0x1E200] =	vst v63  }
0x4c: {  	s29 =	simm.s32 $0x4A00  }
0x4d: {  	[tilespmem:s29], [sflag:$0x1] =	stream.indirect_vreg.gather [hbm4b:s0+s10], $0x80, v3, vm0, $0xb8;
	[tilespmem:$0x1E200] =	vst v63  }
0x4e: {  	s30 =	simm.s32 $0x5200  }
0x4f: {  	[tilespmem:s30], [sflag:$0x1] =	stream.indirect_vreg.gather [hbm4b:s1+s10], $0x80, v3, vm0, $0xb8;
	[tilespmem:$0x1E200] =	vst v63  }
0x50: {  	s6 =	simm.s32 $0x5A00  }
0x51: {  	[tilespmem:s6], [sflag:$0x1] =	stream.indirect_vreg.gather [hbm4b:s2+s10], $0x80, v3, vm0, $0xb8;
	[tilespmem:$0x1E200] =	vst v63  }
0x52: {  	v3 =	vld [tilespmem:$0x20];
	_ =	sdelay $0x4  }
0x53: {  	v4 =	vshrl.u32 v3, $0x3  }
0x54: {  	v4 =	vmul.u32 $0x30, v4  }
0x55: {  	v3 =	vand.u32 $0x7, v3  }
0x56: {  	v3 =	vor.u32 v3, v4  }
0x57: {  	v4 =	vperm.xlane v3, v0;
	_ =	sdelay $0x1  }
0x58: {  	v4 =	vadd.s32 v1, v4;
	_ =	sdelay $0x3  }
0x59: {  	s7 =	simm.s32 $0x6200;
	v3 =	vperm.xlane v3, v2  }
0x5a: {  	[tilespmem:s7], [sflag:$0x1] =	stream.indirect_vreg.gather [hbm4b:s0+s10], $0x80, v4, vm0, $0xb8;
	[tilespmem:$0x1E200] =	vst v63  }
0x5b: {  	s8 =	simm.s32 $0x6A00;
	v3 =	vadd.s32 v1, v3  }
0x5c: {  	[tilespmem:s8], [sflag:$0x1] =	stream.indirect_vreg.gather [hbm4b:s1+s10], $0x80, v4, vm0, $0xb8;
	[tilespmem:$0x1E200] =	vst v63  }
0x5d: {  	s9 =	simm.s32 $0x7200  }
0x5e: {  	[tilespmem:s9], [sflag:$0x1] =	stream.indirect_vreg.gather [hbm4b:s2+s10], $0x80, v4, vm0, $0xb8;
	[tilespmem:$0x1E200] =	vst v63  }
0x5f: {  	s11 =	simm.s32 $0x7A00  }
0x60: {  	[tilespmem:s11], [sflag:$0x1] =	stream.indirect_vreg.gather [hbm4b:s0+s10], $0x80, v3, vm0, $0xb8;
	[tilespmem:$0x1E200] =	vst v63  }
0x61: {  	s12 =	simm.s32 $0x8200  }
0x62: {  	[tilespmem:s12], [sflag:$0x1] =	stream.indirect_vreg.gather [hbm4b:s1+s10], $0x80, v3, vm0, $0xb8;
	[tilespmem:$0x1E200] =	vst v63  }
0x63: {  	s13 =	simm.s32 $0x8A00  }
0x64: {  	[tilespmem:s13], [sflag:$0x1] =	stream.indirect_vreg.gather [hbm4b:s2+s10], $0x80, v3, vm0, $0xb8;
	[tilespmem:$0x1E200] =	vst v63  }
0x65: {  	v3 =	vld [tilespmem:$0x30];
	_ =	sdelay $0x4  }
0x66: {  	v4 =	vshrl.u32 v3, $0x3  }
0x67: {  	v4 =	vmul.u32 $0x30, v4  }
0x68: {  	v3 =	vand.u32 $0x7, v3  }
0x69: {  	v3 =	vor.u32 v3, v4  }
0x6a: {  	v4 =	vperm.xlane v3, v0;
	_ =	sdelay $0x1  }
0x6b: {  	v4 =	vadd.s32 v1, v4;
	_ =	sdelay $0x3  }
0x6c: {  	s14 =	simm.s32 $0x9200;
	v3 =	vperm.xlane v3, v2  }
0x6d: {  	[tilespmem:s14], [sflag:$0x1] =	stream.indirect_vreg.gather [hbm4b:s0+s10], $0x80, v4, vm0, $0xb8;
	[tilespmem:$0x1E200] =	vst v63  }
0x6e: {  	s15 =	simm.s32 $0x9A00;
	v3 =	vadd.s32 v1, v3  }
0x6f: {  	[tilespmem:s15], [sflag:$0x1] =	stream.indirect_vreg.gather [hbm4b:s1+s10], $0x80, v4, vm0, $0xb8;
	[tilespmem:$0x1E200] =	vst v63  }
0x70: {  	s16 =	simm.s32 $0xA200  }
0x71: {  	[tilespmem:s16], [sflag:$0x1] =	stream.indirect_vreg.gather [hbm4b:s2+s10], $0x80, v4, vm0, $0xb8;
	[tilespmem:$0x1E200] =	vst v63  }
0x72: {  	s17 =	simm.s32 $0xAA00  }
0x73: {  	[tilespmem:s17], [sflag:$0x1] =	stream.indirect_vreg.gather [hbm4b:s0+s10], $0x80, v3, vm0, $0xb8;
	[tilespmem:$0x1E200] =	vst v63  }
0x74: {  	s18 =	simm.s32 $0xB200  }
0x75: {  	[tilespmem:s18], [sflag:$0x1] =	stream.indirect_vreg.gather [hbm4b:s1+s10], $0x80, v3, vm0, $0xb8;
	[tilespmem:$0x1E200] =	vst v63  }
0x76: {  	s19 =	simm.s32 $0xBA00  }
0x77: {  	[tilespmem:s19], [sflag:$0x1] =	stream.indirect_vreg.gather [hbm4b:s2+s10], $0x80, v3, vm0, $0xb8;
	[tilespmem:$0x1E200] =	vst v63  }
0x78: {  	v3 =	vld [tilespmem:$0x80];
	_ =	sdelay $0x4  }
0x79: {  	v4 =	vshrl.u32 v3, $0x3  }
0x7a: {  	v4 =	vmul.u32 $0x30, v4  }
0x7b: {  	v3 =	vand.u32 $0x7, v3  }
0x7c: {  	v3 =	vor.u32 v3, v4  }
0x7d: {  	v4 =	vperm.xlane v3, v0;
	_ =	sdelay $0x1  }
0x7e: {  	v4 =	vadd.s32 v1, v4;
	_ =	sdelay $0x3  }
0x7f: {  	v3 =	vperm.xlane v3, v2  }
0x80: {  	[tilespmem:s5], [sflag:$0x2] =	stream.indirect_vreg.gather [hbm4b:s0+s10], $0x80, v4, vm0, $0xb8;
	[tilespmem:$0x1E200] =	vst v63  }
0x81: {  	s20 =	simm.s32 $0xCA00;
	v3 =	vadd.s32 v1, v3  }
0x82: {  	[tilespmem:s20], [sflag:$0x2] =	stream.indirect_vreg.gather [hbm4b:s1+s10], $0x80, v4, vm0, $0xb8;
	[tilespmem:$0x1E200] =	vst v63  }
0x83: {  	s21 =	simm.s32 $0xD200  }
0x84: {  	[tilespmem:s21], [sflag:$0x2] =	stream.indirect_vreg.gather [hbm4b:s2+s10], $0x80, v4, vm0, $0xb8;
	[tilespmem:$0x1E200] =	vst v63  }
0x85: {  	s22 =	simm.s32 $0xDA00  }
0x86: {  	[tilespmem:s22], [sflag:$0x2] =	stream.indirect_vreg.gather [hbm4b:s0+s10], $0x80, v3, vm0, $0xb8;
	[tilespmem:$0x1E200] =	vst v63  }
0x87: {  	s23 =	simm.s32 $0xE200  }
0x88: {  	[tilespmem:s23], [sflag:$0x2] =	stream.indirect_vreg.gather [hbm4b:s1+s10], $0x80, v3, vm0, $0xb8;
	[tilespmem:$0x1E200] =	vst v63  }
0x89: {  	s24 =	simm.s32 $0xEA00  }
0x8a: {  	[tilespmem:s24], [sflag:$0x2] =	stream.indirect_vreg.gather [hbm4b:s2+s10], $0x80, v3, vm0, $0xb8;
	[tilespmem:$0x1E200] =	vst v63  }
0x8b: {  	v3 =	vld [tilespmem:$0x90];
	_ =	sdelay $0x4  }
0x8c: {  	v4 =	vshrl.u32 v3, $0x3  }
0x8d: {  	v4 =	vmul.u32 $0x30, v4  }
0x8e: {  	v3 =	vand.u32 $0x7, v3  }
0x8f: {  	v3 =	vor.u32 v3, v4  }
0x90: {  	v4 =	vperm.xlane v3, v0;
	_ =	sdelay $0x1  }
0x91: {  	v4 =	vadd.s32 v1, v4;
	_ =	sdelay $0x3  }
0x92: {  	s25 =	simm.s32 $0xF200;
	v3 =	vperm.xlane v3, v2  }
0x93: {  	[tilespmem:s25], [sflag:$0x2] =	stream.indirect_vreg.gather [hbm4b:s0+s10], $0x80, v4, vm0, $0xb8;
	[tilespmem:$0x1E200] =	vst v63  }
0x94: {  	s26 =	simm.s32 $0xFA00;
	v3 =	vadd.s32 v1, v3  }
0x95: {  	[tilespmem:s26], [sflag:$0x2] =	stream.indirect_vreg.gather [hbm4b:s1+s10], $0x80, v4, vm0, $0xb8;
	[tilespmem:$0x1E200] =	vst v63  }
0x96: {  	s29 =	simm.s32 $0x10200  }
0x97: {  	[tilespmem:s29], [sflag:$0x2] =	stream.indirect_vreg.gather [hbm4b:s2+s10], $0x80, v4, vm0, $0xb8;
	[tilespmem:$0x1E200] =	vst v63  }
0x98: {  	s30 =	simm.s32 $0x10A00  }
0x99: {  	[tilespmem:s30], [sflag:$0x2] =	stream.indirect_vreg.gather [hbm4b:s0+s10], $0x80, v3, vm0, $0xb8;
	[tilespmem:$0x1E200] =	vst v63  }
0x9a: {  	s5 =	simm.s32 $0x11200  }
0x9b: {  	[tilespmem:s5], [sflag:$0x2] =	stream.indirect_vreg.gather [hbm4b:s1+s10], $0x80, v3, vm0, $0xb8;
	[tilespmem:$0x1E200] =	vst v63  }
0x9c: {  	s6 =	simm.s32 $0x11A00  }
0x9d: {  	[tilespmem:s6], [sflag:$0x2] =	stream.indirect_vreg.gather [hbm4b:s2+s10], $0x80, v3, vm0, $0xb8;
	[tilespmem:$0x1E200] =	vst v63  }
0x9e: {  	v3 =	vld [tilespmem:$0xA0];
	_ =	sdelay $0x4  }
0x9f: {  	v4 =	vshrl.u32 v3, $0x3  }
0xa0: {  	v4 =	vmul.u32 $0x30, v4  }
0xa1: {  	v3 =	vand.u32 $0x7, v3  }
0xa2: {  	v3 =	vor.u32 v3, v4  }
0xa3: {  	v4 =	vperm.xlane v3, v0;
	_ =	sdelay $0x1  }
0xa4: {  	v4 =	vadd.s32 v1, v4;
	_ =	sdelay $0x3  }
0xa5: {  	s7 =	simm.s32 $0x12200;
	v3 =	vperm.xlane v3, v2  }
0xa6: {  	[tilespmem:s7], [sflag:$0x2] =	stream.indirect_vreg.gather [hbm4b:s0+s10], $0x80, v4, vm0, $0xb8;
	[tilespmem:$0x1E200] =	vst v63  }
0xa7: {  	s8 =	simm.s32 $0x12A00;
	v3 =	vadd.s32 v1, v3  }
0xa8: {  	[tilespmem:s8], [sflag:$0x2] =	stream.indirect_vreg.gather [hbm4b:s1+s10], $0x80, v4, vm0, $0xb8;
	[tilespmem:$0x1E200] =	vst v63  }
0xa9: {  	s9 =	simm.s32 $0x13200  }
0xaa: {  	[tilespmem:s9], [sflag:$0x2] =	stream.indirect_vreg.gather [hbm4b:s2+s10], $0x80, v4, vm0, $0xb8;
	[tilespmem:$0x1E200] =	vst v63  }
0xab: {  	s11 =	simm.s32 $0x13A00  }
0xac: {  	[tilespmem:s11], [sflag:$0x2] =	stream.indirect_vreg.gather [hbm4b:s0+s10], $0x80, v3, vm0, $0xb8;
	[tilespmem:$0x1E200] =	vst v63  }
0xad: {  	s12 =	simm.s32 $0x14200  }
0xae: {  	[tilespmem:s12], [sflag:$0x2] =	stream.indirect_vreg.gather [hbm4b:s1+s10], $0x80, v3, vm0, $0xb8;
	[tilespmem:$0x1E200] =	vst v63  }
0xaf: {  	s13 =	simm.s32 $0x14A00  }
0xb0: {  	[tilespmem:s13], [sflag:$0x2] =	stream.indirect_vreg.gather [hbm4b:s2+s10], $0x80, v3, vm0, $0xb8;
	[tilespmem:$0x1E200] =	vst v63  }
0xb1: {  	v3 =	vld [tilespmem:$0xB0];
	_ =	sdelay $0x4  }
0xb2: {  	v4 =	vshrl.u32 v3, $0x3  }
0xb3: {  	v4 =	vmul.u32 $0x30, v4  }
0xb4: {  	v3 =	vand.u32 $0x7, v3  }
0xb5: {  	v3 =	vor.u32 v3, v4  }
0xb6: {  	v4 =	vperm.xlane v3, v0;
	_ =	sdelay $0x1  }
0xb7: {  	v4 =	vadd.s32 v1, v4;
	_ =	sdelay $0x3  }
0xb8: {  	s14 =	simm.s32 $0x15200;
	v3 =	vperm.xlane v3, v2  }
0xb9: {  	[tilespmem:s14], [sflag:$0x2] =	stream.indirect_vreg.gather [hbm4b:s0+s10], $0x80, v4, vm0, $0xb8;
	[tilespmem:$0x1E200] =	vst v63  }
0xba: {  	s15 =	simm.s32 $0x15A00;
	v3 =	vadd.s32 v1, v3  }
0xbb: {  	[tilespmem:s15], [sflag:$0x2] =	stream.indirect_vreg.gather [hbm4b:s1+s10], $0x80, v4, vm0, $0xb8;
	[tilespmem:$0x1E200] =	vst v63  }
0xbc: {  	s16 =	simm.s32 $0x16200  }
0xbd: {  	[tilespmem:s16], [sflag:$0x2] =	stream.indirect_vreg.gather [hbm4b:s2+s10], $0x80, v4, vm0, $0xb8;
	[tilespmem:$0x1E200] =	vst v63  }
0xbe: {  	s17 =	simm.s32 $0x16A00  }
0xbf: {  	[tilespmem:s17], [sflag:$0x2] =	stream.indirect_vreg.gather [hbm4b:s0+s10], $0x80, v3, vm0, $0xb8;
	[tilespmem:$0x1E200] =	vst v63  }
0xc0: {  	s18 =	simm.s32 $0x17200  }
0xc1: {  	[tilespmem:s18], [sflag:$0x2] =	stream.indirect_vreg.gather [hbm4b:s1+s10], $0x80, v3, vm0, $0xb8;
	[tilespmem:$0x1E200] =	vst v63  }
0xc2: {  	s19 =	simm.s32 $0x17A00;
	s20 =	sld [smem:$0x7F8]  }
0xc3: {  	[tilespmem:s19], [sflag:$0x2] =	stream.indirect_vreg.gather [hbm4b:s2+s10], $0x80, v3, vm0, $0xb8;
	[tilespmem:$0x1E200] =	vst v63  }
0xc4: {  	s21 =	simm.s32 $0x18200  }
0xc5: {  	[tilespmem:s21], [sflag:$0x5] =	stream.linear.gather [hbm4b:s20+s10], $0x6000, $0x38;
	[tilespmem:$0x1E200] =	vst v63  }
0xc6: {  	s22 =	simm.s32 $0x0;
	_ =	swait.ge [sflag:s3], $0x6000  }
0xc7: {  	s23 =	smul.u32 $0x3000, s22;
	[sflag:s3] =	ssyncset.done $0x0  }
0xc8: {  	s24 =	simm.s32 $0x1;
	[sflag:s3] =	ssyncadd.s32 $0xFFFFA000  }
0xc9: {  	s5 =	sand.u32 $0x300, s10;
	s0 =	sshra.s32 s23, $0x2;
	_ =	swait.ge [sflag:s24], $0xC000  }
0xca: {  	s4 =	sor.u32 $0x80, s5;
	s25 =	sadd.s32 $0x18200, s0;
	[sflag:s24] =	ssyncset.done $0x0  }
0xcb: {  	s6 =	sadd.s32 s4, s25;
	[sflag:s24] =	ssyncadd.s32 $0xFFFF4000  }
0xcc: {  	v3 =	vld [tilespmem:s6+$0x0]  }
0xcd: {  	s1 =	smul.u32 $0x6000, s22;
	_ =	sdelay $0x1  }
0xce: {  	s7 =	sshra.s32 s1, $0x2  }
0xcf: {  	s26 =	sor.u32 $0x200, s7  }
0xd0: {  	s29 =	sadd.s32 s4, s26;
	v4 =	vshll.u32 v3, $0x10  }
0xd1: {  	s8 =	sor.u32 $0x10, s29;
	v3 =	vand.u32 $0xFFFF0000, v3;
	[tilespmem:s29+$0x0] =	vst.add.f32.msk $0xffff, v4  }
0xd2: {  	[tilespmem:s8+$0x0] =	vst.add.f32.msk $0xffff, v3  }
0xd3: {  	v3 =	vld [tilespmem:s6+$0x10];
	_ =	sdelay $0x4  }
0xd4: {  	s30 =	sor.u32 $0x20, s29;
	v4 =	vshll.u32 v3, $0x10  }
0xd5: {  	s9 =	sor.u32 $0x30, s29;
	v3 =	vand.u32 $0xFFFF0000, v3;
	[tilespmem:s30+$0x0] =	vst.add.f32.msk $0xffff, v4  }
0xd6: {  	[tilespmem:s9+$0x0] =	vst.add.f32.msk $0xffff, v3  }
0xd7: {  	v3 =	vld [tilespmem:s6+$0x20];
	_ =	sdelay $0x1  }
0xd8: {  	s2 =	sadd.s32 s5, s25  }
0xd9: {  	v4 =	vld [tilespmem:s2+$0x0];
	_ =	sdelay $0x1  }
0xda: {  	s10 =	sor.u32 $0x40, s29;
	v5 =	vshll.u32 v3, $0x10  }
0xdb: {  	s11 =	sor.u32 $0x50, s29;
	v3 =	vand.u32 $0xFFFF0000, v3;
	[tilespmem:s10+$0x0] =	vst.add.f32.msk $0xffff, v5  }
0xdc: {  	[tilespmem:s11+$0x0] =	vst.add.f32.msk $0xffff, v3  }
0xdd: {  	s3 =	sadd.s32 s5, s26;
	v5 =	vshll.u32 v4, $0x10;
	v3 =	vld [tilespmem:s6+$0x30]  }
0xde: {  	s12 =	sor.u32 $0x10, s3;
	v4 =	vand.u32 $0xFFFF0000, v4;
	[tilespmem:s3+$0x0] =	vst.add.f32.msk $0xffff, v5  }
0xdf: {  	[tilespmem:s12+$0x0] =	vst.add.f32.msk $0xffff, v4  }
0xe0: {  	v4 =	vld [tilespmem:s2+$0x10];
	_ =	sdelay $0x1  }
0xe1: {  	s13 =	sor.u32 $0x60, s29;
	v5 =	vshll.u32 v3, $0x10  }
0xe2: {  	s14 =	sor.u32 $0x70, s29;
	v3 =	vand.u32 $0xFFFF0000, v3;
	[tilespmem:s13+$0x0] =	vst.add.f32.msk $0xffff, v5  }
0xe3: {  	[tilespmem:s14+$0x0] =	vst.add.f32.msk $0xffff, v3  }
0xe4: {  	s15 =	sor.u32 $0x20, s3;
	v5 =	vshll.u32 v4, $0x10;
	v3 =	vld [tilespmem:s6+$0x40]  }
0xe5: {  	s9 =	sor.u32 $0x30, s3;
	v4 =	vand.u32 $0xFFFF0000, v4;
	[tilespmem:s15+$0x0] =	vst.add.f32.msk $0xffff, v5  }
0xe6: {  	[tilespmem:s9+$0x0] =	vst.add.f32.msk $0xffff, v4  }
0xe7: {  	v4 =	vld [tilespmem:s2+$0x20];
	_ =	sdelay $0x1  }
0xe8: {  	v5 =	vshll.u32 v3, $0x10  }
0xe9: {  	v3 =	vand.u32 $0xFFFF0000, v3;
	[tilespmem:s29+$0x400] =	vst.add.f32.msk $0xffff, v5  }
0xea: {  	[tilespmem:s29+$0x410] =	vst.add.f32.msk $0xffff, v3  }
0xeb: {  	s16 =	sor.u32 $0x40, s3;
	v5 =	vshll.u32 v4, $0x10;
	v3 =	vld [tilespmem:s6+$0x50]  }
0xec: {  	s17 =	sor.u32 $0x50, s3;
	v4 =	vand.u32 $0xFFFF0000, v4;
	[tilespmem:s16+$0x0] =	vst.add.f32.msk $0xffff, v5  }
0xed: {  	[tilespmem:s17+$0x0] =	vst.add.f32.msk $0xffff, v4  }
0xee: {  	v4 =	vld [tilespmem:s2+$0x30];
	_ =	sdelay $0x1  }
0xef: {  	v5 =	vshll.u32 v3, $0x10  }
0xf0: {  	v3 =	vand.u32 $0xFFFF0000, v3;
	[tilespmem:s29+$0x420] =	vst.add.f32.msk $0xffff, v5  }
0xf1: {  	[tilespmem:s29+$0x430] =	vst.add.f32.msk $0xffff, v3  }
0xf2: {  	s18 =	sor.u32 $0x60, s3;
	v3 =	vld [tilespmem:s6+$0x60];
	v5 =	vshll.u32 v4, $0x10  }
0xf3: {  	s19 =	sor.u32 $0x70, s3;
	v4 =	vand.u32 $0xFFFF0000, v4;
	[tilespmem:s18+$0x0] =	vst.add.f32.msk $0xffff, v5  }
0xf4: {  	[tilespmem:s19+$0x0] =	vst.add.f32.msk $0xffff, v4  }
0xf5: {  	v4 =	vld [tilespmem:s2+$0x40];
	_ =	sdelay $0x1  }
0xf6: {  	v5 =	vshll.u32 v3, $0x10  }
0xf7: {  	v3 =	vand.u32 $0xFFFF0000, v3;
	[tilespmem:s29+$0x440] =	vst.add.f32.msk $0xffff, v5  }
0xf8: {  	[tilespmem:s29+$0x450] =	vst.add.f32.msk $0xffff, v3  }
0xf9: {  	v3 =	vld [tilespmem:s6+$0x70];
	v5 =	vshll.u32 v4, $0x10  }
0xfa: {  	v4 =	vand.u32 $0xFFFF0000, v4;
	[tilespmem:s3+$0x400] =	vst.add.f32.msk $0xffff, v5  }
0xfb: {  	[tilespmem:s3+$0x410] =	vst.add.f32.msk $0xffff, v4  }
0xfc: {  	v4 =	vld [tilespmem:s2+$0x50];
	_ =	sdelay $0x1  }
0xfd: {  	v5 =	vshll.u32 v3, $0x10  }
0xfe: {  	s20 =	sadd.s32 $0x18600, s0;
	v3 =	vand.u32 $0xFFFF0000, v3;
	[tilespmem:s29+$0x460] =	vst.add.f32.msk $0xffff, v5  }
0xff: {  	s1 =	sadd.s32 s4, s20;
	[tilespmem:s29+$0x470] =	vst.add.f32.msk $0xffff, v3  }
0x100: {  	v3 =	vld [tilespmem:s1+$0x0];
	v5 =	vshll.u32 v4, $0x10  }
0x101: {  	v4 =	vand.u32 $0xFFFF0000, v4;
	[tilespmem:s3+$0x420] =	vst.add.f32.msk $0xffff, v5  }
0x102: {  	[tilespmem:s3+$0x430] =	vst.add.f32.msk $0xffff, v4  }
0x103: {  	v4 =	vld [tilespmem:s2+$0x60]  }
0x104: {  	s21 =	sadd.s32 $0xA00, s7  }
0x105: {  	s22 =	sadd.s32 s4, s21;
	v5 =	vshll.u32 v3, $0x10  }
0x106: {  	s23 =	sor.u32 $0x10, s22;
	v3 =	vand.u32 $0xFFFF0000, v3;
	[tilespmem:s22+$0x0] =	vst.add.f32.msk $0xffff, v5  }
0x107: {  	[tilespmem:s23+$0x0] =	vst.add.f32.msk $0xffff, v3  }
0x108: {  	v3 =	vld [tilespmem:s1+$0x10];
	v5 =	vshll.u32 v4, $0x10  }
0x109: {  	v4 =	vand.u32 $0xFFFF0000, v4;
	[tilespmem:s3+$0x440] =	vst.add.f32.msk $0xffff, v5  }
0x10a: {  	[tilespmem:s3+$0x450] =	vst.add.f32.msk $0xffff, v4  }
0x10b: {  	v4 =	vld [tilespmem:s2+$0x70];
	_ =	sdelay $0x1  }
0x10c: {  	s24 =	sor.u32 $0x20, s22;
	v5 =	vshll.u32 v3, $0x10  }
0x10d: {  	s25 =	sor.u32 $0x30, s22;
	v3 =	vand.u32 $0xFFFF0000, v3;
	[tilespmem:s24+$0x0] =	vst.add.f32.msk $0xffff, v5  }
0x10e: {  	[tilespmem:s25+$0x0] =	vst.add.f32.msk $0xffff, v3  }
0x10f: {  	v5 =	vshll.u32 v4, $0x10;
	v3 =	vld [tilespmem:s1+$0x20]  }
0x110: {  	v4 =	vand.u32 $0xFFFF0000, v4;
	[tilespmem:s3+$0x460] =	vst.add.f32.msk $0xffff, v5  }
0x111: {  	s2 =	sadd.s32 s5, s20;
	[tilespmem:s3+$0x470] =	vst.add.f32.msk $0xffff, v4  }
0x112: {  	v4 =	vld [tilespmem:s2+$0x0];
	_ =	sdelay $0x1  }
0x113: {  	s26 =	sor.u32 $0x40, s22;
	v5 =	vshll.u32 v3, $0x10  }
0x114: {  	s29 =	sor.u32 $0x50, s22;
	v3 =	vand.u32 $0xFFFF0000, v3;
	[tilespmem:s26+$0x0] =	vst.add.f32.msk $0xffff, v5  }
0x115: {  	[tilespmem:s29+$0x0] =	vst.add.f32.msk $0xffff, v3  }
0x116: {  	s30 =	sadd.s32 s5, s21;
	v5 =	vshll.u32 v4, $0x10;
	v3 =	vld [tilespmem:s1+$0x30]  }
0x117: {  	s10 =	sor.u32 $0x10, s30;
	v4 =	vand.u32 $0xFFFF0000, v4;
	[tilespmem:s30+$0x0] =	vst.add.f32.msk $0xffff, v5  }
0x118: {  	[tilespmem:s10+$0x0] =	vst.add.f32.msk $0xffff, v4  }
0x119: {  	v4 =	vld [tilespmem:s2+$0x10];
	_ =	sdelay $0x1  }
0x11a: {  	s11 =	sor.u32 $0x60, s22;
	v5 =	vshll.u32 v3, $0x10  }
0x11b: {  	s12 =	sor.u32 $0x70, s22;
	v3 =	vand.u32 $0xFFFF0000, v3;
	[tilespmem:s11+$0x0] =	vst.add.f32.msk $0xffff, v5  }
0x11c: {  	[tilespmem:s12+$0x0] =	vst.add.f32.msk $0xffff, v3  }
0x11d: {  	s13 =	sor.u32 $0x20, s30;
	v5 =	vshll.u32 v4, $0x10;
	v3 =	vld [tilespmem:s1+$0x40]  }
0x11e: {  	s8 =	sor.u32 $0x30, s30;
	v4 =	vand.u32 $0xFFFF0000, v4;
	[tilespmem:s13+$0x0] =	vst.add.f32.msk $0xffff, v5  }
0x11f: {  	[tilespmem:s8+$0x0] =	vst.add.f32.msk $0xffff, v4  }
0x120: {  	v4 =	vld [tilespmem:s2+$0x20]  }
0x121: {  	s14 =	sadd.s32 $0xE00, s7  }
0x122: {  	s15 =	sadd.s32 s4, s14;
	v5 =	vshll.u32 v3, $0x10  }
0x123: {  	s16 =	sor.u32 $0x10, s15;
	v3 =	vand.u32 $0xFFFF0000, v3;
	[tilespmem:s15+$0x0] =	vst.add.f32.msk $0xffff, v5  }
0x124: {  	[tilespmem:s16+$0x0] =	vst.add.f32.msk $0xffff, v3  }
0x125: {  	s17 =	sor.u32 $0x40, s30;
	v5 =	vshll.u32 v4, $0x10;
	v3 =	vld [tilespmem:s1+$0x50]  }
0x126: {  	s18 =	sor.u32 $0x50, s30;
	v4 =	vand.u32 $0xFFFF0000, v4;
	[tilespmem:s17+$0x0] =	vst.add.f32.msk $0xffff, v5  }
0x127: {  	[tilespmem:s18+$0x0] =	vst.add.f32.msk $0xffff, v4  }
0x128: {  	v4 =	vld [tilespmem:s2+$0x30];
	_ =	sdelay $0x1  }
0x129: {  	s19 =	sor.u32 $0x20, s15;
	v5 =	vshll.u32 v3, $0x10  }
0x12a: {  	s20 =	sor.u32 $0x30, s15;
	v3 =	vand.u32 $0xFFFF0000, v3;
	[tilespmem:s19+$0x0] =	vst.add.f32.msk $0xffff, v5  }
0x12b: {  	[tilespmem:s20+$0x0] =	vst.add.f32.msk $0xffff, v3  }
0x12c: {  	s21 =	sor.u32 $0x60, s30;
	v5 =	vshll.u32 v4, $0x10;
	v3 =	vld [tilespmem:s1+$0x60]  }
0x12d: {  	s3 =	sor.u32 $0x70, s30;
	v4 =	vand.u32 $0xFFFF0000, v4;
	[tilespmem:s21+$0x0] =	vst.add.f32.msk $0xffff, v5  }
0x12e: {  	[tilespmem:s3+$0x0] =	vst.add.f32.msk $0xffff, v4  }
0x12f: {  	v4 =	vld [tilespmem:s2+$0x40];
	_ =	sdelay $0x1  }
0x130: {  	s22 =	sor.u32 $0x40, s15;
	v5 =	vshll.u32 v3, $0x10  }
0x131: {  	s23 =	sor.u32 $0x50, s15;
	v3 =	vand.u32 $0xFFFF0000, v3;
	[tilespmem:s22+$0x0] =	vst.add.f32.msk $0xffff, v5  }
0x132: {  	[tilespmem:s23+$0x0] =	vst.add.f32.msk $0xffff, v3  }
0x133: {  	s3 =	sadd.s32 s5, s14;
	v5 =	vshll.u32 v4, $0x10;
	v3 =	vld [tilespmem:s1+$0x70]  }
0x134: {  	s24 =	sor.u32 $0x10, s3;
	v4 =	vand.u32 $0xFFFF0000, v4;
	[tilespmem:s3+$0x0] =	vst.add.f32.msk $0xffff, v5  }
0x135: {  	[tilespmem:s24+$0x0] =	vst.add.f32.msk $0xffff, v4  }
0x136: {  	v4 =	vld [tilespmem:s2+$0x50];
	_ =	sdelay $0x1  }
0x137: {  	s25 =	sor.u32 $0x60, s15;
	v5 =	vshll.u32 v3, $0x10  }
0x138: {  	s26 =	sor.u32 $0x70, s15;
	s11 =	sadd.s32 $0x18A00, s0;
	v3 =	vand.u32 $0xFFFF0000, v3;
	[tilespmem:s25+$0x0] =	vst.add.f32.msk $0xffff, v5  }
0x139: {  	s1 =	sadd.s32 s4, s11;
	[tilespmem:s26+$0x0] =	vst.add.f32.msk $0xffff, v3  }
0x13a: {  	s29 =	sor.u32 $0x20, s3;
	v5 =	vshll.u32 v4, $0x10;
	v3 =	vld [tilespmem:s1+$0x0]  }
0x13b: {  	s6 =	sor.u32 $0x30, s3;
	v4 =	vand.u32 $0xFFFF0000, v4;
	[tilespmem:s29+$0x0] =	vst.add.f32.msk $0xffff, v5  }
0x13c: {  	[tilespmem:s6+$0x0] =	vst.add.f32.msk $0xffff, v4  }
0x13d: {  	v4 =	vld [tilespmem:s2+$0x60]  }
0x13e: {  	s30 =	simm.s32 $0x0;
	s10 =	sadd.s32 $0x1200, s7  }
0x13f: {  	s12 =	smul.u32 $0x3000, s30;
	s14 =	sadd.s32 s4, s10;
	v5 =	vshll.u32 v3, $0x10  }
0x140: {  	s17 =	simm.s32 $0x100;
	s9 =	sor.u32 $0x10, s14;
	v3 =	vand.u32 $0xFFFF0000, v3;
	[tilespmem:s14+$0x0] =	vst.add.f32.msk $0xffff, v5  }
0x141: {  	s31 =	sand.u32 $0x300, s17;
	s6 =	sshra.s32 s12, $0x2;
	[tilespmem:s9+$0x0] =	vst.add.f32.msk $0xffff, v3  }
0x142: {  	s0 =	sor.u32 $0x80, s31;
	s13 =	sor.u32 $0x40, s3;
	s15 =	sadd.s32 $0x18200, s6;
	v5 =	vshll.u32 v4, $0x10;
	v3 =	vld [tilespmem:s1+$0x10]  }
0x143: {  	s12 =	sadd.s32 s0, s15;
	[tilespmem:s13+$0x0] =	vst.add.f32.msk $0xffff, v5  }
0x144: {  	v5 =	vld [tilespmem:s12+$0x0]  }
0x145: {  	s8 =	smul.u32 $0x6000, s30;
	s16 =	sor.u32 $0x50, s3;
	v4 =	vand.u32 $0xFFFF0000, v4  }
0x146: {  	[tilespmem:s16+$0x0] =	vst.add.f32.msk $0xffff, v4  }
0x147: {  	s18 =	sor.u32 $0x20, s14;
	v4 =	vld [tilespmem:s2+$0x70];
	s2 =	sshra.s32 s8, $0x2;
	v6 =	vshll.u32 v3, $0x10  }
0x148: {  	s19 =	sor.u32 $0x30, s14;
	s20 =	sor.u32 $0x200, s2;
	v3 =	vand.u32 $0xFFFF0000, v3;
	[tilespmem:s18+$0x0] =	vst.add.f32.msk $0xffff, v6  }
0x149: {  	s13 =	sadd.s32 s0, s20;
	v6 =	vshll.u32 v5, $0x10;
	[tilespmem:s19+$0x0] =	vst.add.f32.msk $0xffff, v3  }
0x14a: {  	[tilespmem:s13+$0x0] =	vst.add.f32.msk $0xffff, v6  }
0x14b: {  	s21 =	sor.u32 $0x10, s13;
	v5 =	vand.u32 $0xFFFF0000, v5;
	v3 =	vld [tilespmem:s1+$0x20]  }
0x14c: {  	[tilespmem:s21+$0x0] =	vst.add.f32.msk $0xffff, v5  }
0x14d: {  	v5 =	vld [tilespmem:s12+$0x10]  }
0x14e: {  	s8 =	sadd.s32 s31, s15  }
0x14f: {  	s22 =	sor.u32 $0x60, s3;
	v7 =	vld [tilespmem:s8+$0x0];
	v6 =	vshll.u32 v4, $0x10  }
0x150: {  	s23 =	sor.u32 $0x40, s14;
	[tilespmem:s22+$0x0] =	vst.add.f32.msk $0xffff, v6;
	v6 =	vshll.u32 v3, $0x10  }
0x151: {  	s24 =	sor.u32 $0x50, s14;
	v3 =	vand.u32 $0xFFFF0000, v3;
	[tilespmem:s23+$0x0] =	vst.add.f32.msk $0xffff, v6  }
0x152: {  	s25 =	sor.u32 $0x20, s13;
	v6 =	vshll.u32 v5, $0x10;
	[tilespmem:s24+$0x0] =	vst.add.f32.msk $0xffff, v3  }
0x153: {  	[tilespmem:s25+$0x0] =	vst.add.f32.msk $0xffff, v6  }
0x154: {  	s26 =	sor.u32 $0x30, s13;
	v5 =	vand.u32 $0xFFFF0000, v5;
	v3 =	vld [tilespmem:s1+$0x30]  }
0x155: {  	[tilespmem:s26+$0x0] =	vst.add.f32.msk $0xffff, v5  }
0x156: {  	v6 =	vld [tilespmem:s12+$0x20];
	_ =	sdelay $0x1  }
0x157: {  	s9 =	sadd.s32 s31, s20;
	v5 =	vshll.u32 v7, $0x10  }
0x158: {  	s30 =	sor.u32 $0x60, s14;
	[tilespmem:s9+$0x0] =	vst.add.f32.msk $0xffff, v5;
	v5 =	vshll.u32 v3, $0x10  }
0x159: {  	s14 =	sor.u32 $0x70, s14;
	v3 =	vand.u32 $0xFFFF0000, v3;
	[tilespmem:s30+$0x0] =	vst.add.f32.msk $0xffff, v5  }
0x15a: {  	s16 =	sor.u32 $0x40, s13;
	v5 =	vshll.u32 v6, $0x10;
	[tilespmem:s14+$0x0] =	vst.add.f32.msk $0xffff, v3  }
0x15b: {  	[tilespmem:s16+$0x0] =	vst.add.f32.msk $0xffff, v5  }
0x15c: {  	s18 =	sor.u32 $0x50, s13;
	v6 =	vand.u32 $0xFFFF0000, v6;
	v3 =	vld [tilespmem:s1+$0x40]  }
0x15d: {  	[tilespmem:s18+$0x0] =	vst.add.f32.msk $0xffff, v6  }
0x15e: {  	s19 =	sor.u32 $0x70, s3;
	v4 =	vand.u32 $0xFFFF0000, v4;
	v5 =	vld [tilespmem:s12+$0x30]  }
0x15f: {  	s29 =	sor.u32 $0x10, s9;
	[tilespmem:s19+$0x0] =	vst.add.f32.msk $0xffff, v4;
	v7 =	vand.u32 $0xFFFF0000, v7  }
0x160: {  	s3 =	sadd.s32 $0x1600, s7;
	[tilespmem:s29+$0x0] =	vst.add.f32.msk $0xffff, v7  }
0x161: {  	s4 =	sadd.s32 s4, s3;
	v6 =	vld [tilespmem:s8+$0x10];
	v4 =	vshll.u32 v3, $0x10  }
0x162: {  	s20 =	sor.u32 $0x10, s4;
	v3 =	vand.u32 $0xFFFF0000, v3;
	[tilespmem:s4+$0x0] =	vst.add.f32.msk $0xffff, v4  }
0x163: {  	s21 =	sor.u32 $0x60, s13;
	v4 =	vshll.u32 v5, $0x10;
	[tilespmem:s20+$0x0] =	vst.add.f32.msk $0xffff, v3  }
0x164: {  	[tilespmem:s21+$0x0] =	vst.add.f32.msk $0xffff, v4  }
0x165: {  	s22 =	sor.u32 $0x70, s13;
	v5 =	vand.u32 $0xFFFF0000, v5;
	v3 =	vld [tilespmem:s1+$0x50]  }
0x166: {  	[tilespmem:s22+$0x0] =	vst.add.f32.msk $0xffff, v5  }
0x167: {  	s23 =	sor.u32 $0x20, s9;
	v4 =	vshll.u32 v6, $0x10;
	v5 =	vld [tilespmem:s12+$0x40]  }
0x168: {  	s24 =	sor.u32 $0x30, s9;
	v6 =	vand.u32 $0xFFFF0000, v6;
	[tilespmem:s23+$0x0] =	vst.add.f32.msk $0xffff, v4  }
0x169: {  	[tilespmem:s24+$0x0] =	vst.add.f32.msk $0xffff, v6  }
0x16a: {  	s25 =	sor.u32 $0x20, s4;
	v6 =	vld [tilespmem:s8+$0x20];
	v4 =	vshll.u32 v3, $0x10  }
0x16b: {  	s26 =	sor.u32 $0x30, s4;
	v3 =	vand.u32 $0xFFFF0000, v3;
	[tilespmem:s25+$0x0] =	vst.add.f32.msk $0xffff, v4  }
0x16c: {  	v4 =	vand.u32 $0xFFFF0000, v5;
	[tilespmem:s26+$0x0] =	vst.add.f32.msk $0xffff, v3  }
0x16d: {  	v3 =	vshll.u32 v5, $0x10;
	[tilespmem:s13+$0x410] =	vst.add.f32.msk $0xffff, v4  }
0x16e: {  	[tilespmem:s13+$0x400] =	vst.add.f32.msk $0xffff, v3  }
0x16f: {  	s29 =	sor.u32 $0x40, s9;
	v4 =	vshll.u32 v6, $0x10;
	v3 =	vld [tilespmem:s12+$0x50]  }
0x170: {  	s30 =	sor.u32 $0x50, s9;
	v5 =	vand.u32 $0xFFFF0000, v6;
	[tilespmem:s29+$0x0] =	vst.add.f32.msk $0xffff, v4  }
0x171: {  	[tilespmem:s30+$0x0] =	vst.add.f32.msk $0xffff, v5  }
0x172: {  	s18 =	sadd.s32 s5, s11;
	v4 =	vld [tilespmem:s8+$0x30]  }
0x173: {  	v6 =	vld [tilespmem:s18+$0x0]  }
0x174: {  	v5 =	vld [tilespmem:s1+$0x60];
	v7 =	vshll.u32 v3, $0x10  }
0x175: {  	v3 =	vand.u32 $0xFFFF0000, v3;
	[tilespmem:s13+$0x420] =	vst.add.f32.msk $0xffff, v7  }
0x176: {  	[tilespmem:s13+$0x430] =	vst.add.f32.msk $0xffff, v3  }
0x177: {  	s11 =	sor.u32 $0x60, s9;
	v3 =	vshll.u32 v4, $0x10;
	v7 =	vld [tilespmem:s12+$0x60]  }
0x178: {  	s14 =	sor.u32 $0x70, s9;
	v4 =	vand.u32 $0xFFFF0000, v4;
	[tilespmem:s11+$0x0] =	vst.add.f32.msk $0xffff, v3  }
0x179: {  	[tilespmem:s14+$0x0] =	vst.add.f32.msk $0xffff, v4  }
0x17a: {  	s15 =	sor.u32 $0x40, s4;
	v3 =	vshll.u32 v5, $0x10;
	v4 =	vld [tilespmem:s8+$0x40]  }
0x17b: {  	s10 =	sadd.s32 s5, s10;
	[tilespmem:s15+$0x0] =	vst.add.f32.msk $0xffff, v3;
	v3 =	vshll.u32 v6, $0x10  }
0x17c: {  	[tilespmem:s10+$0x0] =	vst.add.f32.msk $0xffff, v3;
	v3 =	vshll.u32 v7, $0x10  }
0x17d: {  	v7 =	vand.u32 $0xFFFF0000, v7;
	[tilespmem:s13+$0x440] =	vst.add.f32.msk $0xffff, v3  }
0x17e: {  	[tilespmem:s13+$0x450] =	vst.add.f32.msk $0xffff, v7  }
0x17f: {  	v3 =	vshll.u32 v4, $0x10;
	v7 =	vld [tilespmem:s12+$0x70]  }
0x180: {  	v4 =	vand.u32 $0xFFFF0000, v4;
	[tilespmem:s9+$0x400] =	vst.add.f32.msk $0xffff, v3  }
0x181: {  	[tilespmem:s9+$0x410] =	vst.add.f32.msk $0xffff, v4  }
0x182: {  	s16 =	sor.u32 $0x10, s10;
	v3 =	vand.u32 $0xFFFF0000, v6;
	v4 =	vld [tilespmem:s8+$0x50]  }
0x183: {  	[tilespmem:s16+$0x0] =	vst.add.f32.msk $0xffff, v3  }
0x184: {  	v3 =	vld [tilespmem:s18+$0x10];
	v6 =	vshll.u32 v7, $0x10  }
0x185: {  	s19 =	sadd.s32 $0x18600, s6;
	v7 =	vand.u32 $0xFFFF0000, v7;
	[tilespmem:s13+$0x460] =	vst.add.f32.msk $0xffff, v6  }
0x186: {  	s7 =	sadd.s32 s0, s19;
	[tilespmem:s13+$0x470] =	vst.add.f32.msk $0xffff, v7  }
0x187: {  	v6 =	vshll.u32 v4, $0x10;
	v7 =	vld [tilespmem:s7+$0x0]  }
0x188: {  	v4 =	vand.u32 $0xFFFF0000, v4;
	[tilespmem:s9+$0x420] =	vst.add.f32.msk $0xffff, v6  }
0x189: {  	[tilespmem:s9+$0x430] =	vst.add.f32.msk $0xffff, v4  }
0x18a: {  	s20 =	sor.u32 $0x50, s4;
	v4 =	vand.u32 $0xFFFF0000, v5;
	v5 =	vld [tilespmem:s8+$0x60]  }
0x18b: {  	s21 =	sor.u32 $0x20, s10;
	s22 =	sadd.s32 $0xA00, s2;
	[tilespmem:s20+$0x0] =	vst.add.f32.msk $0xffff, v4;
	v4 =	vshll.u32 v3, $0x10  }
0x18c: {  	s23 =	sadd.s32 s0, s22;
	[tilespmem:s21+$0x0] =	vst.add.f32.msk $0xffff, v4;
	v4 =	vshll.u32 v7, $0x10  }
0x18d: {  	s24 =	sor.u32 $0x10, s23;
	v6 =	vand.u32 $0xFFFF0000, v7;
	[tilespmem:s23+$0x0] =	vst.add.f32.msk $0xffff, v4  }
0x18e: {  	[tilespmem:s24+$0x0] =	vst.add.f32.msk $0xffff, v6  }
0x18f: {  	v4 =	vshll.u32 v5, $0x10;
	v6 =	vld [tilespmem:s7+$0x10]  }
0x190: {  	v5 =	vand.u32 $0xFFFF0000, v5;
	[tilespmem:s9+$0x440] =	vst.add.f32.msk $0xffff, v4  }
0x191: {  	[tilespmem:s9+$0x450] =	vst.add.f32.msk $0xffff, v5  }
0x192: {  	s25 =	sor.u32 $0x30, s10;
	v3 =	vand.u32 $0xFFFF0000, v3;
	v4 =	vld [tilespmem:s8+$0x70]  }
0x193: {  	[tilespmem:s25+$0x0] =	vst.add.f32.msk $0xffff, v3  }
0x194: {  	s26 =	sor.u32 $0x20, s23;
	v3 =	vld [tilespmem:s18+$0x20];
	v5 =	vshll.u32 v6, $0x10  }
0x195: {  	s29 =	sor.u32 $0x30, s23;
	v6 =	vand.u32 $0xFFFF0000, v6;
	[tilespmem:s26+$0x0] =	vst.add.f32.msk $0xffff, v5  }
0x196: {  	[tilespmem:s29+$0x0] =	vst.add.f32.msk $0xffff, v6  }
0x197: {  	v5 =	vshll.u32 v4, $0x10;
	v6 =	vld [tilespmem:s7+$0x20]  }
0x198: {  	v4 =	vand.u32 $0xFFFF0000, v4;
	[tilespmem:s9+$0x460] =	vst.add.f32.msk $0xffff, v5  }
0x199: {  	s11 =	sadd.s32 s31, s19;
	[tilespmem:s9+$0x470] =	vst.add.f32.msk $0xffff, v4  }
0x19a: {  	s30 =	sor.u32 $0x40, s10;
	v7 =	vshll.u32 v3, $0x10;
	v4 =	vld [tilespmem:s11+$0x0]  }
0x19b: {  	[tilespmem:s30+$0x0] =	vst.add.f32.msk $0xffff, v7  }
0x19c: {  	s8 =	sor.u32 $0x40, s23;
	v5 =	vld [tilespmem:s1+$0x70];
	v7 =	vshll.u32 v6, $0x10  }
0x19d: {  	s9 =	sor.u32 $0x50, s23;
	v6 =	vand.u32 $0xFFFF0000, v6;
	[tilespmem:s8+$0x0] =	vst.add.f32.msk $0xffff, v7  }
0x19e: {  	[tilespmem:s9+$0x0] =	vst.add.f32.msk $0xffff, v6  }
0x19f: {  	s1 =	sadd.s32 s31, s22;
	v6 =	vshll.u32 v4, $0x10;
	v7 =	vld [tilespmem:s7+$0x30]  }
0x1a0: {  	s12 =	sor.u32 $0x10, s1;
	v4 =	vand.u32 $0xFFFF0000, v4;
	[tilespmem:s1+$0x0] =	vst.add.f32.msk $0xffff, v6  }
0x1a1: {  	[tilespmem:s12+$0x0] =	vst.add.f32.msk $0xffff, v4  }
0x1a2: {  	s14 =	sor.u32 $0x50, s10;
	v3 =	vand.u32 $0xFFFF0000, v3;
	v4 =	vld [tilespmem:s11+$0x10]  }
0x1a3: {  	[tilespmem:s14+$0x0] =	vst.add.f32.msk $0xffff, v3  }
0x1a4: {  	s15 =	sor.u32 $0x60, s23;
	v3 =	vld [tilespmem:s18+$0x30];
	v6 =	vshll.u32 v7, $0x10  }
0x1a5: {  	s16 =	sor.u32 $0x70, s23;
	v7 =	vand.u32 $0xFFFF0000, v7;
	[tilespmem:s15+$0x0] =	vst.add.f32.msk $0xffff, v6  }
0x1a6: {  	[tilespmem:s16+$0x0] =	vst.add.f32.msk $0xffff, v7  }
0x1a7: {  	s19 =	sor.u32 $0x20, s1;
	v6 =	vshll.u32 v4, $0x10;
	v7 =	vld [tilespmem:s7+$0x40]  }
0x1a8: {  	s20 =	sor.u32 $0x30, s1;
	v4 =	vand.u32 $0xFFFF0000, v4;
	[tilespmem:s19+$0x0] =	vst.add.f32.msk $0xffff, v6  }
0x1a9: {  	[tilespmem:s20+$0x0] =	vst.add.f32.msk $0xffff, v4  }
0x1aa: {  	s21 =	sor.u32 $0x60, s4;
	v4 =	vshll.u32 v5, $0x10;
	v6 =	vld [tilespmem:s11+$0x20]  }
0x1ab: {  	s22 =	sor.u32 $0x60, s10;
	s23 =	sadd.s32 $0xE00, s2;
	[tilespmem:s21+$0x0] =	vst.add.f32.msk $0xffff, v4;
	v4 =	vshll.u32 v3, $0x10  }
0x1ac: {  	s24 =	sadd.s32 s0, s23;
	[tilespmem:s22+$0x0] =	vst.add.f32.msk $0xffff, v4;
	v4 =	vshll.u32 v7, $0x10  }
0x1ad: {  	s25 =	sor.u32 $0x10, s24;
	v7 =	vand.u32 $0xFFFF0000, v7;
	[tilespmem:s24+$0x0] =	vst.add.f32.msk $0xffff, v4  }
0x1ae: {  	[tilespmem:s25+$0x0] =	vst.add.f32.msk $0xffff, v7  }
0x1af: {  	s26 =	sor.u32 $0x40, s1;
	v4 =	vshll.u32 v6, $0x10;
	v7 =	vld [tilespmem:s7+$0x50]  }
0x1b0: {  	s29 =	sor.u32 $0x50, s1;
	v6 =	vand.u32 $0xFFFF0000, v6;
	[tilespmem:s26+$0x0] =	vst.add.f32.msk $0xffff, v4  }
0x1b1: {  	[tilespmem:s29+$0x0] =	vst.add.f32.msk $0xffff, v6  }
0x1b2: {  	s10 =	sor.u32 $0x70, s10;
	v3 =	vand.u32 $0xFFFF0000, v3;
	v4 =	vld [tilespmem:s11+$0x30]  }
0x1b3: {  	[tilespmem:s10+$0x0] =	vst.add.f32.msk $0xffff, v3  }
0x1b4: {  	s30 =	sor.u32 $0x20, s24;
	v3 =	vld [tilespmem:s18+$0x40];
	v6 =	vshll.u32 v7, $0x10  }
0x1b5: {  	s12 =	sor.u32 $0x30, s24;
	v7 =	vand.u32 $0xFFFF0000, v7;
	[tilespmem:s30+$0x0] =	vst.add.f32.msk $0xffff, v6  }
0x1b6: {  	[tilespmem:s12+$0x0] =	vst.add.f32.msk $0xffff, v7  }
0x1b7: {  	s13 =	sor.u32 $0x60, s1;
	v6 =	vshll.u32 v4, $0x10;
	v7 =	vld [tilespmem:s7+$0x60]  }
0x1b8: {  	s1 =	sor.u32 $0x70, s1;
	v4 =	vand.u32 $0xFFFF0000, v4;
	[tilespmem:s13+$0x0] =	vst.add.f32.msk $0xffff, v6  }
0x1b9: {  	[tilespmem:s1+$0x0] =	vst.add.f32.msk $0xffff, v4  }
0x1ba: {  	s14 =	sor.u32 $0x70, s4;
	v4 =	vand.u32 $0xFFFF0000, v5;
	v5 =	vld [tilespmem:s11+$0x40]  }
0x1bb: {  	s3 =	sadd.s32 s5, s3;
	[tilespmem:s14+$0x0] =	vst.add.f32.msk $0xffff, v4;
	v4 =	vshll.u32 v3, $0x10  }
0x1bc: {  	s15 =	sor.u32 $0x40, s24;
	[tilespmem:s3+$0x0] =	vst.add.f32.msk $0xffff, v4;
	v4 =	vshll.u32 v7, $0x10  }
0x1bd: {  	s16 =	sor.u32 $0x50, s24;
	v6 =	vand.u32 $0xFFFF0000, v7;
	[tilespmem:s15+$0x0] =	vst.add.f32.msk $0xffff, v4  }
0x1be: {  	[tilespmem:s16+$0x0] =	vst.add.f32.msk $0xffff, v6  }
0x1bf: {  	s19 =	sadd.s32 s31, s23;
	v4 =	vshll.u32 v5, $0x10;
	v6 =	vld [tilespmem:s7+$0x70]  }
0x1c0: {  	s20 =	sor.u32 $0x10, s19;
	v5 =	vand.u32 $0xFFFF0000, v5;
	[tilespmem:s19+$0x0] =	vst.add.f32.msk $0xffff, v4  }
0x1c1: {  	[tilespmem:s20+$0x0] =	vst.add.f32.msk $0xffff, v5  }
0x1c2: {  	s21 =	sor.u32 $0x10, s3;
	v3 =	vand.u32 $0xFFFF0000, v3;
	v4 =	vld [tilespmem:s11+$0x50]  }
0x1c3: {  	[tilespmem:s21+$0x0] =	vst.add.f32.msk $0xffff, v3  }
0x1c4: {  	s22 =	sor.u32 $0x60, s24;
	v5 =	vld [tilespmem:s18+$0x50];
	v3 =	vshll.u32 v6, $0x10  }
0x1c5: {  	s6 =	sadd.s32 $0x18A00, s6;
	s23 =	sor.u32 $0x70, s24;
	v6 =	vand.u32 $0xFFFF0000, v6;
	[tilespmem:s22+$0x0] =	vst.add.f32.msk $0xffff, v3  }
0x1c6: {  	s14 =	sadd.s32 s0, s6;
	[tilespmem:s23+$0x0] =	vst.add.f32.msk $0xffff, v6  }
0x1c7: {  	s28 =	sor.u32 $0x50, s3;
	s24 =	sor.u32 $0x20, s19;
	v6 =	vshll.u32 v4, $0x10;
	v3 =	vld [tilespmem:s14+$0x0]  }
0x1c8: {  	s5 =	simm.s32 $0x2;
	s8 =	sor.u32 $0x30, s19;
	s10 =	sor.u32 $0x70, s3;
	v4 =	vand.u32 $0xFFFF0000, v4;
	[tilespmem:s24+$0x0] =	vst.add.f32.msk $0xffff, v6  }
0x1c9: {  	s25 =	sor.u32 $0x20, s3;
	s26 =	sor.u32 $0x40, s3;
	s29 =	sor.u32 $0x30, s3;
	[tilespmem:s8+$0x0] =	vst.add.f32.msk $0xffff, v4  }
0x1ca: {  	s30 =	sadd.s32 $0x1200, s2;
	s12 =	sor.u32 $0x50, s19;
	s13 =	sor.u32 $0x60, s19;
	v6 =	vshll.u32 v5, $0x10;
	v4 =	vld [tilespmem:s11+$0x60]  }
0x1cb: {  	s1 =	sadd.s32 s0, s30;
	s6 =	sadd.s32 s31, s6;
	s16 =	sor.u32 $0x40, s19;
	v5 =	vand.u32 $0xFFFF0000, v5;
	[tilespmem:s25+$0x0] =	vst.add.f32.msk $0xffff, v6  }
0x1cc: {  	s22 =	sor.u32 $0x60, s3;
	s8 =	sor.u32 $0x70, s19;
	s25 =	sadd.s32 s31, s30;
	[tilespmem:s29+$0x0] =	vst.add.f32.msk $0xffff, v5;
	v5 =	vshll.u32 v3, $0x10  }
.LBB2_2:
0x1cd: {  	s5 =	sadd.s32 $0x2, s5;
	v3 =	vand.u32 $0xFFFF0000, v3;
	[tilespmem:s1+$0x0] =	vst.add.f32.msk $0xffff, v5;
	s4 =	sor.u32 $0x10, s1  }
0x1ce: {  	s15 =	sshrl.u32 s5, $0x3;
	[tilespmem:s4+$0x0] =	vst.add.f32.msk $0xffff, v3  }
0x1cf: {  	[dreg:$0x8] =	wrdreg s10;
	s23 =	smul.u32 $0x3000, s15;
	v5 =	vld [tilespmem:s14+$0x10];
	v3 =	vshll.u32 v4, $0x10  }
0x1d0: {  	s7 =	sor.u32 $0x30, s25;
	s10 =	sor.u32 $0x70, s25;
	s17 =	sadd.s32 $0x100, s17;
	v4 =	vand.u32 $0xFFFF0000, v4;
	[tilespmem:s16+$0x0] =	vst.add.f32.msk $0xffff, v3  }
0x1d1: {  	[smem:$0x7ED] =	sst s7;
	s20 =	sand.u32 $0x300, s17;
	s7 =	sshra.s32 s23, $0x2;
	[tilespmem:s12+$0x0] =	vst.add.f32.msk $0xffff, v4  }
0x1d2: {  	[dreg:$0x9] =	wrdreg s10;
	s10 =	sor.u32 $0x80, s20;
	s4 =	sadd.s32 $0x18200, s7;
	v3 =	vld [tilespmem:s11+$0x70]  }
0x1d3: {  	s11 =	sadd.s32 s10, s4;
	v6 =	vld [tilespmem:s18+$0x60]  }
0x1d4: {  	s12 =	sor.u32 $0x20, s1;
	v7 =	vld [tilespmem:s11+$0x0];
	v4 =	vshll.u32 v5, $0x10  }
0x1d5: {  	s24 =	sor.u32 $0x40, s25;
	s19 =	sor.u32 $0x30, s1;
	s16 =	smul.u32 $0x6000, s15;
	v5 =	vand.u32 $0xFFFF0000, v5;
	[tilespmem:s12+$0x0] =	vst.add.f32.msk $0xffff, v4  }
0x1d6: {  	s29 =	sor.u32 $0x50, s25;
	[smem:$0x7EE] =	sst s24;
	[tilespmem:s19+$0x0] =	vst.add.f32.msk $0xffff, v5  }
0x1d7: {  	[dreg:$0x1d] =	wrdreg s29;
	s29 =	sadd.s32 s20, s4;
	s24 =	sshra.s32 s16, $0x2;
	v9 =	vld [tilespmem:s14+$0x20]  }
0x1d8: {  	v10 =	vld [tilespmem:s29+$0x0];
	s21 =	sor.u32 $0x200, s24;
	v5 =	vshll.u32 v3, $0x10;
	v8 =	vand.u32 $0xFFFF0000, v3  }
0x1d9: {  	s19 =	sadd.s32 s10, s21;
	v4 =	vshll.u32 v6, $0x10;
	v3 =	vand.u32 $0xFFFF0000, v6;
	v6 =	vshll.u32 v7, $0x10;
	[tilespmem:s13+$0x0] =	vst.add.f32.msk $0xffff, v5  }
0x1da: {  	[dreg:$0x1c] =	wrdreg s22;
	s22 =	sor.u32 $0x10, s19;
	v5 =	vand.u32 $0xFFFF0000, v7;
	[tilespmem:s19+$0x0] =	vst.add.f32.msk $0xffff, v6  }
0x1db: {  	[tilespmem:s22+$0x0] =	vst.add.f32.msk $0xffff, v5  }
0x1dc: {  	s22 =	sor.u32 $0x40, s1;
	v5 =	vld [tilespmem:s11+$0x10];
	v6 =	vshll.u32 v9, $0x10  }
0x1dd: {  	v9 =	vand.u32 $0xFFFF0000, v9;
	[tilespmem:s22+$0x0] =	vst.add.f32.msk $0xffff, v6;
	s22 =	sor.u32 $0x50, s1  }
0x1de: {  	[tilespmem:s22+$0x0] =	vst.add.f32.msk $0xffff, v9  }
0x1df: {  	s16 =	sadd.s32 s20, s21;
	v7 =	vshll.u32 v10, $0x10;
	v6 =	vld [tilespmem:s14+$0x30]  }
0x1e0: {  	s23 =	smov.u32 s26;
	s26 =	sor.u32 $0x10, s16;
	v10 =	vand.u32 $0xFFFF0000, v10;
	[tilespmem:s16+$0x0] =	vst.add.f32.msk $0xffff, v7  }
0x1e1: {  	[tilespmem:s26+$0x0] =	vst.add.f32.msk $0xffff, v10;
	s26 =	sor.u32 $0x20, s19;
	v7 =	vshll.u32 v5, $0x10  }
0x1e2: {  	v5 =	vand.u32 $0xFFFF0000, v5;
	[tilespmem:s26+$0x0] =	vst.add.f32.msk $0xffff, v7;
	s26 =	sor.u32 $0x30, s19  }
0x1e3: {  	[tilespmem:s26+$0x0] =	vst.add.f32.msk $0xffff, v5  }
0x1e4: {  	s26 =	sor.u32 $0x60, s1;
	v5 =	vld [tilespmem:s11+$0x20];
	v7 =	vshll.u32 v6, $0x10  }
0x1e5: {  	s22 =	sor.u32 $0x70, s1;
	v6 =	vand.u32 $0xFFFF0000, v6;
	[tilespmem:s26+$0x0] =	vst.add.f32.msk $0xffff, v7  }
0x1e6: {  	[tilespmem:s22+$0x0] =	vst.add.f32.msk $0xffff, v6  }
0x1e7: {  	v6 =	vld [tilespmem:s14+$0x40]  }
0x1e8: {  	v7 =	vld [tilespmem:s29+$0x10]  }
0x1e9: {  	s26 =	sor.u32 $0x40, s19;
	[tilespmem:s8+$0x0] =	vst.add.f32.msk $0xffff, v8;
	v53 =	vshll.u32 v5, $0x10  }
0x1ea: {  	s22 =	sor.u32 $0x50, s19;
	v5 =	vand.u32 $0xFFFF0000, v5;
	[tilespmem:s26+$0x0] =	vst.add.f32.msk $0xffff, v53  }
0x1eb: {  	s26 =	sadd.s32 $0x1600, s2;
	[tilespmem:s22+$0x0] =	vst.add.f32.msk $0xffff, v5  }
0x1ec: {  	s2 =	smov.u32 s24;
	s24 =	sadd.s32 s31, s26;
	s26 =	sadd.s32 s0, s26;
	v5 =	vld [tilespmem:s11+$0x30];
	v54 =	vshll.u32 v6, $0x10  }
0x1ed: {  	v6 =	vand.u32 $0xFFFF0000, v6;
	s22 =	sor.u32 $0x10, s26;
	[tilespmem:s26+$0x0] =	vst.add.f32.msk $0xffff, v54  }
0x1ee: {  	[tilespmem:s22+$0x0] =	vst.add.f32.msk $0xffff, v6  }
0x1ef: {  	s30 =	sor.u32 $0x60, s25;
	s21 =	sor.u32 $0x20, s16;
	v55 =	vshll.u32 v7, $0x10;
	v6 =	vld [tilespmem:s14+$0x50]  }
0x1f0: {  	[dreg:$0xd] =	wrdreg s30;
	s30 =	sor.u32 $0x30, s16;
	v7 =	vand.u32 $0xFFFF0000, v7;
	[tilespmem:s21+$0x0] =	vst.add.f32.msk $0xffff, v55  }
0x1f1: {  	[tilespmem:s30+$0x0] =	vst.add.f32.msk $0xffff, v7;
	s30 =	sor.u32 $0x60, s19;
	v7 =	vshll.u32 v5, $0x10  }
0x1f2: {  	s21 =	sor.u32 $0x70, s19;
	v5 =	vand.u32 $0xFFFF0000, v5;
	[tilespmem:s30+$0x0] =	vst.add.f32.msk $0xffff, v7  }
0x1f3: {  	s22 =	sor.u32 $0x70, s24;
	[tilespmem:s21+$0x0] =	vst.add.f32.msk $0xffff, v5  }
0x1f4: {  	[smem:$0x7F0] =	sst s22;
	s22 =	sor.u32 $0x20, s26;
	v5 =	vld [tilespmem:s11+$0x40];
	v7 =	vshll.u32 v6, $0x10  }
0x1f5: {  	s30 =	sor.u32 $0x30, s26;
	v6 =	vand.u32 $0xFFFF0000, v6;
	[tilespmem:s22+$0x0] =	vst.add.f32.msk $0xffff, v7  }
0x1f6: {  	[tilespmem:s30+$0x0] =	vst.add.f32.msk $0xffff, v6  }
0x1f7: {  	v6 =	vld [tilespmem:s14+$0x60]  }
0x1f8: {  	v9 =	vld [tilespmem:s6+$0x0]  }
0x1f9: {  	v7 =	vld [tilespmem:s29+$0x20];
	v56 =	vshll.u32 v5, $0x10  }
0x1fa: {  	v5 =	vand.u32 $0xFFFF0000, v5;
	[tilespmem:s19+$0x400] =	vst.add.f32.msk $0xffff, v56  }
0x1fb: {  	[tilespmem:s19+$0x410] =	vst.add.f32.msk $0xffff, v5  }
0x1fc: {  	s21 =	sor.u32 $0x40, s26;
	v5 =	vld [tilespmem:s11+$0x50];
	v57 =	vshll.u32 v6, $0x10  }
0x1fd: {  	s22 =	sor.u32 $0x50, s26;
	v6 =	vand.u32 $0xFFFF0000, v6;
	[tilespmem:s21+$0x0] =	vst.add.f32.msk $0xffff, v57  }
0x1fe: {  	[tilespmem:s22+$0x0] =	vst.add.f32.msk $0xffff, v6  }
0x1ff: {  	s15 =	sor.u32 $0x40, s16;
	v58 =	vshll.u32 v7, $0x10;
	v6 =	vld [tilespmem:s14+$0x70]  }
0x200: {  	s4 =	sor.u32 $0x50, s16;
	v7 =	vand.u32 $0xFFFF0000, v7;
	[tilespmem:s15+$0x0] =	vst.add.f32.msk $0xffff, v58  }
0x201: {  	[tilespmem:s4+$0x0] =	vst.add.f32.msk $0xffff, v7  }
0x202: {  	v7 =	vld [tilespmem:s29+$0x30];
	v60 =	vshll.u32 v5, $0x10  }
0x203: {  	v5 =	vand.u32 $0xFFFF0000, v5;
	[tilespmem:s19+$0x420] =	vst.add.f32.msk $0xffff, v60  }
0x204: {  	s30 =	sor.u32 $0x60, s26;
	[tilespmem:s19+$0x430] =	vst.add.f32.msk $0xffff, v5;
	v5 =	vshll.u32 v6, $0x10  }
0x205: {  	s0 =	smov.u32 s10;
	s10 =	sor.u32 $0x70, s26;
	v6 =	vand.u32 $0xFFFF0000, v6;
	[tilespmem:s30+$0x0] =	vst.add.f32.msk $0xffff, v5  }
0x206: {  	[tilespmem:s10+$0x0] =	vst.add.f32.msk $0xffff, v6  }
0x207: {  	s12 =	sor.u32 $0x60, s16;
	v5 =	vshll.u32 v7, $0x10;
	v6 =	vand.u32 $0xFFFF0000, v7;
	v7 =	vld [tilespmem:s11+$0x60]  }
0x208: {  	s13 =	sor.u32 $0x70, s16;
	[tilespmem:s12+$0x0] =	vst.add.f32.msk $0xffff, v5  }
0x209: {  	[tilespmem:s13+$0x0] =	vst.add.f32.msk $0xffff, v6  }
0x20a: {  	v59 =	vshll.u32 v9, $0x10;
	v5 =	vld [tilespmem:s29+$0x40]  }
0x20b: {  	s9 =	sor.u32 $0x10, s25;
	v9 =	vand.u32 $0xFFFF0000, v9;
	[tilespmem:s25+$0x0] =	vst.add.f32.msk $0xffff, v59  }
0x20c: {  	[tilespmem:s9+$0x0] =	vst.add.f32.msk $0xffff, v9;
	v6 =	vshll.u32 v7, $0x10  }
0x20d: {  	v7 =	vand.u32 $0xFFFF0000, v7;
	[tilespmem:s19+$0x440] =	vst.add.f32.msk $0xffff, v6  }
0x20e: {  	[tilespmem:s19+$0x450] =	vst.add.f32.msk $0xffff, v7  }
0x20f: {  	v6 =	vshll.u32 v5, $0x10;
	v7 =	vld [tilespmem:s11+$0x70]  }
0x210: {  	v5 =	vand.u32 $0xFFFF0000, v5;
	[tilespmem:s16+$0x400] =	vst.add.f32.msk $0xffff, v6  }
0x211: {  	[tilespmem:s16+$0x410] =	vst.add.f32.msk $0xffff, v5  }
0x212: {  	v5 =	vld [tilespmem:s29+$0x50]  }
0x213: {  	v6 =	vld [tilespmem:s6+$0x10]  }
0x214: {  	[tilespmem:s23+$0x0] =	vst.add.f32.msk $0xffff, v4;
	v61 =	vshll.u32 v7, $0x10  }
0x215: {  	s14 =	sadd.s32 $0x18600, s7;
	v4 =	vand.u32 $0xFFFF0000, v7;
	[tilespmem:s19+$0x460] =	vst.add.f32.msk $0xffff, v61  }
0x216: {  	s31 =	smov.u32 s20;
	s20 =	sor.u32 $0x20, s24;
	s9 =	sadd.s32 s0, s14;
	[tilespmem:s19+$0x470] =	vst.add.f32.msk $0xffff, v4  }
0x217: {  	[dreg:$0x12] =	wrdreg s20;
	s20 =	sor.u32 $0x30, s24;
	v4 =	vshll.u32 v5, $0x10;
	v7 =	vld [tilespmem:s9+$0x0]  }
0x218: {  	[dreg:$0x13] =	wrdreg s20;
	s20 =	sor.u32 $0x40, s24;
	v5 =	vand.u32 $0xFFFF0000, v5;
	[tilespmem:s16+$0x420] =	vst.add.f32.msk $0xffff, v4  }
0x219: {  	s26 =	smov.u32 s20;
	s20 =	sld [smem:$0x7ED];
	[tilespmem:s16+$0x430] =	vst.add.f32.msk $0xffff, v5  }
0x21a: {  	s3 =	sor.u32 $0x20, s25;
	v4 =	vshll.u32 v6, $0x10;
	v5 =	vld [tilespmem:s29+$0x60]  }
0x21b: {  	s15 =	sadd.s32 $0xA00, s2;
	v6 =	vand.u32 $0xFFFF0000, v6;
	[tilespmem:s3+$0x0] =	vst.add.f32.msk $0xffff, v4  }
0x21c: {  	s19 =	sadd.s32 s31, s15;
	s15 =	sadd.s32 s0, s15;
	[tilespmem:s20+$0x0] =	vst.add.f32.msk $0xffff, v6;
	v4 =	vshll.u32 v7, $0x10  }
0x21d: {  	s21 =	sor.u32 $0x10, s15;
	v6 =	vand.u32 $0xFFFF0000, v7;
	[tilespmem:s15+$0x0] =	vst.add.f32.msk $0xffff, v4  }
0x21e: {  	[tilespmem:s21+$0x0] =	vst.add.f32.msk $0xffff, v6  }
0x21f: {  	v4 =	vshll.u32 v5, $0x10;
	v6 =	vld [tilespmem:s9+$0x10]  }
0x220: {  	v5 =	vand.u32 $0xFFFF0000, v5;
	[tilespmem:s16+$0x440] =	vst.add.f32.msk $0xffff, v4  }
0x221: {  	[tilespmem:s16+$0x450] =	vst.add.f32.msk $0xffff, v5  }
0x222: {  	v4 =	vld [tilespmem:s29+$0x70]  }
0x223: {  	v5 =	vld [tilespmem:s6+$0x20]  }
0x224: {  	s22 =	sor.u32 $0x20, s15;
	[tilespmem:s28+$0x0] =	vst.add.f32.msk $0xffff, v3;
	v7 =	vshll.u32 v6, $0x10  }
0x225: {  	s23 =	sor.u32 $0x30, s15;
	v3 =	vand.u32 $0xFFFF0000, v6;
	[tilespmem:s22+$0x0] =	vst.add.f32.msk $0xffff, v7  }
0x226: {  	[tilespmem:s23+$0x0] =	vst.add.f32.msk $0xffff, v3  }
0x227: {  	v3 =	vshll.u32 v4, $0x10;
	v6 =	vld [tilespmem:s9+$0x20]  }
0x228: {  	s25 =	sld [smem:$0x7EE];
	v4 =	vand.u32 $0xFFFF0000, v4;
	[tilespmem:s16+$0x460] =	vst.add.f32.msk $0xffff, v3  }
0x229: {  	s11 =	sadd.s32 s31, s14;
	[tilespmem:s16+$0x470] =	vst.add.f32.msk $0xffff, v4  }
0x22a: {  	v3 =	vshll.u32 v5, $0x10;
	v4 =	vld [tilespmem:s11+$0x0]  }
0x22b: {  	s30 =	rddreg [dreg:$0x1d];
	v5 =	vand.u32 $0xFFFF0000, v5;
	[tilespmem:s25+$0x0] =	vst.add.f32.msk $0xffff, v3  }
0x22c: {  	s29 =	sor.u32 $0x40, s15;
	[tilespmem:s30+$0x0] =	vst.add.f32.msk $0xffff, v5;
	v3 =	vshll.u32 v6, $0x10  }
0x22d: {  	s16 =	sor.u32 $0x50, s15;
	v5 =	vand.u32 $0xFFFF0000, v6;
	[tilespmem:s29+$0x0] =	vst.add.f32.msk $0xffff, v3  }
0x22e: {  	[tilespmem:s16+$0x0] =	vst.add.f32.msk $0xffff, v5  }
0x22f: {  	v3 =	vshll.u32 v4, $0x10;
	v5 =	vld [tilespmem:s9+$0x30]  }
0x230: {  	s20 =	sor.u32 $0x10, s19;
	v4 =	vand.u32 $0xFFFF0000, v4;
	[tilespmem:s19+$0x0] =	vst.add.f32.msk $0xffff, v3  }
0x231: {  	[tilespmem:s20+$0x0] =	vst.add.f32.msk $0xffff, v4  }
0x232: {  	v3 =	vld [tilespmem:s11+$0x10]  }
0x233: {  	v4 =	vld [tilespmem:s6+$0x30]  }
0x234: {  	s20 =	sor.u32 $0x60, s15;
	v7 =	vld [tilespmem:s18+$0x70];
	v6 =	vshll.u32 v5, $0x10  }
0x235: {  	s21 =	sor.u32 $0x70, s15;
	v5 =	vand.u32 $0xFFFF0000, v5;
	[tilespmem:s20+$0x0] =	vst.add.f32.msk $0xffff, v6  }
0x236: {  	[tilespmem:s21+$0x0] =	vst.add.f32.msk $0xffff, v5  }
0x237: {  	s12 =	sor.u32 $0x20, s19;
	v5 =	vshll.u32 v3, $0x10;
	v6 =	vld [tilespmem:s9+$0x40]  }
0x238: {  	s13 =	sor.u32 $0x30, s19;
	v3 =	vand.u32 $0xFFFF0000, v3;
	[tilespmem:s12+$0x0] =	vst.add.f32.msk $0xffff, v5  }
0x239: {  	[tilespmem:s13+$0x0] =	vst.add.f32.msk $0xffff, v3  }
0x23a: {  	s23 =	rddreg [dreg:$0xd];
	v5 =	vshll.u32 v4, $0x10;
	v62 =	vld [tilespmem:s11+$0x20]  }
0x23b: {  	s22 =	sadd.s32 $0xE00, s2;
	s25 =	rddreg [dreg:$0x9];
	v4 =	vand.u32 $0xFFFF0000, v4;
	[tilespmem:s23+$0x0] =	vst.add.f32.msk $0xffff, v5  }
0x23c: {  	s18 =	smov.u32 s6;
	s6 =	sadd.s32 s0, s22;
	[tilespmem:s25+$0x0] =	vst.add.f32.msk $0xffff, v4;
	v5 =	vshll.u32 v6, $0x10  }
0x23d: {  	s29 =	sor.u32 $0x10, s6;
	v4 =	vand.u32 $0xFFFF0000, v6;
	[tilespmem:s6+$0x0] =	vst.add.f32.msk $0xffff, v5  }
0x23e: {  	[tilespmem:s29+$0x0] =	vst.add.f32.msk $0xffff, v4  }
0x23f: {  	s14 =	sor.u32 $0x40, s19;
	v4 =	vshll.u32 v62, $0x10;
	v6 =	vld [tilespmem:s9+$0x50]  }
0x240: {  	s10 =	sor.u32 $0x50, s19;
	v5 =	vand.u32 $0xFFFF0000, v62;
	[tilespmem:s14+$0x0] =	vst.add.f32.msk $0xffff, v4  }
0x241: {  	[tilespmem:s10+$0x0] =	vst.add.f32.msk $0xffff, v5  }
0x242: {  	v4 =	vld [tilespmem:s11+$0x30]  }
0x243: {  	v3 =	vshll.u32 v7, $0x10;
	s23 =	rddreg [dreg:$0x1c];
	v5 =	vld [tilespmem:s18+$0x40]  }
0x244: {  	s30 =	sor.u32 $0x20, s6;
	[tilespmem:s23+$0x0] =	vst.add.f32.msk $0xffff, v3;
	v63 =	vshll.u32 v6, $0x10  }
0x245: {  	s25 =	sor.u32 $0x30, s6;
	v3 =	vand.u32 $0xFFFF0000, v6;
	[tilespmem:s30+$0x0] =	vst.add.f32.msk $0xffff, v63  }
0x246: {  	[tilespmem:s25+$0x0] =	vst.add.f32.msk $0xffff, v3  }
0x247: {  	s8 =	sor.u32 $0x10, s24;
	s4 =	sor.u32 $0x60, s19;
	v3 =	vshll.u32 v4, $0x10;
	v6 =	vld [tilespmem:s9+$0x60]  }
0x248: {  	[smem:$0x7EF] =	sst s8;
	s3 =	sor.u32 $0x70, s19;
	v4 =	vand.u32 $0xFFFF0000, v4;
	[tilespmem:s4+$0x0] =	vst.add.f32.msk $0xffff, v3  }
0x249: {  	s30 =	sld [smem:$0x7EF];
	[tilespmem:s3+$0x0] =	vst.add.f32.msk $0xffff, v4  }
0x24a: {  	v3 =	vshll.u32 v5, $0x10;
	v4 =	vld [tilespmem:s11+$0x40]  }
0x24b: {  	v5 =	vand.u32 $0xFFFF0000, v5;
	[tilespmem:s24+$0x0] =	vst.add.f32.msk $0xffff, v3  }
0x24c: {  	s29 =	sor.u32 $0x40, s6;
	[tilespmem:s30+$0x0] =	vst.add.f32.msk $0xffff, v5;
	v3 =	vshll.u32 v6, $0x10  }
0x24d: {  	s4 =	sor.u32 $0x50, s6;
	v5 =	vand.u32 $0xFFFF0000, v6;
	[tilespmem:s29+$0x0] =	vst.add.f32.msk $0xffff, v3  }
0x24e: {  	[tilespmem:s4+$0x0] =	vst.add.f32.msk $0xffff, v5  }
0x24f: {  	s20 =	sadd.s32 s31, s22;
	v3 =	vshll.u32 v4, $0x10;
	v5 =	vld [tilespmem:s9+$0x70]  }
0x250: {  	s21 =	sor.u32 $0x10, s20;
	v4 =	vand.u32 $0xFFFF0000, v4;
	[tilespmem:s20+$0x0] =	vst.add.f32.msk $0xffff, v3  }
0x251: {  	[tilespmem:s21+$0x0] =	vst.add.f32.msk $0xffff, v4  }
0x252: {  	v3 =	vld [tilespmem:s11+$0x50]  }
0x253: {  	v7 =	vand.u32 $0xFFFF0000, v7;
	s14 =	rddreg [dreg:$0x8];
	v4 =	vld [tilespmem:s18+$0x50]  }
0x254: {  	s9 =	sor.u32 $0x60, s6;
	[tilespmem:s14+$0x0] =	vst.add.f32.msk $0xffff, v7;
	v6 =	vshll.u32 v5, $0x10  }
0x255: {  	s23 =	sor.u32 $0x70, s6;
	s21 =	sadd.s32 $0x18A00, s7;
	v5 =	vand.u32 $0xFFFF0000, v5;
	[tilespmem:s9+$0x0] =	vst.add.f32.msk $0xffff, v6  }
0x256: {  	p0 =	slt.u32 s5, $0x3E;
	s8 =	sor.u32 $0x50, s24;
	s14 =	sadd.s32 s0, s21;
	[tilespmem:s23+$0x0] =	vst.add.f32.msk $0xffff, v5  }
0x257: {  	s28 =	smov.u32 s8;
	s15 =	sor.u32 $0x20, s20;
	s19 =	sor.u32 $0x30, s20;
	v5 =	vshll.u32 v3, $0x10;
	v6 =	vand.u32 $0xFFFF0000, v3;
	v3 =	vld [tilespmem:s14+$0x0]  }
.Ltmp0:
0x258: {  	s16 =	sor.u32 $0x40, s20;
	s8 =	sor.u32 $0x70, s20;
	[tilespmem:s15+$0x0] =	vst.add.f32.msk $0xffff, v5;
	(pc) =	sbr.rel @p0 .LBB2_2-.Ltmp0, $4  }
0x259: {  	s12 =	sor.u32 $0x50, s20;
	s13 =	sor.u32 $0x60, s20;
	s20 =	sld [smem:$0x7F0];
	[tilespmem:s19+$0x0] =	vst.add.f32.msk $0xffff, v6  }
0x25a: {  	s1 =	sor.u32 $0x60, s24;
	s24 =	sadd.s32 $0x1200, s2;
	s29 =	rddreg [dreg:$0x12];
	v7 =	vand.u32 $0xFFFF0000, v4;
	v5 =	vshll.u32 v4, $0x10;
	v4 =	vld [tilespmem:s11+$0x60]  }
0x25b: {  	s22 =	smov.u32 s1;
	s25 =	sadd.s32 s31, s24;
	s30 =	rddreg [dreg:$0x13];
	[tilespmem:s29+$0x0] =	vst.add.f32.msk $0xffff, v5  }
0x25c: {  	s1 =	sadd.s32 s0, s24;
	s6 =	sadd.s32 s31, s21;
	s10 =	smov.u32 s20;
	[tilespmem:s30+$0x0] =	vst.add.f32.msk $0xffff, v7;
	v5 =	vshll.u32 v3, $0x10  }
0x25d: {  	_ =	sdelay $0x1  }
0x25e: {  	v6 =	vshll.u32 v4, $0x10  }
0x25f: {  	v4 =	vand.u32 $0xFFFF0000, v4;
	[tilespmem:s16+$0x0] =	vst.add.f32.msk $0xffff, v6  }
0x260: {  	[tilespmem:s12+$0x0] =	vst.add.f32.msk $0xffff, v4  }
0x261: {  	v4 =	vld [tilespmem:s11+$0x70];
	_ =	sdelay $0x2  }
0x262: {  	v3 =	vand.u32 $0xFFFF0000, v3;
	[tilespmem:s1+$0x0] =	vst.add.f32.msk $0xffff, v5;
	s3 =	sor.u32 $0x10, s1  }
0x263: {  	[tilespmem:s3+$0x0] =	vst.add.f32.msk $0xffff, v3  }
0x264: {  	v3 =	vld [tilespmem:s14+$0x10];
	v5 =	vshll.u32 v4, $0x10  }
0x265: {  	v4 =	vand.u32 $0xFFFF0000, v4;
	[tilespmem:s13+$0x0] =	vst.add.f32.msk $0xffff, v5  }
0x266: {  	[tilespmem:s8+$0x0] =	vst.add.f32.msk $0xffff, v4  }
0x267: {  	v4 =	vld [tilespmem:s6+$0x0];
	_ =	sdelay $0x1  }
0x268: {  	s12 =	sor.u32 $0x20, s1;
	v5 =	vshll.u32 v3, $0x10  }
0x269: {  	v3 =	vand.u32 $0xFFFF0000, v3;
	s13 =	sor.u32 $0x30, s1;
	[tilespmem:s12+$0x0] =	vst.add.f32.msk $0xffff, v5  }
0x26a: {  	[tilespmem:s13+$0x0] =	vst.add.f32.msk $0xffff, v3  }
0x26b: {  	v3 =	vld [tilespmem:s14+$0x20];
	v5 =	vshll.u32 v4, $0x10  }
0x26c: {  	s15 =	sor.u32 $0x10, s25;
	v4 =	vand.u32 $0xFFFF0000, v4;
	[tilespmem:s25+$0x0] =	vst.add.f32.msk $0xffff, v5  }
0x26d: {  	[tilespmem:s15+$0x0] =	vst.add.f32.msk $0xffff, v4  }
0x26e: {  	v4 =	vld [tilespmem:s6+$0x10];
	_ =	sdelay $0x1  }
0x26f: {  	s16 =	sor.u32 $0x40, s1;
	v5 =	vshll.u32 v3, $0x10  }
0x270: {  	s17 =	sor.u32 $0x50, s1;
	v3 =	vand.u32 $0xFFFF0000, v3;
	[tilespmem:s16+$0x0] =	vst.add.f32.msk $0xffff, v5  }
0x271: {  	[tilespmem:s17+$0x0] =	vst.add.f32.msk $0xffff, v3  }
0x272: {  	s19 =	sor.u32 $0x20, s25;
	v3 =	vld [tilespmem:s14+$0x30];
	v5 =	vshll.u32 v4, $0x10  }
0x273: {  	s4 =	sor.u32 $0x30, s25;
	v4 =	vand.u32 $0xFFFF0000, v4;
	[tilespmem:s19+$0x0] =	vst.add.f32.msk $0xffff, v5  }
0x274: {  	[tilespmem:s4+$0x0] =	vst.add.f32.msk $0xffff, v4  }
0x275: {  	v4 =	vld [tilespmem:s6+$0x20];
	_ =	sdelay $0x1  }
0x276: {  	s20 =	sor.u32 $0x60, s1;
	v5 =	vshll.u32 v3, $0x10  }
0x277: {  	s21 =	sor.u32 $0x70, s1;
	v3 =	vand.u32 $0xFFFF0000, v3;
	[tilespmem:s20+$0x0] =	vst.add.f32.msk $0xffff, v5  }
0x278: {  	[tilespmem:s21+$0x0] =	vst.add.f32.msk $0xffff, v3  }
0x279: {  	s23 =	sor.u32 $0x40, s25;
	v3 =	vld [tilespmem:s14+$0x40];
	v5 =	vshll.u32 v4, $0x10  }
0x27a: {  	s24 =	sor.u32 $0x50, s25;
	v4 =	vand.u32 $0xFFFF0000, v4;
	[tilespmem:s23+$0x0] =	vst.add.f32.msk $0xffff, v5  }
0x27b: {  	[tilespmem:s24+$0x0] =	vst.add.f32.msk $0xffff, v4  }
0x27c: {  	v4 =	vld [tilespmem:s6+$0x30]  }
0x27d: {  	s29 =	sadd.s32 $0x1600, s2  }
0x27e: {  	s0 =	sadd.s32 s0, s29;
	v5 =	vshll.u32 v3, $0x10  }
0x27f: {  	s30 =	sor.u32 $0x10, s0;
	v3 =	vand.u32 $0xFFFF0000, v3;
	[tilespmem:s0+$0x0] =	vst.add.f32.msk $0xffff, v5  }
0x280: {  	[tilespmem:s30+$0x0] =	vst.add.f32.msk $0xffff, v3  }
0x281: {  	s3 =	sor.u32 $0x60, s25;
	v3 =	vld [tilespmem:s14+$0x50];
	v5 =	vshll.u32 v4, $0x10  }
0x282: {  	s4 =	sor.u32 $0x70, s25;
	v4 =	vand.u32 $0xFFFF0000, v4;
	[tilespmem:s3+$0x0] =	vst.add.f32.msk $0xffff, v5  }
0x283: {  	[tilespmem:s4+$0x0] =	vst.add.f32.msk $0xffff, v4  }
0x284: {  	v4 =	vld [tilespmem:s6+$0x40];
	_ =	sdelay $0x1  }
0x285: {  	s5 =	sor.u32 $0x20, s0;
	v5 =	vshll.u32 v3, $0x10  }
0x286: {  	s7 =	sor.u32 $0x30, s0;
	v3 =	vand.u32 $0xFFFF0000, v3;
	[tilespmem:s5+$0x0] =	vst.add.f32.msk $0xffff, v5  }
0x287: {  	[tilespmem:s7+$0x0] =	vst.add.f32.msk $0xffff, v3  }
0x288: {  	s1 =	sadd.s32 s31, s29;
	v3 =	vld [tilespmem:s14+$0x60];
	v5 =	vshll.u32 v4, $0x10  }
0x289: {  	s8 =	sor.u32 $0x10, s1;
	v4 =	vand.u32 $0xFFFF0000, v4;
	[tilespmem:s1+$0x0] =	vst.add.f32.msk $0xffff, v5  }
0x28a: {  	[tilespmem:s8+$0x0] =	vst.add.f32.msk $0xffff, v4  }
0x28b: {  	v4 =	vld [tilespmem:s6+$0x50];
	_ =	sdelay $0x3  }
0x28c: {  	s9 =	sor.u32 $0x40, s0;
	v5 =	vld [tilespmem:s18+$0x60];
	v6 =	vshll.u32 v3, $0x10  }
0x28d: {  	s11 =	sor.u32 $0x20, s1;
	[tilespmem:s9+$0x0] =	vst.add.f32.msk $0xffff, v6;
	v6 =	vshll.u32 v4, $0x10  }
0x28e: {  	s12 =	sor.u32 $0x30, s1;
	v4 =	vand.u32 $0xFFFF0000, v4;
	[tilespmem:s11+$0x0] =	vst.add.f32.msk $0xffff, v6  }
0x28f: {  	[tilespmem:s12+$0x0] =	vst.add.f32.msk $0xffff, v4  }
0x290: {  	s13 =	sor.u32 $0x50, s0;
	v3 =	vand.u32 $0xFFFF0000, v3;
	v4 =	vld [tilespmem:s6+$0x60]  }
0x291: {  	[tilespmem:s13+$0x0] =	vst.add.f32.msk $0xffff, v3;
	v3 =	vshll.u32 v5, $0x10  }
0x292: {  	v5 =	vand.u32 $0xFFFF0000, v5;
	[tilespmem:s26+$0x0] =	vst.add.f32.msk $0xffff, v3  }
0x293: {  	[tilespmem:s28+$0x0] =	vst.add.f32.msk $0xffff, v5  }
0x294: {  	v6 =	vld [tilespmem:s14+$0x70]  }
0x295: {  	s15 =	sor.u32 $0x40, s1;
	v3 =	vld [tilespmem:s18+$0x70];
	v5 =	vshll.u32 v4, $0x10  }
0x296: {  	s16 =	sor.u32 $0x50, s1;
	v4 =	vand.u32 $0xFFFF0000, v4;
	[tilespmem:s15+$0x0] =	vst.add.f32.msk $0xffff, v5  }
0x297: {  	[tilespmem:s16+$0x0] =	vst.add.f32.msk $0xffff, v4  }
0x298: {  	v4 =	vld [tilespmem:s6+$0x70]  }
0x299: {  	s17 =	sor.u32 $0x60, s0;
	v5 =	vshll.u32 v6, $0x10  }
0x29a: {  	s0 =	sor.u32 $0x70, s0;
	v6 =	vand.u32 $0xFFFF0000, v6;
	[tilespmem:s17+$0x0] =	vst.add.f32.msk $0xffff, v5  }
0x29b: {  	v5 =	vshll.u32 v3, $0x10;
	[tilespmem:s0+$0x0] =	vst.add.f32.msk $0xffff, v6  }
0x29c: {  	v3 =	vand.u32 $0xFFFF0000, v3;
	[tilespmem:s22+$0x0] =	vst.add.f32.msk $0xffff, v5  }
0x29d: {  	s18 =	sor.u32 $0x60, s1;
	[tilespmem:s10+$0x0] =	vst.add.f32.msk $0xffff, v3;
	v3 =	vshll.u32 v4, $0x10  }
0x29e: {  	s1 =	sor.u32 $0x70, s1;
	v4 =	vand.u32 $0xFFFF0000, v4;
	[tilespmem:s18+$0x0] =	vst.add.f32.msk $0xffff, v3  }
0x29f: {  	[tilespmem:s1+$0x0] =	vst.add.f32.msk $0xffff, v4  }
0x2a0: {  	s1 =	sld [smem:$0x7FB];
	_ =	sdelay $0x1  }
0x2a1: {  	s19 =	simm.s32 $0x200;
	s20 =	simm.s32 $0x3;
	s0 =	simm.s32 $0x0  }
0x2a2: {  	[hbm4b:s1+s0] =	stream.linear.scatter [tilespmem:s19], [sflag:$0x3], $0xC000, $0x38;
	[tilespmem:$0x1E200] =	vst v63  }
0x2a3: {  	_ =	swait.ge [sflag:s20], $0xC000  }
0x2a4: {  	[sflag:s20] =	ssyncset.done $0x0  }
0x2a5: {  	[sflag:s20] =	ssyncadd.s32 $0xFFFF4000  }
0x2a6: {  	v3 =	vld [tilespmem:$0x100];
	_ =	sdelay $0x4  }
0x2a7: {  	v4 =	vshrl.u32 v3, $0x3  }
0x2a8: {  	v4 =	vmul.u32 $0x30, v4  }
0x2a9: {  	v3 =	vand.u32 $0x7, v3  }
0x2aa: {  	v3 =	vor.u32 v3, v4  }
0x2ab: {  	v4 =	vperm.xlane v3, v0;
	_ =	sdelay $0x1  }
0x2ac: {  	v4 =	vadd.s32 v1, v4;
	_ =	sdelay $0x2  }
0x2ad: {  	s21 =	sld [smem:$0x7F6]  }
0x2ae: {  	s1 =	rddreg [dreg:$0x1];
	v3 =	vperm.xlane v3, v2  }
0x2af: {  	[tilespmem:s19], [sflag:$0x1] =	stream.indirect_vreg.gather [hbm4b:s1+s0], $0x80, v4, vm0, $0xb8;
	[tilespmem:$0x1E200] =	vst v63  }
0x2b0: {  	s22 =	simm.s32 $0xA00;
	s3 =	sld [smem:$0x7F7];
	v3 =	vadd.s32 v1, v3  }
0x2b1: {  	[tilespmem:s22], [sflag:$0x1] =	stream.indirect_vreg.gather [hbm4b:s21+s0], $0x80, v4, vm0, $0xb8;
	[tilespmem:$0x1E200] =	vst v63  }
0x2b2: {  	s23 =	simm.s32 $0x1200  }
0x2b3: {  	[tilespmem:s23], [sflag:$0x1] =	stream.indirect_vreg.gather [hbm4b:s3+s0], $0x80, v4, vm0, $0xb8;
	[tilespmem:$0x1E200] =	vst v63  }
0x2b4: {  	s24 =	simm.s32 $0x1A00  }
0x2b5: {  	[tilespmem:s24], [sflag:$0x1] =	stream.indirect_vreg.gather [hbm4b:s1+s0], $0x80, v3, vm0, $0xb8;
	[tilespmem:$0x1E200] =	vst v63  }
0x2b6: {  	s25 =	simm.s32 $0x2200  }
0x2b7: {  	[tilespmem:s25], [sflag:$0x1] =	stream.indirect_vreg.gather [hbm4b:s21+s0], $0x80, v3, vm0, $0xb8;
	[tilespmem:$0x1E200] =	vst v63  }
0x2b8: {  	s26 =	simm.s32 $0x2A00  }
0x2b9: {  	[tilespmem:s26], [sflag:$0x1] =	stream.indirect_vreg.gather [hbm4b:s3+s0], $0x80, v3, vm0, $0xb8;
	[tilespmem:$0x1E200] =	vst v63  }
0x2ba: {  	v3 =	vld [tilespmem:$0x110];
	_ =	sdelay $0x4  }
0x2bb: {  	v4 =	vshrl.u32 v3, $0x3  }
0x2bc: {  	v4 =	vmul.u32 $0x30, v4  }
0x2bd: {  	v3 =	vand.u32 $0x7, v3  }
0x2be: {  	v3 =	vor.u32 v3, v4  }
0x2bf: {  	v4 =	vperm.xlane v3, v0;
	_ =	sdelay $0x1  }
0x2c0: {  	v4 =	vadd.s32 v1, v4;
	_ =	sdelay $0x3  }
0x2c1: {  	s29 =	simm.s32 $0x3200;
	v3 =	vperm.xlane v3, v2  }
0x2c2: {  	[tilespmem:s29], [sflag:$0x1] =	stream.indirect_vreg.gather [hbm4b:s1+s0], $0x80, v4, vm0, $0xb8;
	[tilespmem:$0x1E200] =	vst v63  }
0x2c3: {  	s30 =	simm.s32 $0x3A00;
	v3 =	vadd.s32 v1, v3  }
0x2c4: {  	[tilespmem:s30], [sflag:$0x1] =	stream.indirect_vreg.gather [hbm4b:s21+s0], $0x80, v4, vm0, $0xb8;
	[tilespmem:$0x1E200] =	vst v63  }
0x2c5: {  	s5 =	simm.s32 $0x4200  }
0x2c6: {  	[tilespmem:s5], [sflag:$0x1] =	stream.indirect_vreg.gather [hbm4b:s3+s0], $0x80, v4, vm0, $0xb8;
	[tilespmem:$0x1E200] =	vst v63  }
0x2c7: {  	s6 =	simm.s32 $0x4A00  }
0x2c8: {  	[tilespmem:s6], [sflag:$0x1] =	stream.indirect_vreg.gather [hbm4b:s1+s0], $0x80, v3, vm0, $0xb8;
	[tilespmem:$0x1E200] =	vst v63  }
0x2c9: {  	s7 =	simm.s32 $0x5200  }
0x2ca: {  	[tilespmem:s7], [sflag:$0x1] =	stream.indirect_vreg.gather [hbm4b:s21+s0], $0x80, v3, vm0, $0xb8;
	[tilespmem:$0x1E200] =	vst v63  }
0x2cb: {  	s8 =	simm.s32 $0x5A00  }
0x2cc: {  	[tilespmem:s8], [sflag:$0x1] =	stream.indirect_vreg.gather [hbm4b:s3+s0], $0x80, v3, vm0, $0xb8;
	[tilespmem:$0x1E200] =	vst v63  }
0x2cd: {  	v3 =	vld [tilespmem:$0x120];
	_ =	sdelay $0x4  }
0x2ce: {  	v4 =	vshrl.u32 v3, $0x3  }
0x2cf: {  	v4 =	vmul.u32 $0x30, v4  }
0x2d0: {  	v3 =	vand.u32 $0x7, v3  }
0x2d1: {  	v3 =	vor.u32 v3, v4  }
0x2d2: {  	v4 =	vperm.xlane v3, v0;
	_ =	sdelay $0x1  }
0x2d3: {  	v4 =	vadd.s32 v1, v4;
	_ =	sdelay $0x3  }
0x2d4: {  	s9 =	simm.s32 $0x6200;
	v3 =	vperm.xlane v3, v2  }
0x2d5: {  	[tilespmem:s9], [sflag:$0x1] =	stream.indirect_vreg.gather [hbm4b:s1+s0], $0x80, v4, vm0, $0xb8;
	[tilespmem:$0x1E200] =	vst v63  }
0x2d6: {  	s10 =	simm.s32 $0x6A00;
	v3 =	vadd.s32 v1, v3  }
0x2d7: {  	[tilespmem:s10], [sflag:$0x1] =	stream.indirect_vreg.gather [hbm4b:s21+s0], $0x80, v4, vm0, $0xb8;
	[tilespmem:$0x1E200] =	vst v63  }
0x2d8: {  	s11 =	simm.s32 $0x7200  }
0x2d9: {  	[tilespmem:s11], [sflag:$0x1] =	stream.indirect_vreg.gather [hbm4b:s3+s0], $0x80, v4, vm0, $0xb8;
	[tilespmem:$0x1E200] =	vst v63  }
0x2da: {  	s12 =	simm.s32 $0x7A00  }
0x2db: {  	[tilespmem:s12], [sflag:$0x1] =	stream.indirect_vreg.gather [hbm4b:s1+s0], $0x80, v3, vm0, $0xb8;
	[tilespmem:$0x1E200] =	vst v63  }
0x2dc: {  	s13 =	simm.s32 $0x8200  }
0x2dd: {  	[tilespmem:s13], [sflag:$0x1] =	stream.indirect_vreg.gather [hbm4b:s21+s0], $0x80, v3, vm0, $0xb8;
	[tilespmem:$0x1E200] =	vst v63  }
0x2de: {  	s14 =	simm.s32 $0x8A00  }
0x2df: {  	[tilespmem:s14], [sflag:$0x1] =	stream.indirect_vreg.gather [hbm4b:s3+s0], $0x80, v3, vm0, $0xb8;
	[tilespmem:$0x1E200] =	vst v63  }
0x2e0: {  	v3 =	vld [tilespmem:$0x130];
	_ =	sdelay $0x4  }
0x2e1: {  	v4 =	vshrl.u32 v3, $0x3  }
0x2e2: {  	v4 =	vmul.u32 $0x30, v4  }
0x2e3: {  	v3 =	vand.u32 $0x7, v3  }
0x2e4: {  	v3 =	vor.u32 v3, v4  }
0x2e5: {  	v4 =	vperm.xlane v3, v0;
	_ =	sdelay $0x1  }
0x2e6: {  	v4 =	vadd.s32 v1, v4;
	_ =	sdelay $0x3  }
0x2e7: {  	s15 =	simm.s32 $0x9200;
	v3 =	vperm.xlane v3, v2  }
0x2e8: {  	[tilespmem:s15], [sflag:$0x1] =	stream.indirect_vreg.gather [hbm4b:s1+s0], $0x80, v4, vm0, $0xb8;
	[tilespmem:$0x1E200] =	vst v63  }
0x2e9: {  	s16 =	simm.s32 $0x9A00;
	v3 =	vadd.s32 v1, v3  }
0x2ea: {  	[tilespmem:s16], [sflag:$0x1] =	stream.indirect_vreg.gather [hbm4b:s21+s0], $0x80, v4, vm0, $0xb8;
	[tilespmem:$0x1E200] =	vst v63  }
0x2eb: {  	s17 =	simm.s32 $0xA200  }
0x2ec: {  	[tilespmem:s17], [sflag:$0x1] =	stream.indirect_vreg.gather [hbm4b:s3+s0], $0x80, v4, vm0, $0xb8;
	[tilespmem:$0x1E200] =	vst v63  }
0x2ed: {  	s18 =	simm.s32 $0xAA00  }
0x2ee: {  	[tilespmem:s18], [sflag:$0x1] =	stream.indirect_vreg.gather [hbm4b:s1+s0], $0x80, v3, vm0, $0xb8;
	[tilespmem:$0x1E200] =	vst v63  }
0x2ef: {  	s20 =	simm.s32 $0x0;
	s19 =	simm.s32 $0xB200  }
0x2f0: {  	[tilespmem:s19], [sflag:$0x1] =	stream.indirect_vreg.gather [hbm4b:s21+s0], $0x80, v3, vm0, $0xb8;
	[tilespmem:$0x1E200] =	vst v63  }
0x2f1: {  	s22 =	simm.s32 $0xBA00;
	s23 =	simm.s32 $0x2;
	s21 =	smul.u32 $0x3000, s20  }
0x2f2: {  	[tilespmem:s22], [sflag:$0x1] =	stream.indirect_vreg.gather [hbm4b:s3+s0], $0x80, v3, vm0, $0xb8;
	[tilespmem:$0x1E200] =	vst v63  }
0x2f3: {  	s5 =	sand.u32 $0x300, s0;
	s0 =	sshra.s32 s21, $0x2;
	_ =	swait.ge [sflag:s23], $0xC000  }
0x2f4: {  	s4 =	sor.u32 $0x80, s5;
	s2 =	sadd.s32 $0x18200, s0;
	[sflag:s23] =	ssyncset.done $0x0  }
0x2f5: {  	s24 =	sadd.s32 s4, s2;
	[sflag:s23] =	ssyncadd.s32 $0xFFFF4000  }
0x2f6: {  	v3 =	vld [tilespmem:s24+$0x0]  }
0x2f7: {  	s1 =	smul.u32 $0x6000, s20;
	_ =	sdelay $0x1  }
0x2f8: {  	s7 =	sshra.s32 s1, $0x2  }
0x2f9: {  	s25 =	sadd.s32 $0xC200, s7  }
0x2fa: {  	s26 =	sadd.s32 s4, s25;
	v4 =	vshll.u32 v3, $0x10  }
0x2fb: {  	s29 =	sor.u32 $0x10, s26;
	v3 =	vand.u32 $0xFFFF0000, v3;
	[tilespmem:s26+$0x0] =	vst.add.f32.msk $0xffff, v4  }
0x2fc: {  	[tilespmem:s29+$0x0] =	vst.add.f32.msk $0xffff, v3  }
0x2fd: {  	v3 =	vld [tilespmem:s24+$0x10];
	_ =	sdelay $0x4  }
0x2fe: {  	s30 =	sor.u32 $0x20, s26;
	v4 =	vshll.u32 v3, $0x10  }
0x2ff: {  	s9 =	sor.u32 $0x30, s26;
	v3 =	vand.u32 $0xFFFF0000, v3;
	[tilespmem:s30+$0x0] =	vst.add.f32.msk $0xffff, v4  }
0x300: {  	[tilespmem:s9+$0x0] =	vst.add.f32.msk $0xffff, v3  }
0x301: {  	v3 =	vld [tilespmem:s24+$0x20];
	_ =	sdelay $0x1  }
0x302: {  	s2 =	sadd.s32 s5, s2  }
0x303: {  	v4 =	vld [tilespmem:s2+$0x0];
	_ =	sdelay $0x1  }
0x304: {  	s10 =	sor.u32 $0x40, s26;
	v5 =	vshll.u32 v3, $0x10  }
0x305: {  	s11 =	sor.u32 $0x50, s26;
	v3 =	vand.u32 $0xFFFF0000, v3;
	[tilespmem:s10+$0x0] =	vst.add.f32.msk $0xffff, v5  }
0x306: {  	[tilespmem:s11+$0x0] =	vst.add.f32.msk $0xffff, v3  }
0x307: {  	s3 =	sadd.s32 s5, s25;
	v5 =	vshll.u32 v4, $0x10;
	v3 =	vld [tilespmem:s24+$0x30]  }
0x308: {  	s12 =	sor.u32 $0x10, s3;
	v4 =	vand.u32 $0xFFFF0000, v4;
	[tilespmem:s3+$0x0] =	vst.add.f32.msk $0xffff, v5  }
0x309: {  	[tilespmem:s12+$0x0] =	vst.add.f32.msk $0xffff, v4  }
0x30a: {  	v4 =	vld [tilespmem:s2+$0x10];
	_ =	sdelay $0x1  }
0x30b: {  	s13 =	sor.u32 $0x60, s26;
	v5 =	vshll.u32 v3, $0x10  }
0x30c: {  	s14 =	sor.u32 $0x70, s26;
	v3 =	vand.u32 $0xFFFF0000, v3;
	[tilespmem:s13+$0x0] =	vst.add.f32.msk $0xffff, v5  }
0x30d: {  	[tilespmem:s14+$0x0] =	vst.add.f32.msk $0xffff, v3  }
0x30e: {  	s15 =	sor.u32 $0x20, s3;
	v5 =	vshll.u32 v4, $0x10;
	v3 =	vld [tilespmem:s24+$0x40]  }
0x30f: {  	s9 =	sor.u32 $0x30, s3;
	v4 =	vand.u32 $0xFFFF0000, v4;
	[tilespmem:s15+$0x0] =	vst.add.f32.msk $0xffff, v5  }
0x310: {  	[tilespmem:s9+$0x0] =	vst.add.f32.msk $0xffff, v4  }
0x311: {  	v4 =	vld [tilespmem:s2+$0x20];
	_ =	sdelay $0x1  }
0x312: {  	v5 =	vshll.u32 v3, $0x10  }
0x313: {  	v3 =	vand.u32 $0xFFFF0000, v3;
	[tilespmem:s26+$0x400] =	vst.add.f32.msk $0xffff, v5  }
0x314: {  	[tilespmem:s26+$0x410] =	vst.add.f32.msk $0xffff, v3  }
0x315: {  	s16 =	sor.u32 $0x40, s3;
	v5 =	vshll.u32 v4, $0x10;
	v3 =	vld [tilespmem:s24+$0x50]  }
0x316: {  	s17 =	sor.u32 $0x50, s3;
	v4 =	vand.u32 $0xFFFF0000, v4;
	[tilespmem:s16+$0x0] =	vst.add.f32.msk $0xffff, v5  }
0x317: {  	[tilespmem:s17+$0x0] =	vst.add.f32.msk $0xffff, v4  }
0x318: {  	v4 =	vld [tilespmem:s2+$0x30];
	_ =	sdelay $0x1  }
0x319: {  	v5 =	vshll.u32 v3, $0x10  }
0x31a: {  	v3 =	vand.u32 $0xFFFF0000, v3;
	[tilespmem:s26+$0x420] =	vst.add.f32.msk $0xffff, v5  }
0x31b: {  	[tilespmem:s26+$0x430] =	vst.add.f32.msk $0xffff, v3  }
0x31c: {  	s18 =	sor.u32 $0x60, s3;
	v3 =	vld [tilespmem:s24+$0x60];
	v5 =	vshll.u32 v4, $0x10  }
0x31d: {  	s19 =	sor.u32 $0x70, s3;
	v4 =	vand.u32 $0xFFFF0000, v4;
	[tilespmem:s18+$0x0] =	vst.add.f32.msk $0xffff, v5  }
0x31e: {  	[tilespmem:s19+$0x0] =	vst.add.f32.msk $0xffff, v4  }
0x31f: {  	v4 =	vld [tilespmem:s2+$0x40];
	_ =	sdelay $0x1  }
0x320: {  	v5 =	vshll.u32 v3, $0x10  }
0x321: {  	v3 =	vand.u32 $0xFFFF0000, v3;
	[tilespmem:s26+$0x440] =	vst.add.f32.msk $0xffff, v5  }
0x322: {  	[tilespmem:s26+$0x450] =	vst.add.f32.msk $0xffff, v3  }
0x323: {  	v3 =	vld [tilespmem:s24+$0x70];
	v5 =	vshll.u32 v4, $0x10  }
0x324: {  	v4 =	vand.u32 $0xFFFF0000, v4;
	[tilespmem:s3+$0x400] =	vst.add.f32.msk $0xffff, v5  }
0x325: {  	[tilespmem:s3+$0x410] =	vst.add.f32.msk $0xffff, v4  }
0x326: {  	v4 =	vld [tilespmem:s2+$0x50];
	_ =	sdelay $0x1  }
0x327: {  	v5 =	vshll.u32 v3, $0x10  }
0x328: {  	s20 =	sadd.s32 $0x18600, s0;
	v3 =	vand.u32 $0xFFFF0000, v3;
	[tilespmem:s26+$0x460] =	vst.add.f32.msk $0xffff, v5  }
0x329: {  	s1 =	sadd.s32 s4, s20;
	[tilespmem:s26+$0x470] =	vst.add.f32.msk $0xffff, v3  }
0x32a: {  	v3 =	vld [tilespmem:s1+$0x0];
	v5 =	vshll.u32 v4, $0x10  }
0x32b: {  	v4 =	vand.u32 $0xFFFF0000, v4;
	[tilespmem:s3+$0x420] =	vst.add.f32.msk $0xffff, v5  }
0x32c: {  	[tilespmem:s3+$0x430] =	vst.add.f32.msk $0xffff, v4  }
0x32d: {  	v4 =	vld [tilespmem:s2+$0x60]  }
0x32e: {  	s21 =	sadd.s32 $0xCA00, s7  }
0x32f: {  	s22 =	sadd.s32 s4, s21;
	v5 =	vshll.u32 v3, $0x10  }
0x330: {  	s23 =	sor.u32 $0x10, s22;
	v3 =	vand.u32 $0xFFFF0000, v3;
	[tilespmem:s22+$0x0] =	vst.add.f32.msk $0xffff, v5  }
0x331: {  	[tilespmem:s23+$0x0] =	vst.add.f32.msk $0xffff, v3  }
0x332: {  	v3 =	vld [tilespmem:s1+$0x10];
	v5 =	vshll.u32 v4, $0x10  }
0x333: {  	v4 =	vand.u32 $0xFFFF0000, v4;
	[tilespmem:s3+$0x440] =	vst.add.f32.msk $0xffff, v5  }
0x334: {  	[tilespmem:s3+$0x450] =	vst.add.f32.msk $0xffff, v4  }
0x335: {  	v4 =	vld [tilespmem:s2+$0x70];
	_ =	sdelay $0x1  }
0x336: {  	s24 =	sor.u32 $0x20, s22;
	v5 =	vshll.u32 v3, $0x10  }
0x337: {  	s25 =	sor.u32 $0x30, s22;
	v3 =	vand.u32 $0xFFFF0000, v3;
	[tilespmem:s24+$0x0] =	vst.add.f32.msk $0xffff, v5  }
0x338: {  	[tilespmem:s25+$0x0] =	vst.add.f32.msk $0xffff, v3  }
0x339: {  	v5 =	vshll.u32 v4, $0x10;
	v3 =	vld [tilespmem:s1+$0x20]  }
0x33a: {  	v4 =	vand.u32 $0xFFFF0000, v4;
	[tilespmem:s3+$0x460] =	vst.add.f32.msk $0xffff, v5  }
0x33b: {  	s2 =	sadd.s32 s5, s20;
	[tilespmem:s3+$0x470] =	vst.add.f32.msk $0xffff, v4  }
0x33c: {  	v4 =	vld [tilespmem:s2+$0x0];
	_ =	sdelay $0x1  }
0x33d: {  	s26 =	sor.u32 $0x40, s22;
	v5 =	vshll.u32 v3, $0x10  }
0x33e: {  	s29 =	sor.u32 $0x50, s22;
	v3 =	vand.u32 $0xFFFF0000, v3;
	[tilespmem:s26+$0x0] =	vst.add.f32.msk $0xffff, v5  }
0x33f: {  	[tilespmem:s29+$0x0] =	vst.add.f32.msk $0xffff, v3  }
0x340: {  	s30 =	sadd.s32 s5, s21;
	v5 =	vshll.u32 v4, $0x10;
	v3 =	vld [tilespmem:s1+$0x30]  }
0x341: {  	s10 =	sor.u32 $0x10, s30;
	v4 =	vand.u32 $0xFFFF0000, v4;
	[tilespmem:s30+$0x0] =	vst.add.f32.msk $0xffff, v5  }
0x342: {  	[tilespmem:s10+$0x0] =	vst.add.f32.msk $0xffff, v4  }
0x343: {  	v4 =	vld [tilespmem:s2+$0x10];
	_ =	sdelay $0x1  }
0x344: {  	s11 =	sor.u32 $0x60, s22;
	v5 =	vshll.u32 v3, $0x10  }
0x345: {  	s12 =	sor.u32 $0x70, s22;
	v3 =	vand.u32 $0xFFFF0000, v3;
	[tilespmem:s11+$0x0] =	vst.add.f32.msk $0xffff, v5  }
0x346: {  	[tilespmem:s12+$0x0] =	vst.add.f32.msk $0xffff, v3  }
0x347: {  	s13 =	sor.u32 $0x20, s30;
	v5 =	vshll.u32 v4, $0x10;
	v3 =	vld [tilespmem:s1+$0x40]  }
0x348: {  	s8 =	sor.u32 $0x30, s30;
	v4 =	vand.u32 $0xFFFF0000, v4;
	[tilespmem:s13+$0x0] =	vst.add.f32.msk $0xffff, v5  }
0x349: {  	[tilespmem:s8+$0x0] =	vst.add.f32.msk $0xffff, v4  }
0x34a: {  	v4 =	vld [tilespmem:s2+$0x20]  }
0x34b: {  	s14 =	sadd.s32 $0xCE00, s7  }
0x34c: {  	s15 =	sadd.s32 s4, s14;
	v5 =	vshll.u32 v3, $0x10  }
0x34d: {  	s16 =	sor.u32 $0x10, s15;
	v3 =	vand.u32 $0xFFFF0000, v3;
	[tilespmem:s15+$0x0] =	vst.add.f32.msk $0xffff, v5  }
0x34e: {  	[tilespmem:s16+$0x0] =	vst.add.f32.msk $0xffff, v3  }
0x34f: {  	s17 =	sor.u32 $0x40, s30;
	v5 =	vshll.u32 v4, $0x10;
	v3 =	vld [tilespmem:s1+$0x50]  }
0x350: {  	s18 =	sor.u32 $0x50, s30;
	v4 =	vand.u32 $0xFFFF0000, v4;
	[tilespmem:s17+$0x0] =	vst.add.f32.msk $0xffff, v5  }
0x351: {  	[tilespmem:s18+$0x0] =	vst.add.f32.msk $0xffff, v4  }
0x352: {  	v4 =	vld [tilespmem:s2+$0x30];
	_ =	sdelay $0x1  }
0x353: {  	s19 =	sor.u32 $0x20, s15;
	v5 =	vshll.u32 v3, $0x10  }
0x354: {  	s20 =	sor.u32 $0x30, s15;
	v3 =	vand.u32 $0xFFFF0000, v3;
	[tilespmem:s19+$0x0] =	vst.add.f32.msk $0xffff, v5  }
0x355: {  	[tilespmem:s20+$0x0] =	vst.add.f32.msk $0xffff, v3  }
0x356: {  	s21 =	sor.u32 $0x60, s30;
	v5 =	vshll.u32 v4, $0x10;
	v3 =	vld [tilespmem:s1+$0x60]  }
0x357: {  	s3 =	sor.u32 $0x70, s30;
	v4 =	vand.u32 $0xFFFF0000, v4;
	[tilespmem:s21+$0x0] =	vst.add.f32.msk $0xffff, v5  }
0x358: {  	[tilespmem:s3+$0x0] =	vst.add.f32.msk $0xffff, v4  }
0x359: {  	v4 =	vld [tilespmem:s2+$0x40];
	_ =	sdelay $0x1  }
0x35a: {  	s22 =	sor.u32 $0x40, s15;
	v5 =	vshll.u32 v3, $0x10  }
0x35b: {  	s23 =	sor.u32 $0x50, s15;
	v3 =	vand.u32 $0xFFFF0000, v3;
	[tilespmem:s22+$0x0] =	vst.add.f32.msk $0xffff, v5  }
0x35c: {  	[tilespmem:s23+$0x0] =	vst.add.f32.msk $0xffff, v3  }
0x35d: {  	s3 =	sadd.s32 s5, s14;
	v5 =	vshll.u32 v4, $0x10;
	v3 =	vld [tilespmem:s1+$0x70]  }
0x35e: {  	s24 =	sor.u32 $0x10, s3;
	v4 =	vand.u32 $0xFFFF0000, v4;
	[tilespmem:s3+$0x0] =	vst.add.f32.msk $0xffff, v5  }
0x35f: {  	[tilespmem:s24+$0x0] =	vst.add.f32.msk $0xffff, v4  }
0x360: {  	v4 =	vld [tilespmem:s2+$0x50];
	_ =	sdelay $0x1  }
0x361: {  	s25 =	sor.u32 $0x60, s15;
	v5 =	vshll.u32 v3, $0x10  }
0x362: {  	s26 =	sor.u32 $0x70, s15;
	s11 =	sadd.s32 $0x18A00, s0;
	v3 =	vand.u32 $0xFFFF0000, v3;
	[tilespmem:s25+$0x0] =	vst.add.f32.msk $0xffff, v5  }
0x363: {  	s1 =	sadd.s32 s4, s11;
	[tilespmem:s26+$0x0] =	vst.add.f32.msk $0xffff, v3  }
0x364: {  	s29 =	sor.u32 $0x20, s3;
	v5 =	vshll.u32 v4, $0x10;
	v3 =	vld [tilespmem:s1+$0x0]  }
0x365: {  	s6 =	sor.u32 $0x30, s3;
	v4 =	vand.u32 $0xFFFF0000, v4;
	[tilespmem:s29+$0x0] =	vst.add.f32.msk $0xffff, v5  }
0x366: {  	[tilespmem:s6+$0x0] =	vst.add.f32.msk $0xffff, v4  }
0x367: {  	v4 =	vld [tilespmem:s2+$0x60]  }
0x368: {  	s30 =	simm.s32 $0x0;
	s10 =	sadd.s32 $0xD200, s7  }
0x369: {  	s12 =	smul.u32 $0x3000, s30;
	s14 =	sadd.s32 s4, s10;
	v5 =	vshll.u32 v3, $0x10  }
0x36a: {  	s17 =	simm.s32 $0x100;
	s9 =	sor.u32 $0x10, s14;
	v3 =	vand.u32 $0xFFFF0000, v3;
	[tilespmem:s14+$0x0] =	vst.add.f32.msk $0xffff, v5  }
0x36b: {  	s31 =	sand.u32 $0x300, s17;
	s6 =	sshra.s32 s12, $0x2;
	[tilespmem:s9+$0x0] =	vst.add.f32.msk $0xffff, v3  }
0x36c: {  	s0 =	sor.u32 $0x80, s31;
	s13 =	sor.u32 $0x40, s3;
	s15 =	sadd.s32 $0x18200, s6;
	v5 =	vshll.u32 v4, $0x10;
	v3 =	vld [tilespmem:s1+$0x10]  }
0x36d: {  	s12 =	sadd.s32 s0, s15;
	[tilespmem:s13+$0x0] =	vst.add.f32.msk $0xffff, v5  }
0x36e: {  	v5 =	vld [tilespmem:s12+$0x0]  }
0x36f: {  	s8 =	smul.u32 $0x6000, s30;
	s16 =	sor.u32 $0x50, s3;
	v4 =	vand.u32 $0xFFFF0000, v4  }
0x370: {  	[tilespmem:s16+$0x0] =	vst.add.f32.msk $0xffff, v4  }
0x371: {  	s18 =	sor.u32 $0x20, s14;
	v4 =	vld [tilespmem:s2+$0x70];
	s2 =	sshra.s32 s8, $0x2;
	v6 =	vshll.u32 v3, $0x10  }
0x372: {  	s19 =	sor.u32 $0x30, s14;
	s20 =	sadd.s32 $0xC200, s2;
	v3 =	vand.u32 $0xFFFF0000, v3;
	[tilespmem:s18+$0x0] =	vst.add.f32.msk $0xffff, v6  }
0x373: {  	s13 =	sadd.s32 s0, s20;
	v6 =	vshll.u32 v5, $0x10;
	[tilespmem:s19+$0x0] =	vst.add.f32.msk $0xffff, v3  }
0x374: {  	[tilespmem:s13+$0x0] =	vst.add.f32.msk $0xffff, v6  }
0x375: {  	s21 =	sor.u32 $0x10, s13;
	v5 =	vand.u32 $0xFFFF0000, v5;
	v3 =	vld [tilespmem:s1+$0x20]  }
0x376: {  	[tilespmem:s21+$0x0] =	vst.add.f32.msk $0xffff, v5  }
0x377: {  	v5 =	vld [tilespmem:s12+$0x10]  }
0x378: {  	s8 =	sadd.s32 s31, s15  }
0x379: {  	s22 =	sor.u32 $0x60, s3;
	v7 =	vld [tilespmem:s8+$0x0];
	v6 =	vshll.u32 v4, $0x10  }
0x37a: {  	s23 =	sor.u32 $0x40, s14;
	[tilespmem:s22+$0x0] =	vst.add.f32.msk $0xffff, v6;
	v6 =	vshll.u32 v3, $0x10  }
0x37b: {  	s24 =	sor.u32 $0x50, s14;
	v3 =	vand.u32 $0xFFFF0000, v3;
	[tilespmem:s23+$0x0] =	vst.add.f32.msk $0xffff, v6  }
0x37c: {  	s25 =	sor.u32 $0x20, s13;
	v6 =	vshll.u32 v5, $0x10;
	[tilespmem:s24+$0x0] =	vst.add.f32.msk $0xffff, v3  }
0x37d: {  	[tilespmem:s25+$0x0] =	vst.add.f32.msk $0xffff, v6  }
0x37e: {  	s26 =	sor.u32 $0x30, s13;
	v5 =	vand.u32 $0xFFFF0000, v5;
	v3 =	vld [tilespmem:s1+$0x30]  }
0x37f: {  	[tilespmem:s26+$0x0] =	vst.add.f32.msk $0xffff, v5  }
0x380: {  	v6 =	vld [tilespmem:s12+$0x20];
	_ =	sdelay $0x1  }
0x381: {  	s9 =	sadd.s32 s31, s20;
	v5 =	vshll.u32 v7, $0x10  }
0x382: {  	s30 =	sor.u32 $0x60, s14;
	[tilespmem:s9+$0x0] =	vst.add.f32.msk $0xffff, v5;
	v5 =	vshll.u32 v3, $0x10  }
0x383: {  	s14 =	sor.u32 $0x70, s14;
	v3 =	vand.u32 $0xFFFF0000, v3;
	[tilespmem:s30+$0x0] =	vst.add.f32.msk $0xffff, v5  }
0x384: {  	s16 =	sor.u32 $0x40, s13;
	v5 =	vshll.u32 v6, $0x10;
	[tilespmem:s14+$0x0] =	vst.add.f32.msk $0xffff, v3  }
0x385: {  	[tilespmem:s16+$0x0] =	vst.add.f32.msk $0xffff, v5  }
0x386: {  	s18 =	sor.u32 $0x50, s13;
	v6 =	vand.u32 $0xFFFF0000, v6;
	v3 =	vld [tilespmem:s1+$0x40]  }
0x387: {  	[tilespmem:s18+$0x0] =	vst.add.f32.msk $0xffff, v6  }
0x388: {  	s19 =	sor.u32 $0x70, s3;
	v4 =	vand.u32 $0xFFFF0000, v4;
	v5 =	vld [tilespmem:s12+$0x30]  }
0x389: {  	s29 =	sor.u32 $0x10, s9;
	[tilespmem:s19+$0x0] =	vst.add.f32.msk $0xffff, v4;
	v7 =	vand.u32 $0xFFFF0000, v7  }
0x38a: {  	s3 =	sadd.s32 $0xD600, s7;
	[tilespmem:s29+$0x0] =	vst.add.f32.msk $0xffff, v7  }
0x38b: {  	s4 =	sadd.s32 s4, s3;
	v6 =	vld [tilespmem:s8+$0x10];
	v4 =	vshll.u32 v3, $0x10  }
0x38c: {  	s20 =	sor.u32 $0x10, s4;
	v3 =	vand.u32 $0xFFFF0000, v3;
	[tilespmem:s4+$0x0] =	vst.add.f32.msk $0xffff, v4  }
0x38d: {  	s21 =	sor.u32 $0x60, s13;
	v4 =	vshll.u32 v5, $0x10;
	[tilespmem:s20+$0x0] =	vst.add.f32.msk $0xffff, v3  }
0x38e: {  	[tilespmem:s21+$0x0] =	vst.add.f32.msk $0xffff, v4  }
0x38f: {  	s22 =	sor.u32 $0x70, s13;
	v5 =	vand.u32 $0xFFFF0000, v5;
	v3 =	vld [tilespmem:s1+$0x50]  }
0x390: {  	[tilespmem:s22+$0x0] =	vst.add.f32.msk $0xffff, v5  }
0x391: {  	s23 =	sor.u32 $0x20, s9;
	v4 =	vshll.u32 v6, $0x10;
	v5 =	vld [tilespmem:s12+$0x40]  }
0x392: {  	s24 =	sor.u32 $0x30, s9;
	v6 =	vand.u32 $0xFFFF0000, v6;
	[tilespmem:s23+$0x0] =	vst.add.f32.msk $0xffff, v4  }
0x393: {  	[tilespmem:s24+$0x0] =	vst.add.f32.msk $0xffff, v6  }
0x394: {  	s25 =	sor.u32 $0x20, s4;
	v6 =	vld [tilespmem:s8+$0x20];
	v4 =	vshll.u32 v3, $0x10  }
0x395: {  	s26 =	sor.u32 $0x30, s4;
	v3 =	vand.u32 $0xFFFF0000, v3;
	[tilespmem:s25+$0x0] =	vst.add.f32.msk $0xffff, v4  }
0x396: {  	v4 =	vand.u32 $0xFFFF0000, v5;
	[tilespmem:s26+$0x0] =	vst.add.f32.msk $0xffff, v3  }
0x397: {  	v3 =	vshll.u32 v5, $0x10;
	[tilespmem:s13+$0x410] =	vst.add.f32.msk $0xffff, v4  }
0x398: {  	[tilespmem:s13+$0x400] =	vst.add.f32.msk $0xffff, v3  }
0x399: {  	s29 =	sor.u32 $0x40, s9;
	v4 =	vshll.u32 v6, $0x10;
	v3 =	vld [tilespmem:s12+$0x50]  }
0x39a: {  	s30 =	sor.u32 $0x50, s9;
	v5 =	vand.u32 $0xFFFF0000, v6;
	[tilespmem:s29+$0x0] =	vst.add.f32.msk $0xffff, v4  }
0x39b: {  	[tilespmem:s30+$0x0] =	vst.add.f32.msk $0xffff, v5  }
0x39c: {  	s18 =	sadd.s32 s5, s11;
	v4 =	vld [tilespmem:s8+$0x30]  }
0x39d: {  	v6 =	vld [tilespmem:s18+$0x0]  }
0x39e: {  	v5 =	vld [tilespmem:s1+$0x60];
	v7 =	vshll.u32 v3, $0x10  }
0x39f: {  	v3 =	vand.u32 $0xFFFF0000, v3;
	[tilespmem:s13+$0x420] =	vst.add.f32.msk $0xffff, v7  }
0x3a0: {  	[tilespmem:s13+$0x430] =	vst.add.f32.msk $0xffff, v3  }
0x3a1: {  	s11 =	sor.u32 $0x60, s9;
	v3 =	vshll.u32 v4, $0x10;
	v7 =	vld [tilespmem:s12+$0x60]  }
0x3a2: {  	s14 =	sor.u32 $0x70, s9;
	v4 =	vand.u32 $0xFFFF0000, v4;
	[tilespmem:s11+$0x0] =	vst.add.f32.msk $0xffff, v3  }
0x3a3: {  	[tilespmem:s14+$0x0] =	vst.add.f32.msk $0xffff, v4  }
0x3a4: {  	s15 =	sor.u32 $0x40, s4;
	v3 =	vshll.u32 v5, $0x10;
	v4 =	vld [tilespmem:s8+$0x40]  }
0x3a5: {  	s10 =	sadd.s32 s5, s10;
	[tilespmem:s15+$0x0] =	vst.add.f32.msk $0xffff, v3;
	v3 =	vshll.u32 v6, $0x10  }
0x3a6: {  	[tilespmem:s10+$0x0] =	vst.add.f32.msk $0xffff, v3;
	v3 =	vshll.u32 v7, $0x10  }
0x3a7: {  	v7 =	vand.u32 $0xFFFF0000, v7;
	[tilespmem:s13+$0x440] =	vst.add.f32.msk $0xffff, v3  }
0x3a8: {  	[tilespmem:s13+$0x450] =	vst.add.f32.msk $0xffff, v7  }
0x3a9: {  	v3 =	vshll.u32 v4, $0x10;
	v7 =	vld [tilespmem:s12+$0x70]  }
0x3aa: {  	v4 =	vand.u32 $0xFFFF0000, v4;
	[tilespmem:s9+$0x400] =	vst.add.f32.msk $0xffff, v3  }
0x3ab: {  	[tilespmem:s9+$0x410] =	vst.add.f32.msk $0xffff, v4  }
0x3ac: {  	s16 =	sor.u32 $0x10, s10;
	v3 =	vand.u32 $0xFFFF0000, v6;
	v4 =	vld [tilespmem:s8+$0x50]  }
0x3ad: {  	[tilespmem:s16+$0x0] =	vst.add.f32.msk $0xffff, v3  }
0x3ae: {  	v3 =	vld [tilespmem:s18+$0x10];
	v6 =	vshll.u32 v7, $0x10  }
0x3af: {  	s19 =	sadd.s32 $0x18600, s6;
	v7 =	vand.u32 $0xFFFF0000, v7;
	[tilespmem:s13+$0x460] =	vst.add.f32.msk $0xffff, v6  }
0x3b0: {  	s7 =	sadd.s32 s0, s19;
	[tilespmem:s13+$0x470] =	vst.add.f32.msk $0xffff, v7  }
0x3b1: {  	v6 =	vshll.u32 v4, $0x10;
	v7 =	vld [tilespmem:s7+$0x0]  }
0x3b2: {  	v4 =	vand.u32 $0xFFFF0000, v4;
	[tilespmem:s9+$0x420] =	vst.add.f32.msk $0xffff, v6  }
0x3b3: {  	[tilespmem:s9+$0x430] =	vst.add.f32.msk $0xffff, v4  }
0x3b4: {  	s20 =	sor.u32 $0x50, s4;
	v4 =	vand.u32 $0xFFFF0000, v5;
	v5 =	vld [tilespmem:s8+$0x60]  }
0x3b5: {  	s21 =	sor.u32 $0x20, s10;
	s22 =	sadd.s32 $0xCA00, s2;
	[tilespmem:s20+$0x0] =	vst.add.f32.msk $0xffff, v4;
	v4 =	vshll.u32 v3, $0x10  }
0x3b6: {  	s23 =	sadd.s32 s0, s22;
	[tilespmem:s21+$0x0] =	vst.add.f32.msk $0xffff, v4;
	v4 =	vshll.u32 v7, $0x10  }
0x3b7: {  	s24 =	sor.u32 $0x10, s23;
	v6 =	vand.u32 $0xFFFF0000, v7;
	[tilespmem:s23+$0x0] =	vst.add.f32.msk $0xffff, v4  }
0x3b8: {  	[tilespmem:s24+$0x0] =	vst.add.f32.msk $0xffff, v6  }
0x3b9: {  	v4 =	vshll.u32 v5, $0x10;
	v6 =	vld [tilespmem:s7+$0x10]  }
0x3ba: {  	v5 =	vand.u32 $0xFFFF0000, v5;
	[tilespmem:s9+$0x440] =	vst.add.f32.msk $0xffff, v4  }
0x3bb: {  	[tilespmem:s9+$0x450] =	vst.add.f32.msk $0xffff, v5  }
0x3bc: {  	s25 =	sor.u32 $0x30, s10;
	v3 =	vand.u32 $0xFFFF0000, v3;
	v4 =	vld [tilespmem:s8+$0x70]  }
0x3bd: {  	[tilespmem:s25+$0x0] =	vst.add.f32.msk $0xffff, v3  }
0x3be: {  	s26 =	sor.u32 $0x20, s23;
	v3 =	vld [tilespmem:s18+$0x20];
	v5 =	vshll.u32 v6, $0x10  }
0x3bf: {  	s29 =	sor.u32 $0x30, s23;
	v6 =	vand.u32 $0xFFFF0000, v6;
	[tilespmem:s26+$0x0] =	vst.add.f32.msk $0xffff, v5  }
0x3c0: {  	[tilespmem:s29+$0x0] =	vst.add.f32.msk $0xffff, v6  }
0x3c1: {  	v5 =	vshll.u32 v4, $0x10;
	v6 =	vld [tilespmem:s7+$0x20]  }
0x3c2: {  	v4 =	vand.u32 $0xFFFF0000, v4;
	[tilespmem:s9+$0x460] =	vst.add.f32.msk $0xffff, v5  }
0x3c3: {  	s11 =	sadd.s32 s31, s19;
	[tilespmem:s9+$0x470] =	vst.add.f32.msk $0xffff, v4  }
0x3c4: {  	s30 =	sor.u32 $0x40, s10;
	v7 =	vshll.u32 v3, $0x10;
	v4 =	vld [tilespmem:s11+$0x0]  }
0x3c5: {  	[tilespmem:s30+$0x0] =	vst.add.f32.msk $0xffff, v7  }
0x3c6: {  	s8 =	sor.u32 $0x40, s23;
	v5 =	vld [tilespmem:s1+$0x70];
	v7 =	vshll.u32 v6, $0x10  }
0x3c7: {  	s9 =	sor.u32 $0x50, s23;
	v6 =	vand.u32 $0xFFFF0000, v6;
	[tilespmem:s8+$0x0] =	vst.add.f32.msk $0xffff, v7  }
0x3c8: {  	[tilespmem:s9+$0x0] =	vst.add.f32.msk $0xffff, v6  }
0x3c9: {  	s1 =	sadd.s32 s31, s22;
	v6 =	vshll.u32 v4, $0x10;
	v7 =	vld [tilespmem:s7+$0x30]  }
0x3ca: {  	s12 =	sor.u32 $0x10, s1;
	v4 =	vand.u32 $0xFFFF0000, v4;
	[tilespmem:s1+$0x0] =	vst.add.f32.msk $0xffff, v6  }
0x3cb: {  	[tilespmem:s12+$0x0] =	vst.add.f32.msk $0xffff, v4  }
0x3cc: {  	s14 =	sor.u32 $0x50, s10;
	v3 =	vand.u32 $0xFFFF0000, v3;
	v4 =	vld [tilespmem:s11+$0x10]  }
0x3cd: {  	[tilespmem:s14+$0x0] =	vst.add.f32.msk $0xffff, v3  }
0x3ce: {  	s15 =	sor.u32 $0x60, s23;
	v3 =	vld [tilespmem:s18+$0x30];
	v6 =	vshll.u32 v7, $0x10  }
0x3cf: {  	s16 =	sor.u32 $0x70, s23;
	v7 =	vand.u32 $0xFFFF0000, v7;
	[tilespmem:s15+$0x0] =	vst.add.f32.msk $0xffff, v6  }
0x3d0: {  	[tilespmem:s16+$0x0] =	vst.add.f32.msk $0xffff, v7  }
0x3d1: {  	s19 =	sor.u32 $0x20, s1;
	v6 =	vshll.u32 v4, $0x10;
	v7 =	vld [tilespmem:s7+$0x40]  }
0x3d2: {  	s20 =	sor.u32 $0x30, s1;
	v4 =	vand.u32 $0xFFFF0000, v4;
	[tilespmem:s19+$0x0] =	vst.add.f32.msk $0xffff, v6  }
0x3d3: {  	[tilespmem:s20+$0x0] =	vst.add.f32.msk $0xffff, v4  }
0x3d4: {  	s21 =	sor.u32 $0x60, s4;
	v4 =	vshll.u32 v5, $0x10;
	v6 =	vld [tilespmem:s11+$0x20]  }
0x3d5: {  	s22 =	sor.u32 $0x60, s10;
	s23 =	sadd.s32 $0xCE00, s2;
	[tilespmem:s21+$0x0] =	vst.add.f32.msk $0xffff, v4;
	v4 =	vshll.u32 v3, $0x10  }
0x3d6: {  	s24 =	sadd.s32 s0, s23;
	[tilespmem:s22+$0x0] =	vst.add.f32.msk $0xffff, v4;
	v4 =	vshll.u32 v7, $0x10  }
0x3d7: {  	s25 =	sor.u32 $0x10, s24;
	v7 =	vand.u32 $0xFFFF0000, v7;
	[tilespmem:s24+$0x0] =	vst.add.f32.msk $0xffff, v4  }
0x3d8: {  	[tilespmem:s25+$0x0] =	vst.add.f32.msk $0xffff, v7  }
0x3d9: {  	s26 =	sor.u32 $0x40, s1;
	v4 =	vshll.u32 v6, $0x10;
	v7 =	vld [tilespmem:s7+$0x50]  }
0x3da: {  	s29 =	sor.u32 $0x50, s1;
	v6 =	vand.u32 $0xFFFF0000, v6;
	[tilespmem:s26+$0x0] =	vst.add.f32.msk $0xffff, v4  }
0x3db: {  	[tilespmem:s29+$0x0] =	vst.add.f32.msk $0xffff, v6  }
0x3dc: {  	s10 =	sor.u32 $0x70, s10;
	v3 =	vand.u32 $0xFFFF0000, v3;
	v4 =	vld [tilespmem:s11+$0x30]  }
0x3dd: {  	[tilespmem:s10+$0x0] =	vst.add.f32.msk $0xffff, v3  }
0x3de: {  	s30 =	sor.u32 $0x20, s24;
	v3 =	vld [tilespmem:s18+$0x40];
	v6 =	vshll.u32 v7, $0x10  }
0x3df: {  	s12 =	sor.u32 $0x30, s24;
	v7 =	vand.u32 $0xFFFF0000, v7;
	[tilespmem:s30+$0x0] =	vst.add.f32.msk $0xffff, v6  }
0x3e0: {  	[tilespmem:s12+$0x0] =	vst.add.f32.msk $0xffff, v7  }
0x3e1: {  	s13 =	sor.u32 $0x60, s1;
	v6 =	vshll.u32 v4, $0x10;
	v7 =	vld [tilespmem:s7+$0x60]  }
0x3e2: {  	s1 =	sor.u32 $0x70, s1;
	v4 =	vand.u32 $0xFFFF0000, v4;
	[tilespmem:s13+$0x0] =	vst.add.f32.msk $0xffff, v6  }
0x3e3: {  	[tilespmem:s1+$0x0] =	vst.add.f32.msk $0xffff, v4  }
0x3e4: {  	s14 =	sor.u32 $0x70, s4;
	v4 =	vand.u32 $0xFFFF0000, v5;
	v5 =	vld [tilespmem:s11+$0x40]  }
0x3e5: {  	s3 =	sadd.s32 s5, s3;
	[tilespmem:s14+$0x0] =	vst.add.f32.msk $0xffff, v4;
	v4 =	vshll.u32 v3, $0x10  }
0x3e6: {  	s15 =	sor.u32 $0x40, s24;
	[tilespmem:s3+$0x0] =	vst.add.f32.msk $0xffff, v4;
	v4 =	vshll.u32 v7, $0x10  }
0x3e7: {  	s16 =	sor.u32 $0x50, s24;
	v6 =	vand.u32 $0xFFFF0000, v7;
	[tilespmem:s15+$0x0] =	vst.add.f32.msk $0xffff, v4  }
0x3e8: {  	[tilespmem:s16+$0x0] =	vst.add.f32.msk $0xffff, v6  }
0x3e9: {  	s19 =	sadd.s32 s31, s23;
	v4 =	vshll.u32 v5, $0x10;
	v6 =	vld [tilespmem:s7+$0x70]  }
0x3ea: {  	s20 =	sor.u32 $0x10, s19;
	v5 =	vand.u32 $0xFFFF0000, v5;
	[tilespmem:s19+$0x0] =	vst.add.f32.msk $0xffff, v4  }
0x3eb: {  	[tilespmem:s20+$0x0] =	vst.add.f32.msk $0xffff, v5  }
0x3ec: {  	s21 =	sor.u32 $0x10, s3;
	v3 =	vand.u32 $0xFFFF0000, v3;
	v4 =	vld [tilespmem:s11+$0x50]  }
0x3ed: {  	[tilespmem:s21+$0x0] =	vst.add.f32.msk $0xffff, v3  }
0x3ee: {  	s22 =	sor.u32 $0x60, s24;
	v5 =	vld [tilespmem:s18+$0x50];
	v3 =	vshll.u32 v6, $0x10  }
0x3ef: {  	s6 =	sadd.s32 $0x18A00, s6;
	s23 =	sor.u32 $0x70, s24;
	v6 =	vand.u32 $0xFFFF0000, v6;
	[tilespmem:s22+$0x0] =	vst.add.f32.msk $0xffff, v3  }
0x3f0: {  	s14 =	sadd.s32 s0, s6;
	[tilespmem:s23+$0x0] =	vst.add.f32.msk $0xffff, v6  }
0x3f1: {  	s28 =	sor.u32 $0x50, s3;
	s24 =	sor.u32 $0x20, s19;
	v6 =	vshll.u32 v4, $0x10;
	v3 =	vld [tilespmem:s14+$0x0]  }
0x3f2: {  	s5 =	simm.s32 $0x2;
	s8 =	sor.u32 $0x30, s19;
	s10 =	sor.u32 $0x70, s3;
	v4 =	vand.u32 $0xFFFF0000, v4;
	[tilespmem:s24+$0x0] =	vst.add.f32.msk $0xffff, v6  }
0x3f3: {  	s25 =	sor.u32 $0x20, s3;
	s26 =	sor.u32 $0x40, s3;
	s30 =	sadd.s32 $0xD200, s2;
	[tilespmem:s8+$0x0] =	vst.add.f32.msk $0xffff, v4  }
0x3f4: {  	s29 =	sor.u32 $0x30, s3;
	s12 =	sor.u32 $0x40, s19;
	s4 =	sadd.s32 s0, s30;
	v6 =	vshll.u32 v5, $0x10;
	v4 =	vld [tilespmem:s11+$0x60]  }
0x3f5: {  	s13 =	sor.u32 $0x60, s19;
	s1 =	sor.u32 $0x50, s19;
	s6 =	sadd.s32 s31, s6;
	v5 =	vand.u32 $0xFFFF0000, v5;
	[tilespmem:s25+$0x0] =	vst.add.f32.msk $0xffff, v6  }
0x3f6: {  	s15 =	sor.u32 $0x60, s3;
	s8 =	sor.u32 $0x70, s19;
	s25 =	sadd.s32 s31, s30;
	[tilespmem:s29+$0x0] =	vst.add.f32.msk $0xffff, v5;
	v5 =	vshll.u32 v3, $0x10  }
.LBB2_4:
0x3f7: {  	s5 =	sadd.s32 $0x2, s5;
	v3 =	vand.u32 $0xFFFF0000, v3;
	[tilespmem:s4+$0x0] =	vst.add.f32.msk $0xffff, v5;
	s7 =	sor.u32 $0x10, s4  }
0x3f8: {  	[dreg:$0x5] =	wrdreg s10;
	s10 =	sshrl.u32 s5, $0x3;
	[tilespmem:s7+$0x0] =	vst.add.f32.msk $0xffff, v3  }
0x3f9: {  	s19 =	smul.u32 $0x3000, s10;
	v5 =	vld [tilespmem:s14+$0x10];
	v3 =	vshll.u32 v4, $0x10  }
0x3fa: {  	s16 =	sor.u32 $0x30, s25;
	s20 =	sor.u32 $0x40, s25;
	s17 =	sadd.s32 $0x100, s17;
	v4 =	vand.u32 $0xFFFF0000, v4;
	[tilespmem:s12+$0x0] =	vst.add.f32.msk $0xffff, v3  }
0x3fb: {  	[smem:$0x7EA] =	sst s16;
	s16 =	sand.u32 $0x300, s17;
	s7 =	sshra.s32 s19, $0x2;
	[tilespmem:s1+$0x0] =	vst.add.f32.msk $0xffff, v4  }
0x3fc: {  	[smem:$0x7EB] =	sst s20;
	s20 =	sor.u32 $0x80, s16;
	s24 =	sadd.s32 $0x18200, s7;
	v3 =	vld [tilespmem:s11+$0x70]  }
0x3fd: {  	s11 =	sadd.s32 s20, s24;
	v6 =	vld [tilespmem:s18+$0x60]  }
0x3fe: {  	s30 =	sor.u32 $0x20, s4;
	v7 =	vld [tilespmem:s11+$0x0];
	v4 =	vshll.u32 v5, $0x10  }
0x3ff: {  	s10 =	smul.u32 $0x6000, s10;
	s12 =	sor.u32 $0x30, s4;
	v5 =	vand.u32 $0xFFFF0000, v5;
	[tilespmem:s30+$0x0] =	vst.add.f32.msk $0xffff, v4  }
0x400: {  	s21 =	sor.u32 $0x50, s25;
	[tilespmem:s12+$0x0] =	vst.add.f32.msk $0xffff, v5  }
0x401: {  	[dreg:$0x1e] =	wrdreg s21;
	s21 =	sshra.s32 s10, $0x2;
	s29 =	sadd.s32 s16, s24;
	v9 =	vld [tilespmem:s14+$0x20]  }
0x402: {  	s10 =	sadd.s32 $0xC200, s21;
	v10 =	vld [tilespmem:s29+$0x0];
	v5 =	vshll.u32 v3, $0x10;
	v8 =	vand.u32 $0xFFFF0000, v3  }
0x403: {  	s19 =	sadd.s32 s20, s10;
	v4 =	vshll.u32 v6, $0x10;
	v3 =	vand.u32 $0xFFFF0000, v6;
	v6 =	vshll.u32 v7, $0x10;
	[tilespmem:s13+$0x0] =	vst.add.f32.msk $0xffff, v5  }
0x404: {  	v5 =	vand.u32 $0xFFFF0000, v7;
	s13 =	sor.u32 $0x10, s19;
	[tilespmem:s19+$0x0] =	vst.add.f32.msk $0xffff, v6  }
0x405: {  	[tilespmem:s13+$0x0] =	vst.add.f32.msk $0xffff, v5  }
0x406: {  	s30 =	sor.u32 $0x40, s4;
	v5 =	vld [tilespmem:s11+$0x10];
	v6 =	vshll.u32 v9, $0x10  }
0x407: {  	v9 =	vand.u32 $0xFFFF0000, v9;
	[tilespmem:s30+$0x0] =	vst.add.f32.msk $0xffff, v6;
	s30 =	sor.u32 $0x50, s4  }
0x408: {  	[tilespmem:s30+$0x0] =	vst.add.f32.msk $0xffff, v9  }
0x409: {  	s1 =	sadd.s32 s16, s10;
	v7 =	vshll.u32 v10, $0x10;
	v6 =	vld [tilespmem:s14+$0x30]  }
0x40a: {  	s24 =	sor.u32 $0x10, s1;
	v10 =	vand.u32 $0xFFFF0000, v10;
	[tilespmem:s1+$0x0] =	vst.add.f32.msk $0xffff, v7  }
0x40b: {  	[tilespmem:s24+$0x0] =	vst.add.f32.msk $0xffff, v10;
	s30 =	sor.u32 $0x20, s19;
	v7 =	vshll.u32 v5, $0x10  }
0x40c: {  	v5 =	vand.u32 $0xFFFF0000, v5;
	[tilespmem:s30+$0x0] =	vst.add.f32.msk $0xffff, v7;
	s30 =	sor.u32 $0x30, s19  }
0x40d: {  	[tilespmem:s30+$0x0] =	vst.add.f32.msk $0xffff, v5  }
0x40e: {  	s30 =	sor.u32 $0x60, s4;
	v5 =	vld [tilespmem:s11+$0x20];
	v7 =	vshll.u32 v6, $0x10  }
0x40f: {  	s24 =	sor.u32 $0x70, s4;
	v6 =	vand.u32 $0xFFFF0000, v6;
	[tilespmem:s30+$0x0] =	vst.add.f32.msk $0xffff, v7  }
0x410: {  	[tilespmem:s24+$0x0] =	vst.add.f32.msk $0xffff, v6  }
0x411: {  	v6 =	vld [tilespmem:s14+$0x40]  }
0x412: {  	v7 =	vld [tilespmem:s29+$0x10]  }
0x413: {  	s30 =	sor.u32 $0x40, s19;
	[tilespmem:s8+$0x0] =	vst.add.f32.msk $0xffff, v8;
	v53 =	vshll.u32 v5, $0x10  }
0x414: {  	s24 =	sor.u32 $0x50, s19;
	v5 =	vand.u32 $0xFFFF0000, v5;
	[tilespmem:s30+$0x0] =	vst.add.f32.msk $0xffff, v53  }
0x415: {  	s30 =	sadd.s32 $0xD600, s2;
	[tilespmem:s24+$0x0] =	vst.add.f32.msk $0xffff, v5  }
0x416: {  	s24 =	sadd.s32 s31, s30;
	s30 =	sadd.s32 s0, s30;
	v5 =	vld [tilespmem:s11+$0x30];
	v54 =	vshll.u32 v6, $0x10  }
0x417: {  	s31 =	smov.u32 s16;
	v6 =	vand.u32 $0xFFFF0000, v6;
	s16 =	sor.u32 $0x10, s30;
	[tilespmem:s30+$0x0] =	vst.add.f32.msk $0xffff, v54  }
0x418: {  	s22 =	sor.u32 $0x60, s25;
	s23 =	sor.u32 $0x70, s25;
	[tilespmem:s16+$0x0] =	vst.add.f32.msk $0xffff, v6  }
0x419: {  	[dreg:$0xa] =	wrdreg s23;
	s23 =	smov.u32 s26;
	s26 =	sor.u32 $0x20, s1;
	v55 =	vshll.u32 v7, $0x10;
	v6 =	vld [tilespmem:s14+$0x50]  }
0x41a: {  	[dreg:$0xe] =	wrdreg s22;
	s22 =	sor.u32 $0x30, s1;
	v7 =	vand.u32 $0xFFFF0000, v7;
	[tilespmem:s26+$0x0] =	vst.add.f32.msk $0xffff, v55  }
0x41b: {  	s26 =	sor.u32 $0x60, s19;
	[tilespmem:s22+$0x0] =	vst.add.f32.msk $0xffff, v7;
	v7 =	vshll.u32 v5, $0x10  }
0x41c: {  	s22 =	sor.u32 $0x70, s19;
	v5 =	vand.u32 $0xFFFF0000, v5;
	[tilespmem:s26+$0x0] =	vst.add.f32.msk $0xffff, v7  }
0x41d: {  	[tilespmem:s22+$0x0] =	vst.add.f32.msk $0xffff, v5  }
0x41e: {  	s26 =	sor.u32 $0x20, s30;
	v5 =	vld [tilespmem:s11+$0x40];
	v7 =	vshll.u32 v6, $0x10  }
0x41f: {  	s22 =	sor.u32 $0x30, s30;
	v6 =	vand.u32 $0xFFFF0000, v6;
	[tilespmem:s26+$0x0] =	vst.add.f32.msk $0xffff, v7  }
0x420: {  	[tilespmem:s22+$0x0] =	vst.add.f32.msk $0xffff, v6  }
0x421: {  	v6 =	vld [tilespmem:s14+$0x60]  }
0x422: {  	v9 =	vld [tilespmem:s6+$0x0]  }
0x423: {  	v7 =	vld [tilespmem:s29+$0x20];
	v56 =	vshll.u32 v5, $0x10  }
0x424: {  	v5 =	vand.u32 $0xFFFF0000, v5;
	[tilespmem:s19+$0x400] =	vst.add.f32.msk $0xffff, v56  }
0x425: {  	[tilespmem:s19+$0x410] =	vst.add.f32.msk $0xffff, v5  }
0x426: {  	s26 =	sor.u32 $0x40, s30;
	v5 =	vld [tilespmem:s11+$0x50];
	v57 =	vshll.u32 v6, $0x10  }
0x427: {  	s22 =	sor.u32 $0x50, s30;
	v6 =	vand.u32 $0xFFFF0000, v6;
	[tilespmem:s26+$0x0] =	vst.add.f32.msk $0xffff, v57  }
0x428: {  	[tilespmem:s22+$0x0] =	vst.add.f32.msk $0xffff, v6  }
0x429: {  	s10 =	sor.u32 $0x40, s1;
	v58 =	vshll.u32 v7, $0x10;
	v6 =	vld [tilespmem:s14+$0x70]  }
0x42a: {  	[dreg:$0x1a] =	wrdreg s15;
	s15 =	sor.u32 $0x50, s1;
	v7 =	vand.u32 $0xFFFF0000, v7;
	[tilespmem:s10+$0x0] =	vst.add.f32.msk $0xffff, v58  }
0x42b: {  	[tilespmem:s15+$0x0] =	vst.add.f32.msk $0xffff, v7  }
0x42c: {  	v7 =	vld [tilespmem:s29+$0x30];
	v60 =	vshll.u32 v5, $0x10  }
0x42d: {  	v5 =	vand.u32 $0xFFFF0000, v5;
	[tilespmem:s19+$0x420] =	vst.add.f32.msk $0xffff, v60  }
0x42e: {  	s26 =	sor.u32 $0x60, s30;
	[tilespmem:s19+$0x430] =	vst.add.f32.msk $0xffff, v5;
	v5 =	vshll.u32 v6, $0x10  }
0x42f: {  	s14 =	sor.u32 $0x70, s30;
	v6 =	vand.u32 $0xFFFF0000, v6;
	[tilespmem:s26+$0x0] =	vst.add.f32.msk $0xffff, v5  }
0x430: {  	[tilespmem:s14+$0x0] =	vst.add.f32.msk $0xffff, v6  }
0x431: {  	s12 =	sor.u32 $0x60, s1;
	v5 =	vshll.u32 v7, $0x10;
	v6 =	vand.u32 $0xFFFF0000, v7;
	v7 =	vld [tilespmem:s11+$0x60]  }
0x432: {  	s13 =	sor.u32 $0x70, s1;
	[tilespmem:s12+$0x0] =	vst.add.f32.msk $0xffff, v5  }
0x433: {  	[tilespmem:s13+$0x0] =	vst.add.f32.msk $0xffff, v6  }
0x434: {  	v59 =	vshll.u32 v9, $0x10;
	v5 =	vld [tilespmem:s29+$0x40]  }
0x435: {  	s9 =	sor.u32 $0x10, s25;
	v9 =	vand.u32 $0xFFFF0000, v9;
	[tilespmem:s25+$0x0] =	vst.add.f32.msk $0xffff, v59  }
0x436: {  	[tilespmem:s9+$0x0] =	vst.add.f32.msk $0xffff, v9;
	v6 =	vshll.u32 v7, $0x10  }
0x437: {  	v7 =	vand.u32 $0xFFFF0000, v7;
	[tilespmem:s19+$0x440] =	vst.add.f32.msk $0xffff, v6  }
0x438: {  	[tilespmem:s19+$0x450] =	vst.add.f32.msk $0xffff, v7  }
0x439: {  	v6 =	vshll.u32 v5, $0x10;
	v7 =	vld [tilespmem:s11+$0x70]  }
0x43a: {  	v5 =	vand.u32 $0xFFFF0000, v5;
	[tilespmem:s1+$0x400] =	vst.add.f32.msk $0xffff, v6  }
0x43b: {  	[tilespmem:s1+$0x410] =	vst.add.f32.msk $0xffff, v5  }
0x43c: {  	v5 =	vld [tilespmem:s29+$0x50]  }
0x43d: {  	v6 =	vld [tilespmem:s6+$0x10]  }
0x43e: {  	s0 =	sor.u32 $0x70, s24;
	[tilespmem:s23+$0x0] =	vst.add.f32.msk $0xffff, v4;
	v61 =	vshll.u32 v7, $0x10  }
0x43f: {  	[smem:$0x7EC] =	sst s0;
	s0 =	smov.u32 s20;
	s15 =	sadd.s32 $0x18600, s7;
	v4 =	vand.u32 $0xFFFF0000, v7;
	[tilespmem:s19+$0x460] =	vst.add.f32.msk $0xffff, v61  }
0x440: {  	s9 =	sadd.s32 s0, s15;
	[tilespmem:s19+$0x470] =	vst.add.f32.msk $0xffff, v4  }
0x441: {  	s2 =	smov.u32 s21;
	s21 =	sor.u32 $0x30, s24;
	v4 =	vshll.u32 v5, $0x10;
	v7 =	vld [tilespmem:s9+$0x0]  }
0x442: {  	[dreg:$0x15] =	wrdreg s21;
	s21 =	sor.u32 $0x40, s24;
	v5 =	vand.u32 $0xFFFF0000, v5;
	[tilespmem:s1+$0x420] =	vst.add.f32.msk $0xffff, v4  }
0x443: {  	s26 =	smov.u32 s21;
	s21 =	sld [smem:$0x7EA];
	[tilespmem:s1+$0x430] =	vst.add.f32.msk $0xffff, v5  }
0x444: {  	s3 =	sor.u32 $0x20, s25;
	v4 =	vshll.u32 v6, $0x10;
	v5 =	vld [tilespmem:s29+$0x60]  }
0x445: {  	s19 =	sadd.s32 $0xCA00, s2;
	v6 =	vand.u32 $0xFFFF0000, v6;
	[tilespmem:s3+$0x0] =	vst.add.f32.msk $0xffff, v4  }
0x446: {  	s20 =	sadd.s32 s31, s19;
	s19 =	sadd.s32 s0, s19;
	[tilespmem:s21+$0x0] =	vst.add.f32.msk $0xffff, v6;
	v4 =	vshll.u32 v7, $0x10  }
0x447: {  	s22 =	sor.u32 $0x10, s19;
	v6 =	vand.u32 $0xFFFF0000, v7;
	[tilespmem:s19+$0x0] =	vst.add.f32.msk $0xffff, v4  }
0x448: {  	[tilespmem:s22+$0x0] =	vst.add.f32.msk $0xffff, v6  }
0x449: {  	v4 =	vshll.u32 v5, $0x10;
	v6 =	vld [tilespmem:s9+$0x10]  }
0x44a: {  	v5 =	vand.u32 $0xFFFF0000, v5;
	[tilespmem:s1+$0x440] =	vst.add.f32.msk $0xffff, v4  }
0x44b: {  	[tilespmem:s1+$0x450] =	vst.add.f32.msk $0xffff, v5  }
0x44c: {  	v4 =	vld [tilespmem:s29+$0x70]  }
0x44d: {  	v5 =	vld [tilespmem:s6+$0x20]  }
0x44e: {  	s23 =	sor.u32 $0x20, s19;
	[tilespmem:s28+$0x0] =	vst.add.f32.msk $0xffff, v3;
	v7 =	vshll.u32 v6, $0x10  }
0x44f: {  	s25 =	sor.u32 $0x30, s19;
	v3 =	vand.u32 $0xFFFF0000, v6;
	[tilespmem:s23+$0x0] =	vst.add.f32.msk $0xffff, v7  }
0x450: {  	[tilespmem:s25+$0x0] =	vst.add.f32.msk $0xffff, v3  }
0x451: {  	v3 =	vshll.u32 v4, $0x10;
	v6 =	vld [tilespmem:s9+$0x20]  }
0x452: {  	s29 =	sld [smem:$0x7EB];
	v4 =	vand.u32 $0xFFFF0000, v4;
	[tilespmem:s1+$0x460] =	vst.add.f32.msk $0xffff, v3  }
0x453: {  	s11 =	sadd.s32 s31, s15;
	[tilespmem:s1+$0x470] =	vst.add.f32.msk $0xffff, v4  }
0x454: {  	v3 =	vshll.u32 v5, $0x10;
	v4 =	vld [tilespmem:s11+$0x0]  }
0x455: {  	s22 =	rddreg [dreg:$0x1e];
	v5 =	vand.u32 $0xFFFF0000, v5;
	[tilespmem:s29+$0x0] =	vst.add.f32.msk $0xffff, v3  }
0x456: {  	s30 =	sor.u32 $0x40, s19;
	[tilespmem:s22+$0x0] =	vst.add.f32.msk $0xffff, v5;
	v3 =	vshll.u32 v6, $0x10  }
0x457: {  	s23 =	sor.u32 $0x50, s19;
	v5 =	vand.u32 $0xFFFF0000, v6;
	[tilespmem:s30+$0x0] =	vst.add.f32.msk $0xffff, v3  }
0x458: {  	[tilespmem:s23+$0x0] =	vst.add.f32.msk $0xffff, v5  }
0x459: {  	v3 =	vshll.u32 v4, $0x10;
	v5 =	vld [tilespmem:s9+$0x30]  }
0x45a: {  	s21 =	sor.u32 $0x10, s20;
	v4 =	vand.u32 $0xFFFF0000, v4;
	[tilespmem:s20+$0x0] =	vst.add.f32.msk $0xffff, v3  }
0x45b: {  	[tilespmem:s21+$0x0] =	vst.add.f32.msk $0xffff, v4  }
0x45c: {  	v3 =	vld [tilespmem:s11+$0x10]  }
0x45d: {  	v4 =	vld [tilespmem:s6+$0x30]  }
0x45e: {  	s25 =	sor.u32 $0x60, s19;
	v7 =	vld [tilespmem:s18+$0x70];
	v6 =	vshll.u32 v5, $0x10  }
0x45f: {  	s29 =	sor.u32 $0x70, s19;
	v5 =	vand.u32 $0xFFFF0000, v5;
	[tilespmem:s25+$0x0] =	vst.add.f32.msk $0xffff, v6  }
0x460: {  	[tilespmem:s29+$0x0] =	vst.add.f32.msk $0xffff, v5  }
0x461: {  	s12 =	sor.u32 $0x20, s20;
	v5 =	vshll.u32 v3, $0x10;
	v6 =	vld [tilespmem:s9+$0x40]  }
0x462: {  	s8 =	sor.u32 $0x20, s24;
	s13 =	sor.u32 $0x30, s20;
	v3 =	vand.u32 $0xFFFF0000, v3;
	[tilespmem:s12+$0x0] =	vst.add.f32.msk $0xffff, v5  }
0x463: {  	[dreg:$0x14] =	wrdreg s8;
	s8 =	sor.u32 $0x50, s24;
	[tilespmem:s13+$0x0] =	vst.add.f32.msk $0xffff, v3  }
0x464: {  	s28 =	smov.u32 s8;
	s8 =	rddreg [dreg:$0xe];
	v5 =	vshll.u32 v4, $0x10;
	v62 =	vld [tilespmem:s11+$0x20]  }
0x465: {  	s30 =	sadd.s32 $0xCE00, s2;
	v4 =	vand.u32 $0xFFFF0000, v4;
	s12 =	rddreg [dreg:$0xa];
	[tilespmem:s8+$0x0] =	vst.add.f32.msk $0xffff, v5  }
0x466: {  	s18 =	smov.u32 s6;
	s6 =	sadd.s32 s0, s30;
	[tilespmem:s12+$0x0] =	vst.add.f32.msk $0xffff, v4;
	v5 =	vshll.u32 v6, $0x10  }
0x467: {  	s13 =	sor.u32 $0x10, s6;
	v4 =	vand.u32 $0xFFFF0000, v6;
	[tilespmem:s6+$0x0] =	vst.add.f32.msk $0xffff, v5  }
0x468: {  	[tilespmem:s13+$0x0] =	vst.add.f32.msk $0xffff, v4  }
0x469: {  	s15 =	sor.u32 $0x40, s20;
	v4 =	vshll.u32 v62, $0x10;
	v6 =	vld [tilespmem:s9+$0x50]  }
0x46a: {  	s14 =	sor.u32 $0x50, s20;
	v5 =	vand.u32 $0xFFFF0000, v62;
	[tilespmem:s15+$0x0] =	vst.add.f32.msk $0xffff, v4  }
0x46b: {  	[tilespmem:s14+$0x0] =	vst.add.f32.msk $0xffff, v5  }
0x46c: {  	v4 =	vld [tilespmem:s11+$0x30]  }
0x46d: {  	s25 =	rddreg [dreg:$0x1a];
	v3 =	vshll.u32 v7, $0x10;
	v5 =	vld [tilespmem:s18+$0x40]  }
0x46e: {  	s23 =	sor.u32 $0x20, s6;
	[tilespmem:s25+$0x0] =	vst.add.f32.msk $0xffff, v3;
	v63 =	vshll.u32 v6, $0x10  }
0x46f: {  	s29 =	sor.u32 $0x30, s6;
	v3 =	vand.u32 $0xFFFF0000, v6;
	[tilespmem:s23+$0x0] =	vst.add.f32.msk $0xffff, v63  }
0x470: {  	[tilespmem:s29+$0x0] =	vst.add.f32.msk $0xffff, v3  }
0x471: {  	s10 =	sor.u32 $0x60, s20;
	v3 =	vshll.u32 v4, $0x10;
	v6 =	vld [tilespmem:s9+$0x60]  }
0x472: {  	s3 =	sor.u32 $0x70, s20;
	v4 =	vand.u32 $0xFFFF0000, v4;
	[tilespmem:s10+$0x0] =	vst.add.f32.msk $0xffff, v3  }
0x473: {  	[tilespmem:s3+$0x0] =	vst.add.f32.msk $0xffff, v4  }
0x474: {  	v3 =	vshll.u32 v5, $0x10;
	v4 =	vld [tilespmem:s11+$0x40]  }
0x475: {  	s4 =	sor.u32 $0x10, s24;
	v5 =	vand.u32 $0xFFFF0000, v5;
	[tilespmem:s24+$0x0] =	vst.add.f32.msk $0xffff, v3  }
0x476: {  	s21 =	sadd.s32 s31, s30;
	s30 =	sor.u32 $0x40, s6;
	[tilespmem:s4+$0x0] =	vst.add.f32.msk $0xffff, v5;
	v3 =	vshll.u32 v6, $0x10  }
0x477: {  	s10 =	sor.u32 $0x50, s6;
	v5 =	vand.u32 $0xFFFF0000, v6;
	[tilespmem:s30+$0x0] =	vst.add.f32.msk $0xffff, v3  }
0x478: {  	[tilespmem:s10+$0x0] =	vst.add.f32.msk $0xffff, v5  }
0x479: {  	v3 =	vshll.u32 v4, $0x10;
	v5 =	vld [tilespmem:s9+$0x70]  }
0x47a: {  	s22 =	sor.u32 $0x10, s21;
	v4 =	vand.u32 $0xFFFF0000, v4;
	[tilespmem:s21+$0x0] =	vst.add.f32.msk $0xffff, v3  }
0x47b: {  	[tilespmem:s22+$0x0] =	vst.add.f32.msk $0xffff, v4  }
0x47c: {  	s16 =	sor.u32 $0x60, s24;
	v3 =	vld [tilespmem:s11+$0x50]  }
0x47d: {  	v7 =	vand.u32 $0xFFFF0000, v7;
	s15 =	smov.u32 s16;
	s16 =	rddreg [dreg:$0x5];
	v4 =	vld [tilespmem:s18+$0x50]  }
0x47e: {  	s14 =	sor.u32 $0x60, s6;
	[tilespmem:s16+$0x0] =	vst.add.f32.msk $0xffff, v7;
	v6 =	vshll.u32 v5, $0x10  }
0x47f: {  	s23 =	sor.u32 $0x70, s6;
	s22 =	sadd.s32 $0x18A00, s7;
	v5 =	vand.u32 $0xFFFF0000, v5;
	[tilespmem:s14+$0x0] =	vst.add.f32.msk $0xffff, v6  }
0x480: {  	s14 =	sadd.s32 s0, s22;
	[tilespmem:s23+$0x0] =	vst.add.f32.msk $0xffff, v5  }
0x481: {  	p0 =	slt.u32 s5, $0x3E;
	s19 =	sor.u32 $0x20, s21;
	s20 =	sor.u32 $0x30, s21;
	v5 =	vshll.u32 v3, $0x10;
	v6 =	vand.u32 $0xFFFF0000, v3;
	v3 =	vld [tilespmem:s14+$0x0]  }
.Ltmp1:
0x482: {  	s1 =	sor.u32 $0x50, s21;
	s8 =	sor.u32 $0x70, s21;
	[tilespmem:s19+$0x0] =	vst.add.f32.msk $0xffff, v5;
	(pc) =	sbr.rel @p0 .LBB2_4-.Ltmp1, $4  }
0x483: {  	s12 =	sor.u32 $0x40, s21;
	s13 =	sor.u32 $0x60, s21;
	s21 =	sld [smem:$0x7EC];
	[tilespmem:s20+$0x0] =	vst.add.f32.msk $0xffff, v6  }
0x484: {  	s29 =	rddreg [dreg:$0x14];
	s24 =	sadd.s32 $0xD200, s2;
	v7 =	vand.u32 $0xFFFF0000, v4;
	v5 =	vshll.u32 v4, $0x10;
	v4 =	vld [tilespmem:s11+$0x60]  }
0x485: {  	s25 =	sadd.s32 s31, s24;
	s30 =	rddreg [dreg:$0x15];
	[tilespmem:s29+$0x0] =	vst.add.f32.msk $0xffff, v5  }
0x486: {  	s4 =	sadd.s32 s0, s24;
	s6 =	sadd.s32 s31, s22;
	s10 =	smov.u32 s21;
	[tilespmem:s30+$0x0] =	vst.add.f32.msk $0xffff, v7;
	v5 =	vshll.u32 v3, $0x10  }
0x487: {  	_ =	sdelay $0x1  }
0x488: {  	v6 =	vshll.u32 v4, $0x10  }
0x489: {  	v4 =	vand.u32 $0xFFFF0000, v4;
	[tilespmem:s12+$0x0] =	vst.add.f32.msk $0xffff, v6  }
0x48a: {  	[tilespmem:s1+$0x0] =	vst.add.f32.msk $0xffff, v4  }
0x48b: {  	v4 =	vld [tilespmem:s11+$0x70];
	_ =	sdelay $0x2  }
0x48c: {  	v3 =	vand.u32 $0xFFFF0000, v3;
	[tilespmem:s4+$0x0] =	vst.add.f32.msk $0xffff, v5;
	s29 =	sor.u32 $0x10, s4  }
0x48d: {  	[tilespmem:s29+$0x0] =	vst.add.f32.msk $0xffff, v3  }
0x48e: {  	v3 =	vld [tilespmem:s14+$0x10];
	v5 =	vshll.u32 v4, $0x10  }
0x48f: {  	v4 =	vand.u32 $0xFFFF0000, v4;
	[tilespmem:s13+$0x0] =	vst.add.f32.msk $0xffff, v5  }
0x490: {  	[tilespmem:s8+$0x0] =	vst.add.f32.msk $0xffff, v4  }
0x491: {  	v4 =	vld [tilespmem:s6+$0x0];
	_ =	sdelay $0x1  }
0x492: {  	s30 =	sor.u32 $0x20, s4;
	v5 =	vshll.u32 v3, $0x10  }
0x493: {  	s3 =	sor.u32 $0x30, s4;
	v3 =	vand.u32 $0xFFFF0000, v3;
	[tilespmem:s30+$0x0] =	vst.add.f32.msk $0xffff, v5  }
0x494: {  	[tilespmem:s3+$0x0] =	vst.add.f32.msk $0xffff, v3  }
0x495: {  	v3 =	vld [tilespmem:s14+$0x20];
	v5 =	vshll.u32 v4, $0x10  }
0x496: {  	s5 =	sor.u32 $0x10, s25;
	v4 =	vand.u32 $0xFFFF0000, v4;
	[tilespmem:s25+$0x0] =	vst.add.f32.msk $0xffff, v5  }
0x497: {  	[tilespmem:s5+$0x0] =	vst.add.f32.msk $0xffff, v4  }
0x498: {  	v4 =	vld [tilespmem:s6+$0x10];
	_ =	sdelay $0x1  }
0x499: {  	s7 =	sor.u32 $0x40, s4;
	v5 =	vshll.u32 v3, $0x10  }
0x49a: {  	s8 =	sor.u32 $0x50, s4;
	v3 =	vand.u32 $0xFFFF0000, v3;
	[tilespmem:s7+$0x0] =	vst.add.f32.msk $0xffff, v5  }
0x49b: {  	[tilespmem:s8+$0x0] =	vst.add.f32.msk $0xffff, v3  }
0x49c: {  	s9 =	sor.u32 $0x20, s25;
	v3 =	vld [tilespmem:s14+$0x30];
	v5 =	vshll.u32 v4, $0x10  }
0x49d: {  	s3 =	sor.u32 $0x30, s25;
	v4 =	vand.u32 $0xFFFF0000, v4;
	[tilespmem:s9+$0x0] =	vst.add.f32.msk $0xffff, v5  }
0x49e: {  	[tilespmem:s3+$0x0] =	vst.add.f32.msk $0xffff, v4  }
0x49f: {  	v4 =	vld [tilespmem:s6+$0x20];
	_ =	sdelay $0x1  }
0x4a0: {  	s11 =	sor.u32 $0x60, s4;
	v5 =	vshll.u32 v3, $0x10  }
0x4a1: {  	s12 =	sor.u32 $0x70, s4;
	v3 =	vand.u32 $0xFFFF0000, v3;
	[tilespmem:s11+$0x0] =	vst.add.f32.msk $0xffff, v5  }
0x4a2: {  	[tilespmem:s12+$0x0] =	vst.add.f32.msk $0xffff, v3  }
0x4a3: {  	s13 =	sor.u32 $0x40, s25;
	v3 =	vld [tilespmem:s14+$0x40];
	v5 =	vshll.u32 v4, $0x10  }
0x4a4: {  	s16 =	sor.u32 $0x50, s25;
	v4 =	vand.u32 $0xFFFF0000, v4;
	[tilespmem:s13+$0x0] =	vst.add.f32.msk $0xffff, v5  }
0x4a5: {  	[tilespmem:s16+$0x0] =	vst.add.f32.msk $0xffff, v4  }
0x4a6: {  	v4 =	vld [tilespmem:s6+$0x30]  }
0x4a7: {  	s17 =	sadd.s32 $0xD600, s2  }
0x4a8: {  	s0 =	sadd.s32 s0, s17;
	v5 =	vshll.u32 v3, $0x10  }
0x4a9: {  	s19 =	sor.u32 $0x10, s0;
	v3 =	vand.u32 $0xFFFF0000, v3;
	[tilespmem:s0+$0x0] =	vst.add.f32.msk $0xffff, v5  }
0x4aa: {  	[tilespmem:s19+$0x0] =	vst.add.f32.msk $0xffff, v3  }
0x4ab: {  	s20 =	sor.u32 $0x60, s25;
	v3 =	vld [tilespmem:s14+$0x50];
	v5 =	vshll.u32 v4, $0x10  }
0x4ac: {  	s21 =	sor.u32 $0x70, s25;
	v4 =	vand.u32 $0xFFFF0000, v4;
	[tilespmem:s20+$0x0] =	vst.add.f32.msk $0xffff, v5  }
0x4ad: {  	[tilespmem:s21+$0x0] =	vst.add.f32.msk $0xffff, v4  }
0x4ae: {  	v4 =	vld [tilespmem:s6+$0x40];
	_ =	sdelay $0x1  }
0x4af: {  	s22 =	sor.u32 $0x20, s0;
	v5 =	vshll.u32 v3, $0x10  }
0x4b0: {  	s23 =	sor.u32 $0x30, s0;
	v3 =	vand.u32 $0xFFFF0000, v3;
	[tilespmem:s22+$0x0] =	vst.add.f32.msk $0xffff, v5  }
0x4b1: {  	[tilespmem:s23+$0x0] =	vst.add.f32.msk $0xffff, v3  }
0x4b2: {  	s1 =	sadd.s32 s31, s17;
	v3 =	vld [tilespmem:s14+$0x60];
	v5 =	vshll.u32 v4, $0x10  }
0x4b3: {  	s24 =	sor.u32 $0x10, s1;
	v4 =	vand.u32 $0xFFFF0000, v4;
	[tilespmem:s1+$0x0] =	vst.add.f32.msk $0xffff, v5  }
0x4b4: {  	[tilespmem:s24+$0x0] =	vst.add.f32.msk $0xffff, v4  }
0x4b5: {  	v4 =	vld [tilespmem:s6+$0x50];
	_ =	sdelay $0x3  }
0x4b6: {  	s25 =	sor.u32 $0x40, s0;
	v5 =	vld [tilespmem:s18+$0x60];
	v6 =	vshll.u32 v3, $0x10  }
0x4b7: {  	s29 =	sor.u32 $0x20, s1;
	[tilespmem:s25+$0x0] =	vst.add.f32.msk $0xffff, v6;
	v6 =	vshll.u32 v4, $0x10  }
0x4b8: {  	s30 =	sor.u32 $0x30, s1;
	v4 =	vand.u32 $0xFFFF0000, v4;
	[tilespmem:s29+$0x0] =	vst.add.f32.msk $0xffff, v6  }
0x4b9: {  	[tilespmem:s30+$0x0] =	vst.add.f32.msk $0xffff, v4  }
0x4ba: {  	s3 =	sor.u32 $0x50, s0;
	v3 =	vand.u32 $0xFFFF0000, v3;
	v4 =	vld [tilespmem:s6+$0x60]  }
0x4bb: {  	[tilespmem:s3+$0x0] =	vst.add.f32.msk $0xffff, v3;
	v3 =	vshll.u32 v5, $0x10  }
0x4bc: {  	v5 =	vand.u32 $0xFFFF0000, v5;
	[tilespmem:s26+$0x0] =	vst.add.f32.msk $0xffff, v3  }
0x4bd: {  	[tilespmem:s28+$0x0] =	vst.add.f32.msk $0xffff, v5  }
0x4be: {  	v6 =	vld [tilespmem:s14+$0x70]  }
0x4bf: {  	s4 =	sor.u32 $0x40, s1;
	v3 =	vld [tilespmem:s18+$0x70];
	v5 =	vshll.u32 v4, $0x10  }
0x4c0: {  	s5 =	sor.u32 $0x50, s1;
	v4 =	vand.u32 $0xFFFF0000, v4;
	[tilespmem:s4+$0x0] =	vst.add.f32.msk $0xffff, v5  }
0x4c1: {  	[tilespmem:s5+$0x0] =	vst.add.f32.msk $0xffff, v4  }
0x4c2: {  	v4 =	vld [tilespmem:s6+$0x70]  }
0x4c3: {  	v5 =	vshll.u32 v6, $0x10;
	s6 =	sor.u32 $0x60, s0  }
0x4c4: {  	v6 =	vand.u32 $0xFFFF0000, v6;
	s0 =	sor.u32 $0x70, s0;
	[tilespmem:s6+$0x0] =	vst.add.f32.msk $0xffff, v5  }
0x4c5: {  	v5 =	vshll.u32 v3, $0x10;
	[tilespmem:s0+$0x0] =	vst.add.f32.msk $0xffff, v6  }
0x4c6: {  	v3 =	vand.u32 $0xFFFF0000, v3;
	[tilespmem:s15+$0x0] =	vst.add.f32.msk $0xffff, v5  }
0x4c7: {  	s7 =	sor.u32 $0x60, s1;
	[tilespmem:s10+$0x0] =	vst.add.f32.msk $0xffff, v3;
	v3 =	vshll.u32 v4, $0x10  }
0x4c8: {  	s1 =	sor.u32 $0x70, s1;
	v4 =	vand.u32 $0xFFFF0000, v4;
	[tilespmem:s7+$0x0] =	vst.add.f32.msk $0xffff, v3  }
0x4c9: {  	[tilespmem:s1+$0x0] =	vst.add.f32.msk $0xffff, v4  }
0x4ca: {  	s1 =	sld [smem:$0x7F9];
	_ =	sdelay $0x1  }
0x4cb: {  	s8 =	simm.s32 $0xC200;
	s9 =	simm.s32 $0x4;
	s0 =	simm.s32 $0x0  }
0x4cc: {  	[hbm4b:s1+s0] =	stream.linear.scatter [tilespmem:s8], [sflag:$0x4], $0xC000, $0x38;
	[tilespmem:$0x1E200] =	vst v63  }
0x4cd: {  	_ =	swait.ge [sflag:s9], $0xC000  }
0x4ce: {  	[sflag:s9] =	ssyncset.done $0x0  }
0x4cf: {  	[sflag:s9] =	ssyncadd.s32 $0xFFFF4000  }
0x4d0: {  	v3 =	vld [tilespmem:$0x180];
	_ =	sdelay $0x4  }
0x4d1: {  	v4 =	vshrl.u32 v3, $0x3  }
0x4d2: {  	v4 =	vmul.u32 $0x30, v4  }
0x4d3: {  	v3 =	vand.u32 $0x7, v3  }
0x4d4: {  	v3 =	vor.u32 v3, v4  }
0x4d5: {  	v4 =	vperm.xlane v3, v0;
	_ =	sdelay $0x1  }
0x4d6: {  	v4 =	vadd.s32 v1, v4;
	_ =	sdelay $0x2  }
0x4d7: {  	s10 =	sld [smem:$0x7F6]  }
0x4d8: {  	s1 =	rddreg [dreg:$0x1];
	v3 =	vperm.xlane v3, v2  }
0x4d9: {  	[tilespmem:s8], [sflag:$0x2] =	stream.indirect_vreg.gather [hbm4b:s1+s0], $0x80, v4, vm0, $0xb8;
	[tilespmem:$0x1E200] =	vst v63  }
0x4da: {  	s11 =	simm.s32 $0xCA00;
	s3 =	sld [smem:$0x7F7];
	v3 =	vadd.s32 v1, v3  }
0x4db: {  	[tilespmem:s11], [sflag:$0x2] =	stream.indirect_vreg.gather [hbm4b:s10+s0], $0x80, v4, vm0, $0xb8;
	[tilespmem:$0x1E200] =	vst v63  }
0x4dc: {  	s12 =	simm.s32 $0xD200  }
0x4dd: {  	[tilespmem:s12], [sflag:$0x2] =	stream.indirect_vreg.gather [hbm4b:s3+s0], $0x80, v4, vm0, $0xb8;
	[tilespmem:$0x1E200] =	vst v63  }
0x4de: {  	s13 =	simm.s32 $0xDA00  }
0x4df: {  	[tilespmem:s13], [sflag:$0x2] =	stream.indirect_vreg.gather [hbm4b:s1+s0], $0x80, v3, vm0, $0xb8;
	[tilespmem:$0x1E200] =	vst v63  }
0x4e0: {  	s14 =	simm.s32 $0xE200  }
0x4e1: {  	[tilespmem:s14], [sflag:$0x2] =	stream.indirect_vreg.gather [hbm4b:s10+s0], $0x80, v3, vm0, $0xb8;
	[tilespmem:$0x1E200] =	vst v63  }
0x4e2: {  	s15 =	simm.s32 $0xEA00  }
0x4e3: {  	[tilespmem:s15], [sflag:$0x2] =	stream.indirect_vreg.gather [hbm4b:s3+s0], $0x80, v3, vm0, $0xb8;
	[tilespmem:$0x1E200] =	vst v63  }
0x4e4: {  	v3 =	vld [tilespmem:$0x190];
	_ =	sdelay $0x4  }
0x4e5: {  	v4 =	vshrl.u32 v3, $0x3  }
0x4e6: {  	v4 =	vmul.u32 $0x30, v4  }
0x4e7: {  	v3 =	vand.u32 $0x7, v3  }
0x4e8: {  	v3 =	vor.u32 v3, v4  }
0x4e9: {  	v4 =	vperm.xlane v3, v0;
	_ =	sdelay $0x1  }
0x4ea: {  	v4 =	vadd.s32 v1, v4;
	_ =	sdelay $0x3  }
0x4eb: {  	s16 =	simm.s32 $0xF200;
	v3 =	vperm.xlane v3, v2  }
0x4ec: {  	[tilespmem:s16], [sflag:$0x2] =	stream.indirect_vreg.gather [hbm4b:s1+s0], $0x80, v4, vm0, $0xb8;
	[tilespmem:$0x1E200] =	vst v63  }
0x4ed: {  	s17 =	simm.s32 $0xFA00;
	v3 =	vadd.s32 v1, v3  }
0x4ee: {  	[tilespmem:s17], [sflag:$0x2] =	stream.indirect_vreg.gather [hbm4b:s10+s0], $0x80, v4, vm0, $0xb8;
	[tilespmem:$0x1E200] =	vst v63  }
0x4ef: {  	s18 =	simm.s32 $0x10200  }
0x4f0: {  	[tilespmem:s18], [sflag:$0x2] =	stream.indirect_vreg.gather [hbm4b:s3+s0], $0x80, v4, vm0, $0xb8;
	[tilespmem:$0x1E200] =	vst v63  }
0x4f1: {  	s19 =	simm.s32 $0x10A00  }
0x4f2: {  	[tilespmem:s19], [sflag:$0x2] =	stream.indirect_vreg.gather [hbm4b:s1+s0], $0x80, v3, vm0, $0xb8;
	[tilespmem:$0x1E200] =	vst v63  }
0x4f3: {  	s20 =	simm.s32 $0x11200  }
0x4f4: {  	[tilespmem:s20], [sflag:$0x2] =	stream.indirect_vreg.gather [hbm4b:s10+s0], $0x80, v3, vm0, $0xb8;
	[tilespmem:$0x1E200] =	vst v63  }
0x4f5: {  	s21 =	simm.s32 $0x11A00  }
0x4f6: {  	[tilespmem:s21], [sflag:$0x2] =	stream.indirect_vreg.gather [hbm4b:s3+s0], $0x80, v3, vm0, $0xb8;
	[tilespmem:$0x1E200] =	vst v63  }
0x4f7: {  	v3 =	vld [tilespmem:$0x1A0];
	_ =	sdelay $0x4  }
0x4f8: {  	v4 =	vshrl.u32 v3, $0x3  }
0x4f9: {  	v4 =	vmul.u32 $0x30, v4  }
0x4fa: {  	v3 =	vand.u32 $0x7, v3  }
0x4fb: {  	v3 =	vor.u32 v3, v4  }
0x4fc: {  	v4 =	vperm.xlane v3, v0;
	_ =	sdelay $0x1  }
0x4fd: {  	v4 =	vadd.s32 v1, v4;
	_ =	sdelay $0x3  }
0x4fe: {  	s22 =	simm.s32 $0x12200;
	v3 =	vperm.xlane v3, v2  }
0x4ff: {  	[tilespmem:s22], [sflag:$0x2] =	stream.indirect_vreg.gather [hbm4b:s1+s0], $0x80, v4, vm0, $0xb8;
	[tilespmem:$0x1E200] =	vst v63  }
0x500: {  	s23 =	simm.s32 $0x12A00;
	v3 =	vadd.s32 v1, v3  }
0x501: {  	[tilespmem:s23], [sflag:$0x2] =	stream.indirect_vreg.gather [hbm4b:s10+s0], $0x80, v4, vm0, $0xb8;
	[tilespmem:$0x1E200] =	vst v63  }
0x502: {  	s24 =	simm.s32 $0x13200  }
0x503: {  	[tilespmem:s24], [sflag:$0x2] =	stream.indirect_vreg.gather [hbm4b:s3+s0], $0x80, v4, vm0, $0xb8;
	[tilespmem:$0x1E200] =	vst v63  }
0x504: {  	s25 =	simm.s32 $0x13A00  }
0x505: {  	[tilespmem:s25], [sflag:$0x2] =	stream.indirect_vreg.gather [hbm4b:s1+s0], $0x80, v3, vm0, $0xb8;
	[tilespmem:$0x1E200] =	vst v63  }
0x506: {  	s26 =	simm.s32 $0x14200  }
0x507: {  	[tilespmem:s26], [sflag:$0x2] =	stream.indirect_vreg.gather [hbm4b:s10+s0], $0x80, v3, vm0, $0xb8;
	[tilespmem:$0x1E200] =	vst v63  }
0x508: {  	s29 =	simm.s32 $0x14A00  }
0x509: {  	[tilespmem:s29], [sflag:$0x2] =	stream.indirect_vreg.gather [hbm4b:s3+s0], $0x80, v3, vm0, $0xb8;
	[tilespmem:$0x1E200] =	vst v63  }
0x50a: {  	v3 =	vld [tilespmem:$0x1B0];
	_ =	sdelay $0x4  }
0x50b: {  	v4 =	vshrl.u32 v3, $0x3  }
0x50c: {  	v4 =	vmul.u32 $0x30, v4  }
0x50d: {  	v3 =	vand.u32 $0x7, v3  }
0x50e: {  	v3 =	vor.u32 v3, v4  }
0x50f: {  	v4 =	vperm.xlane v3, v0;
	_ =	sdelay $0x1  }
0x510: {  	v4 =	vadd.s32 v1, v4;
	_ =	sdelay $0x3  }
0x511: {  	s30 =	simm.s32 $0x15200;
	v3 =	vperm.xlane v3, v2  }
0x512: {  	[tilespmem:s30], [sflag:$0x2] =	stream.indirect_vreg.gather [hbm4b:s1+s0], $0x80, v4, vm0, $0xb8;
	[tilespmem:$0x1E200] =	vst v63  }
0x513: {  	s5 =	simm.s32 $0x15A00;
	v3 =	vadd.s32 v1, v3  }
0x514: {  	[tilespmem:s5], [sflag:$0x2] =	stream.indirect_vreg.gather [hbm4b:s10+s0], $0x80, v4, vm0, $0xb8;
	[tilespmem:$0x1E200] =	vst v63  }
0x515: {  	s6 =	simm.s32 $0x16200  }
0x516: {  	[tilespmem:s6], [sflag:$0x2] =	stream.indirect_vreg.gather [hbm4b:s3+s0], $0x80, v4, vm0, $0xb8;
	[tilespmem:$0x1E200] =	vst v63  }
0x517: {  	s7 =	simm.s32 $0x16A00  }
0x518: {  	[tilespmem:s7], [sflag:$0x2] =	stream.indirect_vreg.gather [hbm4b:s1+s0], $0x80, v3, vm0, $0xb8;
	[tilespmem:$0x1E200] =	vst v63  }
0x519: {  	s9 =	simm.s32 $0x0;
	s8 =	simm.s32 $0x17200  }
0x51a: {  	[tilespmem:s8], [sflag:$0x2] =	stream.indirect_vreg.gather [hbm4b:s10+s0], $0x80, v3, vm0, $0xb8;
	[tilespmem:$0x1E200] =	vst v63  }
0x51b: {  	s11 =	simm.s32 $0x17A00;
	s12 =	simm.s32 $0x1;
	s10 =	smul.u32 $0x3000, s9  }
0x51c: {  	[tilespmem:s11], [sflag:$0x2] =	stream.indirect_vreg.gather [hbm4b:s3+s0], $0x80, v3, vm0, $0xb8;
	[tilespmem:$0x1E200] =	vst v63  }
0x51d: {  	s5 =	sand.u32 $0x300, s0;
	s0 =	sshra.s32 s10, $0x2;
	_ =	swait.ge [sflag:s12], $0xC000  }
0x51e: {  	s4 =	sor.u32 $0x80, s5;
	s2 =	sadd.s32 $0x18200, s0;
	[sflag:s12] =	ssyncset.done $0x0  }
0x51f: {  	s13 =	sadd.s32 s4, s2;
	[sflag:s12] =	ssyncadd.s32 $0xFFFF4000  }
0x520: {  	v3 =	vld [tilespmem:s13+$0x0]  }
0x521: {  	s1 =	smul.u32 $0x6000, s9;
	_ =	sdelay $0x1  }
0x522: {  	s7 =	sshra.s32 s1, $0x2  }
0x523: {  	s14 =	sor.u32 $0x200, s7  }
0x524: {  	s15 =	sadd.s32 s4, s14;
	v4 =	vshll.u32 v3, $0x10  }
0x525: {  	s16 =	sor.u32 $0x10, s15;
	v3 =	vand.u32 $0xFFFF0000, v3;
	[tilespmem:s15+$0x0] =	vst.add.f32.msk $0xffff, v4  }
0x526: {  	[tilespmem:s16+$0x0] =	vst.add.f32.msk $0xffff, v3  }
0x527: {  	v3 =	vld [tilespmem:s13+$0x10];
	_ =	sdelay $0x4  }
0x528: {  	s17 =	sor.u32 $0x20, s15;
	v4 =	vshll.u32 v3, $0x10  }
0x529: {  	s18 =	sor.u32 $0x30, s15;
	v3 =	vand.u32 $0xFFFF0000, v3;
	[tilespmem:s17+$0x0] =	vst.add.f32.msk $0xffff, v4  }
0x52a: {  	[tilespmem:s18+$0x0] =	vst.add.f32.msk $0xffff, v3  }
0x52b: {  	v3 =	vld [tilespmem:s13+$0x20];
	_ =	sdelay $0x1  }
0x52c: {  	s2 =	sadd.s32 s5, s2  }
0x52d: {  	v4 =	vld [tilespmem:s2+$0x0];
	_ =	sdelay $0x1  }
0x52e: {  	s19 =	sor.u32 $0x40, s15;
	v5 =	vshll.u32 v3, $0x10  }
0x52f: {  	s20 =	sor.u32 $0x50, s15;
	v3 =	vand.u32 $0xFFFF0000, v3;
	[tilespmem:s19+$0x0] =	vst.add.f32.msk $0xffff, v5  }
0x530: {  	[tilespmem:s20+$0x0] =	vst.add.f32.msk $0xffff, v3  }
0x531: {  	s3 =	sadd.s32 s5, s14;
	v5 =	vshll.u32 v4, $0x10;
	v3 =	vld [tilespmem:s13+$0x30]  }
0x532: {  	s21 =	sor.u32 $0x10, s3;
	v4 =	vand.u32 $0xFFFF0000, v4;
	[tilespmem:s3+$0x0] =	vst.add.f32.msk $0xffff, v5  }
0x533: {  	[tilespmem:s21+$0x0] =	vst.add.f32.msk $0xffff, v4  }
0x534: {  	v4 =	vld [tilespmem:s2+$0x10];
	_ =	sdelay $0x1  }
0x535: {  	s22 =	sor.u32 $0x60, s15;
	v5 =	vshll.u32 v3, $0x10  }
0x536: {  	s23 =	sor.u32 $0x70, s15;
	v3 =	vand.u32 $0xFFFF0000, v3;
	[tilespmem:s22+$0x0] =	vst.add.f32.msk $0xffff, v5  }
0x537: {  	[tilespmem:s23+$0x0] =	vst.add.f32.msk $0xffff, v3  }
0x538: {  	s24 =	sor.u32 $0x20, s3;
	v5 =	vshll.u32 v4, $0x10;
	v3 =	vld [tilespmem:s13+$0x40]  }
0x539: {  	s9 =	sor.u32 $0x30, s3;
	v4 =	vand.u32 $0xFFFF0000, v4;
	[tilespmem:s24+$0x0] =	vst.add.f32.msk $0xffff, v5  }
0x53a: {  	[tilespmem:s9+$0x0] =	vst.add.f32.msk $0xffff, v4  }
0x53b: {  	v4 =	vld [tilespmem:s2+$0x20];
	_ =	sdelay $0x1  }
0x53c: {  	v5 =	vshll.u32 v3, $0x10  }
0x53d: {  	v3 =	vand.u32 $0xFFFF0000, v3;
	[tilespmem:s15+$0x400] =	vst.add.f32.msk $0xffff, v5  }
0x53e: {  	[tilespmem:s15+$0x410] =	vst.add.f32.msk $0xffff, v3  }
0x53f: {  	s25 =	sor.u32 $0x40, s3;
	v5 =	vshll.u32 v4, $0x10;
	v3 =	vld [tilespmem:s13+$0x50]  }
0x540: {  	s26 =	sor.u32 $0x50, s3;
	v4 =	vand.u32 $0xFFFF0000, v4;
	[tilespmem:s25+$0x0] =	vst.add.f32.msk $0xffff, v5  }
0x541: {  	[tilespmem:s26+$0x0] =	vst.add.f32.msk $0xffff, v4  }
0x542: {  	v4 =	vld [tilespmem:s2+$0x30];
	_ =	sdelay $0x1  }
0x543: {  	v5 =	vshll.u32 v3, $0x10  }
0x544: {  	v3 =	vand.u32 $0xFFFF0000, v3;
	[tilespmem:s15+$0x420] =	vst.add.f32.msk $0xffff, v5  }
0x545: {  	[tilespmem:s15+$0x430] =	vst.add.f32.msk $0xffff, v3  }
0x546: {  	s29 =	sor.u32 $0x60, s3;
	v3 =	vld [tilespmem:s13+$0x60];
	v5 =	vshll.u32 v4, $0x10  }
0x547: {  	s30 =	sor.u32 $0x70, s3;
	v4 =	vand.u32 $0xFFFF0000, v4;
	[tilespmem:s29+$0x0] =	vst.add.f32.msk $0xffff, v5  }
0x548: {  	[tilespmem:s30+$0x0] =	vst.add.f32.msk $0xffff, v4  }
0x549: {  	v4 =	vld [tilespmem:s2+$0x40];
	_ =	sdelay $0x1  }
0x54a: {  	v5 =	vshll.u32 v3, $0x10  }
0x54b: {  	v3 =	vand.u32 $0xFFFF0000, v3;
	[tilespmem:s15+$0x440] =	vst.add.f32.msk $0xffff, v5  }
0x54c: {  	[tilespmem:s15+$0x450] =	vst.add.f32.msk $0xffff, v3  }
0x54d: {  	v3 =	vld [tilespmem:s13+$0x70];
	v5 =	vshll.u32 v4, $0x10  }
0x54e: {  	v4 =	vand.u32 $0xFFFF0000, v4;
	[tilespmem:s3+$0x400] =	vst.add.f32.msk $0xffff, v5  }
0x54f: {  	[tilespmem:s3+$0x410] =	vst.add.f32.msk $0xffff, v4  }
0x550: {  	v4 =	vld [tilespmem:s2+$0x50];
	_ =	sdelay $0x1  }
0x551: {  	v5 =	vshll.u32 v3, $0x10  }
0x552: {  	s9 =	sadd.s32 $0x18600, s0;
	v3 =	vand.u32 $0xFFFF0000, v3;
	[tilespmem:s15+$0x460] =	vst.add.f32.msk $0xffff, v5  }
0x553: {  	s11 =	sadd.s32 s4, s9;
	[tilespmem:s15+$0x470] =	vst.add.f32.msk $0xffff, v3  }
0x554: {  	v3 =	vld [tilespmem:s11+$0x0];
	v5 =	vshll.u32 v4, $0x10  }
0x555: {  	v4 =	vand.u32 $0xFFFF0000, v4;
	[tilespmem:s3+$0x420] =	vst.add.f32.msk $0xffff, v5  }
0x556: {  	[tilespmem:s3+$0x430] =	vst.add.f32.msk $0xffff, v4  }
0x557: {  	v4 =	vld [tilespmem:s2+$0x60]  }
0x558: {  	s15 =	sadd.s32 $0xA00, s7  }
0x559: {  	s16 =	sadd.s32 s4, s15;
	v5 =	vshll.u32 v3, $0x10  }
0x55a: {  	s17 =	sor.u32 $0x10, s16;
	v3 =	vand.u32 $0xFFFF0000, v3;
	[tilespmem:s16+$0x0] =	vst.add.f32.msk $0xffff, v5  }
0x55b: {  	[tilespmem:s17+$0x0] =	vst.add.f32.msk $0xffff, v3  }
0x55c: {  	v3 =	vld [tilespmem:s11+$0x10];
	v5 =	vshll.u32 v4, $0x10  }
0x55d: {  	v4 =	vand.u32 $0xFFFF0000, v4;
	[tilespmem:s3+$0x440] =	vst.add.f32.msk $0xffff, v5  }
0x55e: {  	[tilespmem:s3+$0x450] =	vst.add.f32.msk $0xffff, v4  }
0x55f: {  	v4 =	vld [tilespmem:s2+$0x70];
	_ =	sdelay $0x1  }
0x560: {  	s18 =	sor.u32 $0x20, s16;
	v5 =	vshll.u32 v3, $0x10  }
0x561: {  	s19 =	sor.u32 $0x30, s16;
	v3 =	vand.u32 $0xFFFF0000, v3;
	[tilespmem:s18+$0x0] =	vst.add.f32.msk $0xffff, v5  }
0x562: {  	[tilespmem:s19+$0x0] =	vst.add.f32.msk $0xffff, v3  }
0x563: {  	v5 =	vshll.u32 v4, $0x10;
	v3 =	vld [tilespmem:s11+$0x20]  }
0x564: {  	v4 =	vand.u32 $0xFFFF0000, v4;
	[tilespmem:s3+$0x460] =	vst.add.f32.msk $0xffff, v5  }
0x565: {  	s2 =	sadd.s32 s5, s9;
	[tilespmem:s3+$0x470] =	vst.add.f32.msk $0xffff, v4  }
0x566: {  	v4 =	vld [tilespmem:s2+$0x0];
	_ =	sdelay $0x1  }
0x567: {  	s20 =	sor.u32 $0x40, s16;
	v5 =	vshll.u32 v3, $0x10  }
0x568: {  	s21 =	sor.u32 $0x50, s16;
	v3 =	vand.u32 $0xFFFF0000, v3;
	[tilespmem:s20+$0x0] =	vst.add.f32.msk $0xffff, v5  }
0x569: {  	[tilespmem:s21+$0x0] =	vst.add.f32.msk $0xffff, v3  }
0x56a: {  	s22 =	sadd.s32 s5, s15;
	v5 =	vshll.u32 v4, $0x10;
	v3 =	vld [tilespmem:s11+$0x30]  }
0x56b: {  	s23 =	sor.u32 $0x10, s22;
	v4 =	vand.u32 $0xFFFF0000, v4;
	[tilespmem:s22+$0x0] =	vst.add.f32.msk $0xffff, v5  }
0x56c: {  	[tilespmem:s23+$0x0] =	vst.add.f32.msk $0xffff, v4  }
0x56d: {  	v4 =	vld [tilespmem:s2+$0x10];
	_ =	sdelay $0x1  }
0x56e: {  	s24 =	sor.u32 $0x60, s16;
	v5 =	vshll.u32 v3, $0x10  }
0x56f: {  	s25 =	sor.u32 $0x70, s16;
	v3 =	vand.u32 $0xFFFF0000, v3;
	[tilespmem:s24+$0x0] =	vst.add.f32.msk $0xffff, v5  }
0x570: {  	[tilespmem:s25+$0x0] =	vst.add.f32.msk $0xffff, v3  }
0x571: {  	s26 =	sor.u32 $0x20, s22;
	v5 =	vshll.u32 v4, $0x10;
	v3 =	vld [tilespmem:s11+$0x40]  }
0x572: {  	s8 =	sor.u32 $0x30, s22;
	v4 =	vand.u32 $0xFFFF0000, v4;
	[tilespmem:s26+$0x0] =	vst.add.f32.msk $0xffff, v5  }
0x573: {  	[tilespmem:s8+$0x0] =	vst.add.f32.msk $0xffff, v4  }
0x574: {  	v4 =	vld [tilespmem:s2+$0x20]  }
0x575: {  	s29 =	sadd.s32 $0xE00, s7  }
0x576: {  	s30 =	sadd.s32 s4, s29;
	v5 =	vshll.u32 v3, $0x10  }
0x577: {  	s12 =	sor.u32 $0x10, s30;
	v3 =	vand.u32 $0xFFFF0000, v3;
	[tilespmem:s30+$0x0] =	vst.add.f32.msk $0xffff, v5  }
0x578: {  	[tilespmem:s12+$0x0] =	vst.add.f32.msk $0xffff, v3  }
0x579: {  	s13 =	sor.u32 $0x40, s22;
	v5 =	vshll.u32 v4, $0x10;
	v3 =	vld [tilespmem:s11+$0x50]  }
0x57a: {  	s14 =	sor.u32 $0x50, s22;
	v4 =	vand.u32 $0xFFFF0000, v4;
	[tilespmem:s13+$0x0] =	vst.add.f32.msk $0xffff, v5  }
0x57b: {  	[tilespmem:s14+$0x0] =	vst.add.f32.msk $0xffff, v4  }
0x57c: {  	v4 =	vld [tilespmem:s2+$0x30];
	_ =	sdelay $0x1  }
0x57d: {  	s15 =	sor.u32 $0x20, s30;
	v5 =	vshll.u32 v3, $0x10  }
0x57e: {  	s16 =	sor.u32 $0x30, s30;
	v3 =	vand.u32 $0xFFFF0000, v3;
	[tilespmem:s15+$0x0] =	vst.add.f32.msk $0xffff, v5  }
0x57f: {  	[tilespmem:s16+$0x0] =	vst.add.f32.msk $0xffff, v3  }
0x580: {  	s17 =	sor.u32 $0x60, s22;
	v5 =	vshll.u32 v4, $0x10;
	v3 =	vld [tilespmem:s11+$0x60]  }
0x581: {  	s3 =	sor.u32 $0x70, s22;
	v4 =	vand.u32 $0xFFFF0000, v4;
	[tilespmem:s17+$0x0] =	vst.add.f32.msk $0xffff, v5  }
0x582: {  	[tilespmem:s3+$0x0] =	vst.add.f32.msk $0xffff, v4  }
0x583: {  	v4 =	vld [tilespmem:s2+$0x40];
	_ =	sdelay $0x1  }
0x584: {  	s18 =	sor.u32 $0x40, s30;
	v5 =	vshll.u32 v3, $0x10  }
0x585: {  	s19 =	sor.u32 $0x50, s30;
	v3 =	vand.u32 $0xFFFF0000, v3;
	[tilespmem:s18+$0x0] =	vst.add.f32.msk $0xffff, v5  }
0x586: {  	[tilespmem:s19+$0x0] =	vst.add.f32.msk $0xffff, v3  }
0x587: {  	s3 =	sadd.s32 s5, s29;
	v5 =	vshll.u32 v4, $0x10;
	v3 =	vld [tilespmem:s11+$0x70]  }
0x588: {  	s20 =	sor.u32 $0x10, s3;
	v4 =	vand.u32 $0xFFFF0000, v4;
	[tilespmem:s3+$0x0] =	vst.add.f32.msk $0xffff, v5  }
0x589: {  	[tilespmem:s20+$0x0] =	vst.add.f32.msk $0xffff, v4  }
0x58a: {  	v4 =	vld [tilespmem:s2+$0x50];
	_ =	sdelay $0x1  }
0x58b: {  	s21 =	sor.u32 $0x60, s30;
	v5 =	vshll.u32 v3, $0x10  }
0x58c: {  	s22 =	sor.u32 $0x70, s30;
	s11 =	sadd.s32 $0x18A00, s0;
	v3 =	vand.u32 $0xFFFF0000, v3;
	[tilespmem:s21+$0x0] =	vst.add.f32.msk $0xffff, v5  }
0x58d: {  	s1 =	sadd.s32 s4, s11;
	[tilespmem:s22+$0x0] =	vst.add.f32.msk $0xffff, v3  }
0x58e: {  	s23 =	sor.u32 $0x20, s3;
	v5 =	vshll.u32 v4, $0x10;
	v3 =	vld [tilespmem:s1+$0x0]  }
0x58f: {  	s6 =	sor.u32 $0x30, s3;
	v4 =	vand.u32 $0xFFFF0000, v4;
	[tilespmem:s23+$0x0] =	vst.add.f32.msk $0xffff, v5  }
0x590: {  	[tilespmem:s6+$0x0] =	vst.add.f32.msk $0xffff, v4  }
0x591: {  	v4 =	vld [tilespmem:s2+$0x60]  }
0x592: {  	s10 =	sadd.s32 $0x1200, s7;
	s24 =	simm.s32 $0x0  }
0x593: {  	s26 =	smul.u32 $0x3000, s24;
	s14 =	sadd.s32 s4, s10;
	v5 =	vshll.u32 v3, $0x10  }
0x594: {  	s25 =	sor.u32 $0x10, s14;
	s17 =	simm.s32 $0x100;
	v3 =	vand.u32 $0xFFFF0000, v3;
	[tilespmem:s14+$0x0] =	vst.add.f32.msk $0xffff, v5  }
0x595: {  	s31 =	sand.u32 $0x300, s17;
	s6 =	sshra.s32 s26, $0x2;
	[tilespmem:s25+$0x0] =	vst.add.f32.msk $0xffff, v3  }
0x596: {  	s29 =	sor.u32 $0x40, s3;
	s0 =	sor.u32 $0x80, s31;
	s30 =	sadd.s32 $0x18200, s6;
	v5 =	vshll.u32 v4, $0x10;
	v3 =	vld [tilespmem:s1+$0x10]  }
0x597: {  	s12 =	sadd.s32 s0, s30;
	[tilespmem:s29+$0x0] =	vst.add.f32.msk $0xffff, v5  }
0x598: {  	v5 =	vld [tilespmem:s12+$0x0]  }
0x599: {  	s8 =	smul.u32 $0x6000, s24;
	s16 =	sor.u32 $0x50, s3;
	v4 =	vand.u32 $0xFFFF0000, v4  }
0x59a: {  	[tilespmem:s16+$0x0] =	vst.add.f32.msk $0xffff, v4  }
0x59b: {  	s18 =	sor.u32 $0x20, s14;
	v4 =	vld [tilespmem:s2+$0x70];
	s2 =	sshra.s32 s8, $0x2;
	v6 =	vshll.u32 v3, $0x10  }
0x59c: {  	s19 =	sor.u32 $0x30, s14;
	s20 =	sor.u32 $0x200, s2;
	v3 =	vand.u32 $0xFFFF0000, v3;
	[tilespmem:s18+$0x0] =	vst.add.f32.msk $0xffff, v6  }
0x59d: {  	s13 =	sadd.s32 s0, s20;
	v6 =	vshll.u32 v5, $0x10;
	[tilespmem:s19+$0x0] =	vst.add.f32.msk $0xffff, v3  }
0x59e: {  	[tilespmem:s13+$0x0] =	vst.add.f32.msk $0xffff, v6  }
0x59f: {  	s21 =	sor.u32 $0x10, s13;
	v5 =	vand.u32 $0xFFFF0000, v5;
	v3 =	vld [tilespmem:s1+$0x20]  }
0x5a0: {  	[tilespmem:s21+$0x0] =	vst.add.f32.msk $0xffff, v5  }
0x5a1: {  	v5 =	vld [tilespmem:s12+$0x10]  }
0x5a2: {  	s8 =	sadd.s32 s31, s30  }
0x5a3: {  	s22 =	sor.u32 $0x60, s3;
	v7 =	vld [tilespmem:s8+$0x0];
	v6 =	vshll.u32 v4, $0x10  }
0x5a4: {  	s23 =	sor.u32 $0x40, s14;
	[tilespmem:s22+$0x0] =	vst.add.f32.msk $0xffff, v6;
	v6 =	vshll.u32 v3, $0x10  }
0x5a5: {  	s24 =	sor.u32 $0x50, s14;
	v3 =	vand.u32 $0xFFFF0000, v3;
	[tilespmem:s23+$0x0] =	vst.add.f32.msk $0xffff, v6  }
0x5a6: {  	s25 =	sor.u32 $0x20, s13;
	v6 =	vshll.u32 v5, $0x10;
	[tilespmem:s24+$0x0] =	vst.add.f32.msk $0xffff, v3  }
0x5a7: {  	[tilespmem:s25+$0x0] =	vst.add.f32.msk $0xffff, v6  }
0x5a8: {  	s26 =	sor.u32 $0x30, s13;
	v5 =	vand.u32 $0xFFFF0000, v5;
	v3 =	vld [tilespmem:s1+$0x30]  }
0x5a9: {  	[tilespmem:s26+$0x0] =	vst.add.f32.msk $0xffff, v5  }
0x5aa: {  	v6 =	vld [tilespmem:s12+$0x20];
	_ =	sdelay $0x1  }
0x5ab: {  	s9 =	sadd.s32 s31, s20;
	v5 =	vshll.u32 v7, $0x10  }
0x5ac: {  	s30 =	sor.u32 $0x60, s14;
	[tilespmem:s9+$0x0] =	vst.add.f32.msk $0xffff, v5;
	v5 =	vshll.u32 v3, $0x10  }
0x5ad: {  	s14 =	sor.u32 $0x70, s14;
	v3 =	vand.u32 $0xFFFF0000, v3;
	[tilespmem:s30+$0x0] =	vst.add.f32.msk $0xffff, v5  }
0x5ae: {  	s16 =	sor.u32 $0x40, s13;
	v5 =	vshll.u32 v6, $0x10;
	[tilespmem:s14+$0x0] =	vst.add.f32.msk $0xffff, v3  }
0x5af: {  	[tilespmem:s16+$0x0] =	vst.add.f32.msk $0xffff, v5  }
0x5b0: {  	s18 =	sor.u32 $0x50, s13;
	v6 =	vand.u32 $0xFFFF0000, v6;
	v3 =	vld [tilespmem:s1+$0x40]  }
0x5b1: {  	[tilespmem:s18+$0x0] =	vst.add.f32.msk $0xffff, v6  }
0x5b2: {  	s19 =	sor.u32 $0x70, s3;
	v4 =	vand.u32 $0xFFFF0000, v4;
	v5 =	vld [tilespmem:s12+$0x30]  }
0x5b3: {  	s29 =	sor.u32 $0x10, s9;
	[tilespmem:s19+$0x0] =	vst.add.f32.msk $0xffff, v4;
	v7 =	vand.u32 $0xFFFF0000, v7  }
0x5b4: {  	s3 =	sadd.s32 $0x1600, s7;
	[tilespmem:s29+$0x0] =	vst.add.f32.msk $0xffff, v7  }
0x5b5: {  	s4 =	sadd.s32 s4, s3;
	v6 =	vld [tilespmem:s8+$0x10];
	v4 =	vshll.u32 v3, $0x10  }
0x5b6: {  	s20 =	sor.u32 $0x10, s4;
	v3 =	vand.u32 $0xFFFF0000, v3;
	[tilespmem:s4+$0x0] =	vst.add.f32.msk $0xffff, v4  }
0x5b7: {  	s21 =	sor.u32 $0x60, s13;
	v4 =	vshll.u32 v5, $0x10;
	[tilespmem:s20+$0x0] =	vst.add.f32.msk $0xffff, v3  }
0x5b8: {  	[tilespmem:s21+$0x0] =	vst.add.f32.msk $0xffff, v4  }
0x5b9: {  	s22 =	sor.u32 $0x70, s13;
	v5 =	vand.u32 $0xFFFF0000, v5;
	v3 =	vld [tilespmem:s1+$0x50]  }
0x5ba: {  	[tilespmem:s22+$0x0] =	vst.add.f32.msk $0xffff, v5  }
0x5bb: {  	s23 =	sor.u32 $0x20, s9;
	v4 =	vshll.u32 v6, $0x10;
	v5 =	vld [tilespmem:s12+$0x40]  }
0x5bc: {  	s24 =	sor.u32 $0x30, s9;
	v6 =	vand.u32 $0xFFFF0000, v6;
	[tilespmem:s23+$0x0] =	vst.add.f32.msk $0xffff, v4  }
0x5bd: {  	[tilespmem:s24+$0x0] =	vst.add.f32.msk $0xffff, v6  }
0x5be: {  	s25 =	sor.u32 $0x20, s4;
	v6 =	vld [tilespmem:s8+$0x20];
	v4 =	vshll.u32 v3, $0x10  }
0x5bf: {  	s26 =	sor.u32 $0x30, s4;
	v3 =	vand.u32 $0xFFFF0000, v3;
	[tilespmem:s25+$0x0] =	vst.add.f32.msk $0xffff, v4  }
0x5c0: {  	v4 =	vand.u32 $0xFFFF0000, v5;
	[tilespmem:s26+$0x0] =	vst.add.f32.msk $0xffff, v3  }
0x5c1: {  	v3 =	vshll.u32 v5, $0x10;
	[tilespmem:s13+$0x410] =	vst.add.f32.msk $0xffff, v4  }
0x5c2: {  	[tilespmem:s13+$0x400] =	vst.add.f32.msk $0xffff, v3  }
0x5c3: {  	s29 =	sor.u32 $0x40, s9;
	v4 =	vshll.u32 v6, $0x10;
	v3 =	vld [tilespmem:s12+$0x50]  }
0x5c4: {  	s30 =	sor.u32 $0x50, s9;
	v5 =	vand.u32 $0xFFFF0000, v6;
	[tilespmem:s29+$0x0] =	vst.add.f32.msk $0xffff, v4  }
0x5c5: {  	[tilespmem:s30+$0x0] =	vst.add.f32.msk $0xffff, v5  }
0x5c6: {  	s18 =	sadd.s32 s5, s11;
	v4 =	vld [tilespmem:s8+$0x30]  }
0x5c7: {  	v6 =	vld [tilespmem:s18+$0x0]  }
0x5c8: {  	v5 =	vld [tilespmem:s1+$0x60];
	v7 =	vshll.u32 v3, $0x10  }
0x5c9: {  	v3 =	vand.u32 $0xFFFF0000, v3;
	[tilespmem:s13+$0x420] =	vst.add.f32.msk $0xffff, v7  }
0x5ca: {  	[tilespmem:s13+$0x430] =	vst.add.f32.msk $0xffff, v3  }
0x5cb: {  	s11 =	sor.u32 $0x60, s9;
	v3 =	vshll.u32 v4, $0x10;
	v7 =	vld [tilespmem:s12+$0x60]  }
0x5cc: {  	s14 =	sor.u32 $0x70, s9;
	v4 =	vand.u32 $0xFFFF0000, v4;
	[tilespmem:s11+$0x0] =	vst.add.f32.msk $0xffff, v3  }
0x5cd: {  	[tilespmem:s14+$0x0] =	vst.add.f32.msk $0xffff, v4  }
0x5ce: {  	s15 =	sor.u32 $0x40, s4;
	v3 =	vshll.u32 v5, $0x10;
	v4 =	vld [tilespmem:s8+$0x40]  }
0x5cf: {  	s10 =	sadd.s32 s5, s10;
	[tilespmem:s15+$0x0] =	vst.add.f32.msk $0xffff, v3;
	v3 =	vshll.u32 v6, $0x10  }
0x5d0: {  	[tilespmem:s10+$0x0] =	vst.add.f32.msk $0xffff, v3;
	v3 =	vshll.u32 v7, $0x10  }
0x5d1: {  	v7 =	vand.u32 $0xFFFF0000, v7;
	[tilespmem:s13+$0x440] =	vst.add.f32.msk $0xffff, v3  }
0x5d2: {  	[tilespmem:s13+$0x450] =	vst.add.f32.msk $0xffff, v7  }
0x5d3: {  	v3 =	vshll.u32 v4, $0x10;
	v7 =	vld [tilespmem:s12+$0x70]  }
0x5d4: {  	v4 =	vand.u32 $0xFFFF0000, v4;
	[tilespmem:s9+$0x400] =	vst.add.f32.msk $0xffff, v3  }
0x5d5: {  	[tilespmem:s9+$0x410] =	vst.add.f32.msk $0xffff, v4  }
0x5d6: {  	s16 =	sor.u32 $0x10, s10;
	v3 =	vand.u32 $0xFFFF0000, v6;
	v4 =	vld [tilespmem:s8+$0x50]  }
0x5d7: {  	[tilespmem:s16+$0x0] =	vst.add.f32.msk $0xffff, v3  }
0x5d8: {  	v3 =	vld [tilespmem:s18+$0x10];
	v6 =	vshll.u32 v7, $0x10  }
0x5d9: {  	s19 =	sadd.s32 $0x18600, s6;
	v7 =	vand.u32 $0xFFFF0000, v7;
	[tilespmem:s13+$0x460] =	vst.add.f32.msk $0xffff, v6  }
0x5da: {  	s7 =	sadd.s32 s0, s19;
	[tilespmem:s13+$0x470] =	vst.add.f32.msk $0xffff, v7  }
0x5db: {  	v6 =	vshll.u32 v4, $0x10;
	v7 =	vld [tilespmem:s7+$0x0]  }
0x5dc: {  	v4 =	vand.u32 $0xFFFF0000, v4;
	[tilespmem:s9+$0x420] =	vst.add.f32.msk $0xffff, v6  }
0x5dd: {  	[tilespmem:s9+$0x430] =	vst.add.f32.msk $0xffff, v4  }
0x5de: {  	s20 =	sor.u32 $0x50, s4;
	v4 =	vand.u32 $0xFFFF0000, v5;
	v5 =	vld [tilespmem:s8+$0x60]  }
0x5df: {  	s21 =	sor.u32 $0x20, s10;
	s22 =	sadd.s32 $0xA00, s2;
	[tilespmem:s20+$0x0] =	vst.add.f32.msk $0xffff, v4;
	v4 =	vshll.u32 v3, $0x10  }
0x5e0: {  	s23 =	sadd.s32 s0, s22;
	[tilespmem:s21+$0x0] =	vst.add.f32.msk $0xffff, v4;
	v4 =	vshll.u32 v7, $0x10  }
0x5e1: {  	s24 =	sor.u32 $0x10, s23;
	v6 =	vand.u32 $0xFFFF0000, v7;
	[tilespmem:s23+$0x0] =	vst.add.f32.msk $0xffff, v4  }
0x5e2: {  	[tilespmem:s24+$0x0] =	vst.add.f32.msk $0xffff, v6  }
0x5e3: {  	v4 =	vshll.u32 v5, $0x10;
	v6 =	vld [tilespmem:s7+$0x10]  }
0x5e4: {  	v5 =	vand.u32 $0xFFFF0000, v5;
	[tilespmem:s9+$0x440] =	vst.add.f32.msk $0xffff, v4  }
0x5e5: {  	[tilespmem:s9+$0x450] =	vst.add.f32.msk $0xffff, v5  }
0x5e6: {  	s25 =	sor.u32 $0x30, s10;
	v3 =	vand.u32 $0xFFFF0000, v3;
	v4 =	vld [tilespmem:s8+$0x70]  }
0x5e7: {  	[tilespmem:s25+$0x0] =	vst.add.f32.msk $0xffff, v3  }
0x5e8: {  	s26 =	sor.u32 $0x20, s23;
	v3 =	vld [tilespmem:s18+$0x20];
	v5 =	vshll.u32 v6, $0x10  }
0x5e9: {  	s29 =	sor.u32 $0x30, s23;
	v6 =	vand.u32 $0xFFFF0000, v6;
	[tilespmem:s26+$0x0] =	vst.add.f32.msk $0xffff, v5  }
0x5ea: {  	[tilespmem:s29+$0x0] =	vst.add.f32.msk $0xffff, v6  }
0x5eb: {  	v5 =	vshll.u32 v4, $0x10;
	v6 =	vld [tilespmem:s7+$0x20]  }
0x5ec: {  	v4 =	vand.u32 $0xFFFF0000, v4;
	[tilespmem:s9+$0x460] =	vst.add.f32.msk $0xffff, v5  }
0x5ed: {  	s11 =	sadd.s32 s31, s19;
	[tilespmem:s9+$0x470] =	vst.add.f32.msk $0xffff, v4  }
0x5ee: {  	s30 =	sor.u32 $0x40, s10;
	v7 =	vshll.u32 v3, $0x10;
	v4 =	vld [tilespmem:s11+$0x0]  }
0x5ef: {  	[tilespmem:s30+$0x0] =	vst.add.f32.msk $0xffff, v7  }
0x5f0: {  	s8 =	sor.u32 $0x40, s23;
	v5 =	vld [tilespmem:s1+$0x70];
	v7 =	vshll.u32 v6, $0x10  }
0x5f1: {  	s9 =	sor.u32 $0x50, s23;
	v6 =	vand.u32 $0xFFFF0000, v6;
	[tilespmem:s8+$0x0] =	vst.add.f32.msk $0xffff, v7  }
0x5f2: {  	[tilespmem:s9+$0x0] =	vst.add.f32.msk $0xffff, v6  }
0x5f3: {  	s1 =	sadd.s32 s31, s22;
	v6 =	vshll.u32 v4, $0x10;
	v7 =	vld [tilespmem:s7+$0x30]  }
0x5f4: {  	s12 =	sor.u32 $0x10, s1;
	v4 =	vand.u32 $0xFFFF0000, v4;
	[tilespmem:s1+$0x0] =	vst.add.f32.msk $0xffff, v6  }
0x5f5: {  	[tilespmem:s12+$0x0] =	vst.add.f32.msk $0xffff, v4  }
0x5f6: {  	s14 =	sor.u32 $0x50, s10;
	v3 =	vand.u32 $0xFFFF0000, v3;
	v4 =	vld [tilespmem:s11+$0x10]  }
0x5f7: {  	[tilespmem:s14+$0x0] =	vst.add.f32.msk $0xffff, v3  }
0x5f8: {  	s15 =	sor.u32 $0x60, s23;
	v3 =	vld [tilespmem:s18+$0x30];
	v6 =	vshll.u32 v7, $0x10  }
0x5f9: {  	s16 =	sor.u32 $0x70, s23;
	v7 =	vand.u32 $0xFFFF0000, v7;
	[tilespmem:s15+$0x0] =	vst.add.f32.msk $0xffff, v6  }
0x5fa: {  	[tilespmem:s16+$0x0] =	vst.add.f32.msk $0xffff, v7  }
0x5fb: {  	s19 =	sor.u32 $0x20, s1;
	v6 =	vshll.u32 v4, $0x10;
	v7 =	vld [tilespmem:s7+$0x40]  }
0x5fc: {  	s20 =	sor.u32 $0x30, s1;
	v4 =	vand.u32 $0xFFFF0000, v4;
	[tilespmem:s19+$0x0] =	vst.add.f32.msk $0xffff, v6  }
0x5fd: {  	[tilespmem:s20+$0x0] =	vst.add.f32.msk $0xffff, v4  }
0x5fe: {  	s21 =	sor.u32 $0x60, s4;
	v4 =	vshll.u32 v5, $0x10;
	v6 =	vld [tilespmem:s11+$0x20]  }
0x5ff: {  	s22 =	sor.u32 $0x60, s10;
	s23 =	sadd.s32 $0xE00, s2;
	[tilespmem:s21+$0x0] =	vst.add.f32.msk $0xffff, v4;
	v4 =	vshll.u32 v3, $0x10  }
0x600: {  	s24 =	sadd.s32 s0, s23;
	[tilespmem:s22+$0x0] =	vst.add.f32.msk $0xffff, v4;
	v4 =	vshll.u32 v7, $0x10  }
0x601: {  	s25 =	sor.u32 $0x10, s24;
	v7 =	vand.u32 $0xFFFF0000, v7;
	[tilespmem:s24+$0x0] =	vst.add.f32.msk $0xffff, v4  }
0x602: {  	[tilespmem:s25+$0x0] =	vst.add.f32.msk $0xffff, v7  }
0x603: {  	s26 =	sor.u32 $0x40, s1;
	v4 =	vshll.u32 v6, $0x10;
	v7 =	vld [tilespmem:s7+$0x50]  }
0x604: {  	s29 =	sor.u32 $0x50, s1;
	v6 =	vand.u32 $0xFFFF0000, v6;
	[tilespmem:s26+$0x0] =	vst.add.f32.msk $0xffff, v4  }
0x605: {  	[tilespmem:s29+$0x0] =	vst.add.f32.msk $0xffff, v6  }
0x606: {  	s10 =	sor.u32 $0x70, s10;
	v3 =	vand.u32 $0xFFFF0000, v3;
	v4 =	vld [tilespmem:s11+$0x30]  }
0x607: {  	[tilespmem:s10+$0x0] =	vst.add.f32.msk $0xffff, v3  }
0x608: {  	s30 =	sor.u32 $0x20, s24;
	v3 =	vld [tilespmem:s18+$0x40];
	v6 =	vshll.u32 v7, $0x10  }
0x609: {  	s12 =	sor.u32 $0x30, s24;
	v7 =	vand.u32 $0xFFFF0000, v7;
	[tilespmem:s30+$0x0] =	vst.add.f32.msk $0xffff, v6  }
0x60a: {  	[tilespmem:s12+$0x0] =	vst.add.f32.msk $0xffff, v7  }
0x60b: {  	s13 =	sor.u32 $0x60, s1;
	v6 =	vshll.u32 v4, $0x10;
	v7 =	vld [tilespmem:s7+$0x60]  }
0x60c: {  	s1 =	sor.u32 $0x70, s1;
	v4 =	vand.u32 $0xFFFF0000, v4;
	[tilespmem:s13+$0x0] =	vst.add.f32.msk $0xffff, v6  }
0x60d: {  	[tilespmem:s1+$0x0] =	vst.add.f32.msk $0xffff, v4  }
0x60e: {  	s14 =	sor.u32 $0x70, s4;
	v4 =	vand.u32 $0xFFFF0000, v5;
	v5 =	vld [tilespmem:s11+$0x40]  }
0x60f: {  	s3 =	sadd.s32 s5, s3;
	[tilespmem:s14+$0x0] =	vst.add.f32.msk $0xffff, v4;
	v4 =	vshll.u32 v3, $0x10  }
0x610: {  	s15 =	sor.u32 $0x40, s24;
	[tilespmem:s3+$0x0] =	vst.add.f32.msk $0xffff, v4;
	v4 =	vshll.u32 v7, $0x10  }
0x611: {  	s16 =	sor.u32 $0x50, s24;
	v6 =	vand.u32 $0xFFFF0000, v7;
	[tilespmem:s15+$0x0] =	vst.add.f32.msk $0xffff, v4  }
0x612: {  	[tilespmem:s16+$0x0] =	vst.add.f32.msk $0xffff, v6  }
0x613: {  	s19 =	sadd.s32 s31, s23;
	v4 =	vshll.u32 v5, $0x10;
	v6 =	vld [tilespmem:s7+$0x70]  }
0x614: {  	s20 =	sor.u32 $0x10, s19;
	v5 =	vand.u32 $0xFFFF0000, v5;
	[tilespmem:s19+$0x0] =	vst.add.f32.msk $0xffff, v4  }
0x615: {  	[tilespmem:s20+$0x0] =	vst.add.f32.msk $0xffff, v5  }
0x616: {  	s21 =	sor.u32 $0x10, s3;
	v3 =	vand.u32 $0xFFFF0000, v3;
	v4 =	vld [tilespmem:s11+$0x50]  }
0x617: {  	[tilespmem:s21+$0x0] =	vst.add.f32.msk $0xffff, v3  }
0x618: {  	s22 =	sor.u32 $0x60, s24;
	v5 =	vld [tilespmem:s18+$0x50];
	v3 =	vshll.u32 v6, $0x10  }
0x619: {  	s6 =	sadd.s32 $0x18A00, s6;
	s23 =	sor.u32 $0x70, s24;
	v6 =	vand.u32 $0xFFFF0000, v6;
	[tilespmem:s22+$0x0] =	vst.add.f32.msk $0xffff, v3  }
0x61a: {  	s14 =	sadd.s32 s0, s6;
	[tilespmem:s23+$0x0] =	vst.add.f32.msk $0xffff, v6  }
0x61b: {  	s28 =	sor.u32 $0x50, s3;
	s24 =	sor.u32 $0x20, s19;
	v6 =	vshll.u32 v4, $0x10;
	v3 =	vld [tilespmem:s14+$0x0]  }
0x61c: {  	s5 =	simm.s32 $0x2;
	s8 =	sor.u32 $0x30, s19;
	s10 =	sor.u32 $0x70, s3;
	v4 =	vand.u32 $0xFFFF0000, v4;
	[tilespmem:s24+$0x0] =	vst.add.f32.msk $0xffff, v6  }
0x61d: {  	s25 =	sor.u32 $0x20, s3;
	s26 =	sor.u32 $0x40, s3;
	s30 =	sadd.s32 $0x1200, s2;
	[tilespmem:s8+$0x0] =	vst.add.f32.msk $0xffff, v4  }
0x61e: {  	s29 =	sor.u32 $0x30, s3;
	s12 =	sor.u32 $0x40, s19;
	s4 =	sadd.s32 s0, s30;
	v6 =	vshll.u32 v5, $0x10;
	v4 =	vld [tilespmem:s11+$0x60]  }
0x61f: {  	s13 =	sor.u32 $0x60, s19;
	s1 =	sor.u32 $0x50, s19;
	s6 =	sadd.s32 s31, s6;
	v5 =	vand.u32 $0xFFFF0000, v5;
	[tilespmem:s25+$0x0] =	vst.add.f32.msk $0xffff, v6  }
0x620: {  	s15 =	sor.u32 $0x60, s3;
	s8 =	sor.u32 $0x70, s19;
	s25 =	sadd.s32 s31, s30;
	[tilespmem:s29+$0x0] =	vst.add.f32.msk $0xffff, v5;
	v5 =	vshll.u32 v3, $0x10  }
.LBB2_6:
0x621: {  	s5 =	sadd.s32 $0x2, s5;
	v3 =	vand.u32 $0xFFFF0000, v3;
	[tilespmem:s4+$0x0] =	vst.add.f32.msk $0xffff, v5;
	s7 =	sor.u32 $0x10, s4  }
0x622: {  	[dreg:$0x6] =	wrdreg s10;
	s10 =	sshrl.u32 s5, $0x3;
	[tilespmem:s7+$0x0] =	vst.add.f32.msk $0xffff, v3  }
0x623: {  	s19 =	smul.u32 $0x3000, s10;
	v5 =	vld [tilespmem:s14+$0x10];
	v3 =	vshll.u32 v4, $0x10  }
0x624: {  	s16 =	sor.u32 $0x30, s25;
	s20 =	sor.u32 $0x40, s25;
	s17 =	sadd.s32 $0x100, s17;
	v4 =	vand.u32 $0xFFFF0000, v4;
	[tilespmem:s12+$0x0] =	vst.add.f32.msk $0xffff, v3  }
0x625: {  	[smem:$0x7E7] =	sst s16;
	s16 =	sand.u32 $0x300, s17;
	s7 =	sshra.s32 s19, $0x2;
	[tilespmem:s1+$0x0] =	vst.add.f32.msk $0xffff, v4  }
0x626: {  	[smem:$0x7E8] =	sst s20;
	s20 =	sor.u32 $0x80, s16;
	s24 =	sadd.s32 $0x18200, s7;
	v3 =	vld [tilespmem:s11+$0x70]  }
0x627: {  	s11 =	sadd.s32 s20, s24;
	v6 =	vld [tilespmem:s18+$0x60]  }
0x628: {  	s30 =	sor.u32 $0x20, s4;
	v7 =	vld [tilespmem:s11+$0x0];
	v4 =	vshll.u32 v5, $0x10  }
0x629: {  	s10 =	smul.u32 $0x6000, s10;
	s12 =	sor.u32 $0x30, s4;
	v5 =	vand.u32 $0xFFFF0000, v5;
	[tilespmem:s30+$0x0] =	vst.add.f32.msk $0xffff, v4  }
0x62a: {  	s21 =	sor.u32 $0x50, s25;
	[tilespmem:s12+$0x0] =	vst.add.f32.msk $0xffff, v5  }
0x62b: {  	[dreg:$0x1f] =	wrdreg s21;
	s21 =	sshra.s32 s10, $0x2;
	s29 =	sadd.s32 s16, s24;
	v9 =	vld [tilespmem:s14+$0x20]  }
0x62c: {  	s10 =	sor.u32 $0x200, s21;
	v10 =	vld [tilespmem:s29+$0x0];
	v5 =	vshll.u32 v3, $0x10;
	v8 =	vand.u32 $0xFFFF0000, v3  }
0x62d: {  	s19 =	sadd.s32 s20, s10;
	v4 =	vshll.u32 v6, $0x10;
	v3 =	vand.u32 $0xFFFF0000, v6;
	v6 =	vshll.u32 v7, $0x10;
	[tilespmem:s13+$0x0] =	vst.add.f32.msk $0xffff, v5  }
0x62e: {  	v5 =	vand.u32 $0xFFFF0000, v7;
	s13 =	sor.u32 $0x10, s19;
	[tilespmem:s19+$0x0] =	vst.add.f32.msk $0xffff, v6  }
0x62f: {  	[tilespmem:s13+$0x0] =	vst.add.f32.msk $0xffff, v5  }
0x630: {  	s30 =	sor.u32 $0x40, s4;
	v5 =	vld [tilespmem:s11+$0x10];
	v6 =	vshll.u32 v9, $0x10  }
0x631: {  	v9 =	vand.u32 $0xFFFF0000, v9;
	[tilespmem:s30+$0x0] =	vst.add.f32.msk $0xffff, v6;
	s30 =	sor.u32 $0x50, s4  }
0x632: {  	[tilespmem:s30+$0x0] =	vst.add.f32.msk $0xffff, v9  }
0x633: {  	s1 =	sadd.s32 s16, s10;
	v7 =	vshll.u32 v10, $0x10;
	v6 =	vld [tilespmem:s14+$0x30]  }
0x634: {  	s24 =	sor.u32 $0x10, s1;
	v10 =	vand.u32 $0xFFFF0000, v10;
	[tilespmem:s1+$0x0] =	vst.add.f32.msk $0xffff, v7  }
0x635: {  	[tilespmem:s24+$0x0] =	vst.add.f32.msk $0xffff, v10;
	s30 =	sor.u32 $0x20, s19;
	v7 =	vshll.u32 v5, $0x10  }
0x636: {  	v5 =	vand.u32 $0xFFFF0000, v5;
	[tilespmem:s30+$0x0] =	vst.add.f32.msk $0xffff, v7;
	s30 =	sor.u32 $0x30, s19  }
0x637: {  	[tilespmem:s30+$0x0] =	vst.add.f32.msk $0xffff, v5  }
0x638: {  	s30 =	sor.u32 $0x60, s4;
	v5 =	vld [tilespmem:s11+$0x20];
	v7 =	vshll.u32 v6, $0x10  }
0x639: {  	s24 =	sor.u32 $0x70, s4;
	v6 =	vand.u32 $0xFFFF0000, v6;
	[tilespmem:s30+$0x0] =	vst.add.f32.msk $0xffff, v7  }
0x63a: {  	[tilespmem:s24+$0x0] =	vst.add.f32.msk $0xffff, v6  }
0x63b: {  	v6 =	vld [tilespmem:s14+$0x40]  }
0x63c: {  	v7 =	vld [tilespmem:s29+$0x10]  }
0x63d: {  	s30 =	sor.u32 $0x40, s19;
	[tilespmem:s8+$0x0] =	vst.add.f32.msk $0xffff, v8;
	v53 =	vshll.u32 v5, $0x10  }
0x63e: {  	s24 =	sor.u32 $0x50, s19;
	v5 =	vand.u32 $0xFFFF0000, v5;
	[tilespmem:s30+$0x0] =	vst.add.f32.msk $0xffff, v53  }
0x63f: {  	s30 =	sadd.s32 $0x1600, s2;
	[tilespmem:s24+$0x0] =	vst.add.f32.msk $0xffff, v5  }
0x640: {  	s24 =	sadd.s32 s31, s30;
	s30 =	sadd.s32 s0, s30;
	v5 =	vld [tilespmem:s11+$0x30];
	v54 =	vshll.u32 v6, $0x10  }
0x641: {  	s31 =	smov.u32 s16;
	v6 =	vand.u32 $0xFFFF0000, v6;
	s16 =	sor.u32 $0x10, s30;
	[tilespmem:s30+$0x0] =	vst.add.f32.msk $0xffff, v54  }
0x642: {  	s22 =	sor.u32 $0x60, s25;
	s23 =	sor.u32 $0x70, s25;
	[tilespmem:s16+$0x0] =	vst.add.f32.msk $0xffff, v6  }
0x643: {  	[dreg:$0xb] =	wrdreg s23;
	s23 =	smov.u32 s26;
	s26 =	sor.u32 $0x20, s1;
	v55 =	vshll.u32 v7, $0x10;
	v6 =	vld [tilespmem:s14+$0x50]  }
0x644: {  	[dreg:$0xf] =	wrdreg s22;
	s22 =	sor.u32 $0x30, s1;
	v7 =	vand.u32 $0xFFFF0000, v7;
	[tilespmem:s26+$0x0] =	vst.add.f32.msk $0xffff, v55  }
0x645: {  	s26 =	sor.u32 $0x60, s19;
	[tilespmem:s22+$0x0] =	vst.add.f32.msk $0xffff, v7;
	v7 =	vshll.u32 v5, $0x10  }
0x646: {  	s22 =	sor.u32 $0x70, s19;
	v5 =	vand.u32 $0xFFFF0000, v5;
	[tilespmem:s26+$0x0] =	vst.add.f32.msk $0xffff, v7  }
0x647: {  	[tilespmem:s22+$0x0] =	vst.add.f32.msk $0xffff, v5  }
0x648: {  	s26 =	sor.u32 $0x20, s30;
	v5 =	vld [tilespmem:s11+$0x40];
	v7 =	vshll.u32 v6, $0x10  }
0x649: {  	s22 =	sor.u32 $0x30, s30;
	v6 =	vand.u32 $0xFFFF0000, v6;
	[tilespmem:s26+$0x0] =	vst.add.f32.msk $0xffff, v7  }
0x64a: {  	[tilespmem:s22+$0x0] =	vst.add.f32.msk $0xffff, v6  }
0x64b: {  	v6 =	vld [tilespmem:s14+$0x60]  }
0x64c: {  	v9 =	vld [tilespmem:s6+$0x0]  }
0x64d: {  	v7 =	vld [tilespmem:s29+$0x20];
	v56 =	vshll.u32 v5, $0x10  }
0x64e: {  	v5 =	vand.u32 $0xFFFF0000, v5;
	[tilespmem:s19+$0x400] =	vst.add.f32.msk $0xffff, v56  }
0x64f: {  	[tilespmem:s19+$0x410] =	vst.add.f32.msk $0xffff, v5  }
0x650: {  	s26 =	sor.u32 $0x40, s30;
	v5 =	vld [tilespmem:s11+$0x50];
	v57 =	vshll.u32 v6, $0x10  }
0x651: {  	s22 =	sor.u32 $0x50, s30;
	v6 =	vand.u32 $0xFFFF0000, v6;
	[tilespmem:s26+$0x0] =	vst.add.f32.msk $0xffff, v57  }
0x652: {  	[tilespmem:s22+$0x0] =	vst.add.f32.msk $0xffff, v6  }
0x653: {  	s10 =	sor.u32 $0x40, s1;
	v58 =	vshll.u32 v7, $0x10;
	v6 =	vld [tilespmem:s14+$0x70]  }
0x654: {  	[dreg:$0x1b] =	wrdreg s15;
	s15 =	sor.u32 $0x50, s1;
	v7 =	vand.u32 $0xFFFF0000, v7;
	[tilespmem:s10+$0x0] =	vst.add.f32.msk $0xffff, v58  }
0x655: {  	[tilespmem:s15+$0x0] =	vst.add.f32.msk $0xffff, v7  }
0x656: {  	v7 =	vld [tilespmem:s29+$0x30];
	v60 =	vshll.u32 v5, $0x10  }
0x657: {  	v5 =	vand.u32 $0xFFFF0000, v5;
	[tilespmem:s19+$0x420] =	vst.add.f32.msk $0xffff, v60  }
0x658: {  	s26 =	sor.u32 $0x60, s30;
	[tilespmem:s19+$0x430] =	vst.add.f32.msk $0xffff, v5;
	v5 =	vshll.u32 v6, $0x10  }
0x659: {  	s14 =	sor.u32 $0x70, s30;
	v6 =	vand.u32 $0xFFFF0000, v6;
	[tilespmem:s26+$0x0] =	vst.add.f32.msk $0xffff, v5  }
0x65a: {  	[tilespmem:s14+$0x0] =	vst.add.f32.msk $0xffff, v6  }
0x65b: {  	s12 =	sor.u32 $0x60, s1;
	v5 =	vshll.u32 v7, $0x10;
	v6 =	vand.u32 $0xFFFF0000, v7;
	v7 =	vld [tilespmem:s11+$0x60]  }
0x65c: {  	s13 =	sor.u32 $0x70, s1;
	[tilespmem:s12+$0x0] =	vst.add.f32.msk $0xffff, v5  }
0x65d: {  	[tilespmem:s13+$0x0] =	vst.add.f32.msk $0xffff, v6  }
0x65e: {  	v59 =	vshll.u32 v9, $0x10;
	v5 =	vld [tilespmem:s29+$0x40]  }
0x65f: {  	s9 =	sor.u32 $0x10, s25;
	v9 =	vand.u32 $0xFFFF0000, v9;
	[tilespmem:s25+$0x0] =	vst.add.f32.msk $0xffff, v59  }
0x660: {  	[tilespmem:s9+$0x0] =	vst.add.f32.msk $0xffff, v9;
	v6 =	vshll.u32 v7, $0x10  }
0x661: {  	v7 =	vand.u32 $0xFFFF0000, v7;
	[tilespmem:s19+$0x440] =	vst.add.f32.msk $0xffff, v6  }
0x662: {  	[tilespmem:s19+$0x450] =	vst.add.f32.msk $0xffff, v7  }
0x663: {  	v6 =	vshll.u32 v5, $0x10;
	v7 =	vld [tilespmem:s11+$0x70]  }
0x664: {  	v5 =	vand.u32 $0xFFFF0000, v5;
	[tilespmem:s1+$0x400] =	vst.add.f32.msk $0xffff, v6  }
0x665: {  	[tilespmem:s1+$0x410] =	vst.add.f32.msk $0xffff, v5  }
0x666: {  	v5 =	vld [tilespmem:s29+$0x50]  }
0x667: {  	v6 =	vld [tilespmem:s6+$0x10]  }
0x668: {  	s0 =	sor.u32 $0x70, s24;
	[tilespmem:s23+$0x0] =	vst.add.f32.msk $0xffff, v4;
	v61 =	vshll.u32 v7, $0x10  }
0x669: {  	[smem:$0x7E9] =	sst s0;
	s0 =	smov.u32 s20;
	s15 =	sadd.s32 $0x18600, s7;
	v4 =	vand.u32 $0xFFFF0000, v7;
	[tilespmem:s19+$0x460] =	vst.add.f32.msk $0xffff, v61  }
0x66a: {  	s9 =	sadd.s32 s0, s15;
	[tilespmem:s19+$0x470] =	vst.add.f32.msk $0xffff, v4  }
0x66b: {  	s2 =	smov.u32 s21;
	s21 =	sor.u32 $0x30, s24;
	v4 =	vshll.u32 v5, $0x10;
	v7 =	vld [tilespmem:s9+$0x0]  }
0x66c: {  	[dreg:$0x17] =	wrdreg s21;
	s21 =	sor.u32 $0x40, s24;
	v5 =	vand.u32 $0xFFFF0000, v5;
	[tilespmem:s1+$0x420] =	vst.add.f32.msk $0xffff, v4  }
0x66d: {  	s26 =	smov.u32 s21;
	s21 =	sld [smem:$0x7E7];
	[tilespmem:s1+$0x430] =	vst.add.f32.msk $0xffff, v5  }
0x66e: {  	s3 =	sor.u32 $0x20, s25;
	v4 =	vshll.u32 v6, $0x10;
	v5 =	vld [tilespmem:s29+$0x60]  }
0x66f: {  	s19 =	sadd.s32 $0xA00, s2;
	v6 =	vand.u32 $0xFFFF0000, v6;
	[tilespmem:s3+$0x0] =	vst.add.f32.msk $0xffff, v4  }
0x670: {  	s20 =	sadd.s32 s31, s19;
	s19 =	sadd.s32 s0, s19;
	[tilespmem:s21+$0x0] =	vst.add.f32.msk $0xffff, v6;
	v4 =	vshll.u32 v7, $0x10  }
0x671: {  	s22 =	sor.u32 $0x10, s19;
	v6 =	vand.u32 $0xFFFF0000, v7;
	[tilespmem:s19+$0x0] =	vst.add.f32.msk $0xffff, v4  }
0x672: {  	[tilespmem:s22+$0x0] =	vst.add.f32.msk $0xffff, v6  }
0x673: {  	v4 =	vshll.u32 v5, $0x10;
	v6 =	vld [tilespmem:s9+$0x10]  }
0x674: {  	v5 =	vand.u32 $0xFFFF0000, v5;
	[tilespmem:s1+$0x440] =	vst.add.f32.msk $0xffff, v4  }
0x675: {  	[tilespmem:s1+$0x450] =	vst.add.f32.msk $0xffff, v5  }
0x676: {  	v4 =	vld [tilespmem:s29+$0x70]  }
0x677: {  	v5 =	vld [tilespmem:s6+$0x20]  }
0x678: {  	s23 =	sor.u32 $0x20, s19;
	[tilespmem:s28+$0x0] =	vst.add.f32.msk $0xffff, v3;
	v7 =	vshll.u32 v6, $0x10  }
0x679: {  	s25 =	sor.u32 $0x30, s19;
	v3 =	vand.u32 $0xFFFF0000, v6;
	[tilespmem:s23+$0x0] =	vst.add.f32.msk $0xffff, v7  }
0x67a: {  	[tilespmem:s25+$0x0] =	vst.add.f32.msk $0xffff, v3  }
0x67b: {  	v3 =	vshll.u32 v4, $0x10;
	v6 =	vld [tilespmem:s9+$0x20]  }
0x67c: {  	s29 =	sld [smem:$0x7E8];
	v4 =	vand.u32 $0xFFFF0000, v4;
	[tilespmem:s1+$0x460] =	vst.add.f32.msk $0xffff, v3  }
0x67d: {  	s11 =	sadd.s32 s31, s15;
	[tilespmem:s1+$0x470] =	vst.add.f32.msk $0xffff, v4  }
0x67e: {  	v3 =	vshll.u32 v5, $0x10;
	v4 =	vld [tilespmem:s11+$0x0]  }
0x67f: {  	s22 =	rddreg [dreg:$0x1f];
	v5 =	vand.u32 $0xFFFF0000, v5;
	[tilespmem:s29+$0x0] =	vst.add.f32.msk $0xffff, v3  }
0x680: {  	s30 =	sor.u32 $0x40, s19;
	[tilespmem:s22+$0x0] =	vst.add.f32.msk $0xffff, v5;
	v3 =	vshll.u32 v6, $0x10  }
0x681: {  	s23 =	sor.u32 $0x50, s19;
	v5 =	vand.u32 $0xFFFF0000, v6;
	[tilespmem:s30+$0x0] =	vst.add.f32.msk $0xffff, v3  }
0x682: {  	[tilespmem:s23+$0x0] =	vst.add.f32.msk $0xffff, v5  }
0x683: {  	v3 =	vshll.u32 v4, $0x10;
	v5 =	vld [tilespmem:s9+$0x30]  }
0x684: {  	s21 =	sor.u32 $0x10, s20;
	v4 =	vand.u32 $0xFFFF0000, v4;
	[tilespmem:s20+$0x0] =	vst.add.f32.msk $0xffff, v3  }
0x685: {  	[tilespmem:s21+$0x0] =	vst.add.f32.msk $0xffff, v4  }
0x686: {  	v3 =	vld [tilespmem:s11+$0x10]  }
0x687: {  	v4 =	vld [tilespmem:s6+$0x30]  }
0x688: {  	s25 =	sor.u32 $0x60, s19;
	v7 =	vld [tilespmem:s18+$0x70];
	v6 =	vshll.u32 v5, $0x10  }
0x689: {  	s29 =	sor.u32 $0x70, s19;
	v5 =	vand.u32 $0xFFFF0000, v5;
	[tilespmem:s25+$0x0] =	vst.add.f32.msk $0xffff, v6  }
0x68a: {  	[tilespmem:s29+$0x0] =	vst.add.f32.msk $0xffff, v5  }
0x68b: {  	s12 =	sor.u32 $0x20, s20;
	v5 =	vshll.u32 v3, $0x10;
	v6 =	vld [tilespmem:s9+$0x40]  }
0x68c: {  	s8 =	sor.u32 $0x20, s24;
	s13 =	sor.u32 $0x30, s20;
	v3 =	vand.u32 $0xFFFF0000, v3;
	[tilespmem:s12+$0x0] =	vst.add.f32.msk $0xffff, v5  }
0x68d: {  	[dreg:$0x16] =	wrdreg s8;
	s8 =	sor.u32 $0x50, s24;
	[tilespmem:s13+$0x0] =	vst.add.f32.msk $0xffff, v3  }
0x68e: {  	s28 =	smov.u32 s8;
	s8 =	rddreg [dreg:$0xf];
	v5 =	vshll.u32 v4, $0x10;
	v62 =	vld [tilespmem:s11+$0x20]  }
0x68f: {  	s30 =	sadd.s32 $0xE00, s2;
	v4 =	vand.u32 $0xFFFF0000, v4;
	s12 =	rddreg [dreg:$0xb];
	[tilespmem:s8+$0x0] =	vst.add.f32.msk $0xffff, v5  }
0x690: {  	s18 =	smov.u32 s6;
	s6 =	sadd.s32 s0, s30;
	[tilespmem:s12+$0x0] =	vst.add.f32.msk $0xffff, v4;
	v5 =	vshll.u32 v6, $0x10  }
0x691: {  	s13 =	sor.u32 $0x10, s6;
	v4 =	vand.u32 $0xFFFF0000, v6;
	[tilespmem:s6+$0x0] =	vst.add.f32.msk $0xffff, v5  }
0x692: {  	[tilespmem:s13+$0x0] =	vst.add.f32.msk $0xffff, v4  }
0x693: {  	s15 =	sor.u32 $0x40, s20;
	v4 =	vshll.u32 v62, $0x10;
	v6 =	vld [tilespmem:s9+$0x50]  }
0x694: {  	s14 =	sor.u32 $0x50, s20;
	v5 =	vand.u32 $0xFFFF0000, v62;
	[tilespmem:s15+$0x0] =	vst.add.f32.msk $0xffff, v4  }
0x695: {  	[tilespmem:s14+$0x0] =	vst.add.f32.msk $0xffff, v5  }
0x696: {  	v4 =	vld [tilespmem:s11+$0x30]  }
0x697: {  	s25 =	rddreg [dreg:$0x1b];
	v3 =	vshll.u32 v7, $0x10;
	v5 =	vld [tilespmem:s18+$0x40]  }
0x698: {  	s23 =	sor.u32 $0x20, s6;
	[tilespmem:s25+$0x0] =	vst.add.f32.msk $0xffff, v3;
	v63 =	vshll.u32 v6, $0x10  }
0x699: {  	s29 =	sor.u32 $0x30, s6;
	v3 =	vand.u32 $0xFFFF0000, v6;
	[tilespmem:s23+$0x0] =	vst.add.f32.msk $0xffff, v63  }
0x69a: {  	[tilespmem:s29+$0x0] =	vst.add.f32.msk $0xffff, v3  }
0x69b: {  	s10 =	sor.u32 $0x60, s20;
	v3 =	vshll.u32 v4, $0x10;
	v6 =	vld [tilespmem:s9+$0x60]  }
0x69c: {  	s3 =	sor.u32 $0x70, s20;
	v4 =	vand.u32 $0xFFFF0000, v4;
	[tilespmem:s10+$0x0] =	vst.add.f32.msk $0xffff, v3  }
0x69d: {  	[tilespmem:s3+$0x0] =	vst.add.f32.msk $0xffff, v4  }
0x69e: {  	v3 =	vshll.u32 v5, $0x10;
	v4 =	vld [tilespmem:s11+$0x40]  }
0x69f: {  	s4 =	sor.u32 $0x10, s24;
	v5 =	vand.u32 $0xFFFF0000, v5;
	[tilespmem:s24+$0x0] =	vst.add.f32.msk $0xffff, v3  }
0x6a0: {  	s21 =	sadd.s32 s31, s30;
	s30 =	sor.u32 $0x40, s6;
	[tilespmem:s4+$0x0] =	vst.add.f32.msk $0xffff, v5;
	v3 =	vshll.u32 v6, $0x10  }
0x6a1: {  	s10 =	sor.u32 $0x50, s6;
	v5 =	vand.u32 $0xFFFF0000, v6;
	[tilespmem:s30+$0x0] =	vst.add.f32.msk $0xffff, v3  }
0x6a2: {  	[tilespmem:s10+$0x0] =	vst.add.f32.msk $0xffff, v5  }
0x6a3: {  	v3 =	vshll.u32 v4, $0x10;
	v5 =	vld [tilespmem:s9+$0x70]  }
0x6a4: {  	s22 =	sor.u32 $0x10, s21;
	v4 =	vand.u32 $0xFFFF0000, v4;
	[tilespmem:s21+$0x0] =	vst.add.f32.msk $0xffff, v3  }
0x6a5: {  	[tilespmem:s22+$0x0] =	vst.add.f32.msk $0xffff, v4  }
0x6a6: {  	s16 =	sor.u32 $0x60, s24;
	v3 =	vld [tilespmem:s11+$0x50]  }
0x6a7: {  	v7 =	vand.u32 $0xFFFF0000, v7;
	s15 =	smov.u32 s16;
	s16 =	rddreg [dreg:$0x6];
	v4 =	vld [tilespmem:s18+$0x50]  }
0x6a8: {  	s14 =	sor.u32 $0x60, s6;
	[tilespmem:s16+$0x0] =	vst.add.f32.msk $0xffff, v7;
	v6 =	vshll.u32 v5, $0x10  }
0x6a9: {  	s23 =	sor.u32 $0x70, s6;
	s22 =	sadd.s32 $0x18A00, s7;
	v5 =	vand.u32 $0xFFFF0000, v5;
	[tilespmem:s14+$0x0] =	vst.add.f32.msk $0xffff, v6  }
0x6aa: {  	s14 =	sadd.s32 s0, s22;
	[tilespmem:s23+$0x0] =	vst.add.f32.msk $0xffff, v5  }
0x6ab: {  	p0 =	slt.u32 s5, $0x3E;
	s19 =	sor.u32 $0x20, s21;
	s20 =	sor.u32 $0x30, s21;
	v5 =	vshll.u32 v3, $0x10;
	v6 =	vand.u32 $0xFFFF0000, v3;
	v3 =	vld [tilespmem:s14+$0x0]  }
.Ltmp2:
0x6ac: {  	s1 =	sor.u32 $0x50, s21;
	s8 =	sor.u32 $0x70, s21;
	[tilespmem:s19+$0x0] =	vst.add.f32.msk $0xffff, v5;
	(pc) =	sbr.rel @p0 .LBB2_6-.Ltmp2, $4  }
0x6ad: {  	s12 =	sor.u32 $0x40, s21;
	s13 =	sor.u32 $0x60, s21;
	s21 =	sld [smem:$0x7E9];
	[tilespmem:s20+$0x0] =	vst.add.f32.msk $0xffff, v6  }
0x6ae: {  	s29 =	rddreg [dreg:$0x16];
	s24 =	sadd.s32 $0x1200, s2;
	v7 =	vand.u32 $0xFFFF0000, v4;
	v5 =	vshll.u32 v4, $0x10;
	v4 =	vld [tilespmem:s11+$0x60]  }
0x6af: {  	s25 =	sadd.s32 s31, s24;
	s30 =	rddreg [dreg:$0x17];
	[tilespmem:s29+$0x0] =	vst.add.f32.msk $0xffff, v5  }
0x6b0: {  	s4 =	sadd.s32 s0, s24;
	s6 =	sadd.s32 s31, s22;
	s10 =	smov.u32 s21;
	[tilespmem:s30+$0x0] =	vst.add.f32.msk $0xffff, v7;
	v5 =	vshll.u32 v3, $0x10  }
0x6b1: {  	_ =	sdelay $0x1  }
0x6b2: {  	v6 =	vshll.u32 v4, $0x10  }
0x6b3: {  	v4 =	vand.u32 $0xFFFF0000, v4;
	[tilespmem:s12+$0x0] =	vst.add.f32.msk $0xffff, v6  }
0x6b4: {  	[tilespmem:s1+$0x0] =	vst.add.f32.msk $0xffff, v4  }
0x6b5: {  	v4 =	vld [tilespmem:s11+$0x70];
	_ =	sdelay $0x2  }
0x6b6: {  	v3 =	vand.u32 $0xFFFF0000, v3;
	[tilespmem:s4+$0x0] =	vst.add.f32.msk $0xffff, v5;
	s20 =	sor.u32 $0x10, s4  }
0x6b7: {  	[tilespmem:s20+$0x0] =	vst.add.f32.msk $0xffff, v3  }
0x6b8: {  	v3 =	vld [tilespmem:s14+$0x10];
	v5 =	vshll.u32 v4, $0x10  }
0x6b9: {  	v4 =	vand.u32 $0xFFFF0000, v4;
	[tilespmem:s13+$0x0] =	vst.add.f32.msk $0xffff, v5  }
0x6ba: {  	[tilespmem:s8+$0x0] =	vst.add.f32.msk $0xffff, v4  }
0x6bb: {  	v4 =	vld [tilespmem:s6+$0x0];
	_ =	sdelay $0x1  }
0x6bc: {  	s21 =	sor.u32 $0x20, s4;
	v5 =	vshll.u32 v3, $0x10  }
0x6bd: {  	s22 =	sor.u32 $0x30, s4;
	v3 =	vand.u32 $0xFFFF0000, v3;
	[tilespmem:s21+$0x0] =	vst.add.f32.msk $0xffff, v5  }
0x6be: {  	[tilespmem:s22+$0x0] =	vst.add.f32.msk $0xffff, v3  }
0x6bf: {  	v3 =	vld [tilespmem:s14+$0x20];
	v5 =	vshll.u32 v4, $0x10  }
0x6c0: {  	s23 =	sor.u32 $0x10, s25;
	v4 =	vand.u32 $0xFFFF0000, v4;
	[tilespmem:s25+$0x0] =	vst.add.f32.msk $0xffff, v5  }
0x6c1: {  	[tilespmem:s23+$0x0] =	vst.add.f32.msk $0xffff, v4  }
0x6c2: {  	v4 =	vld [tilespmem:s6+$0x10];
	_ =	sdelay $0x1  }
0x6c3: {  	s24 =	sor.u32 $0x40, s4;
	v5 =	vshll.u32 v3, $0x10  }
0x6c4: {  	s29 =	sor.u32 $0x50, s4;
	v3 =	vand.u32 $0xFFFF0000, v3;
	[tilespmem:s24+$0x0] =	vst.add.f32.msk $0xffff, v5  }
0x6c5: {  	[tilespmem:s29+$0x0] =	vst.add.f32.msk $0xffff, v3  }
0x6c6: {  	s30 =	sor.u32 $0x20, s25;
	v3 =	vld [tilespmem:s14+$0x30];
	v5 =	vshll.u32 v4, $0x10  }
0x6c7: {  	s3 =	sor.u32 $0x30, s25;
	v4 =	vand.u32 $0xFFFF0000, v4;
	[tilespmem:s30+$0x0] =	vst.add.f32.msk $0xffff, v5  }
0x6c8: {  	[tilespmem:s3+$0x0] =	vst.add.f32.msk $0xffff, v4  }
0x6c9: {  	v4 =	vld [tilespmem:s6+$0x20];
	_ =	sdelay $0x1  }
0x6ca: {  	v5 =	vshll.u32 v3, $0x10;
	s3 =	sor.u32 $0x60, s4  }
0x6cb: {  	s5 =	sor.u32 $0x70, s4;
	v3 =	vand.u32 $0xFFFF0000, v3;
	[tilespmem:s3+$0x0] =	vst.add.f32.msk $0xffff, v5  }
0x6cc: {  	[tilespmem:s5+$0x0] =	vst.add.f32.msk $0xffff, v3  }
0x6cd: {  	s7 =	sor.u32 $0x40, s25;
	v3 =	vld [tilespmem:s14+$0x40];
	v5 =	vshll.u32 v4, $0x10  }
0x6ce: {  	s8 =	sor.u32 $0x50, s25;
	v4 =	vand.u32 $0xFFFF0000, v4;
	[tilespmem:s7+$0x0] =	vst.add.f32.msk $0xffff, v5  }
0x6cf: {  	[tilespmem:s8+$0x0] =	vst.add.f32.msk $0xffff, v4  }
0x6d0: {  	v4 =	vld [tilespmem:s6+$0x30]  }
0x6d1: {  	s9 =	sadd.s32 $0x1600, s2  }
0x6d2: {  	s0 =	sadd.s32 s0, s9;
	v5 =	vshll.u32 v3, $0x10  }
0x6d3: {  	s11 =	sor.u32 $0x10, s0;
	v3 =	vand.u32 $0xFFFF0000, v3;
	[tilespmem:s0+$0x0] =	vst.add.f32.msk $0xffff, v5  }
0x6d4: {  	[tilespmem:s11+$0x0] =	vst.add.f32.msk $0xffff, v3  }
0x6d5: {  	s12 =	sor.u32 $0x60, s25;
	v3 =	vld [tilespmem:s14+$0x50];
	v5 =	vshll.u32 v4, $0x10  }
0x6d6: {  	s13 =	sor.u32 $0x70, s25;
	v4 =	vand.u32 $0xFFFF0000, v4;
	[tilespmem:s12+$0x0] =	vst.add.f32.msk $0xffff, v5  }
0x6d7: {  	[tilespmem:s13+$0x0] =	vst.add.f32.msk $0xffff, v4  }
0x6d8: {  	v4 =	vld [tilespmem:s6+$0x40];
	_ =	sdelay $0x1  }
0x6d9: {  	s16 =	sor.u32 $0x20, s0;
	v5 =	vshll.u32 v3, $0x10  }
0x6da: {  	s17 =	sor.u32 $0x30, s0;
	v3 =	vand.u32 $0xFFFF0000, v3;
	[tilespmem:s16+$0x0] =	vst.add.f32.msk $0xffff, v5  }
0x6db: {  	[tilespmem:s17+$0x0] =	vst.add.f32.msk $0xffff, v3  }
0x6dc: {  	s1 =	sadd.s32 s31, s9;
	v3 =	vld [tilespmem:s14+$0x60];
	v5 =	vshll.u32 v4, $0x10  }
0x6dd: {  	s19 =	sor.u32 $0x10, s1;
	v4 =	vand.u32 $0xFFFF0000, v4;
	[tilespmem:s1+$0x0] =	vst.add.f32.msk $0xffff, v5  }
0x6de: {  	[tilespmem:s19+$0x0] =	vst.add.f32.msk $0xffff, v4  }
0x6df: {  	v4 =	vld [tilespmem:s6+$0x50];
	_ =	sdelay $0x3  }
0x6e0: {  	s20 =	sor.u32 $0x40, s0;
	v5 =	vld [tilespmem:s18+$0x60];
	v6 =	vshll.u32 v3, $0x10  }
0x6e1: {  	s21 =	sor.u32 $0x20, s1;
	[tilespmem:s20+$0x0] =	vst.add.f32.msk $0xffff, v6;
	v6 =	vshll.u32 v4, $0x10  }
0x6e2: {  	s22 =	sor.u32 $0x30, s1;
	v4 =	vand.u32 $0xFFFF0000, v4;
	[tilespmem:s21+$0x0] =	vst.add.f32.msk $0xffff, v6  }
0x6e3: {  	[tilespmem:s22+$0x0] =	vst.add.f32.msk $0xffff, v4  }
0x6e4: {  	s23 =	sor.u32 $0x50, s0;
	v3 =	vand.u32 $0xFFFF0000, v3;
	v4 =	vld [tilespmem:s6+$0x60]  }
0x6e5: {  	[tilespmem:s23+$0x0] =	vst.add.f32.msk $0xffff, v3;
	v3 =	vshll.u32 v5, $0x10  }
0x6e6: {  	v5 =	vand.u32 $0xFFFF0000, v5;
	[tilespmem:s26+$0x0] =	vst.add.f32.msk $0xffff, v3  }
0x6e7: {  	[tilespmem:s28+$0x0] =	vst.add.f32.msk $0xffff, v5  }
0x6e8: {  	v6 =	vld [tilespmem:s14+$0x70]  }
0x6e9: {  	s24 =	sor.u32 $0x40, s1;
	v3 =	vld [tilespmem:s18+$0x70];
	v5 =	vshll.u32 v4, $0x10  }
0x6ea: {  	s25 =	sor.u32 $0x50, s1;
	v4 =	vand.u32 $0xFFFF0000, v4;
	[tilespmem:s24+$0x0] =	vst.add.f32.msk $0xffff, v5  }
0x6eb: {  	[tilespmem:s25+$0x0] =	vst.add.f32.msk $0xffff, v4  }
0x6ec: {  	v4 =	vld [tilespmem:s6+$0x70]  }
0x6ed: {  	s26 =	sor.u32 $0x60, s0;
	v5 =	vshll.u32 v6, $0x10  }
0x6ee: {  	s0 =	sor.u32 $0x70, s0;
	v6 =	vand.u32 $0xFFFF0000, v6;
	[tilespmem:s26+$0x0] =	vst.add.f32.msk $0xffff, v5  }
0x6ef: {  	v5 =	vshll.u32 v3, $0x10;
	[tilespmem:s0+$0x0] =	vst.add.f32.msk $0xffff, v6  }
0x6f0: {  	v3 =	vand.u32 $0xFFFF0000, v3;
	[tilespmem:s15+$0x0] =	vst.add.f32.msk $0xffff, v5  }
0x6f1: {  	s29 =	sor.u32 $0x60, s1;
	[tilespmem:s10+$0x0] =	vst.add.f32.msk $0xffff, v3;
	v3 =	vshll.u32 v4, $0x10  }
0x6f2: {  	s1 =	sor.u32 $0x70, s1;
	v4 =	vand.u32 $0xFFFF0000, v4;
	[tilespmem:s29+$0x0] =	vst.add.f32.msk $0xffff, v3  }
0x6f3: {  	[tilespmem:s1+$0x0] =	vst.add.f32.msk $0xffff, v4  }
0x6f4: {  	s3 =	sld [smem:$0x7FA]  }
0x6f5: {  	s9 =	simm.s32 $0x2;
	s30 =	simm.s32 $0x0  }
0x6f6: {  	s7 =	smul.u32 $0x3000, s30;
	s8 =	simm.s32 $0x200;
	s6 =	simm.s32 $0x0  }
0x6f7: {  	[hbm4b:s3+s6] =	stream.linear.scatter [tilespmem:s8], [sflag:$0x3], $0xC000, $0x38;
	[tilespmem:$0x1E200] =	vst v63  }
0x6f8: {  	s0 =	sshra.s32 s7, $0x2;
	s5 =	sand.u32 $0x300, s6;
	_ =	swait.ge [sflag:s9], $0xC000  }
0x6f9: {  	s10 =	sadd.s32 $0x18200, s0;
	s4 =	sor.u32 $0x80, s5;
	[sflag:s9] =	ssyncset.done $0x0  }
0x6fa: {  	s11 =	sadd.s32 s4, s10;
	[sflag:s9] =	ssyncadd.s32 $0xFFFF4000  }
0x6fb: {  	v3 =	vld [tilespmem:s11+$0x0]  }
0x6fc: {  	s12 =	smul.u32 $0x6000, s30;
	_ =	sdelay $0x1  }
0x6fd: {  	s7 =	sshra.s32 s12, $0x2  }
0x6fe: {  	s13 =	sadd.s32 $0xC200, s7  }
0x6ff: {  	s14 =	sadd.s32 s4, s13;
	v4 =	vshll.u32 v3, $0x10  }
0x700: {  	s15 =	sor.u32 $0x10, s14;
	v3 =	vand.u32 $0xFFFF0000, v3;
	[tilespmem:s14+$0x0] =	vst.add.f32.msk $0xffff, v4  }
0x701: {  	[tilespmem:s15+$0x0] =	vst.add.f32.msk $0xffff, v3  }
0x702: {  	v3 =	vld [tilespmem:s11+$0x10];
	_ =	sdelay $0x4  }
0x703: {  	s16 =	sor.u32 $0x20, s14;
	v4 =	vshll.u32 v3, $0x10  }
0x704: {  	s17 =	sor.u32 $0x30, s14;
	v3 =	vand.u32 $0xFFFF0000, v3;
	[tilespmem:s16+$0x0] =	vst.add.f32.msk $0xffff, v4  }
0x705: {  	[tilespmem:s17+$0x0] =	vst.add.f32.msk $0xffff, v3  }
0x706: {  	v3 =	vld [tilespmem:s11+$0x20];
	_ =	sdelay $0x1  }
0x707: {  	s18 =	sadd.s32 s5, s10  }
0x708: {  	v4 =	vld [tilespmem:s18+$0x0];
	_ =	sdelay $0x1  }
0x709: {  	s19 =	sor.u32 $0x40, s14;
	v5 =	vshll.u32 v3, $0x10  }
0x70a: {  	s20 =	sor.u32 $0x50, s14;
	v3 =	vand.u32 $0xFFFF0000, v3;
	[tilespmem:s19+$0x0] =	vst.add.f32.msk $0xffff, v5  }
0x70b: {  	[tilespmem:s20+$0x0] =	vst.add.f32.msk $0xffff, v3  }
0x70c: {  	s21 =	sadd.s32 s5, s13;
	v5 =	vshll.u32 v4, $0x10;
	v3 =	vld [tilespmem:s11+$0x30]  }
0x70d: {  	s8 =	sor.u32 $0x10, s21;
	v4 =	vand.u32 $0xFFFF0000, v4;
	[tilespmem:s21+$0x0] =	vst.add.f32.msk $0xffff, v5  }
0x70e: {  	[tilespmem:s8+$0x0] =	vst.add.f32.msk $0xffff, v4  }
0x70f: {  	v4 =	vld [tilespmem:s18+$0x10];
	_ =	sdelay $0x1  }
0x710: {  	s22 =	sor.u32 $0x60, s14;
	v5 =	vshll.u32 v3, $0x10  }
0x711: {  	s23 =	sor.u32 $0x70, s14;
	v3 =	vand.u32 $0xFFFF0000, v3;
	[tilespmem:s22+$0x0] =	vst.add.f32.msk $0xffff, v5  }
0x712: {  	[tilespmem:s23+$0x0] =	vst.add.f32.msk $0xffff, v3  }
0x713: {  	s24 =	sor.u32 $0x20, s21;
	v5 =	vshll.u32 v4, $0x10;
	v3 =	vld [tilespmem:s11+$0x40]  }
0x714: {  	s9 =	sor.u32 $0x30, s21;
	v4 =	vand.u32 $0xFFFF0000, v4;
	[tilespmem:s24+$0x0] =	vst.add.f32.msk $0xffff, v5  }
0x715: {  	[tilespmem:s9+$0x0] =	vst.add.f32.msk $0xffff, v4  }
0x716: {  	v4 =	vld [tilespmem:s18+$0x20];
	_ =	sdelay $0x1  }
0x717: {  	v5 =	vshll.u32 v3, $0x10  }
0x718: {  	v3 =	vand.u32 $0xFFFF0000, v3;
	[tilespmem:s14+$0x400] =	vst.add.f32.msk $0xffff, v5  }
0x719: {  	[tilespmem:s14+$0x410] =	vst.add.f32.msk $0xffff, v3  }
0x71a: {  	s25 =	sor.u32 $0x40, s21;
	v5 =	vshll.u32 v4, $0x10;
	v3 =	vld [tilespmem:s11+$0x50]  }
0x71b: {  	s26 =	sor.u32 $0x50, s21;
	v4 =	vand.u32 $0xFFFF0000, v4;
	[tilespmem:s25+$0x0] =	vst.add.f32.msk $0xffff, v5  }
0x71c: {  	[tilespmem:s26+$0x0] =	vst.add.f32.msk $0xffff, v4  }
0x71d: {  	v4 =	vld [tilespmem:s18+$0x30];
	_ =	sdelay $0x1  }
0x71e: {  	v5 =	vshll.u32 v3, $0x10  }
0x71f: {  	v3 =	vand.u32 $0xFFFF0000, v3;
	[tilespmem:s14+$0x420] =	vst.add.f32.msk $0xffff, v5  }
0x720: {  	[tilespmem:s14+$0x430] =	vst.add.f32.msk $0xffff, v3  }
0x721: {  	s29 =	sor.u32 $0x60, s21;
	v3 =	vld [tilespmem:s11+$0x60];
	v5 =	vshll.u32 v4, $0x10  }
0x722: {  	s30 =	sor.u32 $0x70, s21;
	v4 =	vand.u32 $0xFFFF0000, v4;
	[tilespmem:s29+$0x0] =	vst.add.f32.msk $0xffff, v5  }
0x723: {  	[tilespmem:s30+$0x0] =	vst.add.f32.msk $0xffff, v4  }
0x724: {  	v4 =	vld [tilespmem:s18+$0x40];
	_ =	sdelay $0x1  }
0x725: {  	v5 =	vshll.u32 v3, $0x10  }
0x726: {  	v3 =	vand.u32 $0xFFFF0000, v3;
	[tilespmem:s14+$0x440] =	vst.add.f32.msk $0xffff, v5  }
0x727: {  	[tilespmem:s14+$0x450] =	vst.add.f32.msk $0xffff, v3  }
0x728: {  	v3 =	vld [tilespmem:s11+$0x70];
	v5 =	vshll.u32 v4, $0x10  }
0x729: {  	v4 =	vand.u32 $0xFFFF0000, v4;
	[tilespmem:s21+$0x400] =	vst.add.f32.msk $0xffff, v5  }
0x72a: {  	[tilespmem:s21+$0x410] =	vst.add.f32.msk $0xffff, v4  }
0x72b: {  	v4 =	vld [tilespmem:s18+$0x50];
	_ =	sdelay $0x1  }
0x72c: {  	v5 =	vshll.u32 v3, $0x10  }
0x72d: {  	s9 =	sadd.s32 $0x18600, s0;
	v3 =	vand.u32 $0xFFFF0000, v3;
	[tilespmem:s14+$0x460] =	vst.add.f32.msk $0xffff, v5  }
0x72e: {  	s11 =	sadd.s32 s4, s9;
	[tilespmem:s14+$0x470] =	vst.add.f32.msk $0xffff, v3  }
0x72f: {  	v3 =	vld [tilespmem:s11+$0x0];
	v5 =	vshll.u32 v4, $0x10  }
0x730: {  	v4 =	vand.u32 $0xFFFF0000, v4;
	[tilespmem:s21+$0x420] =	vst.add.f32.msk $0xffff, v5  }
0x731: {  	[tilespmem:s21+$0x430] =	vst.add.f32.msk $0xffff, v4  }
0x732: {  	v4 =	vld [tilespmem:s18+$0x60]  }
0x733: {  	s15 =	sadd.s32 $0xCA00, s7  }
0x734: {  	s16 =	sadd.s32 s4, s15;
	v5 =	vshll.u32 v3, $0x10  }
0x735: {  	s17 =	sor.u32 $0x10, s16;
	v3 =	vand.u32 $0xFFFF0000, v3;
	[tilespmem:s16+$0x0] =	vst.add.f32.msk $0xffff, v5  }
0x736: {  	[tilespmem:s17+$0x0] =	vst.add.f32.msk $0xffff, v3  }
0x737: {  	v3 =	vld [tilespmem:s11+$0x10];
	v5 =	vshll.u32 v4, $0x10  }
0x738: {  	v4 =	vand.u32 $0xFFFF0000, v4;
	[tilespmem:s21+$0x440] =	vst.add.f32.msk $0xffff, v5  }
0x739: {  	[tilespmem:s21+$0x450] =	vst.add.f32.msk $0xffff, v4  }
0x73a: {  	v4 =	vld [tilespmem:s18+$0x70];
	_ =	sdelay $0x1  }
0x73b: {  	s18 =	sor.u32 $0x20, s16;
	v5 =	vshll.u32 v3, $0x10  }
0x73c: {  	s19 =	sor.u32 $0x30, s16;
	v3 =	vand.u32 $0xFFFF0000, v3;
	[tilespmem:s18+$0x0] =	vst.add.f32.msk $0xffff, v5  }
0x73d: {  	[tilespmem:s19+$0x0] =	vst.add.f32.msk $0xffff, v3  }
0x73e: {  	v5 =	vshll.u32 v4, $0x10;
	v3 =	vld [tilespmem:s11+$0x20]  }
0x73f: {  	v4 =	vand.u32 $0xFFFF0000, v4;
	[tilespmem:s21+$0x460] =	vst.add.f32.msk $0xffff, v5  }
0x740: {  	s2 =	sadd.s32 s5, s9;
	[tilespmem:s21+$0x470] =	vst.add.f32.msk $0xffff, v4  }
0x741: {  	v4 =	vld [tilespmem:s2+$0x0];
	_ =	sdelay $0x1  }
0x742: {  	s20 =	sor.u32 $0x40, s16;
	v5 =	vshll.u32 v3, $0x10  }
0x743: {  	s21 =	sor.u32 $0x50, s16;
	v3 =	vand.u32 $0xFFFF0000, v3;
	[tilespmem:s20+$0x0] =	vst.add.f32.msk $0xffff, v5  }
0x744: {  	[tilespmem:s21+$0x0] =	vst.add.f32.msk $0xffff, v3  }
0x745: {  	s22 =	sadd.s32 s5, s15;
	v5 =	vshll.u32 v4, $0x10;
	v3 =	vld [tilespmem:s11+$0x30]  }
0x746: {  	s23 =	sor.u32 $0x10, s22;
	v4 =	vand.u32 $0xFFFF0000, v4;
	[tilespmem:s22+$0x0] =	vst.add.f32.msk $0xffff, v5  }
0x747: {  	[tilespmem:s23+$0x0] =	vst.add.f32.msk $0xffff, v4  }
0x748: {  	v4 =	vld [tilespmem:s2+$0x10];
	_ =	sdelay $0x1  }
0x749: {  	s24 =	sor.u32 $0x60, s16;
	v5 =	vshll.u32 v3, $0x10  }
0x74a: {  	s25 =	sor.u32 $0x70, s16;
	v3 =	vand.u32 $0xFFFF0000, v3;
	[tilespmem:s24+$0x0] =	vst.add.f32.msk $0xffff, v5  }
0x74b: {  	[tilespmem:s25+$0x0] =	vst.add.f32.msk $0xffff, v3  }
0x74c: {  	s26 =	sor.u32 $0x20, s22;
	v5 =	vshll.u32 v4, $0x10;
	v3 =	vld [tilespmem:s11+$0x40]  }
0x74d: {  	s8 =	sor.u32 $0x30, s22;
	v4 =	vand.u32 $0xFFFF0000, v4;
	[tilespmem:s26+$0x0] =	vst.add.f32.msk $0xffff, v5  }
0x74e: {  	[tilespmem:s8+$0x0] =	vst.add.f32.msk $0xffff, v4  }
0x74f: {  	v4 =	vld [tilespmem:s2+$0x20]  }
0x750: {  	s29 =	sadd.s32 $0xCE00, s7  }
0x751: {  	s30 =	sadd.s32 s4, s29;
	v5 =	vshll.u32 v3, $0x10  }
0x752: {  	s12 =	sor.u32 $0x10, s30;
	v3 =	vand.u32 $0xFFFF0000, v3;
	[tilespmem:s30+$0x0] =	vst.add.f32.msk $0xffff, v5  }
0x753: {  	[tilespmem:s12+$0x0] =	vst.add.f32.msk $0xffff, v3  }
0x754: {  	s13 =	sor.u32 $0x40, s22;
	v5 =	vshll.u32 v4, $0x10;
	v3 =	vld [tilespmem:s11+$0x50]  }
0x755: {  	s14 =	sor.u32 $0x50, s22;
	v4 =	vand.u32 $0xFFFF0000, v4;
	[tilespmem:s13+$0x0] =	vst.add.f32.msk $0xffff, v5  }
0x756: {  	[tilespmem:s14+$0x0] =	vst.add.f32.msk $0xffff, v4  }
0x757: {  	v4 =	vld [tilespmem:s2+$0x30];
	_ =	sdelay $0x1  }
0x758: {  	s15 =	sor.u32 $0x20, s30;
	v5 =	vshll.u32 v3, $0x10  }
0x759: {  	s16 =	sor.u32 $0x30, s30;
	v3 =	vand.u32 $0xFFFF0000, v3;
	[tilespmem:s15+$0x0] =	vst.add.f32.msk $0xffff, v5  }
0x75a: {  	[tilespmem:s16+$0x0] =	vst.add.f32.msk $0xffff, v3  }
0x75b: {  	s17 =	sor.u32 $0x60, s22;
	v5 =	vshll.u32 v4, $0x10;
	v3 =	vld [tilespmem:s11+$0x60]  }
0x75c: {  	s3 =	sor.u32 $0x70, s22;
	v4 =	vand.u32 $0xFFFF0000, v4;
	[tilespmem:s17+$0x0] =	vst.add.f32.msk $0xffff, v5  }
0x75d: {  	[tilespmem:s3+$0x0] =	vst.add.f32.msk $0xffff, v4  }
0x75e: {  	v4 =	vld [tilespmem:s2+$0x40];
	_ =	sdelay $0x1  }
0x75f: {  	s18 =	sor.u32 $0x40, s30;
	v5 =	vshll.u32 v3, $0x10  }
0x760: {  	s19 =	sor.u32 $0x50, s30;
	v3 =	vand.u32 $0xFFFF0000, v3;
	[tilespmem:s18+$0x0] =	vst.add.f32.msk $0xffff, v5  }
0x761: {  	[tilespmem:s19+$0x0] =	vst.add.f32.msk $0xffff, v3  }
0x762: {  	s3 =	sadd.s32 s5, s29;
	v5 =	vshll.u32 v4, $0x10;
	v3 =	vld [tilespmem:s11+$0x70]  }
0x763: {  	s20 =	sor.u32 $0x10, s3;
	v4 =	vand.u32 $0xFFFF0000, v4;
	[tilespmem:s3+$0x0] =	vst.add.f32.msk $0xffff, v5  }
0x764: {  	[tilespmem:s20+$0x0] =	vst.add.f32.msk $0xffff, v4  }
0x765: {  	v4 =	vld [tilespmem:s2+$0x50];
	_ =	sdelay $0x1  }
0x766: {  	s21 =	sor.u32 $0x60, s30;
	v5 =	vshll.u32 v3, $0x10  }
0x767: {  	s22 =	sor.u32 $0x70, s30;
	s11 =	sadd.s32 $0x18A00, s0;
	v3 =	vand.u32 $0xFFFF0000, v3;
	[tilespmem:s21+$0x0] =	vst.add.f32.msk $0xffff, v5  }
0x768: {  	s1 =	sadd.s32 s4, s11;
	[tilespmem:s22+$0x0] =	vst.add.f32.msk $0xffff, v3  }
0x769: {  	s23 =	sor.u32 $0x20, s3;
	v5 =	vshll.u32 v4, $0x10;
	v3 =	vld [tilespmem:s1+$0x0]  }
0x76a: {  	s6 =	sor.u32 $0x30, s3;
	v4 =	vand.u32 $0xFFFF0000, v4;
	[tilespmem:s23+$0x0] =	vst.add.f32.msk $0xffff, v5  }
0x76b: {  	[tilespmem:s6+$0x0] =	vst.add.f32.msk $0xffff, v4  }
0x76c: {  	v4 =	vld [tilespmem:s2+$0x60]  }
0x76d: {  	s10 =	sadd.s32 $0xD200, s7;
	s24 =	simm.s32 $0x0  }
0x76e: {  	s26 =	smul.u32 $0x3000, s24;
	s14 =	sadd.s32 s4, s10;
	v5 =	vshll.u32 v3, $0x10  }
0x76f: {  	s25 =	sor.u32 $0x10, s14;
	s17 =	simm.s32 $0x100;
	v3 =	vand.u32 $0xFFFF0000, v3;
	[tilespmem:s14+$0x0] =	vst.add.f32.msk $0xffff, v5  }
0x770: {  	s31 =	sand.u32 $0x300, s17;
	s6 =	sshra.s32 s26, $0x2;
	[tilespmem:s25+$0x0] =	vst.add.f32.msk $0xffff, v3  }
0x771: {  	s29 =	sor.u32 $0x40, s3;
	s0 =	sor.u32 $0x80, s31;
	s30 =	sadd.s32 $0x18200, s6;
	v5 =	vshll.u32 v4, $0x10;
	v3 =	vld [tilespmem:s1+$0x10]  }
0x772: {  	s12 =	sadd.s32 s0, s30;
	[tilespmem:s29+$0x0] =	vst.add.f32.msk $0xffff, v5  }
0x773: {  	v5 =	vld [tilespmem:s12+$0x0]  }
0x774: {  	s8 =	smul.u32 $0x6000, s24;
	s16 =	sor.u32 $0x50, s3;
	v4 =	vand.u32 $0xFFFF0000, v4  }
0x775: {  	[tilespmem:s16+$0x0] =	vst.add.f32.msk $0xffff, v4  }
0x776: {  	s18 =	sor.u32 $0x20, s14;
	v4 =	vld [tilespmem:s2+$0x70];
	s2 =	sshra.s32 s8, $0x2;
	v6 =	vshll.u32 v3, $0x10  }
0x777: {  	s19 =	sor.u32 $0x30, s14;
	s20 =	sadd.s32 $0xC200, s2;
	v3 =	vand.u32 $0xFFFF0000, v3;
	[tilespmem:s18+$0x0] =	vst.add.f32.msk $0xffff, v6  }
0x778: {  	s13 =	sadd.s32 s0, s20;
	v6 =	vshll.u32 v5, $0x10;
	[tilespmem:s19+$0x0] =	vst.add.f32.msk $0xffff, v3  }
0x779: {  	[tilespmem:s13+$0x0] =	vst.add.f32.msk $0xffff, v6  }
0x77a: {  	s21 =	sor.u32 $0x10, s13;
	v5 =	vand.u32 $0xFFFF0000, v5;
	v3 =	vld [tilespmem:s1+$0x20]  }
0x77b: {  	[tilespmem:s21+$0x0] =	vst.add.f32.msk $0xffff, v5  }
0x77c: {  	v5 =	vld [tilespmem:s12+$0x10]  }
0x77d: {  	s8 =	sadd.s32 s31, s30  }
0x77e: {  	s22 =	sor.u32 $0x60, s3;
	v7 =	vld [tilespmem:s8+$0x0];
	v6 =	vshll.u32 v4, $0x10  }
0x77f: {  	s23 =	sor.u32 $0x40, s14;
	[tilespmem:s22+$0x0] =	vst.add.f32.msk $0xffff, v6;
	v6 =	vshll.u32 v3, $0x10  }
0x780: {  	s24 =	sor.u32 $0x50, s14;
	v3 =	vand.u32 $0xFFFF0000, v3;
	[tilespmem:s23+$0x0] =	vst.add.f32.msk $0xffff, v6  }
0x781: {  	s25 =	sor.u32 $0x20, s13;
	v6 =	vshll.u32 v5, $0x10;
	[tilespmem:s24+$0x0] =	vst.add.f32.msk $0xffff, v3  }
0x782: {  	[tilespmem:s25+$0x0] =	vst.add.f32.msk $0xffff, v6  }
0x783: {  	s26 =	sor.u32 $0x30, s13;
	v5 =	vand.u32 $0xFFFF0000, v5;
	v3 =	vld [tilespmem:s1+$0x30]  }
0x784: {  	[tilespmem:s26+$0x0] =	vst.add.f32.msk $0xffff, v5  }
0x785: {  	v6 =	vld [tilespmem:s12+$0x20];
	_ =	sdelay $0x1  }
0x786: {  	s9 =	sadd.s32 s31, s20;
	v5 =	vshll.u32 v7, $0x10  }
0x787: {  	s30 =	sor.u32 $0x60, s14;
	[tilespmem:s9+$0x0] =	vst.add.f32.msk $0xffff, v5;
	v5 =	vshll.u32 v3, $0x10  }
0x788: {  	s14 =	sor.u32 $0x70, s14;
	v3 =	vand.u32 $0xFFFF0000, v3;
	[tilespmem:s30+$0x0] =	vst.add.f32.msk $0xffff, v5  }
0x789: {  	s16 =	sor.u32 $0x40, s13;
	v5 =	vshll.u32 v6, $0x10;
	[tilespmem:s14+$0x0] =	vst.add.f32.msk $0xffff, v3  }
0x78a: {  	[tilespmem:s16+$0x0] =	vst.add.f32.msk $0xffff, v5  }
0x78b: {  	s18 =	sor.u32 $0x50, s13;
	v6 =	vand.u32 $0xFFFF0000, v6;
	v3 =	vld [tilespmem:s1+$0x40]  }
0x78c: {  	[tilespmem:s18+$0x0] =	vst.add.f32.msk $0xffff, v6  }
0x78d: {  	s19 =	sor.u32 $0x70, s3;
	v4 =	vand.u32 $0xFFFF0000, v4;
	v5 =	vld [tilespmem:s12+$0x30]  }
0x78e: {  	s29 =	sor.u32 $0x10, s9;
	[tilespmem:s19+$0x0] =	vst.add.f32.msk $0xffff, v4;
	v7 =	vand.u32 $0xFFFF0000, v7  }
0x78f: {  	s3 =	sadd.s32 $0xD600, s7;
	[tilespmem:s29+$0x0] =	vst.add.f32.msk $0xffff, v7  }
0x790: {  	s4 =	sadd.s32 s4, s3;
	v6 =	vld [tilespmem:s8+$0x10];
	v4 =	vshll.u32 v3, $0x10  }
0x791: {  	s20 =	sor.u32 $0x10, s4;
	v3 =	vand.u32 $0xFFFF0000, v3;
	[tilespmem:s4+$0x0] =	vst.add.f32.msk $0xffff, v4  }
0x792: {  	s21 =	sor.u32 $0x60, s13;
	v4 =	vshll.u32 v5, $0x10;
	[tilespmem:s20+$0x0] =	vst.add.f32.msk $0xffff, v3  }
0x793: {  	[tilespmem:s21+$0x0] =	vst.add.f32.msk $0xffff, v4  }
0x794: {  	s22 =	sor.u32 $0x70, s13;
	v5 =	vand.u32 $0xFFFF0000, v5;
	v3 =	vld [tilespmem:s1+$0x50]  }
0x795: {  	[tilespmem:s22+$0x0] =	vst.add.f32.msk $0xffff, v5  }
0x796: {  	s23 =	sor.u32 $0x20, s9;
	v4 =	vshll.u32 v6, $0x10;
	v5 =	vld [tilespmem:s12+$0x40]  }
0x797: {  	s24 =	sor.u32 $0x30, s9;
	v6 =	vand.u32 $0xFFFF0000, v6;
	[tilespmem:s23+$0x0] =	vst.add.f32.msk $0xffff, v4  }
0x798: {  	[tilespmem:s24+$0x0] =	vst.add.f32.msk $0xffff, v6  }
0x799: {  	s25 =	sor.u32 $0x20, s4;
	v6 =	vld [tilespmem:s8+$0x20];
	v4 =	vshll.u32 v3, $0x10  }
0x79a: {  	s26 =	sor.u32 $0x30, s4;
	v3 =	vand.u32 $0xFFFF0000, v3;
	[tilespmem:s25+$0x0] =	vst.add.f32.msk $0xffff, v4  }
0x79b: {  	v4 =	vand.u32 $0xFFFF0000, v5;
	[tilespmem:s26+$0x0] =	vst.add.f32.msk $0xffff, v3  }
0x79c: {  	v3 =	vshll.u32 v5, $0x10;
	[tilespmem:s13+$0x410] =	vst.add.f32.msk $0xffff, v4  }
0x79d: {  	[tilespmem:s13+$0x400] =	vst.add.f32.msk $0xffff, v3  }
0x79e: {  	s29 =	sor.u32 $0x40, s9;
	v4 =	vshll.u32 v6, $0x10;
	v3 =	vld [tilespmem:s12+$0x50]  }
0x79f: {  	s30 =	sor.u32 $0x50, s9;
	v5 =	vand.u32 $0xFFFF0000, v6;
	[tilespmem:s29+$0x0] =	vst.add.f32.msk $0xffff, v4  }
0x7a0: {  	[tilespmem:s30+$0x0] =	vst.add.f32.msk $0xffff, v5  }
0x7a1: {  	s18 =	sadd.s32 s5, s11;
	v4 =	vld [tilespmem:s8+$0x30]  }
0x7a2: {  	v6 =	vld [tilespmem:s18+$0x0]  }
0x7a3: {  	v5 =	vld [tilespmem:s1+$0x60];
	v7 =	vshll.u32 v3, $0x10  }
0x7a4: {  	v3 =	vand.u32 $0xFFFF0000, v3;
	[tilespmem:s13+$0x420] =	vst.add.f32.msk $0xffff, v7  }
0x7a5: {  	[tilespmem:s13+$0x430] =	vst.add.f32.msk $0xffff, v3  }
0x7a6: {  	s11 =	sor.u32 $0x60, s9;
	v3 =	vshll.u32 v4, $0x10;
	v7 =	vld [tilespmem:s12+$0x60]  }
0x7a7: {  	s14 =	sor.u32 $0x70, s9;
	v4 =	vand.u32 $0xFFFF0000, v4;
	[tilespmem:s11+$0x0] =	vst.add.f32.msk $0xffff, v3  }
0x7a8: {  	[tilespmem:s14+$0x0] =	vst.add.f32.msk $0xffff, v4  }
0x7a9: {  	s15 =	sor.u32 $0x40, s4;
	v3 =	vshll.u32 v5, $0x10;
	v4 =	vld [tilespmem:s8+$0x40]  }
0x7aa: {  	s10 =	sadd.s32 s5, s10;
	[tilespmem:s15+$0x0] =	vst.add.f32.msk $0xffff, v3;
	v3 =	vshll.u32 v6, $0x10  }
0x7ab: {  	[tilespmem:s10+$0x0] =	vst.add.f32.msk $0xffff, v3;
	v3 =	vshll.u32 v7, $0x10  }
0x7ac: {  	v7 =	vand.u32 $0xFFFF0000, v7;
	[tilespmem:s13+$0x440] =	vst.add.f32.msk $0xffff, v3  }
0x7ad: {  	[tilespmem:s13+$0x450] =	vst.add.f32.msk $0xffff, v7  }
0x7ae: {  	v3 =	vshll.u32 v4, $0x10;
	v7 =	vld [tilespmem:s12+$0x70]  }
0x7af: {  	v4 =	vand.u32 $0xFFFF0000, v4;
	[tilespmem:s9+$0x400] =	vst.add.f32.msk $0xffff, v3  }
0x7b0: {  	[tilespmem:s9+$0x410] =	vst.add.f32.msk $0xffff, v4  }
0x7b1: {  	s16 =	sor.u32 $0x10, s10;
	v3 =	vand.u32 $0xFFFF0000, v6;
	v4 =	vld [tilespmem:s8+$0x50]  }
0x7b2: {  	[tilespmem:s16+$0x0] =	vst.add.f32.msk $0xffff, v3  }
0x7b3: {  	v3 =	vld [tilespmem:s18+$0x10];
	v6 =	vshll.u32 v7, $0x10  }
0x7b4: {  	s19 =	sadd.s32 $0x18600, s6;
	v7 =	vand.u32 $0xFFFF0000, v7;
	[tilespmem:s13+$0x460] =	vst.add.f32.msk $0xffff, v6  }
0x7b5: {  	s7 =	sadd.s32 s0, s19;
	[tilespmem:s13+$0x470] =	vst.add.f32.msk $0xffff, v7  }
0x7b6: {  	v6 =	vshll.u32 v4, $0x10;
	v7 =	vld [tilespmem:s7+$0x0]  }
0x7b7: {  	v4 =	vand.u32 $0xFFFF0000, v4;
	[tilespmem:s9+$0x420] =	vst.add.f32.msk $0xffff, v6  }
0x7b8: {  	[tilespmem:s9+$0x430] =	vst.add.f32.msk $0xffff, v4  }
0x7b9: {  	s20 =	sor.u32 $0x50, s4;
	v4 =	vand.u32 $0xFFFF0000, v5;
	v5 =	vld [tilespmem:s8+$0x60]  }
0x7ba: {  	s21 =	sor.u32 $0x20, s10;
	s22 =	sadd.s32 $0xCA00, s2;
	[tilespmem:s20+$0x0] =	vst.add.f32.msk $0xffff, v4;
	v4 =	vshll.u32 v3, $0x10  }
0x7bb: {  	s23 =	sadd.s32 s0, s22;
	[tilespmem:s21+$0x0] =	vst.add.f32.msk $0xffff, v4;
	v4 =	vshll.u32 v7, $0x10  }
0x7bc: {  	s24 =	sor.u32 $0x10, s23;
	v6 =	vand.u32 $0xFFFF0000, v7;
	[tilespmem:s23+$0x0] =	vst.add.f32.msk $0xffff, v4  }
0x7bd: {  	[tilespmem:s24+$0x0] =	vst.add.f32.msk $0xffff, v6  }
0x7be: {  	v4 =	vshll.u32 v5, $0x10;
	v6 =	vld [tilespmem:s7+$0x10]  }
0x7bf: {  	v5 =	vand.u32 $0xFFFF0000, v5;
	[tilespmem:s9+$0x440] =	vst.add.f32.msk $0xffff, v4  }
0x7c0: {  	[tilespmem:s9+$0x450] =	vst.add.f32.msk $0xffff, v5  }
0x7c1: {  	s25 =	sor.u32 $0x30, s10;
	v3 =	vand.u32 $0xFFFF0000, v3;
	v4 =	vld [tilespmem:s8+$0x70]  }
0x7c2: {  	[tilespmem:s25+$0x0] =	vst.add.f32.msk $0xffff, v3  }
0x7c3: {  	s26 =	sor.u32 $0x20, s23;
	v3 =	vld [tilespmem:s18+$0x20];
	v5 =	vshll.u32 v6, $0x10  }
0x7c4: {  	s29 =	sor.u32 $0x30, s23;
	v6 =	vand.u32 $0xFFFF0000, v6;
	[tilespmem:s26+$0x0] =	vst.add.f32.msk $0xffff, v5  }
0x7c5: {  	[tilespmem:s29+$0x0] =	vst.add.f32.msk $0xffff, v6  }
0x7c6: {  	v5 =	vshll.u32 v4, $0x10;
	v6 =	vld [tilespmem:s7+$0x20]  }
0x7c7: {  	v4 =	vand.u32 $0xFFFF0000, v4;
	[tilespmem:s9+$0x460] =	vst.add.f32.msk $0xffff, v5  }
0x7c8: {  	s11 =	sadd.s32 s31, s19;
	[tilespmem:s9+$0x470] =	vst.add.f32.msk $0xffff, v4  }
0x7c9: {  	s30 =	sor.u32 $0x40, s10;
	v7 =	vshll.u32 v3, $0x10;
	v4 =	vld [tilespmem:s11+$0x0]  }
0x7ca: {  	[tilespmem:s30+$0x0] =	vst.add.f32.msk $0xffff, v7  }
0x7cb: {  	s8 =	sor.u32 $0x40, s23;
	v5 =	vld [tilespmem:s1+$0x70];
	v7 =	vshll.u32 v6, $0x10  }
0x7cc: {  	s9 =	sor.u32 $0x50, s23;
	v6 =	vand.u32 $0xFFFF0000, v6;
	[tilespmem:s8+$0x0] =	vst.add.f32.msk $0xffff, v7  }
0x7cd: {  	[tilespmem:s9+$0x0] =	vst.add.f32.msk $0xffff, v6  }
0x7ce: {  	s1 =	sadd.s32 s31, s22;
	v6 =	vshll.u32 v4, $0x10;
	v7 =	vld [tilespmem:s7+$0x30]  }
0x7cf: {  	s12 =	sor.u32 $0x10, s1;
	v4 =	vand.u32 $0xFFFF0000, v4;
	[tilespmem:s1+$0x0] =	vst.add.f32.msk $0xffff, v6  }
0x7d0: {  	[tilespmem:s12+$0x0] =	vst.add.f32.msk $0xffff, v4  }
0x7d1: {  	s14 =	sor.u32 $0x50, s10;
	v3 =	vand.u32 $0xFFFF0000, v3;
	v4 =	vld [tilespmem:s11+$0x10]  }
0x7d2: {  	[tilespmem:s14+$0x0] =	vst.add.f32.msk $0xffff, v3  }
0x7d3: {  	s15 =	sor.u32 $0x60, s23;
	v3 =	vld [tilespmem:s18+$0x30];
	v6 =	vshll.u32 v7, $0x10  }
0x7d4: {  	s16 =	sor.u32 $0x70, s23;
	v7 =	vand.u32 $0xFFFF0000, v7;
	[tilespmem:s15+$0x0] =	vst.add.f32.msk $0xffff, v6  }
0x7d5: {  	[tilespmem:s16+$0x0] =	vst.add.f32.msk $0xffff, v7  }
0x7d6: {  	s19 =	sor.u32 $0x20, s1;
	v6 =	vshll.u32 v4, $0x10;
	v7 =	vld [tilespmem:s7+$0x40]  }
0x7d7: {  	s20 =	sor.u32 $0x30, s1;
	v4 =	vand.u32 $0xFFFF0000, v4;
	[tilespmem:s19+$0x0] =	vst.add.f32.msk $0xffff, v6  }
0x7d8: {  	[tilespmem:s20+$0x0] =	vst.add.f32.msk $0xffff, v4  }
0x7d9: {  	s21 =	sor.u32 $0x60, s4;
	v4 =	vshll.u32 v5, $0x10;
	v6 =	vld [tilespmem:s11+$0x20]  }
0x7da: {  	s22 =	sor.u32 $0x60, s10;
	s23 =	sadd.s32 $0xCE00, s2;
	[tilespmem:s21+$0x0] =	vst.add.f32.msk $0xffff, v4;
	v4 =	vshll.u32 v3, $0x10  }
0x7db: {  	s24 =	sadd.s32 s0, s23;
	[tilespmem:s22+$0x0] =	vst.add.f32.msk $0xffff, v4;
	v4 =	vshll.u32 v7, $0x10  }
0x7dc: {  	s25 =	sor.u32 $0x10, s24;
	v7 =	vand.u32 $0xFFFF0000, v7;
	[tilespmem:s24+$0x0] =	vst.add.f32.msk $0xffff, v4  }
0x7dd: {  	[tilespmem:s25+$0x0] =	vst.add.f32.msk $0xffff, v7  }
0x7de: {  	s26 =	sor.u32 $0x40, s1;
	v4 =	vshll.u32 v6, $0x10;
	v7 =	vld [tilespmem:s7+$0x50]  }
0x7df: {  	s29 =	sor.u32 $0x50, s1;
	v6 =	vand.u32 $0xFFFF0000, v6;
	[tilespmem:s26+$0x0] =	vst.add.f32.msk $0xffff, v4  }
0x7e0: {  	[tilespmem:s29+$0x0] =	vst.add.f32.msk $0xffff, v6  }
0x7e1: {  	s10 =	sor.u32 $0x70, s10;
	v3 =	vand.u32 $0xFFFF0000, v3;
	v4 =	vld [tilespmem:s11+$0x30]  }
0x7e2: {  	[tilespmem:s10+$0x0] =	vst.add.f32.msk $0xffff, v3  }
0x7e3: {  	s30 =	sor.u32 $0x20, s24;
	v3 =	vld [tilespmem:s18+$0x40];
	v6 =	vshll.u32 v7, $0x10  }
0x7e4: {  	s12 =	sor.u32 $0x30, s24;
	v7 =	vand.u32 $0xFFFF0000, v7;
	[tilespmem:s30+$0x0] =	vst.add.f32.msk $0xffff, v6  }
0x7e5: {  	[tilespmem:s12+$0x0] =	vst.add.f32.msk $0xffff, v7  }
0x7e6: {  	s13 =	sor.u32 $0x60, s1;
	v6 =	vshll.u32 v4, $0x10;
	v7 =	vld [tilespmem:s7+$0x60]  }
0x7e7: {  	s1 =	sor.u32 $0x70, s1;
	v4 =	vand.u32 $0xFFFF0000, v4;
	[tilespmem:s13+$0x0] =	vst.add.f32.msk $0xffff, v6  }
0x7e8: {  	[tilespmem:s1+$0x0] =	vst.add.f32.msk $0xffff, v4  }
0x7e9: {  	s14 =	sor.u32 $0x70, s4;
	v4 =	vand.u32 $0xFFFF0000, v5;
	v5 =	vld [tilespmem:s11+$0x40]  }
0x7ea: {  	s3 =	sadd.s32 s5, s3;
	[tilespmem:s14+$0x0] =	vst.add.f32.msk $0xffff, v4;
	v4 =	vshll.u32 v3, $0x10  }
0x7eb: {  	s15 =	sor.u32 $0x40, s24;
	[tilespmem:s3+$0x0] =	vst.add.f32.msk $0xffff, v4;
	v4 =	vshll.u32 v7, $0x10  }
0x7ec: {  	s16 =	sor.u32 $0x50, s24;
	v6 =	vand.u32 $0xFFFF0000, v7;
	[tilespmem:s15+$0x0] =	vst.add.f32.msk $0xffff, v4  }
0x7ed: {  	[tilespmem:s16+$0x0] =	vst.add.f32.msk $0xffff, v6  }
0x7ee: {  	s19 =	sadd.s32 s31, s23;
	v4 =	vshll.u32 v5, $0x10;
	v6 =	vld [tilespmem:s7+$0x70]  }
0x7ef: {  	s20 =	sor.u32 $0x10, s19;
	v5 =	vand.u32 $0xFFFF0000, v5;
	[tilespmem:s19+$0x0] =	vst.add.f32.msk $0xffff, v4  }
0x7f0: {  	[tilespmem:s20+$0x0] =	vst.add.f32.msk $0xffff, v5  }
0x7f1: {  	s21 =	sor.u32 $0x10, s3;
	v3 =	vand.u32 $0xFFFF0000, v3;
	v4 =	vld [tilespmem:s11+$0x50]  }
0x7f2: {  	[tilespmem:s21+$0x0] =	vst.add.f32.msk $0xffff, v3  }
0x7f3: {  	s22 =	sor.u32 $0x60, s24;
	v5 =	vld [tilespmem:s18+$0x50];
	v3 =	vshll.u32 v6, $0x10  }
0x7f4: {  	s6 =	sadd.s32 $0x18A00, s6;
	s23 =	sor.u32 $0x70, s24;
	v6 =	vand.u32 $0xFFFF0000, v6;
	[tilespmem:s22+$0x0] =	vst.add.f32.msk $0xffff, v3  }
0x7f5: {  	s15 =	sadd.s32 s0, s6;
	[tilespmem:s23+$0x0] =	vst.add.f32.msk $0xffff, v6  }
0x7f6: {  	s28 =	sor.u32 $0x50, s3;
	s24 =	sor.u32 $0x20, s19;
	v6 =	vshll.u32 v4, $0x10;
	v3 =	vld [tilespmem:s15+$0x0]  }
0x7f7: {  	s5 =	simm.s32 $0x2;
	s8 =	sor.u32 $0x30, s19;
	s10 =	sor.u32 $0x70, s3;
	v4 =	vand.u32 $0xFFFF0000, v4;
	[tilespmem:s24+$0x0] =	vst.add.f32.msk $0xffff, v6  }
0x7f8: {  	s25 =	sor.u32 $0x20, s3;
	s26 =	sor.u32 $0x60, s3;
	s30 =	sadd.s32 $0xD200, s2;
	[tilespmem:s8+$0x0] =	vst.add.f32.msk $0xffff, v4  }
0x7f9: {  	s29 =	sor.u32 $0x30, s3;
	s12 =	sor.u32 $0x40, s19;
	s4 =	sadd.s32 s0, s30;
	v6 =	vshll.u32 v5, $0x10;
	v4 =	vld [tilespmem:s11+$0x60]  }
0x7fa: {  	s13 =	sor.u32 $0x60, s19;
	s1 =	sor.u32 $0x50, s19;
	s6 =	sadd.s32 s31, s6;
	v5 =	vand.u32 $0xFFFF0000, v5;
	[tilespmem:s25+$0x0] =	vst.add.f32.msk $0xffff, v6  }
0x7fb: {  	s23 =	sor.u32 $0x40, s3;
	s8 =	sor.u32 $0x70, s19;
	s25 =	sadd.s32 s31, s30;
	[tilespmem:s29+$0x0] =	vst.add.f32.msk $0xffff, v5;
	v5 =	vshll.u32 v3, $0x10  }
.LBB2_8:
0x7fc: {  	s5 =	sadd.s32 $0x2, s5;
	v3 =	vand.u32 $0xFFFF0000, v3;
	[tilespmem:s4+$0x0] =	vst.add.f32.msk $0xffff, v5;
	s7 =	sor.u32 $0x10, s4  }
0x7fd: {  	s19 =	sshrl.u32 s5, $0x3;
	[tilespmem:s7+$0x0] =	vst.add.f32.msk $0xffff, v3  }
0x7fe: {  	s20 =	smul.u32 $0x3000, s19;
	v5 =	vld [tilespmem:s15+$0x10];
	v3 =	vshll.u32 v4, $0x10  }
0x7ff: {  	s17 =	sadd.s32 $0x100, s17;
	v4 =	vand.u32 $0xFFFF0000, v4;
	[tilespmem:s12+$0x0] =	vst.add.f32.msk $0xffff, v3  }
0x800: {  	s16 =	sand.u32 $0x300, s17;
	s7 =	sshra.s32 s20, $0x2;
	[tilespmem:s1+$0x0] =	vst.add.f32.msk $0xffff, v4  }
0x801: {  	[dreg:$0x11] =	wrdreg s26;
	s20 =	sor.u32 $0x80, s16;
	s26 =	sadd.s32 $0x18200, s7;
	v3 =	vld [tilespmem:s11+$0x70]  }
0x802: {  	s11 =	sadd.s32 s20, s26;
	v6 =	vld [tilespmem:s18+$0x60]  }
0x803: {  	s30 =	sor.u32 $0x20, s4;
	v7 =	vld [tilespmem:s11+$0x0];
	v4 =	vshll.u32 v5, $0x10  }
0x804: {  	[dreg:$0x7] =	wrdreg s10;
	s10 =	smul.u32 $0x6000, s19;
	s12 =	sor.u32 $0x30, s4;
	v5 =	vand.u32 $0xFFFF0000, v5;
	[tilespmem:s30+$0x0] =	vst.add.f32.msk $0xffff, v4  }
0x805: {  	s21 =	sor.u32 $0x50, s25;
	[tilespmem:s12+$0x0] =	vst.add.f32.msk $0xffff, v5  }
0x806: {  	[smem:$0x7E5] =	sst s21;
	s21 =	sshra.s32 s10, $0x2;
	s29 =	sadd.s32 s16, s26;
	v9 =	vld [tilespmem:s15+$0x20]  }
0x807: {  	s10 =	sadd.s32 $0xC200, s21;
	v10 =	vld [tilespmem:s29+$0x0];
	v5 =	vshll.u32 v3, $0x10;
	v8 =	vand.u32 $0xFFFF0000, v3  }
0x808: {  	s19 =	sadd.s32 s20, s10;
	v4 =	vshll.u32 v6, $0x10;
	v3 =	vand.u32 $0xFFFF0000, v6;
	v6 =	vshll.u32 v7, $0x10;
	[tilespmem:s13+$0x0] =	vst.add.f32.msk $0xffff, v5  }
0x809: {  	v5 =	vand.u32 $0xFFFF0000, v7;
	s13 =	sor.u32 $0x10, s19;
	[tilespmem:s19+$0x0] =	vst.add.f32.msk $0xffff, v6  }
0x80a: {  	[tilespmem:s13+$0x0] =	vst.add.f32.msk $0xffff, v5  }
0x80b: {  	s30 =	sor.u32 $0x40, s4;
	v5 =	vld [tilespmem:s11+$0x10];
	v6 =	vshll.u32 v9, $0x10  }
0x80c: {  	v9 =	vand.u32 $0xFFFF0000, v9;
	[tilespmem:s30+$0x0] =	vst.add.f32.msk $0xffff, v6;
	s30 =	sor.u32 $0x50, s4  }
0x80d: {  	[tilespmem:s30+$0x0] =	vst.add.f32.msk $0xffff, v9  }
0x80e: {  	s24 =	sor.u32 $0x70, s25;
	s1 =	sadd.s32 s16, s10;
	v7 =	vshll.u32 v10, $0x10;
	v6 =	vld [tilespmem:s15+$0x30]  }
0x80f: {  	[dreg:$0xc] =	wrdreg s24;
	s24 =	sor.u32 $0x10, s1;
	v10 =	vand.u32 $0xFFFF0000, v10;
	[tilespmem:s1+$0x0] =	vst.add.f32.msk $0xffff, v7  }
0x810: {  	[tilespmem:s24+$0x0] =	vst.add.f32.msk $0xffff, v10;
	s30 =	sor.u32 $0x20, s19;
	v7 =	vshll.u32 v5, $0x10  }
0x811: {  	v5 =	vand.u32 $0xFFFF0000, v5;
	[tilespmem:s30+$0x0] =	vst.add.f32.msk $0xffff, v7;
	s30 =	sor.u32 $0x30, s19  }
0x812: {  	[tilespmem:s30+$0x0] =	vst.add.f32.msk $0xffff, v5  }
0x813: {  	s30 =	sor.u32 $0x60, s4;
	v5 =	vld [tilespmem:s11+$0x20];
	v7 =	vshll.u32 v6, $0x10  }
0x814: {  	s24 =	sor.u32 $0x70, s4;
	v6 =	vand.u32 $0xFFFF0000, v6;
	[tilespmem:s30+$0x0] =	vst.add.f32.msk $0xffff, v7  }
0x815: {  	[tilespmem:s24+$0x0] =	vst.add.f32.msk $0xffff, v6  }
0x816: {  	v6 =	vld [tilespmem:s15+$0x40]  }
0x817: {  	v7 =	vld [tilespmem:s29+$0x10]  }
0x818: {  	s30 =	sor.u32 $0x40, s19;
	[tilespmem:s8+$0x0] =	vst.add.f32.msk $0xffff, v8;
	v53 =	vshll.u32 v5, $0x10  }
0x819: {  	s24 =	sor.u32 $0x50, s19;
	v5 =	vand.u32 $0xFFFF0000, v5;
	[tilespmem:s30+$0x0] =	vst.add.f32.msk $0xffff, v53  }
0x81a: {  	s30 =	sadd.s32 $0xD600, s2;
	[tilespmem:s24+$0x0] =	vst.add.f32.msk $0xffff, v5  }
0x81b: {  	s24 =	sadd.s32 s31, s30;
	s30 =	sadd.s32 s0, s30;
	v5 =	vld [tilespmem:s11+$0x30];
	v54 =	vshll.u32 v6, $0x10  }
0x81c: {  	s31 =	smov.u32 s16;
	v6 =	vand.u32 $0xFFFF0000, v6;
	s16 =	sor.u32 $0x10, s30;
	[tilespmem:s30+$0x0] =	vst.add.f32.msk $0xffff, v54  }
0x81d: {  	[tilespmem:s16+$0x0] =	vst.add.f32.msk $0xffff, v6  }
0x81e: {  	s22 =	sor.u32 $0x60, s25;
	s26 =	sor.u32 $0x20, s1;
	v55 =	vshll.u32 v7, $0x10;
	v6 =	vld [tilespmem:s15+$0x50]  }
0x81f: {  	[dreg:$0x10] =	wrdreg s22;
	s22 =	sor.u32 $0x30, s1;
	v7 =	vand.u32 $0xFFFF0000, v7;
	[tilespmem:s26+$0x0] =	vst.add.f32.msk $0xffff, v55  }
0x820: {  	[tilespmem:s22+$0x0] =	vst.add.f32.msk $0xffff, v7;
	s22 =	sor.u32 $0x60, s19;
	v7 =	vshll.u32 v5, $0x10  }
0x821: {  	s26 =	sor.u32 $0x70, s19;
	v5 =	vand.u32 $0xFFFF0000, v5;
	[tilespmem:s22+$0x0] =	vst.add.f32.msk $0xffff, v7  }
0x822: {  	[tilespmem:s26+$0x0] =	vst.add.f32.msk $0xffff, v5  }
0x823: {  	s22 =	sor.u32 $0x20, s30;
	v5 =	vld [tilespmem:s11+$0x40];
	v7 =	vshll.u32 v6, $0x10  }
0x824: {  	s26 =	sor.u32 $0x30, s30;
	v6 =	vand.u32 $0xFFFF0000, v6;
	[tilespmem:s22+$0x0] =	vst.add.f32.msk $0xffff, v7  }
0x825: {  	[tilespmem:s26+$0x0] =	vst.add.f32.msk $0xffff, v6  }
0x826: {  	v6 =	vld [tilespmem:s15+$0x60]  }
0x827: {  	v9 =	vld [tilespmem:s6+$0x0]  }
0x828: {  	v7 =	vld [tilespmem:s29+$0x20];
	v56 =	vshll.u32 v5, $0x10  }
0x829: {  	v5 =	vand.u32 $0xFFFF0000, v5;
	[tilespmem:s19+$0x400] =	vst.add.f32.msk $0xffff, v56  }
0x82a: {  	[tilespmem:s19+$0x410] =	vst.add.f32.msk $0xffff, v5  }
0x82b: {  	s22 =	sor.u32 $0x40, s30;
	v5 =	vld [tilespmem:s11+$0x50];
	v57 =	vshll.u32 v6, $0x10  }
0x82c: {  	s26 =	sor.u32 $0x50, s30;
	v6 =	vand.u32 $0xFFFF0000, v6;
	[tilespmem:s22+$0x0] =	vst.add.f32.msk $0xffff, v57  }
0x82d: {  	[tilespmem:s26+$0x0] =	vst.add.f32.msk $0xffff, v6  }
0x82e: {  	s14 =	sor.u32 $0x40, s25;
	s10 =	sor.u32 $0x40, s1;
	v58 =	vshll.u32 v7, $0x10;
	v6 =	vld [tilespmem:s15+$0x70]  }
0x82f: {  	[smem:$0x7E4] =	sst s14;
	s14 =	sor.u32 $0x50, s1;
	v7 =	vand.u32 $0xFFFF0000, v7;
	[tilespmem:s10+$0x0] =	vst.add.f32.msk $0xffff, v58  }
0x830: {  	[tilespmem:s14+$0x0] =	vst.add.f32.msk $0xffff, v7  }
0x831: {  	v7 =	vld [tilespmem:s29+$0x30];
	v60 =	vshll.u32 v5, $0x10  }
0x832: {  	v5 =	vand.u32 $0xFFFF0000, v5;
	[tilespmem:s19+$0x420] =	vst.add.f32.msk $0xffff, v60  }
0x833: {  	s0 =	sor.u32 $0x70, s24;
	s15 =	sor.u32 $0x60, s30;
	[tilespmem:s19+$0x430] =	vst.add.f32.msk $0xffff, v5;
	v5 =	vshll.u32 v6, $0x10  }
0x834: {  	[smem:$0x7E6] =	sst s0;
	s0 =	smov.u32 s20;
	s20 =	sor.u32 $0x70, s30;
	v6 =	vand.u32 $0xFFFF0000, v6;
	[tilespmem:s15+$0x0] =	vst.add.f32.msk $0xffff, v5  }
0x835: {  	[tilespmem:s20+$0x0] =	vst.add.f32.msk $0xffff, v6  }
0x836: {  	s12 =	sor.u32 $0x60, s1;
	v5 =	vshll.u32 v7, $0x10;
	v6 =	vand.u32 $0xFFFF0000, v7;
	v7 =	vld [tilespmem:s11+$0x60]  }
0x837: {  	s13 =	sor.u32 $0x70, s1;
	[tilespmem:s12+$0x0] =	vst.add.f32.msk $0xffff, v5  }
0x838: {  	[tilespmem:s13+$0x0] =	vst.add.f32.msk $0xffff, v6  }
0x839: {  	v59 =	vshll.u32 v9, $0x10;
	v5 =	vld [tilespmem:s29+$0x40]  }
0x83a: {  	s9 =	sor.u32 $0x10, s25;
	v9 =	vand.u32 $0xFFFF0000, v9;
	[tilespmem:s25+$0x0] =	vst.add.f32.msk $0xffff, v59  }
0x83b: {  	[tilespmem:s9+$0x0] =	vst.add.f32.msk $0xffff, v9;
	v6 =	vshll.u32 v7, $0x10  }
0x83c: {  	v7 =	vand.u32 $0xFFFF0000, v7;
	[tilespmem:s19+$0x440] =	vst.add.f32.msk $0xffff, v6  }
0x83d: {  	[tilespmem:s19+$0x450] =	vst.add.f32.msk $0xffff, v7  }
0x83e: {  	v6 =	vshll.u32 v5, $0x10;
	v7 =	vld [tilespmem:s11+$0x70]  }
0x83f: {  	v5 =	vand.u32 $0xFFFF0000, v5;
	[tilespmem:s1+$0x400] =	vst.add.f32.msk $0xffff, v6  }
0x840: {  	[tilespmem:s1+$0x410] =	vst.add.f32.msk $0xffff, v5  }
0x841: {  	v5 =	vld [tilespmem:s29+$0x50]  }
0x842: {  	v6 =	vld [tilespmem:s6+$0x10]  }
0x843: {  	[tilespmem:s23+$0x0] =	vst.add.f32.msk $0xffff, v4;
	v61 =	vshll.u32 v7, $0x10  }
0x844: {  	s22 =	sadd.s32 $0x18600, s7;
	v4 =	vand.u32 $0xFFFF0000, v7;
	[tilespmem:s19+$0x460] =	vst.add.f32.msk $0xffff, v61  }
0x845: {  	s9 =	sadd.s32 s0, s22;
	[tilespmem:s19+$0x470] =	vst.add.f32.msk $0xffff, v4  }
0x846: {  	v4 =	vshll.u32 v5, $0x10;
	v7 =	vld [tilespmem:s9+$0x0]  }
0x847: {  	v5 =	vand.u32 $0xFFFF0000, v5;
	[tilespmem:s1+$0x420] =	vst.add.f32.msk $0xffff, v4  }
0x848: {  	[tilespmem:s1+$0x430] =	vst.add.f32.msk $0xffff, v5  }
0x849: {  	s3 =	sor.u32 $0x20, s25;
	s2 =	smov.u32 s21;
	v4 =	vshll.u32 v6, $0x10;
	v5 =	vld [tilespmem:s29+$0x60]  }
0x84a: {  	[smem:$0x7E3] =	sst s28;
	s28 =	sor.u32 $0x30, s25;
	s25 =	sadd.s32 $0xCA00, s2;
	v6 =	vand.u32 $0xFFFF0000, v6;
	[tilespmem:s3+$0x0] =	vst.add.f32.msk $0xffff, v4  }
0x84b: {  	s19 =	sadd.s32 s0, s25;
	[tilespmem:s28+$0x0] =	vst.add.f32.msk $0xffff, v6;
	v4 =	vshll.u32 v7, $0x10  }
0x84c: {  	s26 =	sor.u32 $0x10, s19;
	v6 =	vand.u32 $0xFFFF0000, v7;
	[tilespmem:s19+$0x0] =	vst.add.f32.msk $0xffff, v4  }
0x84d: {  	[tilespmem:s26+$0x0] =	vst.add.f32.msk $0xffff, v6  }
0x84e: {  	v4 =	vshll.u32 v5, $0x10;
	v6 =	vld [tilespmem:s9+$0x10]  }
0x84f: {  	v5 =	vand.u32 $0xFFFF0000, v5;
	[tilespmem:s1+$0x440] =	vst.add.f32.msk $0xffff, v4  }
0x850: {  	s30 =	sld [smem:$0x7E3];
	[tilespmem:s1+$0x450] =	vst.add.f32.msk $0xffff, v5  }
0x851: {  	v4 =	vld [tilespmem:s29+$0x70]  }
0x852: {  	v5 =	vld [tilespmem:s6+$0x20]  }
0x853: {  	s29 =	sor.u32 $0x20, s19;
	[tilespmem:s30+$0x0] =	vst.add.f32.msk $0xffff, v3;
	v7 =	vshll.u32 v6, $0x10  }
0x854: {  	s26 =	sor.u32 $0x30, s19;
	v3 =	vand.u32 $0xFFFF0000, v6;
	[tilespmem:s29+$0x0] =	vst.add.f32.msk $0xffff, v7  }
0x855: {  	[tilespmem:s26+$0x0] =	vst.add.f32.msk $0xffff, v3  }
0x856: {  	v3 =	vshll.u32 v4, $0x10;
	v6 =	vld [tilespmem:s9+$0x20]  }
0x857: {  	s29 =	sld [smem:$0x7E4];
	v4 =	vand.u32 $0xFFFF0000, v4;
	[tilespmem:s1+$0x460] =	vst.add.f32.msk $0xffff, v3  }
0x858: {  	s11 =	sadd.s32 s31, s22;
	s22 =	sld [smem:$0x7E5];
	[tilespmem:s1+$0x470] =	vst.add.f32.msk $0xffff, v4  }
0x859: {  	v3 =	vshll.u32 v5, $0x10;
	v4 =	vld [tilespmem:s11+$0x0]  }
0x85a: {  	v5 =	vand.u32 $0xFFFF0000, v5;
	[tilespmem:s29+$0x0] =	vst.add.f32.msk $0xffff, v3  }
0x85b: {  	s30 =	sor.u32 $0x40, s19;
	[tilespmem:s22+$0x0] =	vst.add.f32.msk $0xffff, v5;
	v3 =	vshll.u32 v6, $0x10  }
0x85c: {  	s20 =	sadd.s32 s31, s25;
	s25 =	sor.u32 $0x50, s19;
	v5 =	vand.u32 $0xFFFF0000, v6;
	[tilespmem:s30+$0x0] =	vst.add.f32.msk $0xffff, v3  }
0x85d: {  	s21 =	sor.u32 $0x30, s24;
	[tilespmem:s25+$0x0] =	vst.add.f32.msk $0xffff, v5  }
0x85e: {  	[dreg:$0x19] =	wrdreg s21;
	s21 =	sor.u32 $0x40, s24;
	v3 =	vshll.u32 v4, $0x10;
	v5 =	vld [tilespmem:s9+$0x30]  }
0x85f: {  	s23 =	smov.u32 s21;
	s21 =	sor.u32 $0x10, s20;
	v4 =	vand.u32 $0xFFFF0000, v4;
	[tilespmem:s20+$0x0] =	vst.add.f32.msk $0xffff, v3  }
0x860: {  	[tilespmem:s21+$0x0] =	vst.add.f32.msk $0xffff, v4  }
0x861: {  	v3 =	vld [tilespmem:s11+$0x10]  }
0x862: {  	v4 =	vld [tilespmem:s6+$0x30]  }
0x863: {  	s26 =	sor.u32 $0x60, s19;
	v7 =	vld [tilespmem:s18+$0x70];
	v6 =	vshll.u32 v5, $0x10  }
0x864: {  	s29 =	sor.u32 $0x70, s19;
	v5 =	vand.u32 $0xFFFF0000, v5;
	[tilespmem:s26+$0x0] =	vst.add.f32.msk $0xffff, v6  }
0x865: {  	[tilespmem:s29+$0x0] =	vst.add.f32.msk $0xffff, v5  }
0x866: {  	s12 =	sor.u32 $0x20, s20;
	v5 =	vshll.u32 v3, $0x10;
	v6 =	vld [tilespmem:s9+$0x40]  }
0x867: {  	s8 =	sor.u32 $0x20, s24;
	s13 =	sor.u32 $0x30, s20;
	v3 =	vand.u32 $0xFFFF0000, v3;
	[tilespmem:s12+$0x0] =	vst.add.f32.msk $0xffff, v5  }
0x868: {  	[dreg:$0x18] =	wrdreg s8;
	s8 =	sor.u32 $0x50, s24;
	[tilespmem:s13+$0x0] =	vst.add.f32.msk $0xffff, v3  }
0x869: {  	s28 =	smov.u32 s8;
	s8 =	rddreg [dreg:$0x10];
	v5 =	vshll.u32 v4, $0x10;
	v62 =	vld [tilespmem:s11+$0x20]  }
0x86a: {  	s30 =	sadd.s32 $0xCE00, s2;
	v4 =	vand.u32 $0xFFFF0000, v4;
	s12 =	rddreg [dreg:$0xc];
	[tilespmem:s8+$0x0] =	vst.add.f32.msk $0xffff, v5  }
0x86b: {  	s18 =	smov.u32 s6;
	s6 =	sadd.s32 s0, s30;
	[tilespmem:s12+$0x0] =	vst.add.f32.msk $0xffff, v4;
	v5 =	vshll.u32 v6, $0x10  }
0x86c: {  	s13 =	sor.u32 $0x10, s6;
	v4 =	vand.u32 $0xFFFF0000, v6;
	[tilespmem:s6+$0x0] =	vst.add.f32.msk $0xffff, v5  }
0x86d: {  	[tilespmem:s13+$0x0] =	vst.add.f32.msk $0xffff, v4  }
0x86e: {  	s15 =	sor.u32 $0x40, s20;
	v4 =	vshll.u32 v62, $0x10;
	v6 =	vld [tilespmem:s9+$0x50]  }
0x86f: {  	s14 =	sor.u32 $0x50, s20;
	v5 =	vand.u32 $0xFFFF0000, v62;
	[tilespmem:s15+$0x0] =	vst.add.f32.msk $0xffff, v4  }
0x870: {  	[tilespmem:s14+$0x0] =	vst.add.f32.msk $0xffff, v5  }
0x871: {  	v4 =	vld [tilespmem:s11+$0x30]  }
0x872: {  	s26 =	rddreg [dreg:$0x11];
	v3 =	vshll.u32 v7, $0x10;
	v5 =	vld [tilespmem:s18+$0x40]  }
0x873: {  	s25 =	sor.u32 $0x20, s6;
	[tilespmem:s26+$0x0] =	vst.add.f32.msk $0xffff, v3;
	v63 =	vshll.u32 v6, $0x10  }
0x874: {  	s29 =	sor.u32 $0x30, s6;
	v3 =	vand.u32 $0xFFFF0000, v6;
	[tilespmem:s25+$0x0] =	vst.add.f32.msk $0xffff, v63  }
0x875: {  	[tilespmem:s29+$0x0] =	vst.add.f32.msk $0xffff, v3  }
0x876: {  	s10 =	sor.u32 $0x60, s20;
	v3 =	vshll.u32 v4, $0x10;
	v6 =	vld [tilespmem:s9+$0x60]  }
0x877: {  	s3 =	sor.u32 $0x70, s20;
	v4 =	vand.u32 $0xFFFF0000, v4;
	[tilespmem:s10+$0x0] =	vst.add.f32.msk $0xffff, v3  }
0x878: {  	[tilespmem:s3+$0x0] =	vst.add.f32.msk $0xffff, v4  }
0x879: {  	v3 =	vshll.u32 v5, $0x10;
	v4 =	vld [tilespmem:s11+$0x40]  }
0x87a: {  	s4 =	sor.u32 $0x10, s24;
	v5 =	vand.u32 $0xFFFF0000, v5;
	[tilespmem:s24+$0x0] =	vst.add.f32.msk $0xffff, v3  }
0x87b: {  	s21 =	sadd.s32 s31, s30;
	s30 =	sor.u32 $0x40, s6;
	[tilespmem:s4+$0x0] =	vst.add.f32.msk $0xffff, v5;
	v3 =	vshll.u32 v6, $0x10  }
0x87c: {  	s10 =	sor.u32 $0x50, s6;
	v5 =	vand.u32 $0xFFFF0000, v6;
	[tilespmem:s30+$0x0] =	vst.add.f32.msk $0xffff, v3  }
0x87d: {  	[tilespmem:s10+$0x0] =	vst.add.f32.msk $0xffff, v5  }
0x87e: {  	v3 =	vshll.u32 v4, $0x10;
	v5 =	vld [tilespmem:s9+$0x70]  }
0x87f: {  	s22 =	sor.u32 $0x10, s21;
	v4 =	vand.u32 $0xFFFF0000, v4;
	[tilespmem:s21+$0x0] =	vst.add.f32.msk $0xffff, v3  }
0x880: {  	[tilespmem:s22+$0x0] =	vst.add.f32.msk $0xffff, v4  }
0x881: {  	s19 =	sor.u32 $0x20, s21;
	v3 =	vld [tilespmem:s11+$0x50]  }
0x882: {  	s20 =	sor.u32 $0x30, s21;
	s1 =	sor.u32 $0x50, s21;
	v7 =	vand.u32 $0xFFFF0000, v7;
	s15 =	rddreg [dreg:$0x7];
	v4 =	vld [tilespmem:s18+$0x50]  }
0x883: {  	s8 =	sor.u32 $0x70, s21;
	s12 =	sor.u32 $0x40, s21;
	s14 =	sor.u32 $0x60, s6;
	[tilespmem:s15+$0x0] =	vst.add.f32.msk $0xffff, v7;
	v6 =	vshll.u32 v5, $0x10  }
0x884: {  	s13 =	sor.u32 $0x60, s21;
	s21 =	sadd.s32 $0x18A00, s7;
	s22 =	sor.u32 $0x70, s6;
	v5 =	vand.u32 $0xFFFF0000, v5;
	[tilespmem:s14+$0x0] =	vst.add.f32.msk $0xffff, v6  }
0x885: {  	s15 =	sadd.s32 s0, s21;
	[tilespmem:s22+$0x0] =	vst.add.f32.msk $0xffff, v5  }
0x886: {  	p0 =	slt.u32 s5, $0x3E;
	v5 =	vshll.u32 v3, $0x10;
	v6 =	vand.u32 $0xFFFF0000, v3;
	v3 =	vld [tilespmem:s15+$0x0]  }
.Ltmp3:
0x887: {  	s16 =	sor.u32 $0x60, s24;
	[tilespmem:s19+$0x0] =	vst.add.f32.msk $0xffff, v5;
	(pc) =	sbr.rel @p0 .LBB2_8-.Ltmp3, $4  }
0x888: {  	s26 =	smov.u32 s16;
	s16 =	sld [smem:$0x7E6];
	[tilespmem:s20+$0x0] =	vst.add.f32.msk $0xffff, v6  }
0x889: {  	s29 =	rddreg [dreg:$0x18];
	s24 =	sadd.s32 $0xD200, s2;
	v7 =	vand.u32 $0xFFFF0000, v4;
	v5 =	vshll.u32 v4, $0x10;
	v4 =	vld [tilespmem:s11+$0x60]  }
0x88a: {  	s25 =	sadd.s32 s31, s24;
	s30 =	rddreg [dreg:$0x19];
	[tilespmem:s29+$0x0] =	vst.add.f32.msk $0xffff, v5  }
0x88b: {  	s4 =	sadd.s32 s0, s24;
	s10 =	smov.u32 s16;
	s6 =	sadd.s32 s31, s21;
	[tilespmem:s30+$0x0] =	vst.add.f32.msk $0xffff, v7;
	v5 =	vshll.u32 v3, $0x10  }
0x88c: {  	_ =	sdelay $0x1  }
0x88d: {  	v6 =	vshll.u32 v4, $0x10  }
0x88e: {  	v46 =	vand.u32 $0xFFFF0000, v4;
	[tilespmem:s12+$0x0] =	vst.add.f32.msk $0xffff, v6  }
0x88f: {  	[tilespmem:s1+$0x0] =	vst.add.f32.msk $0xffff, v46  }
0x890: {  	v4 =	vld [tilespmem:s11+$0x70];
	_ =	sdelay $0x4  }
0x891: {  	v47 =	vshll.u32 v4, $0x10  }
0x892: {  	v4 =	vand.u32 $0xFFFF0000, v4;
	[tilespmem:s13+$0x0] =	vst.add.f32.msk $0xffff, v47  }
0x893: {  	[tilespmem:s8+$0x0] =	vst.add.f32.msk $0xffff, v4  }
0x894: {  	v4 =	vld [tilespmem:s6+$0x0];
	_ =	sdelay $0x1  }
0x895: {  	v3 =	vand.u32 $0xFFFF0000, v3;
	[tilespmem:s4+$0x0] =	vst.add.f32.msk $0xffff, v5;
	s17 =	sor.u32 $0x10, s4  }
0x896: {  	[tilespmem:s17+$0x0] =	vst.add.f32.msk $0xffff, v3  }
0x897: {  	v3 =	vld [tilespmem:s15+$0x10]  }
0x898: {  	v49 =	vshll.u32 v4, $0x10  }
0x899: {  	s21 =	sor.u32 $0x10, s25;
	v4 =	vand.u32 $0xFFFF0000, v4;
	[tilespmem:s25+$0x0] =	vst.add.f32.msk $0xffff, v49  }
0x89a: {  	[tilespmem:s21+$0x0] =	vst.add.f32.msk $0xffff, v4  }
0x89b: {  	v4 =	vld [tilespmem:s6+$0x10]  }
0x89c: {  	s19 =	sor.u32 $0x20, s4;
	v48 =	vshll.u32 v3, $0x10  }
0x89d: {  	s20 =	sor.u32 $0x30, s4;
	v3 =	vand.u32 $0xFFFF0000, v3;
	[tilespmem:s19+$0x0] =	vst.add.f32.msk $0xffff, v48  }
0x89e: {  	[tilespmem:s20+$0x0] =	vst.add.f32.msk $0xffff, v3  }
0x89f: {  	v3 =	vld [tilespmem:s15+$0x20]  }
0x8a0: {  	s29 =	sor.u32 $0x20, s25;
	v51 =	vshll.u32 v4, $0x10  }
0x8a1: {  	s30 =	sor.u32 $0x30, s25;
	v4 =	vand.u32 $0xFFFF0000, v4;
	[tilespmem:s29+$0x0] =	vst.add.f32.msk $0xffff, v51  }
0x8a2: {  	[tilespmem:s30+$0x0] =	vst.add.f32.msk $0xffff, v4  }
0x8a3: {  	v4 =	vld [tilespmem:s6+$0x20]  }
0x8a4: {  	s22 =	sor.u32 $0x40, s4;
	v50 =	vshll.u32 v3, $0x10  }
0x8a5: {  	s24 =	sor.u32 $0x50, s4;
	v3 =	vand.u32 $0xFFFF0000, v3;
	[tilespmem:s22+$0x0] =	vst.add.f32.msk $0xffff, v50  }
0x8a6: {  	[tilespmem:s24+$0x0] =	vst.add.f32.msk $0xffff, v3  }
0x8a7: {  	v3 =	vld [tilespmem:s15+$0x30]  }
0x8a8: {  	s5 =	sor.u32 $0x40, s25;
	v53 =	vshll.u32 v4, $0x10  }
0x8a9: {  	s7 =	sor.u32 $0x50, s25;
	v4 =	vand.u32 $0xFFFF0000, v4;
	[tilespmem:s5+$0x0] =	vst.add.f32.msk $0xffff, v53  }
0x8aa: {  	[tilespmem:s7+$0x0] =	vst.add.f32.msk $0xffff, v4  }
0x8ab: {  	v4 =	vld [tilespmem:s6+$0x30]  }
0x8ac: {  	s3 =	sor.u32 $0x60, s4;
	v52 =	vshll.u32 v3, $0x10  }
0x8ad: {  	s4 =	sor.u32 $0x70, s4;
	v3 =	vand.u32 $0xFFFF0000, v3;
	[tilespmem:s3+$0x0] =	vst.add.f32.msk $0xffff, v52  }
0x8ae: {  	[tilespmem:s4+$0x0] =	vst.add.f32.msk $0xffff, v3  }
0x8af: {  	v3 =	vld [tilespmem:s15+$0x40]  }
0x8b0: {  	s11 =	sor.u32 $0x60, s25;
	v55 =	vshll.u32 v4, $0x10  }
0x8b1: {  	s12 =	sor.u32 $0x70, s25;
	v4 =	vand.u32 $0xFFFF0000, v4;
	[tilespmem:s11+$0x0] =	vst.add.f32.msk $0xffff, v55  }
0x8b2: {  	[tilespmem:s12+$0x0] =	vst.add.f32.msk $0xffff, v4  }
0x8b3: {  	s8 =	sadd.s32 $0xD600, s2;
	v4 =	vld [tilespmem:s6+$0x40]  }
0x8b4: {  	s0 =	sadd.s32 s0, s8;
	v54 =	vshll.u32 v3, $0x10  }
0x8b5: {  	s9 =	sor.u32 $0x10, s0;
	v3 =	vand.u32 $0xFFFF0000, v3;
	[tilespmem:s0+$0x0] =	vst.add.f32.msk $0xffff, v54  }
0x8b6: {  	[tilespmem:s9+$0x0] =	vst.add.f32.msk $0xffff, v3  }
0x8b7: {  	v3 =	vld [tilespmem:s15+$0x50]  }
0x8b8: {  	v58 =	vld [tilespmem:s18+$0x60];
	s1 =	sadd.s32 s31, s8;
	v57 =	vshll.u32 v4, $0x10  }
0x8b9: {  	s16 =	sor.u32 $0x10, s1;
	v4 =	vand.u32 $0xFFFF0000, v4;
	[tilespmem:s1+$0x0] =	vst.add.f32.msk $0xffff, v57  }
0x8ba: {  	[tilespmem:s16+$0x0] =	vst.add.f32.msk $0xffff, v4  }
0x8bb: {  	v4 =	vld [tilespmem:s6+$0x50]  }
0x8bc: {  	s13 =	sor.u32 $0x20, s0;
	v56 =	vshll.u32 v3, $0x10  }
0x8bd: {  	s14 =	sor.u32 $0x30, s0;
	v3 =	vand.u32 $0xFFFF0000, v3;
	[tilespmem:s13+$0x0] =	vst.add.f32.msk $0xffff, v56  }
0x8be: {  	[tilespmem:s14+$0x0] =	vst.add.f32.msk $0xffff, v3  }
0x8bf: {  	v61 =	vshll.u32 v58, $0x10;
	v3 =	vld [tilespmem:s15+$0x60]  }
0x8c0: {  	[tilespmem:s23+$0x0] =	vst.add.f32.msk $0xffff, v61;
	s19 =	sor.u32 $0x20, s1;
	v60 =	vshll.u32 v4, $0x10  }
0x8c1: {  	s20 =	sor.u32 $0x30, s1;
	v4 =	vand.u32 $0xFFFF0000, v4;
	[tilespmem:s19+$0x0] =	vst.add.f32.msk $0xffff, v60  }
0x8c2: {  	[tilespmem:s20+$0x0] =	vst.add.f32.msk $0xffff, v4  }
0x8c3: {  	v5 =	vand.u32 $0xFFFF0000, v58;
	v4 =	vld [tilespmem:s6+$0x60]  }
0x8c4: {  	[tilespmem:s28+$0x0] =	vst.add.f32.msk $0xffff, v5;
	s17 =	sor.u32 $0x40, s0;
	v59 =	vshll.u32 v3, $0x10  }
0x8c5: {  	s21 =	sor.u32 $0x50, s0;
	v3 =	vand.u32 $0xFFFF0000, v3;
	[tilespmem:s17+$0x0] =	vst.add.f32.msk $0xffff, v59  }
0x8c6: {  	[tilespmem:s21+$0x0] =	vst.add.f32.msk $0xffff, v3  }
0x8c7: {  	v3 =	vld [tilespmem:s15+$0x70]  }
0x8c8: {  	v5 =	vld [tilespmem:s18+$0x70];
	s22 =	sor.u32 $0x40, s1;
	v62 =	vshll.u32 v4, $0x10  }
0x8c9: {  	s23 =	sor.u32 $0x50, s1;
	v4 =	vand.u32 $0xFFFF0000, v4;
	[tilespmem:s22+$0x0] =	vst.add.f32.msk $0xffff, v62  }
0x8ca: {  	[tilespmem:s23+$0x0] =	vst.add.f32.msk $0xffff, v4  }
0x8cb: {  	v4 =	vld [tilespmem:s6+$0x70]  }
0x8cc: {  	s24 =	sor.u32 $0x60, s0;
	v63 =	vshll.u32 v3, $0x10  }
0x8cd: {  	s0 =	sor.u32 $0x70, s0;
	v3 =	vand.u32 $0xFFFF0000, v3;
	[tilespmem:s24+$0x0] =	vst.add.f32.msk $0xffff, v63  }
0x8ce: {  	[tilespmem:s0+$0x0] =	vst.add.f32.msk $0xffff, v3;
	v3 =	vshll.u32 v5, $0x10  }
0x8cf: {  	[tilespmem:s26+$0x0] =	vst.add.f32.msk $0xffff, v3;
	v3 =	vand.u32 $0xFFFF0000, v5  }
0x8d0: {  	s25 =	sor.u32 $0x60, s1;
	[tilespmem:s10+$0x0] =	vst.add.f32.msk $0xffff, v3;
	v3 =	vshll.u32 v4, $0x10  }
0x8d1: {  	s26 =	sor.u32 $0x70, s1;
	[tilespmem:s25+$0x0] =	vst.add.f32.msk $0xffff, v3;
	v3 =	vand.u32 $0xFFFF0000, v4  }
0x8d2: {  	[tilespmem:s26+$0x0] =	vst.add.f32.msk $0xffff, v3  }
0x8d3: {  	s0 =	sld [smem:$0x7FC];
	_ =	sdelay $0x1  }
0x8d4: {  	s28 =	simm.s32 $0x3;
	s5 =	simm.s32 $0xC200;
	s10 =	simm.s32 $0x0  }
0x8d5: {  	[hbm4b:s0+s10] =	stream.linear.scatter [tilespmem:s5], [sflag:$0x4], $0xC000, $0x38;
	[tilespmem:$0x1E200] =	vst v63  }
0x8d6: {  	_ =	swait.ge [sflag:s28], $0xC000  }
0x8d7: {  	[sflag:s28] =	ssyncset.done $0x0  }
0x8d8: {  	s29 =	simm.s32 $0x4;
	[sflag:s28] =	ssyncadd.s32 $0xFFFF4000  }
0x8d9: {  	_ =	swait.ge [sflag:s29], $0xC000  }
0x8da: {  	s30 =	sld [smem:$0x7F1]  }
0x8db: {  	s31 =	sld [smem:$0x7FD];
	_ =	sdelay $0x1  }
0x8dc: {  	s2 =	sadd.s32 $0x1, s30  }
0x8dd: {  	p0 =	sne.s32 s2, s31  }
.Ltmp4:
0x8de: {  	_ = 	snop;
	(pc) =	sbr.rel @p0 .LBB2_1-.Ltmp4, $3  }
0x8df: {  	_ =	sdelay $0x1  }
0x8e0: {  	[sflag:s29] =	ssyncset.done $0x0  }
0x8e1: {  	[sflag:s29] =	ssyncadd.s32 $0xFFFF4000  }
0x8e2: {  	_ =	sfence.sel $0x180000  }
0x8e3: {  	[bflag:$0x0] =	sbarrier.arrive $0xFFFF  }
0x8e4: {  	_ =	strace $0x90000047  }
0x8e5: {  	s0 =	stileid.u32;
	[bflag:$0x2] =	sbarrier.arrive $0xFFFF  }
0x8e6: {  	p0 =	sne.s32 s0, $0x0;
	s0 =	rddreg [dreg:$0x4]  }
0x8e7: {  	s0 =	sadd.s32 @!p0 $0x100000, s0  }
0x8e8: {  	[sflag:s0] =	ssyncadd.tile.s32 @!p0 $0x1;
	_ =	shalt  }
.Lfunc_end2:
_tile_overlayer_lowered:
.L_overlay_start_2:
0x8e9: {  	(tag) =	ssettag $0x2  }
0x8ea: {  	s0 =	rddreg [dreg:$0x0];
	s2 =	stileid.u32  }
0x8eb: {  	s1 =	rddreg [dreg:$0x1];
	p0 =	sne.s32 s2, $0x0  }
0x8ec: {  	s3 =	rddreg [dreg:$0x2];
	[bflag:$0x3] =	sbarrier.arrive $0xFFFF;
	s2 =	simm.s32 @!p0 $0x1C05  }
0x8ed: {  	[timem:s3], [sflag:s2] =	dma.local @!p0 [hbm:s0], s1  }
0x8ee: {  	s0 =	simm.s32 @!p0 $0x5  }
0x8ef: {  	_ =	swait.ge @!p0 [sflag:s0], s1  }
0x8f0: {  	s1 =	ssub.s32 @!p0 $0x0, s1;
	[sflag:s0] =	ssyncset.done @!p0 $0x0  }
0x8f1: {  	[sflag:s0] =	ssyncadd.s32 @!p0 s1  }
0x8f2: {  	[bflag:$0x3] =	sbarrier.arrive $0xFFFF  }
0x8f3: {  	_ =	shalt  }

</sc_bundles>
